<compile_context>
chip_gen: v7x
topology: tpu7x:2x2x1
jax: 0.10.2.dev20260603
libtpu: 0.0.44.dev20260713+nightly
codegen_flags: <defaults>
</compile_context>

<pallas_src>
import functools

import jax
import jax.numpy as jnp
from jax import lax
from jax.experimental import pallas as pl
from jax.experimental.pallas import tpu as pltpu
from jax.experimental.pallas import tpu_sc as plsc

N = 10000
E = 320000
NC = 2
NS = 16
NW = NC * NS
EPW = E // NW
C = 125
NCH = EPW // C
NP = 10240
RPT = NP // NS
ZR = 128
EPT = E // NS
NCH2 = EPT // C

_MESH = plsc.VectorSubcoreMesh(core_axis_name="c", subcore_axis_name="s")
_SC_PARAMS = pltpu.CompilerParams(
    needs_layout_passes=False,
    use_tc_tiling_on_sc=False,
    skip_device_barrier=True,
)


@functools.partial(
    pl.kernel,
    mesh=_MESH,
    compiler_params=_SC_PARAMS,
    out_type=jax.ShapeDtypeStruct((NW * 2 * N,), jnp.float32),
    scratch_types=[
        pltpu.VMEM((EPW,), jnp.int32),
        pltpu.VMEM((N,), jnp.float32),
        pltpu.VMEM((N,), jnp.float32),
    ],
)
def _deg_kernel(src_hbm, dst_hbm, out_hbm, idx_v, dego_v, degi_v):
    cid = lax.axis_index("c")
    sid = lax.axis_index("s")
    wid = cid * NS + sid

    zero16 = jnp.zeros((16,), jnp.float32)

    def zloop(i, carry):
        dego_v[pl.ds(i * 16, 16)] = zero16
        degi_v[pl.ds(i * 16, 16)] = zero16
        return carry

    lax.fori_loop(0, N // 16, zloop, 0, unroll=4)

    ones16 = jnp.ones((16,), jnp.float32)

    pltpu.sync_copy(src_hbm.at[pl.ds(wid * EPW, EPW)], idx_v)

    def sloop(i, carry):
        s = idx_v[pl.ds(i * 16, 16)]
        plsc.addupdate_scatter(dego_v, [s], ones16)
        return carry

    lax.fori_loop(0, EPW // 16, sloop, 0, unroll=4)

    pltpu.sync_copy(dst_hbm.at[pl.ds(wid * EPW, EPW)], idx_v)

    def dloop(i, carry):
        t = idx_v[pl.ds(i * 16, 16)]
        plsc.addupdate_scatter(degi_v, [t], ones16)
        return carry

    lax.fori_loop(0, EPW // 16, dloop, 0, unroll=4)

    pltpu.sync_copy(dego_v, out_hbm.at[pl.ds(wid * 2 * N, N)])
    pltpu.sync_copy(degi_v, out_hbm.at[pl.ds(wid * 2 * N + N, N)])


def _make_agg_fsplit(H, dt=jnp.float32, nb=4):

    @functools.partial(
        pl.kernel,
        mesh=_MESH,
        compiler_params=_SC_PARAMS,
        out_type=jax.ShapeDtypeStruct((NC, NP, H), dt),
        scratch_types=(
            [
                pltpu.VMEM((NCH2, C), jnp.int32),
                pltpu.VMEM((NCH2, C), jnp.int32),
            ]
            + [pltpu.VMEM((C, H), dt) for _ in range(nb)]
            + [pltpu.VMEM((ZR, H), dt)]
            + [pltpu.VMEM_SHARED((NP, H), dt)]
            + [pltpu.SemaphoreType.DMA for _ in range(nb)]
        ),
    )
    def agg(m_hbm, src_hbm, dst_hbm, out_hbm, srcv, dstv, *scr):
        bufs = scr[:nb]
        zbuf = scr[nb]
        acc = scr[nb + 1]
        sems = scr[nb + 2:]
        cid = lax.axis_index("c")
        sid = lax.axis_index("s")
        NB = nb
        lanes = 16 if dt == jnp.float32 else 32
        vpr = H // lanes

        pltpu.sync_copy(src_hbm.at[sid], srcv)
        pltpu.sync_copy(dst_hbm.at[sid], dstv)
        m_c = m_hbm.at[cid]

        for b in range(NB):
            pltpu.async_copy(m_c.at[srcv.at[b]], bufs[b], sems[b])

        zerov = jnp.zeros((lanes,), dt)

        def zb(i, carry):
            zbuf[i // vpr, pl.ds((i % vpr) * lanes, lanes)] = zerov
            return carry

        lax.fori_loop(0, ZR * vpr, zb, 0)

        for j in range(RPT // ZR):
            pltpu.sync_copy(zbuf, acc.at[pl.ds(sid * RPT + j * ZR, ZR), :])
        plsc.subcore_barrier()

        def chunk(j, carry):
            for b in range(NB):
                q = j * NB + b
                pltpu.make_async_copy(m_c.at[srcv.at[q]], bufs[b], sems[b]).wait()
                pltpu.sync_copy(bufs[b], acc.at[dstv.at[q]], add=True)

                @pl.when(q + NB < NCH2)
                def _():
                    pltpu.async_copy(m_c.at[srcv.at[q + NB]], bufs[b], sems[b])

            return carry

        lax.fori_loop(0, NCH2 // NB, chunk, 0)
        plsc.subcore_barrier()

        pltpu.sync_copy(
            acc.at[pl.ds(sid * RPT, RPT), :],
            out_hbm.at[cid, pl.ds(sid * RPT, RPT), :],
        )

    return agg


def _make_agg(F, dt=jnp.float32, nb=4):

    @functools.partial(
        pl.kernel,
        mesh=_MESH,
        compiler_params=_SC_PARAMS,
        out_type=jax.ShapeDtypeStruct((NC, NP, F), dt),
        scratch_types=(
            [
                pltpu.VMEM((NCH, C), jnp.int32),
                pltpu.VMEM((NCH, C), jnp.int32),
            ]
            + [pltpu.VMEM((C, F), dt) for _ in range(nb)]
            + [pltpu.VMEM((ZR, F), dt)]
            + [pltpu.VMEM_SHARED((NP, F), dt)]
            + [pltpu.SemaphoreType.DMA for _ in range(nb)]
        ),
    )
    def agg(m_hbm, src_hbm, dst_hbm, out_hbm, srcv, dstv, *scr):
        bufs = scr[:nb]
        zbuf = scr[nb]
        acc = scr[nb + 1]
        sems = scr[nb + 2:]
        cid = lax.axis_index("c")
        sid = lax.axis_index("s")
        NB = nb

        pltpu.sync_copy(src_hbm.at[sid, pl.ds(cid * NCH, NCH)], srcv)
        pltpu.sync_copy(dst_hbm.at[sid, pl.ds(cid * NCH, NCH)], dstv)

        for b in range(NB):
            pltpu.async_copy(m_hbm.at[srcv.at[b]], bufs[b], sems[b])

        lanes = 16 if dt == jnp.float32 else 32
        vpr = F // lanes
        zerov = jnp.zeros((lanes,), dt)

        def zb(i, carry):
            zbuf[i // vpr, pl.ds((i % vpr) * lanes, lanes)] = zerov
            return carry

        lax.fori_loop(0, ZR * vpr, zb, 0)

        for j in range(RPT // ZR):
            pltpu.sync_copy(zbuf, acc.at[pl.ds(sid * RPT + j * ZR, ZR), :])
        plsc.subcore_barrier()

        def chunk(j, carry):
            for b in range(NB):
                q = j * NB + b
                pltpu.make_async_copy(m_hbm.at[srcv.at[q]], bufs[b], sems[b]).wait()
                pltpu.sync_copy(bufs[b], acc.at[dstv.at[q]], add=True)

                @pl.when(q + NB < NCH)
                def _():
                    pltpu.async_copy(m_hbm.at[srcv.at[q + NB]], bufs[b], sems[b])

            return carry

        lax.fori_loop(0, NCH // NB, chunk, 0)
        plsc.subcore_barrier()

        pltpu.sync_copy(
            acc.at[pl.ds(sid * RPT, RPT), :],
            out_hbm.at[cid, pl.ds(sid * RPT, RPT), :],
        )

    return agg


_agg128 = _make_agg_fsplit(64, jnp.bfloat16, nb=8)
_agg64 = _make_agg(64, jnp.bfloat16, nb=8)
_agg16 = _make_agg(16, nb=8)


_B = 2000


def _tc0_body(degp_ref, x_ref, m1_ref, no_ref, ni_ref):
    dego = jnp.zeros((N,), jnp.float32)
    degi = jnp.zeros((N,), jnp.float32)
    for w in range(NW):
        dego = dego + degp_ref[pl.ds(w * 2 * N, N)]
        degi = degi + degp_ref[pl.ds(w * 2 * N + N, N)]
    deg = jnp.stack([dego, degi], axis=0)
    norm = jnp.where(deg > 0, lax.rsqrt(deg), 0.0)
    nT = jnp.transpose(norm)
    no = jnp.broadcast_to(nT[:, 0:1], (N, 128))
    ni = jnp.broadcast_to(nT[:, 1:2], (N, 128))
    no_ref[...] = no
    ni_ref[...] = ni
    m1 = (x_ref[...] * no).astype(jnp.bfloat16)
    m1_ref[0] = m1[:, :64]
    m1_ref[1] = m1[:, 64:]


def _tc0(degp, x):
    return pl.pallas_call(
        _tc0_body,
        grid=(1,),
        in_specs=[
            pl.BlockSpec((NW * 2 * N,), lambda i: (0,)),
            pl.BlockSpec((N, 128), lambda i: (0, 0)),
        ],
        out_specs=[
            pl.BlockSpec((2, N, 64), lambda i: (0, 0, 0)),
            pl.BlockSpec((N, 128), lambda i: (0, 0)),
            pl.BlockSpec((N, 128), lambda i: (0, 0)),
        ],
        out_shape=[
            jax.ShapeDtypeStruct((2, N, 64), jnp.bfloat16),
            jax.ShapeDtypeStruct((N, 128), jnp.float32),
            jax.ShapeDtypeStruct((N, 128), jnp.float32),
        ],
    )(degp, x)


def _tc1_body(p_ref, ni_ref, no_ref, W1_ref, b1_ref, W2_ref, m2_ref):
    agg = jnp.concatenate([p_ref[0], p_ref[1]], axis=1).astype(jnp.float32) * ni_ref[...]
    h1 = jnp.maximum(
        jnp.dot(agg, W1_ref[...], preferred_element_type=jnp.float32)
        + b1_ref[...],
        0.0,
    )
    m2_ref[...] = (
        jnp.dot(h1, W2_ref[...], preferred_element_type=jnp.float32)
        * no_ref[...][:, :64]
    ).astype(jnp.bfloat16)


def _tc1(p1, ni, no, W1, b1, W2):
    return pl.pallas_call(
        _tc1_body,
        grid=(N // _B,),
        in_specs=[
            pl.BlockSpec((2, _B, 64), lambda i: (0, i, 0)),
            pl.BlockSpec((_B, 128), lambda i: (i, 0)),
            pl.BlockSpec((_B, 128), lambda i: (i, 0)),
            pl.BlockSpec((128, 128), lambda i: (0, 0)),
            pl.BlockSpec((1, 128), lambda i: (0, 0)),
            pl.BlockSpec((128, 64), lambda i: (0, 0)),
        ],
        out_specs=pl.BlockSpec((_B, 64), lambda i: (i, 0)),
        out_shape=jax.ShapeDtypeStruct((N, 64), jnp.bfloat16),
    )(p1, ni, no, W1, b1, W2)


def _tc2_body(p_ref, ni_ref, no_ref, b2_ref, W3_ref, m3_ref):
    h2 = jnp.maximum(
        (p_ref[0].astype(jnp.float32) + p_ref[1].astype(jnp.float32))
        * ni_ref[...][:, :64]
        + b2_ref[...],
        0.0,
    )
    m3_ref[...] = (
        jnp.dot(h2, W3_ref[...], preferred_element_type=jnp.float32)
        * no_ref[...][:, :16]
    )


def _tc2(p2, ni, no, b2, W3):
    return pl.pallas_call(
        _tc2_body,
        grid=(N // _B,),
        in_specs=[
            pl.BlockSpec((2, _B, 64), lambda i: (0, i, 0)),
            pl.BlockSpec((_B, 128), lambda i: (i, 0)),
            pl.BlockSpec((_B, 128), lambda i: (i, 0)),
            pl.BlockSpec((1, 64), lambda i: (0, 0)),
            pl.BlockSpec((64, 16), lambda i: (0, 0)),
        ],
        out_specs=pl.BlockSpec((_B, 16), lambda i: (i, 0)),
        out_shape=jax.ShapeDtypeStruct((N, 16), jnp.float32),
    )(p2, ni, no, b2, W3)


def _tc3_body(p_ref, ni_ref, b3_ref, h3_ref):
    h3_ref[...] = (p_ref[0] + p_ref[1]) * ni_ref[...][:, :16] + b3_ref[...]


def _tc3(p3, ni, b3):
    return pl.pallas_call(
        _tc3_body,
        grid=(N // _B,),
        in_specs=[
            pl.BlockSpec((2, _B, 16), lambda i: (0, i, 0)),
            pl.BlockSpec((_B, 128), lambda i: (i, 0)),
            pl.BlockSpec((1, 16), lambda i: (0, 0)),
        ],
        out_specs=pl.BlockSpec((_B, 16), lambda i: (i, 0)),
        out_shape=jax.ShapeDtypeStruct((N, 16), jnp.float32),
    )(p3, ni, b3)


def kernel(x, edge_index, W1, b1, W2, b2, W3, b3):
    src = edge_index[0].astype(jnp.int32)
    dst = edge_index[1].astype(jnp.int32)
    src_t = src.reshape(NS, NCH2, C)
    dst_t = dst.reshape(NS, NCH2, C)

    degp = _deg_kernel(src, dst)
    m1, no, ni = _tc0(degp, x)

    p1 = _agg128(m1, src_t, dst_t)
    m2 = _tc1(p1, ni, no, W1, b1.reshape(1, 128), W2)

    p2 = _agg64(m2, src_t, dst_t)
    m3 = _tc2(p2, ni, no, b2.reshape(1, 64), W3)

    p3 = _agg16(m3, src_t, dst_t)
    return _tc3(p3, ni, b3.reshape(1, 16))

# --- scband reference (transcript-rebuilt; emitter-appended) ---
"""Pipeline reference for scband-gcn-20160576488058 (READ-ONLY COPY).

The authoritative reference and input builder live on the scoring server;
editing this copy changes nothing except your own understanding.
"""

import jax, jax.numpy as jnp
import numpy as np

N_NODES = 10000
N_EDGES = 320000


def graph_conv(x, W, b, src, dst, n):
    # DGL GraphConv with norm='both':
    # h = D_in^{-1/2} * A^T * (D_out^{-1/2} * x) @ W + b
    deg_out = jnp.zeros((n,), dtype=x.dtype).at[src].add(1.0)
    norm_out = jnp.where(deg_out > 0, deg_out ** -0.5, 0.0)
    deg_in = jnp.zeros((n,), dtype=x.dtype).at[dst].add(1.0)
    norm_in = jnp.where(deg_in > 0, deg_in ** -0.5, 0.0)
    m = x * norm_out[:, None]
    gathered = m[src]
    agg = jnp.zeros((n, x.shape[1]), dtype=x.dtype).at[dst].add(gathered)
    h = agg * norm_in[:, None]
    return h @ W + b


def setup_inputs(seed: int = 0) -> dict:
    key = jax.random.key(seed)
    k_x, k_e, k1, k2, k3 = jax.random.split(key, 5)
    x = jax.random.normal(k_x, (N_NODES, 128), dtype=jnp.float32)
    edge_index = jax.random.randint(k_e, (2, N_EDGES), 0, N_NODES, dtype=jnp.int64)
    def glorot(k, fan_in, fan_out):
        limit = jnp.sqrt(6.0 / (fan_in + fan_out))
        return jax.random.uniform(k, (fan_in, fan_out), dtype=jnp.float32, minval=-limit, maxval=limit)
    W1 = glorot(k1, 128, 128)
    b1 = jnp.zeros((128,), dtype=jnp.float32)
    W2 = glorot(k2, 128, 64)
    b2 = jnp.zeros((64,), dtype=jnp.float32)
    W3 = glorot(k3, 64, 16)
    b3 = jnp.zeros((16,), dtype=jnp.float32)
    return {"x": x, "edge_index": edge_index, "W1": W1, "b1": b1, "W2": W2, "b2": b2, "W3": W3, "b3": b3}


def reference(x, edge_index, W1, b1, W2, b2, W3, b3):
    src = edge_index[0]
    dst = edge_index[1]
    n = x.shape[0]
    h1 = graph_conv(x, W1, b1, src, dst, n)
    h1 = jax.nn.relu(h1)
    h2 = graph_conv(h1, W2, b2, src, dst, n)
    h2 = jax.nn.relu(h2)
    h3 = graph_conv(h2, W3, b3, src, dst, n)
    return h3

if __name__ == "__main__":
    import jax
    _d = setup_inputs()
    print(jax.jit(kernel)(*tuple(_d.values())))

</pallas_src>

<mosaic_0001>
#map = affine_map<(d0, d1) -> (0)>
module attributes {stable_mosaic.version = 14 : i64} {
  func.func @_deg_kernel(%arg0: i32, %arg1: i32, %arg2: memref<320000xi32, #tpu.memory_space<hbm>>, %arg3: memref<320000xi32, #tpu.memory_space<hbm>>, %arg4: memref<640000xf32, #tpu.memory_space<hbm>>, %arg5: memref<10000xi32, #tpu.memory_space<vmem>>, %arg6: memref<10000xf32, #tpu.memory_space<vmem>>, %arg7: memref<10000xf32, #tpu.memory_space<vmem>>) attributes {dimension_semantics = [#tpu.dimension_semantics<core_parallel>, #tpu.dimension_semantics<subcore_parallel>], iteration_bounds = array<i64: 2, 16>, scalar_prefetch = 0 : i64, scratch_operands = 3 : i64, tpu.core_type = #tpu.core_type<sc_vector_subcore>, window_params = [{transform_indices = #map}, {transform_indices = #map}, {transform_indices = #map}]} {
    %mul3A = arith.constant 16 : i32
    %mul3A_0 = arith.muli %arg0, %mul3A : i32
    %add3A = arith.addi %mul3A_0, %arg1 : i32
    %broadcast_in_dim3A = arith.constant 0.000000e+00 : f32
    %broadcast_in_dim3A_1 = vector.broadcast %broadcast_in_dim3A : f32 to vector<16xf32>
    %scan3A = arith.constant 0 : i32
    %scan3A_2 = arith.constant 0 : i32
    %scan3A_3 = arith.constant 624 : i32
    %scan3A_4 = arith.addi %scan3A_2, %scan3A_3 : i32
    %scan3A_5 = arith.constant 4 : i32
    scf.for %scan3A_55 = %scan3A_2 to %scan3A_4 step %scan3A_5  : i32 {
      %mul3A_56 = arith.constant 16 : i32
      %mul3A_57 = arith.muli %scan3A_55, %mul3A_56 : i32
      %swap3A_58 = arith.index_cast %mul3A_57 : i32 to index
      %swap3A_59 = tpu.vector_load %arg6[%swap3A_58] {strides = array<i32>} : memref<10000xf32, #tpu.memory_space<vmem>>, vector<16xf32>,
      tpu.vector_store %arg6[%swap3A_58], %broadcast_in_dim3A_1 {strides = array<i32>} : memref<10000xf32, #tpu.memory_space<vmem>>, vector<16xf32>,
      %mul3A_60 = arith.constant 16 : i32
      %mul3A_61 = arith.muli %scan3A_55, %mul3A_60 : i32
      %swap3A_62 = arith.index_cast %mul3A_61 : i32 to index
      %swap3A_63 = tpu.vector_load %arg7[%swap3A_62] {strides = array<i32>} : memref<10000xf32, #tpu.memory_space<vmem>>, vector<16xf32>,
      tpu.vector_store %arg7[%swap3A_62], %broadcast_in_dim3A_1 {strides = array<i32>} : memref<10000xf32, #tpu.memory_space<vmem>>, vector<16xf32>,
      %scan3A_64 = arith.constant 1 : i32
      %scan3A_65 = arith.addi %scan3A_55, %scan3A_64 : i32
      %mul3A_66 = arith.constant 16 : i32
      %mul3A_67 = arith.muli %scan3A_65, %mul3A_66 : i32
      %swap3A_68 = arith.index_cast %mul3A_67 : i32 to index
      %swap3A_69 = tpu.vector_load %arg6[%swap3A_68] {strides = array<i32>} : memref<10000xf32, #tpu.memory_space<vmem>>, vector<16xf32>,
      tpu.vector_store %arg6[%swap3A_68], %broadcast_in_dim3A_1 {strides = array<i32>} : memref<10000xf32, #tpu.memory_space<vmem>>, vector<16xf32>,
      %mul3A_70 = arith.constant 16 : i32
      %mul3A_71 = arith.muli %scan3A_65, %mul3A_70 : i32
      %swap3A_72 = arith.index_cast %mul3A_71 : i32 to index
      %swap3A_73 = tpu.vector_load %arg7[%swap3A_72] {strides = array<i32>} : memref<10000xf32, #tpu.memory_space<vmem>>, vector<16xf32>,
      tpu.vector_store %arg7[%swap3A_72], %broadcast_in_dim3A_1 {strides = array<i32>} : memref<10000xf32, #tpu.memory_space<vmem>>, vector<16xf32>,
      %scan3A_74 = arith.constant 2 : i32
      %scan3A_75 = arith.addi %scan3A_55, %scan3A_74 : i32
      %mul3A_76 = arith.constant 16 : i32
      %mul3A_77 = arith.muli %scan3A_75, %mul3A_76 : i32
      %swap3A_78 = arith.index_cast %mul3A_77 : i32 to index
      %swap3A_79 = tpu.vector_load %arg6[%swap3A_78] {strides = array<i32>} : memref<10000xf32, #tpu.memory_space<vmem>>, vector<16xf32>,
      tpu.vector_store %arg6[%swap3A_78], %broadcast_in_dim3A_1 {strides = array<i32>} : memref<10000xf32, #tpu.memory_space<vmem>>, vector<16xf32>,
      %mul3A_80 = arith.constant 16 : i32
      %mul3A_81 = arith.muli %scan3A_75, %mul3A_80 : i32
      %swap3A_82 = arith.index_cast %mul3A_81 : i32 to index
      %swap3A_83 = tpu.vector_load %arg7[%swap3A_82] {strides = array<i32>} : memref<10000xf32, #tpu.memory_space<vmem>>, vector<16xf32>,
      tpu.vector_store %arg7[%swap3A_82], %broadcast_in_dim3A_1 {strides = array<i32>} : memref<10000xf32, #tpu.memory_space<vmem>>, vector<16xf32>,
      %scan3A_84 = arith.constant 3 : i32
      %scan3A_85 = arith.addi %scan3A_55, %scan3A_84 : i32
      %mul3A_86 = arith.constant 16 : i32
      %mul3A_87 = arith.muli %scan3A_85, %mul3A_86 : i32
      %swap3A_88 = arith.index_cast %mul3A_87 : i32 to index
      %swap3A_89 = tpu.vector_load %arg6[%swap3A_88] {strides = array<i32>} : memref<10000xf32, #tpu.memory_space<vmem>>, vector<16xf32>,
      tpu.vector_store %arg6[%swap3A_88], %broadcast_in_dim3A_1 {strides = array<i32>} : memref<10000xf32, #tpu.memory_space<vmem>>, vector<16xf32>,
      %mul3A_90 = arith.constant 16 : i32
      %mul3A_91 = arith.muli %scan3A_85, %mul3A_90 : i32
      %swap3A_92 = arith.index_cast %mul3A_91 : i32 to index
      %swap3A_93 = tpu.vector_load %arg7[%swap3A_92] {strides = array<i32>} : memref<10000xf32, #tpu.memory_space<vmem>>, vector<16xf32>,
      tpu.vector_store %arg7[%swap3A_92], %broadcast_in_dim3A_1 {strides = array<i32>} : memref<10000xf32, #tpu.memory_space<vmem>>, vector<16xf32>,
    }
    %scan3A_6 = arith.constant 624 : i32
    %scan3A_7 = arith.addi %scan3A_2, %scan3A_6 : i32
    %mul3A_8 = arith.constant 16 : i32
    %mul3A_9 = arith.muli %scan3A_7, %mul3A_8 : i32
    %swap3A = arith.index_cast %mul3A_9 : i32 to index
    %swap3A_10 = tpu.vector_load %arg6[%swap3A] {strides = array<i32>} : memref<10000xf32, #tpu.memory_space<vmem>>, vector<16xf32>,
    tpu.vector_store %arg6[%swap3A], %broadcast_in_dim3A_1 {strides = array<i32>} : memref<10000xf32, #tpu.memory_space<vmem>>, vector<16xf32>,
    %mul3A_11 = arith.constant 16 : i32
    %mul3A_12 = arith.muli %scan3A_7, %mul3A_11 : i32
    %swap3A_13 = arith.index_cast %mul3A_12 : i32 to index
    %swap3A_14 = tpu.vector_load %arg7[%swap3A_13] {strides = array<i32>} : memref<10000xf32, #tpu.memory_space<vmem>>, vector<16xf32>,
    tpu.vector_store %arg7[%swap3A_13], %broadcast_in_dim3A_1 {strides = array<i32>} : memref<10000xf32, #tpu.memory_space<vmem>>, vector<16xf32>,
    %scan3A_15 = arith.constant 625 : i32
    %broadcast_in_dim3A_16 = arith.constant 1.000000e+00 : f32
    %broadcast_in_dim3A_17 = vector.broadcast %broadcast_in_dim3A_16 : f32 to vector<16xf32>
    %mul3A_18 = arith.constant 10000 : i32
    %mul3A_19 = arith.muli %add3A, %mul3A_18 : i32
    "tpu.region"() ({
      %run_scoped3A = tpu.sem_alloc : memref<!tpu.dma_semaphore, #tpu.memory_space<semaphore_mem>>
      %dma_start3A = tpu.memref_slice %arg2[%mul3A_19] : memref<320000xi32, #tpu.memory_space<hbm>> -> memref<10000xi32, #tpu.memory_space<hbm>>
      %dma_start3A_55 = tpu.memref_slice %arg2[%mul3A_19] : memref<320000xi32, #tpu.memory_space<hbm>> -> memref<10000xi32, #tpu.memory_space<hbm>>
      tpu.enqueue_dma source(%dma_start3A_55 : memref<10000xi32, #tpu.memory_space<hbm>>) target(%arg5 : memref<10000xi32, #tpu.memory_space<vmem>>) target_semaphore(%run_scoped3A : memref<!tpu.dma_semaphore, #tpu.memory_space<semaphore_mem>>)
      %dma_wait3A = tpu.memref_slice %arg2[%mul3A_19] : memref<320000xi32, #tpu.memory_space<hbm>> -> memref<10000xi32, #tpu.memory_space<hbm>>
      %dma_wait3A_56 = tpu.memref_slice %arg2[%mul3A_19] : memref<320000xi32, #tpu.memory_space<hbm>> -> memref<10000xi32, #tpu.memory_space<hbm>>
      tpu.wait_dma2 semaphore(%run_scoped3A : memref<!tpu.dma_semaphore, #tpu.memory_space<semaphore_mem>>) src(%dma_wait3A_56 : memref<10000xi32, #tpu.memory_space<hbm>>) dst(%arg5 : memref<10000xi32, #tpu.memory_space<vmem>>)
      tpu.yield
    }) : () -> ()
    %scan3A_20 = arith.constant 0 : i32
    %scan3A_21 = arith.constant 0 : i32
    %scan3A_22 = arith.constant 624 : i32
    %scan3A_23 = arith.addi %scan3A_21, %scan3A_22 : i32
    %scan3A_24 = arith.constant 4 : i32
    scf.for %scan3A_55 = %scan3A_21 to %scan3A_23 step %scan3A_24  : i32 {
      %mul3A_56 = arith.constant 16 : i32
      %mul3A_57 = arith.muli %scan3A_55, %mul3A_56 : i32
      %get3A_58 = arith.index_cast %mul3A_57 : i32 to index
      %get3A_59 = tpu.vector_load %arg5[%get3A_58] {strides = array<i32>} : memref<10000xi32, #tpu.memory_space<vmem>>, vector<16xi32>,
      tpu.vector_store_idx %arg6[%get3A_59], %broadcast_in_dim3A_17 {add = true} : memref<10000xf32, #tpu.memory_space<vmem>>[vector<16xi32>], vector<16xf32>,
      %scan3A_60 = arith.constant 1 : i32
      %scan3A_61 = arith.addi %scan3A_55, %scan3A_60 : i32
      %mul3A_62 = arith.constant 16 : i32
      %mul3A_63 = arith.muli %scan3A_61, %mul3A_62 : i32
      %get3A_64 = arith.index_cast %mul3A_63 : i32 to index
      %get3A_65 = tpu.vector_load %arg5[%get3A_64] {strides = array<i32>} : memref<10000xi32, #tpu.memory_space<vmem>>, vector<16xi32>,
      tpu.vector_store_idx %arg6[%get3A_65], %broadcast_in_dim3A_17 {add = true} : memref<10000xf32, #tpu.memory_space<vmem>>[vector<16xi32>], vector<16xf32>,
      %scan3A_66 = arith.constant 2 : i32
      %scan3A_67 = arith.addi %scan3A_55, %scan3A_66 : i32
      %mul3A_68 = arith.constant 16 : i32
      %mul3A_69 = arith.muli %scan3A_67, %mul3A_68 : i32
      %get3A_70 = arith.index_cast %mul3A_69 : i32 to index
      %get3A_71 = tpu.vector_load %arg5[%get3A_70] {strides = array<i32>} : memref<10000xi32, #tpu.memory_space<vmem>>, vector<16xi32>,
      tpu.vector_store_idx %arg6[%get3A_71], %broadcast_in_dim3A_17 {add = true} : memref<10000xf32, #tpu.memory_space<vmem>>[vector<16xi32>], vector<16xf32>,
      %scan3A_72 = arith.constant 3 : i32
      %scan3A_73 = arith.addi %scan3A_55, %scan3A_72 : i32
      %mul3A_74 = arith.constant 16 : i32
      %mul3A_75 = arith.muli %scan3A_73, %mul3A_74 : i32
      %get3A_76 = arith.index_cast %mul3A_75 : i32 to index
      %get3A_77 = tpu.vector_load %arg5[%get3A_76] {strides = array<i32>} : memref<10000xi32, #tpu.memory_space<vmem>>, vector<16xi32>,
      tpu.vector_store_idx %arg6[%get3A_77], %broadcast_in_dim3A_17 {add = true} : memref<10000xf32, #tpu.memory_space<vmem>>[vector<16xi32>], vector<16xf32>,
    }
    %scan3A_25 = arith.constant 624 : i32
    %scan3A_26 = arith.addi %scan3A_21, %scan3A_25 : i32
    %mul3A_27 = arith.constant 16 : i32
    %mul3A_28 = arith.muli %scan3A_26, %mul3A_27 : i32
    %get3A = arith.index_cast %mul3A_28 : i32 to index
    %get3A_29 = tpu.vector_load %arg5[%get3A] {strides = array<i32>} : memref<10000xi32, #tpu.memory_space<vmem>>, vector<16xi32>,
    tpu.vector_store_idx %arg6[%get3A_29], %broadcast_in_dim3A_17 {add = true} : memref<10000xf32, #tpu.memory_space<vmem>>[vector<16xi32>], vector<16xf32>,
    %scan3A_30 = arith.constant 625 : i32
    %mul3A_31 = arith.constant 10000 : i32
    %mul3A_32 = arith.muli %add3A, %mul3A_31 : i32
    "tpu.region"() ({
      %run_scoped3A = tpu.sem_alloc : memref<!tpu.dma_semaphore, #tpu.memory_space<semaphore_mem>>
      %dma_start3A = tpu.memref_slice %arg3[%mul3A_32] : memref<320000xi32, #tpu.memory_space<hbm>> -> memref<10000xi32, #tpu.memory_space<hbm>>
      %dma_start3A_55 = tpu.memref_slice %arg3[%mul3A_32] : memref<320000xi32, #tpu.memory_space<hbm>> -> memref<10000xi32, #tpu.memory_space<hbm>>
      tpu.enqueue_dma source(%dma_start3A_55 : memref<10000xi32, #tpu.memory_space<hbm>>) target(%arg5 : memref<10000xi32, #tpu.memory_space<vmem>>) target_semaphore(%run_scoped3A : memref<!tpu.dma_semaphore, #tpu.memory_space<semaphore_mem>>)
      %dma_wait3A = tpu.memref_slice %arg3[%mul3A_32] : memref<320000xi32, #tpu.memory_space<hbm>> -> memref<10000xi32, #tpu.memory_space<hbm>>
      %dma_wait3A_56 = tpu.memref_slice %arg3[%mul3A_32] : memref<320000xi32, #tpu.memory_space<hbm>> -> memref<10000xi32, #tpu.memory_space<hbm>>
      tpu.wait_dma2 semaphore(%run_scoped3A : memref<!tpu.dma_semaphore, #tpu.memory_space<semaphore_mem>>) src(%dma_wait3A_56 : memref<10000xi32, #tpu.memory_space<hbm>>) dst(%arg5 : memref<10000xi32, #tpu.memory_space<vmem>>)
      tpu.yield
    }) : () -> ()
    %scan3A_33 = arith.constant 0 : i32
    %scan3A_34 = arith.constant 0 : i32
    %scan3A_35 = arith.constant 624 : i32
    %scan3A_36 = arith.addi %scan3A_34, %scan3A_35 : i32
    %scan3A_37 = arith.constant 4 : i32
    scf.for %scan3A_55 = %scan3A_34 to %scan3A_36 step %scan3A_37  : i32 {
      %mul3A_56 = arith.constant 16 : i32
      %mul3A_57 = arith.muli %scan3A_55, %mul3A_56 : i32
      %get3A_58 = arith.index_cast %mul3A_57 : i32 to index
      %get3A_59 = tpu.vector_load %arg5[%get3A_58] {strides = array<i32>} : memref<10000xi32, #tpu.memory_space<vmem>>, vector<16xi32>,
      tpu.vector_store_idx %arg7[%get3A_59], %broadcast_in_dim3A_17 {add = true} : memref<10000xf32, #tpu.memory_space<vmem>>[vector<16xi32>], vector<16xf32>,
      %scan3A_60 = arith.constant 1 : i32
      %scan3A_61 = arith.addi %scan3A_55, %scan3A_60 : i32
      %mul3A_62 = arith.constant 16 : i32
      %mul3A_63 = arith.muli %scan3A_61, %mul3A_62 : i32
      %get3A_64 = arith.index_cast %mul3A_63 : i32 to index
      %get3A_65 = tpu.vector_load %arg5[%get3A_64] {strides = array<i32>} : memref<10000xi32, #tpu.memory_space<vmem>>, vector<16xi32>,
      tpu.vector_store_idx %arg7[%get3A_65], %broadcast_in_dim3A_17 {add = true} : memref<10000xf32, #tpu.memory_space<vmem>>[vector<16xi32>], vector<16xf32>,
      %scan3A_66 = arith.constant 2 : i32
      %scan3A_67 = arith.addi %scan3A_55, %scan3A_66 : i32
      %mul3A_68 = arith.constant 16 : i32
      %mul3A_69 = arith.muli %scan3A_67, %mul3A_68 : i32
      %get3A_70 = arith.index_cast %mul3A_69 : i32 to index
      %get3A_71 = tpu.vector_load %arg5[%get3A_70] {strides = array<i32>} : memref<10000xi32, #tpu.memory_space<vmem>>, vector<16xi32>,
      tpu.vector_store_idx %arg7[%get3A_71], %broadcast_in_dim3A_17 {add = true} : memref<10000xf32, #tpu.memory_space<vmem>>[vector<16xi32>], vector<16xf32>,
      %scan3A_72 = arith.constant 3 : i32
      %scan3A_73 = arith.addi %scan3A_55, %scan3A_72 : i32
      %mul3A_74 = arith.constant 16 : i32
      %mul3A_75 = arith.muli %scan3A_73, %mul3A_74 : i32
      %get3A_76 = arith.index_cast %mul3A_75 : i32 to index
      %get3A_77 = tpu.vector_load %arg5[%get3A_76] {strides = array<i32>} : memref<10000xi32, #tpu.memory_space<vmem>>, vector<16xi32>,
      tpu.vector_store_idx %arg7[%get3A_77], %broadcast_in_dim3A_17 {add = true} : memref<10000xf32, #tpu.memory_space<vmem>>[vector<16xi32>], vector<16xf32>,
    }
    %scan3A_38 = arith.constant 624 : i32
    %scan3A_39 = arith.addi %scan3A_34, %scan3A_38 : i32
    %mul3A_40 = arith.constant 16 : i32
    %mul3A_41 = arith.muli %scan3A_39, %mul3A_40 : i32
    %get3A_42 = arith.index_cast %mul3A_41 : i32 to index
    %get3A_43 = tpu.vector_load %arg5[%get3A_42] {strides = array<i32>} : memref<10000xi32, #tpu.memory_space<vmem>>, vector<16xi32>,
    tpu.vector_store_idx %arg7[%get3A_43], %broadcast_in_dim3A_17 {add = true} : memref<10000xf32, #tpu.memory_space<vmem>>[vector<16xi32>], vector<16xf32>,
    %scan3A_44 = arith.constant 625 : i32
    %mul3A_45 = arith.constant 2 : i32
    %mul3A_46 = arith.muli %add3A, %mul3A_45 : i32
    %mul3A_47 = arith.constant 10000 : i32
    %mul3A_48 = arith.muli %mul3A_46, %mul3A_47 : i32
    "tpu.region"() ({
      %run_scoped3A = tpu.sem_alloc : memref<!tpu.dma_semaphore, #tpu.memory_space<semaphore_mem>>
      %dma_start3A = tpu.memref_slice %arg4[%mul3A_48] : memref<640000xf32, #tpu.memory_space<hbm>> -> memref<10000xf32, #tpu.memory_space<hbm>>
      %dma_start3A_55 = tpu.memref_slice %arg4[%mul3A_48] : memref<640000xf32, #tpu.memory_space<hbm>> -> memref<10000xf32, #tpu.memory_space<hbm>>
      tpu.enqueue_dma source(%arg6 : memref<10000xf32, #tpu.memory_space<vmem>>) target(%dma_start3A_55 : memref<10000xf32, #tpu.memory_space<hbm>>) target_semaphore(%run_scoped3A : memref<!tpu.dma_semaphore, #tpu.memory_space<semaphore_mem>>)
      %dma_wait3A = tpu.memref_slice %arg4[%mul3A_48] : memref<640000xf32, #tpu.memory_space<hbm>> -> memref<10000xf32, #tpu.memory_space<hbm>>
      %dma_wait3A_56 = tpu.memref_slice %arg4[%mul3A_48] : memref<640000xf32, #tpu.memory_space<hbm>> -> memref<10000xf32, #tpu.memory_space<hbm>>
      tpu.wait_dma2 semaphore(%run_scoped3A : memref<!tpu.dma_semaphore, #tpu.memory_space<semaphore_mem>>) src(%arg6 : memref<10000xf32, #tpu.memory_space<vmem>>) dst(%dma_wait3A_56 : memref<10000xf32, #tpu.memory_space<hbm>>)
      tpu.yield
    }) : () -> ()
    %mul3A_49 = arith.constant 2 : i32
    %mul3A_50 = arith.muli %add3A, %mul3A_49 : i32
    %mul3A_51 = arith.constant 10000 : i32
    %mul3A_52 = arith.muli %mul3A_50, %mul3A_51 : i32
    %add3A_53 = arith.constant 10000 : i32
    %add3A_54 = arith.addi %mul3A_52, %add3A_53 : i32
    "tpu.region"() ({
      %run_scoped3A = tpu.sem_alloc : memref<!tpu.dma_semaphore, #tpu.memory_space<semaphore_mem>>
      %dma_start3A = tpu.memref_slice %arg4[%add3A_54] : memref<640000xf32, #tpu.memory_space<hbm>> -> memref<10000xf32, #tpu.memory_space<hbm>>
      %dma_start3A_55 = tpu.memref_slice %arg4[%add3A_54] : memref<640000xf32, #tpu.memory_space<hbm>> -> memref<10000xf32, #tpu.memory_space<hbm>>
      tpu.enqueue_dma source(%arg7 : memref<10000xf32, #tpu.memory_space<vmem>>) target(%dma_start3A_55 : memref<10000xf32, #tpu.memory_space<hbm>>) target_semaphore(%run_scoped3A : memref<!tpu.dma_semaphore, #tpu.memory_space<semaphore_mem>>)
      %dma_wait3A = tpu.memref_slice %arg4[%add3A_54] : memref<640000xf32, #tpu.memory_space<hbm>> -> memref<10000xf32, #tpu.memory_space<hbm>>
      %dma_wait3A_56 = tpu.memref_slice %arg4[%add3A_54] : memref<640000xf32, #tpu.memory_space<hbm>> -> memref<10000xf32, #tpu.memory_space<hbm>>
      tpu.wait_dma2 semaphore(%run_scoped3A : memref<!tpu.dma_semaphore, #tpu.memory_space<semaphore_mem>>) src(%arg7 : memref<10000xf32, #tpu.memory_space<vmem>>) dst(%dma_wait3A_56 : memref<10000xf32, #tpu.memory_space<hbm>>)
      tpu.yield
    }) : () -> ()
    return
  }
}

#map = affine_map<(d0, d1) -> (0, 0)>
#map1 = affine_map<(d0, d1) -> (0, 0, 0)>
module attributes {stable_mosaic.version = 14 : i64} {
  func.func @agg(%arg0: i32, %arg1: i32, %arg2: memref<10000x16xf32, #tpu.memory_space<hbm>>, %arg3: memref<16x160x125xi32, #tpu.memory_space<hbm>>, %arg4: memref<16x160x125xi32, #tpu.memory_space<hbm>>, %arg5: memref<2x10240x16xf32, #tpu.memory_space<hbm>>, %arg6: memref<80x125xi32, #tpu.memory_space<vmem>>, %arg7: memref<80x125xi32, #tpu.memory_space<vmem>>, %arg8: memref<125x16xf32, #tpu.memory_space<vmem>>, %arg9: memref<125x16xf32, #tpu.memory_space<vmem>>, %arg10: memref<125x16xf32, #tpu.memory_space<vmem>>, %arg11: memref<125x16xf32, #tpu.memory_space<vmem>>, %arg12: memref<125x16xf32, #tpu.memory_space<vmem>>, %arg13: memref<125x16xf32, #tpu.memory_space<vmem>>, %arg14: memref<125x16xf32, #tpu.memory_space<vmem>>, %arg15: memref<125x16xf32, #tpu.memory_space<vmem>>, %arg16: memref<128x16xf32, #tpu.memory_space<vmem>>, %arg17: memref<10240x16xf32, #tpu.memory_space<vmem_shared>>, %arg18: memref<!tpu.dma_semaphore, #tpu.memory_space<semaphore_mem>>, %arg19: memref<!tpu.dma_semaphore, #tpu.memory_space<semaphore_mem>>, %arg20: memref<!tpu.dma_semaphore, #tpu.memory_space<semaphore_mem>>, %arg21: memref<!tpu.dma_semaphore, #tpu.memory_space<semaphore_mem>>, %arg22: memref<!tpu.dma_semaphore, #tpu.memory_space<semaphore_mem>>, %arg23: memref<!tpu.dma_semaphore, #tpu.memory_space<semaphore_mem>>, %arg24: memref<!tpu.dma_semaphore, #tpu.memory_space<semaphore_mem>>, %arg25: memref<!tpu.dma_semaphore, #tpu.memory_space<semaphore_mem>>) attributes {dimension_semantics = [#tpu.dimension_semantics<core_parallel>, #tpu.dimension_semantics<subcore_parallel>], iteration_bounds = array<i64: 2, 16>, scalar_prefetch = 0 : i64, scratch_operands = 20 : i64, tpu.core_type = #tpu.core_type<sc_vector_subcore>, window_params = [{transform_indices = #map}, {transform_indices = #map1}, {transform_indices = #map1}, {transform_indices = #map1}]} {
    %mul3A = arith.constant 80 : i32
    %mul3A_0 = arith.muli %arg0, %mul3A : i32
    "tpu.region"() ({
      %run_scoped3A = tpu.sem_alloc : memref<!tpu.dma_semaphore, #tpu.memory_space<semaphore_mem>>
      %dma_start3A_94 = arith.constant 0 : i32
      %dma_start3A_95 = tpu.memref_slice %arg3[%arg1, %mul3A_0, %dma_start3A_94] : memref<16x160x125xi32, #tpu.memory_space<hbm>> -> memref<1x80x125xi32, #tpu.memory_space<hbm>>
      %dma_start3A_96 = tpu.memref_squeeze %dma_start3A_95 : memref<1x80x125xi32, #tpu.memory_space<hbm>> -> memref<80x125xi32, #tpu.memory_space<hbm>>
      %dma_start3A_97 = arith.constant 0 : i32
      %dma_start3A_98 = tpu.memref_slice %arg3[%arg1, %mul3A_0, %dma_start3A_97] : memref<16x160x125xi32, #tpu.memory_space<hbm>> -> memref<1x80x125xi32, #tpu.memory_space<hbm>>
      %dma_start3A_99 = tpu.memref_squeeze %dma_start3A_98 : memref<1x80x125xi32, #tpu.memory_space<hbm>> -> memref<80x125xi32, #tpu.memory_space<hbm>>
      tpu.enqueue_dma source(%dma_start3A_99 : memref<80x125xi32, #tpu.memory_space<hbm>>) target(%arg6 : memref<80x125xi32, #tpu.memory_space<vmem>>) target_semaphore(%run_scoped3A : memref<!tpu.dma_semaphore, #tpu.memory_space<semaphore_mem>>)
      %dma_wait3A = arith.constant 0 : i32
      %dma_wait3A_100 = tpu.memref_slice %arg3[%arg1, %mul3A_0, %dma_wait3A] : memref<16x160x125xi32, #tpu.memory_space<hbm>> -> memref<1x80x125xi32, #tpu.memory_space<hbm>>
      %dma_wait3A_101 = tpu.memref_squeeze %dma_wait3A_100 : memref<1x80x125xi32, #tpu.memory_space<hbm>> -> memref<80x125xi32, #tpu.memory_space<hbm>>
      %dma_wait3A_102 = arith.constant 0 : i32
      %dma_wait3A_103 = tpu.memref_slice %arg3[%arg1, %mul3A_0, %dma_wait3A_102] : memref<16x160x125xi32, #tpu.memory_space<hbm>> -> memref<1x80x125xi32, #tpu.memory_space<hbm>>
      %dma_wait3A_104 = tpu.memref_squeeze %dma_wait3A_103 : memref<1x80x125xi32, #tpu.memory_space<hbm>> -> memref<80x125xi32, #tpu.memory_space<hbm>>
      tpu.wait_dma2 semaphore(%run_scoped3A : memref<!tpu.dma_semaphore, #tpu.memory_space<semaphore_mem>>) src(%dma_wait3A_104 : memref<80x125xi32, #tpu.memory_space<hbm>>) dst(%arg6 : memref<80x125xi32, #tpu.memory_space<vmem>>)
      tpu.yield
    }) : () -> ()
    %mul3A_1 = arith.constant 80 : i32
    %mul3A_2 = arith.muli %arg0, %mul3A_1 : i32
    "tpu.region"() ({
      %run_scoped3A = tpu.sem_alloc : memref<!tpu.dma_semaphore, #tpu.memory_space<semaphore_mem>>
      %dma_start3A_94 = arith.constant 0 : i32
      %dma_start3A_95 = tpu.memref_slice %arg4[%arg1, %mul3A_2, %dma_start3A_94] : memref<16x160x125xi32, #tpu.memory_space<hbm>> -> memref<1x80x125xi32, #tpu.memory_space<hbm>>
      %dma_start3A_96 = tpu.memref_squeeze %dma_start3A_95 : memref<1x80x125xi32, #tpu.memory_space<hbm>> -> memref<80x125xi32, #tpu.memory_space<hbm>>
      %dma_start3A_97 = arith.constant 0 : i32
      %dma_start3A_98 = tpu.memref_slice %arg4[%arg1, %mul3A_2, %dma_start3A_97] : memref<16x160x125xi32, #tpu.memory_space<hbm>> -> memref<1x80x125xi32, #tpu.memory_space<hbm>>
      %dma_start3A_99 = tpu.memref_squeeze %dma_start3A_98 : memref<1x80x125xi32, #tpu.memory_space<hbm>> -> memref<80x125xi32, #tpu.memory_space<hbm>>
      tpu.enqueue_dma source(%dma_start3A_99 : memref<80x125xi32, #tpu.memory_space<hbm>>) target(%arg7 : memref<80x125xi32, #tpu.memory_space<vmem>>) target_semaphore(%run_scoped3A : memref<!tpu.dma_semaphore, #tpu.memory_space<semaphore_mem>>)
      %dma_wait3A = arith.constant 0 : i32
      %dma_wait3A_100 = tpu.memref_slice %arg4[%arg1, %mul3A_2, %dma_wait3A] : memref<16x160x125xi32, #tpu.memory_space<hbm>> -> memref<1x80x125xi32, #tpu.memory_space<hbm>>
      %dma_wait3A_101 = tpu.memref_squeeze %dma_wait3A_100 : memref<1x80x125xi32, #tpu.memory_space<hbm>> -> memref<80x125xi32, #tpu.memory_space<hbm>>
      %dma_wait3A_102 = arith.constant 0 : i32
      %dma_wait3A_103 = tpu.memref_slice %arg4[%arg1, %mul3A_2, %dma_wait3A_102] : memref<16x160x125xi32, #tpu.memory_space<hbm>> -> memref<1x80x125xi32, #tpu.memory_space<hbm>>
      %dma_wait3A_104 = tpu.memref_squeeze %dma_wait3A_103 : memref<1x80x125xi32, #tpu.memory_space<hbm>> -> memref<80x125xi32, #tpu.memory_space<hbm>>
      tpu.wait_dma2 semaphore(%run_scoped3A : memref<!tpu.dma_semaphore, #tpu.memory_space<semaphore_mem>>) src(%dma_wait3A_104 : memref<80x125xi32, #tpu.memory_space<hbm>>) dst(%arg7 : memref<80x125xi32, #tpu.memory_space<vmem>>)
      tpu.yield
    }) : () -> ()
    %dma_start3A = arith.constant 0 : i32
    %dma_start3A_3 = arith.constant 0 : i32
    %dma_start3A_4 = tpu.memref_slice %arg6[%dma_start3A, %dma_start3A_3] : memref<80x125xi32, #tpu.memory_space<vmem>> -> memref<1x125xi32, #tpu.memory_space<vmem>>
    %dma_start3A_5 = tpu.memref_squeeze %dma_start3A_4 : memref<1x125xi32, #tpu.memory_space<vmem>> -> memref<125xi32, #tpu.memory_space<vmem>>
    %dma_start3A_6 = arith.constant 0 : i32
    %dma_start3A_7 = arith.constant 0 : i32
    %dma_start3A_8 = tpu.memref_slice %arg2[%dma_start3A_6, %dma_start3A_7] : memref<10000x16xf32, #tpu.memory_space<hbm>> -> memref<10000x16xf32, #tpu.memory_space<hbm>>
    tpu.enqueue_indirect_dma source(%dma_start3A_8 : memref<10000x16xf32, #tpu.memory_space<hbm>>) target(%arg8 : memref<125x16xf32, #tpu.memory_space<vmem>>) offsets(%dma_start3A_5 : memref<125xi32, #tpu.memory_space<vmem>>) semaphore(%arg18 : memref<!tpu.dma_semaphore, #tpu.memory_space<semaphore_mem>>)
    %dma_start3A_9 = arith.constant 1 : i32
    %dma_start3A_10 = arith.constant 0 : i32
    %dma_start3A_11 = tpu.memref_slice %arg6[%dma_start3A_9, %dma_start3A_10] : memref<80x125xi32, #tpu.memory_space<vmem>> -> memref<1x125xi32, #tpu.memory_space<vmem>>
    %dma_start3A_12 = tpu.memref_squeeze %dma_start3A_11 : memref<1x125xi32, #tpu.memory_space<vmem>> -> memref<125xi32, #tpu.memory_space<vmem>>
    %dma_start3A_13 = arith.constant 0 : i32
    %dma_start3A_14 = arith.constant 0 : i32
    %dma_start3A_15 = tpu.memref_slice %arg2[%dma_start3A_13, %dma_start3A_14] : memref<10000x16xf32, #tpu.memory_space<hbm>> -> memref<10000x16xf32, #tpu.memory_space<hbm>>
    tpu.enqueue_indirect_dma source(%dma_start3A_15 : memref<10000x16xf32, #tpu.memory_space<hbm>>) target(%arg9 : memref<125x16xf32, #tpu.memory_space<vmem>>) offsets(%dma_start3A_12 : memref<125xi32, #tpu.memory_space<vmem>>) semaphore(%arg19 : memref<!tpu.dma_semaphore, #tpu.memory_space<semaphore_mem>>)
    %dma_start3A_16 = arith.constant 2 : i32
    %dma_start3A_17 = arith.constant 0 : i32
    %dma_start3A_18 = tpu.memref_slice %arg6[%dma_start3A_16, %dma_start3A_17] : memref<80x125xi32, #tpu.memory_space<vmem>> -> memref<1x125xi32, #tpu.memory_space<vmem>>
    %dma_start3A_19 = tpu.memref_squeeze %dma_start3A_18 : memref<1x125xi32, #tpu.memory_space<vmem>> -> memref<125xi32, #tpu.memory_space<vmem>>
    %dma_start3A_20 = arith.constant 0 : i32
    %dma_start3A_21 = arith.constant 0 : i32
    %dma_start3A_22 = tpu.memref_slice %arg2[%dma_start3A_20, %dma_start3A_21] : memref<10000x16xf32, #tpu.memory_space<hbm>> -> memref<10000x16xf32, #tpu.memory_space<hbm>>
    tpu.enqueue_indirect_dma source(%dma_start3A_22 : memref<10000x16xf32, #tpu.memory_space<hbm>>) target(%arg10 : memref<125x16xf32, #tpu.memory_space<vmem>>) offsets(%dma_start3A_19 : memref<125xi32, #tpu.memory_space<vmem>>) semaphore(%arg20 : memref<!tpu.dma_semaphore, #tpu.memory_space<semaphore_mem>>)
    %dma_start3A_23 = arith.constant 3 : i32
    %dma_start3A_24 = arith.constant 0 : i32
    %dma_start3A_25 = tpu.memref_slice %arg6[%dma_start3A_23, %dma_start3A_24] : memref<80x125xi32, #tpu.memory_space<vmem>> -> memref<1x125xi32, #tpu.memory_space<vmem>>
    %dma_start3A_26 = tpu.memref_squeeze %dma_start3A_25 : memref<1x125xi32, #tpu.memory_space<vmem>> -> memref<125xi32, #tpu.memory_space<vmem>>
    %dma_start3A_27 = arith.constant 0 : i32
    %dma_start3A_28 = arith.constant 0 : i32
    %dma_start3A_29 = tpu.memref_slice %arg2[%dma_start3A_27, %dma_start3A_28] : memref<10000x16xf32, #tpu.memory_space<hbm>> -> memref<10000x16xf32, #tpu.memory_space<hbm>>
    tpu.enqueue_indirect_dma source(%dma_start3A_29 : memref<10000x16xf32, #tpu.memory_space<hbm>>) target(%arg11 : memref<125x16xf32, #tpu.memory_space<vmem>>) offsets(%dma_start3A_26 : memref<125xi32, #tpu.memory_space<vmem>>) semaphore(%arg21 : memref<!tpu.dma_semaphore, #tpu.memory_space<semaphore_mem>>)
    %dma_start3A_30 = arith.constant 4 : i32
    %dma_start3A_31 = arith.constant 0 : i32
    %dma_start3A_32 = tpu.memref_slice %arg6[%dma_start3A_30, %dma_start3A_31] : memref<80x125xi32, #tpu.memory_space<vmem>> -> memref<1x125xi32, #tpu.memory_space<vmem>>
    %dma_start3A_33 = tpu.memref_squeeze %dma_start3A_32 : memref<1x125xi32, #tpu.memory_space<vmem>> -> memref<125xi32, #tpu.memory_space<vmem>>
    %dma_start3A_34 = arith.constant 0 : i32
    %dma_start3A_35 = arith.constant 0 : i32
    %dma_start3A_36 = tpu.memref_slice %arg2[%dma_start3A_34, %dma_start3A_35] : memref<10000x16xf32, #tpu.memory_space<hbm>> -> memref<10000x16xf32, #tpu.memory_space<hbm>>
    tpu.enqueue_indirect_dma source(%dma_start3A_36 : memref<10000x16xf32, #tpu.memory_space<hbm>>) target(%arg12 : memref<125x16xf32, #tpu.memory_space<vmem>>) offsets(%dma_start3A_33 : memref<125xi32, #tpu.memory_space<vmem>>) semaphore(%arg22 : memref<!tpu.dma_semaphore, #tpu.memory_space<semaphore_mem>>)
    %dma_start3A_37 = arith.constant 5 : i32
    %dma_start3A_38 = arith.constant 0 : i32
    %dma_start3A_39 = tpu.memref_slice %arg6[%dma_start3A_37, %dma_start3A_38] : memref<80x125xi32, #tpu.memory_space<vmem>> -> memref<1x125xi32, #tpu.memory_space<vmem>>
    %dma_start3A_40 = tpu.memref_squeeze %dma_start3A_39 : memref<1x125xi32, #tpu.memory_space<vmem>> -> memref<125xi32, #tpu.memory_space<vmem>>
    %dma_start3A_41 = arith.constant 0 : i32
    %dma_start3A_42 = arith.constant 0 : i32
    %dma_start3A_43 = tpu.memref_slice %arg2[%dma_start3A_41, %dma_start3A_42] : memref<10000x16xf32, #tpu.memory_space<hbm>> -> memref<10000x16xf32, #tpu.memory_space<hbm>>
    tpu.enqueue_indirect_dma source(%dma_start3A_43 : memref<10000x16xf32, #tpu.memory_space<hbm>>) target(%arg13 : memref<125x16xf32, #tpu.memory_space<vmem>>) offsets(%dma_start3A_40 : memref<125xi32, #tpu.memory_space<vmem>>) semaphore(%arg23 : memref<!tpu.dma_semaphore, #tpu.memory_space<semaphore_mem>>)
    %dma_start3A_44 = arith.constant 6 : i32
    %dma_start3A_45 = arith.constant 0 : i32
    %dma_start3A_46 = tpu.memref_slice %arg6[%dma_start3A_44, %dma_start3A_45] : memref<80x125xi32, #tpu.memory_space<vmem>> -> memref<1x125xi32, #tpu.memory_space<vmem>>
    %dma_start3A_47 = tpu.memref_squeeze %dma_start3A_46 : memref<1x125xi32, #tpu.memory_space<vmem>> -> memref<125xi32, #tpu.memory_space<vmem>>
    %dma_start3A_48 = arith.constant 0 : i32
    %dma_start3A_49 = arith.constant 0 : i32
    %dma_start3A_50 = tpu.memref_slice %arg2[%dma_start3A_48, %dma_start3A_49] : memref<10000x16xf32, #tpu.memory_space<hbm>> -> memref<10000x16xf32, #tpu.memory_space<hbm>>
    tpu.enqueue_indirect_dma source(%dma_start3A_50 : memref<10000x16xf32, #tpu.memory_space<hbm>>) target(%arg14 : memref<125x16xf32, #tpu.memory_space<vmem>>) offsets(%dma_start3A_47 : memref<125xi32, #tpu.memory_space<vmem>>) semaphore(%arg24 : memref<!tpu.dma_semaphore, #tpu.memory_space<semaphore_mem>>)
    %dma_start3A_51 = arith.constant 7 : i32
    %dma_start3A_52 = arith.constant 0 : i32
    %dma_start3A_53 = tpu.memref_slice %arg6[%dma_start3A_51, %dma_start3A_52] : memref<80x125xi32, #tpu.memory_space<vmem>> -> memref<1x125xi32, #tpu.memory_space<vmem>>
    %dma_start3A_54 = tpu.memref_squeeze %dma_start3A_53 : memref<1x125xi32, #tpu.memory_space<vmem>> -> memref<125xi32, #tpu.memory_space<vmem>>
    %dma_start3A_55 = arith.constant 0 : i32
    %dma_start3A_56 = arith.constant 0 : i32
    %dma_start3A_57 = tpu.memref_slice %arg2[%dma_start3A_55, %dma_start3A_56] : memref<10000x16xf32, #tpu.memory_space<hbm>> -> memref<10000x16xf32, #tpu.memory_space<hbm>>
    tpu.enqueue_indirect_dma source(%dma_start3A_57 : memref<10000x16xf32, #tpu.memory_space<hbm>>) target(%arg15 : memref<125x16xf32, #tpu.memory_space<vmem>>) offsets(%dma_start3A_54 : memref<125xi32, #tpu.memory_space<vmem>>) semaphore(%arg25 : memref<!tpu.dma_semaphore, #tpu.memory_space<semaphore_mem>>)
    %broadcast_in_dim3A = arith.constant 0.000000e+00 : f32
    %broadcast_in_dim3A_58 = vector.broadcast %broadcast_in_dim3A : f32 to vector<16xf32>
    %scan3A = arith.constant 0 : i32
    %scan3A_59 = arith.constant 0 : i32
    %scan3A_60 = arith.constant 128 : i32
    %scan3A_61 = arith.addi %scan3A_59, %scan3A_60 : i32
    %scan3A_62 = arith.constant 1 : i32
    scf.for %scan3A_94 = %scan3A_59 to %scan3A_61 step %scan3A_62  : i32 {
      %jit3A = arith.constant 1 : i32
      %div3A = arith.divsi %scan3A_94, %jit3A : i32
      %sign3A = arith.constant 0 : i32
      %sign3A_95 = arith.cmpi sgt, %scan3A_94, %sign3A : i32
      %sign3A_96 = arith.extui %sign3A_95 : i1 to i32
      %sign3A_97 = arith.constant 0 : i32
      %sign3A_98 = arith.cmpi slt, %scan3A_94, %sign3A_97 : i32
      %sign3A_99 = arith.extui %sign3A_98 : i1 to i32
      %sign3A_100 = arith.subi %sign3A_96, %sign3A_99 : i32
      %sign3A_101 = arith.constant 0 : i32
      %sign3A_102 = arith.cmpi sgt, %jit3A, %sign3A_101 : i32
      %sign3A_103 = arith.extui %sign3A_102 : i1 to i32
      %sign3A_104 = arith.constant 0 : i32
      %sign3A_105 = arith.cmpi slt, %jit3A, %sign3A_104 : i32
      %sign3A_106 = arith.extui %sign3A_105 : i1 to i32
      %sign3A_107 = arith.subi %sign3A_103, %sign3A_106 : i32
      %ne3A = arith.cmpi ne, %sign3A_100, %sign3A_107 : i32
      %rem3A = arith.remsi %scan3A_94, %jit3A : i32
      %ne3A_108 = arith.constant 0 : i32
      %ne3A_109 = arith.cmpi ne, %rem3A, %ne3A_108 : i32
      %and3A = arith.andi %ne3A, %ne3A_109 : i1
      %sub3A = arith.constant 1 : i32
      %sub3A_110 = arith.subi %div3A, %sub3A : i32
      %select_n3A = arith.select %and3A, %sub3A_110, %div3A : i32
      %jit3A_111 = arith.constant 1 : i32
      %eq3A = arith.constant 0 : i32
      %eq3A_112 = arith.cmpi eq, %jit3A_111, %eq3A : i32
      %jit3A_113 = arith.constant 1 : i32
      %select_n3A_114 = arith.select %eq3A_112, %jit3A_113, %jit3A_111 : i32
      %rem3A_115 = arith.remsi %scan3A_94, %select_n3A_114 : i32
      %ne3A_116 = arith.constant 0 : i32
      %ne3A_117 = arith.cmpi ne, %rem3A_115, %ne3A_116 : i32
      %lt3A = arith.constant 0 : i32
      %lt3A_118 = arith.cmpi slt, %rem3A_115, %lt3A : i32
      %lt3A_119 = arith.constant 0 : i32
      %lt3A_120 = arith.cmpi slt, %select_n3A_114, %lt3A_119 : i32
      %ne3A_121 = arith.xori %lt3A_118, %lt3A_120 : i1
      %and3A_122 = arith.andi %ne3A_121, %ne3A_117 : i1
      %add3A_123 = arith.addi %rem3A_115, %select_n3A_114 : i32
      %select_n3A_124 = arith.select %and3A_122, %add3A_123, %rem3A_115 : i32
      %mul3A_125 = arith.constant 16 : i32
      %mul3A_126 = arith.muli %select_n3A_124, %mul3A_125 : i32
      %swap3A = arith.index_cast %select_n3A : i32 to index
      %swap3A_127 = arith.index_cast %mul3A_126 : i32 to index
      %swap3A_128 = tpu.vector_load %arg16[%swap3A, %swap3A_127] {strides = array<i32>} : memref<128x16xf32, #tpu.memory_space<vmem>>, vector<16xf32>,
      tpu.vector_store %arg16[%swap3A, %swap3A_127], %broadcast_in_dim3A_58 {strides = array<i32>} : memref<128x16xf32, #tpu.memory_space<vmem>>, vector<16xf32>,
    }
    %scan3A_63 = arith.constant 128 : i32
    %mul3A_64 = arith.constant 640 : i32
    %mul3A_65 = arith.muli %arg1, %mul3A_64 : i32
    %add3A = arith.constant 0 : i32
    %add3A_66 = arith.addi %mul3A_65, %add3A : i32
    "tpu.region"() ({
      %run_scoped3A = tpu.sem_alloc : memref<!tpu.dma_semaphore, #tpu.memory_space<semaphore_mem>>
      %dma_start3A_94 = arith.constant 0 : i32
      %dma_start3A_95 = tpu.memref_slice %arg17[%add3A_66, %dma_start3A_94] : memref<10240x16xf32, #tpu.memory_space<vmem_shared>> -> memref<128x16xf32, #tpu.memory_space<vmem_shared>>
      %dma_start3A_96 = arith.constant 0 : i32
      %dma_start3A_97 = tpu.memref_slice %arg17[%add3A_66, %dma_start3A_96] : memref<10240x16xf32, #tpu.memory_space<vmem_shared>> -> memref<128x16xf32, #tpu.memory_space<vmem_shared>>
      tpu.enqueue_dma source(%arg16 : memref<128x16xf32, #tpu.memory_space<vmem>>) target(%dma_start3A_97 : memref<128x16xf32, #tpu.memory_space<vmem_shared>>) target_semaphore(%run_scoped3A : memref<!tpu.dma_semaphore, #tpu.memory_space<semaphore_mem>>)
      %dma_wait3A = arith.constant 0 : i32
      %dma_wait3A_98 = tpu.memref_slice %arg17[%add3A_66, %dma_wait3A] : memref<10240x16xf32, #tpu.memory_space<vmem_shared>> -> memref<128x16xf32, #tpu.memory_space<vmem_shared>>
      %dma_wait3A_99 = arith.constant 0 : i32
      %dma_wait3A_100 = tpu.memref_slice %arg17[%add3A_66, %dma_wait3A_99] : memref<10240x16xf32, #tpu.memory_space<vmem_shared>> -> memref<128x16xf32, #tpu.memory_space<vmem_shared>>
      tpu.wait_dma2 semaphore(%run_scoped3A : memref<!tpu.dma_semaphore, #tpu.memory_space<semaphore_mem>>) src(%arg16 : memref<128x16xf32, #tpu.memory_space<vmem>>) dst(%dma_wait3A_100 : memref<128x16xf32, #tpu.memory_space<vmem_shared>>)
      tpu.yield
    }) : () -> ()
    %mul3A_67 = arith.constant 640 : i32
    %mul3A_68 = arith.muli %arg1, %mul3A_67 : i32
    %add3A_69 = arith.constant 128 : i32
    %add3A_70 = arith.addi %mul3A_68, %add3A_69 : i32
    "tpu.region"() ({
      %run_scoped3A = tpu.sem_alloc : memref<!tpu.dma_semaphore, #tpu.memory_space<semaphore_mem>>
      %dma_start3A_94 = arith.constant 0 : i32
      %dma_start3A_95 = tpu.memref_slice %arg17[%add3A_70, %dma_start3A_94] : memref<10240x16xf32, #tpu.memory_space<vmem_shared>> -> memref<128x16xf32, #tpu.memory_space<vmem_shared>>
      %dma_start3A_96 = arith.constant 0 : i32
      %dma_start3A_97 = tpu.memref_slice %arg17[%add3A_70, %dma_start3A_96] : memref<10240x16xf32, #tpu.memory_space<vmem_shared>> -> memref<128x16xf32, #tpu.memory_space<vmem_shared>>
      tpu.enqueue_dma source(%arg16 : memref<128x16xf32, #tpu.memory_space<vmem>>) target(%dma_start3A_97 : memref<128x16xf32, #tpu.memory_space<vmem_shared>>) target_semaphore(%run_scoped3A : memref<!tpu.dma_semaphore, #tpu.memory_space<semaphore_mem>>)
      %dma_wait3A = arith.constant 0 : i32
      %dma_wait3A_98 = tpu.memref_slice %arg17[%add3A_70, %dma_wait3A] : memref<10240x16xf32, #tpu.memory_space<vmem_shared>> -> memref<128x16xf32, #tpu.memory_space<vmem_shared>>
      %dma_wait3A_99 = arith.constant 0 : i32
      %dma_wait3A_100 = tpu.memref_slice %arg17[%add3A_70, %dma_wait3A_99] : memref<10240x16xf32, #tpu.memory_space<vmem_shared>> -> memref<128x16xf32, #tpu.memory_space<vmem_shared>>
      tpu.wait_dma2 semaphore(%run_scoped3A : memref<!tpu.dma_semaphore, #tpu.memory_space<semaphore_mem>>) src(%arg16 : memref<128x16xf32, #tpu.memory_space<vmem>>) dst(%dma_wait3A_100 : memref<128x16xf32, #tpu.memory_space<vmem_shared>>)
      tpu.yield
    }) : () -> ()
    %mul3A_71 = arith.constant 640 : i32
    %mul3A_72 = arith.muli %arg1, %mul3A_71 : i32
    %add3A_73 = arith.constant 256 : i32
    %add3A_74 = arith.addi %mul3A_72, %add3A_73 : i32
    "tpu.region"() ({
      %run_scoped3A = tpu.sem_alloc : memref<!tpu.dma_semaphore, #tpu.memory_space<semaphore_mem>>
      %dma_start3A_94 = arith.constant 0 : i32
      %dma_start3A_95 = tpu.memref_slice %arg17[%add3A_74, %dma_start3A_94] : memref<10240x16xf32, #tpu.memory_space<vmem_shared>> -> memref<128x16xf32, #tpu.memory_space<vmem_shared>>
      %dma_start3A_96 = arith.constant 0 : i32
      %dma_start3A_97 = tpu.memref_slice %arg17[%add3A_74, %dma_start3A_96] : memref<10240x16xf32, #tpu.memory_space<vmem_shared>> -> memref<128x16xf32, #tpu.memory_space<vmem_shared>>
      tpu.enqueue_dma source(%arg16 : memref<128x16xf32, #tpu.memory_space<vmem>>) target(%dma_start3A_97 : memref<128x16xf32, #tpu.memory_space<vmem_shared>>) target_semaphore(%run_scoped3A : memref<!tpu.dma_semaphore, #tpu.memory_space<semaphore_mem>>)
      %dma_wait3A = arith.constant 0 : i32
      %dma_wait3A_98 = tpu.memref_slice %arg17[%add3A_74, %dma_wait3A] : memref<10240x16xf32, #tpu.memory_space<vmem_shared>> -> memref<128x16xf32, #tpu.memory_space<vmem_shared>>
      %dma_wait3A_99 = arith.constant 0 : i32
      %dma_wait3A_100 = tpu.memref_slice %arg17[%add3A_74, %dma_wait3A_99] : memref<10240x16xf32, #tpu.memory_space<vmem_shared>> -> memref<128x16xf32, #tpu.memory_space<vmem_shared>>
      tpu.wait_dma2 semaphore(%run_scoped3A : memref<!tpu.dma_semaphore, #tpu.memory_space<semaphore_mem>>) src(%arg16 : memref<128x16xf32, #tpu.memory_space<vmem>>) dst(%dma_wait3A_100 : memref<128x16xf32, #tpu.memory_space<vmem_shared>>)
      tpu.yield
    }) : () -> ()
    %mul3A_75 = arith.constant 640 : i32
    %mul3A_76 = arith.muli %arg1, %mul3A_75 : i32
    %add3A_77 = arith.constant 384 : i32
    %add3A_78 = arith.addi %mul3A_76, %add3A_77 : i32
    "tpu.region"() ({
      %run_scoped3A = tpu.sem_alloc : memref<!tpu.dma_semaphore, #tpu.memory_space<semaphore_mem>>
      %dma_start3A_94 = arith.constant 0 : i32
      %dma_start3A_95 = tpu.memref_slice %arg17[%add3A_78, %dma_start3A_94] : memref<10240x16xf32, #tpu.memory_space<vmem_shared>> -> memref<128x16xf32, #tpu.memory_space<vmem_shared>>
      %dma_start3A_96 = arith.constant 0 : i32
      %dma_start3A_97 = tpu.memref_slice %arg17[%add3A_78, %dma_start3A_96] : memref<10240x16xf32, #tpu.memory_space<vmem_shared>> -> memref<128x16xf32, #tpu.memory_space<vmem_shared>>
      tpu.enqueue_dma source(%arg16 : memref<128x16xf32, #tpu.memory_space<vmem>>) target(%dma_start3A_97 : memref<128x16xf32, #tpu.memory_space<vmem_shared>>) target_semaphore(%run_scoped3A : memref<!tpu.dma_semaphore, #tpu.memory_space<semaphore_mem>>)
      %dma_wait3A = arith.constant 0 : i32
      %dma_wait3A_98 = tpu.memref_slice %arg17[%add3A_78, %dma_wait3A] : memref<10240x16xf32, #tpu.memory_space<vmem_shared>> -> memref<128x16xf32, #tpu.memory_space<vmem_shared>>
      %dma_wait3A_99 = arith.constant 0 : i32
      %dma_wait3A_100 = tpu.memref_slice %arg17[%add3A_78, %dma_wait3A_99] : memref<10240x16xf32, #tpu.memory_space<vmem_shared>> -> memref<128x16xf32, #tpu.memory_space<vmem_shared>>
      tpu.wait_dma2 semaphore(%run_scoped3A : memref<!tpu.dma_semaphore, #tpu.memory_space<semaphore_mem>>) src(%arg16 : memref<128x16xf32, #tpu.memory_space<vmem>>) dst(%dma_wait3A_100 : memref<128x16xf32, #tpu.memory_space<vmem_shared>>)
      tpu.yield
    }) : () -> ()
    %mul3A_79 = arith.constant 640 : i32
    %mul3A_80 = arith.muli %arg1, %mul3A_79 : i32
    %add3A_81 = arith.constant 512 : i32
    %add3A_82 = arith.addi %mul3A_80, %add3A_81 : i32
    "tpu.region"() ({
      %run_scoped3A = tpu.sem_alloc : memref<!tpu.dma_semaphore, #tpu.memory_space<semaphore_mem>>
      %dma_start3A_94 = arith.constant 0 : i32
      %dma_start3A_95 = tpu.memref_slice %arg17[%add3A_82, %dma_start3A_94] : memref<10240x16xf32, #tpu.memory_space<vmem_shared>> -> memref<128x16xf32, #tpu.memory_space<vmem_shared>>
      %dma_start3A_96 = arith.constant 0 : i32
      %dma_start3A_97 = tpu.memref_slice %arg17[%add3A_82, %dma_start3A_96] : memref<10240x16xf32, #tpu.memory_space<vmem_shared>> -> memref<128x16xf32, #tpu.memory_space<vmem_shared>>
      tpu.enqueue_dma source(%arg16 : memref<128x16xf32, #tpu.memory_space<vmem>>) target(%dma_start3A_97 : memref<128x16xf32, #tpu.memory_space<vmem_shared>>) target_semaphore(%run_scoped3A : memref<!tpu.dma_semaphore, #tpu.memory_space<semaphore_mem>>)
      %dma_wait3A = arith.constant 0 : i32
      %dma_wait3A_98 = tpu.memref_slice %arg17[%add3A_82, %dma_wait3A] : memref<10240x16xf32, #tpu.memory_space<vmem_shared>> -> memref<128x16xf32, #tpu.memory_space<vmem_shared>>
      %dma_wait3A_99 = arith.constant 0 : i32
      %dma_wait3A_100 = tpu.memref_slice %arg17[%add3A_82, %dma_wait3A_99] : memref<10240x16xf32, #tpu.memory_space<vmem_shared>> -> memref<128x16xf32, #tpu.memory_space<vmem_shared>>
      tpu.wait_dma2 semaphore(%run_scoped3A : memref<!tpu.dma_semaphore, #tpu.memory_space<semaphore_mem>>) src(%arg16 : memref<128x16xf32, #tpu.memory_space<vmem>>) dst(%dma_wait3A_100 : memref<128x16xf32, #tpu.memory_space<vmem_shared>>)
      tpu.yield
    }) : () -> ()
    %barrier3A = arith.constant 0 : index
    tpu.barrier barrier_id(%barrier3A)
    %scan3A_83 = arith.constant 0 : i32
    %scan3A_84 = arith.constant 0 : i32
    %scan3A_85 = arith.constant 10 : i32
    %scan3A_86 = arith.addi %scan3A_84, %scan3A_85 : i32
    %scan3A_87 = arith.constant 1 : i32
    scf.for %scan3A_94 = %scan3A_84 to %scan3A_86 step %scan3A_87  : i32 {
      %mul3A_95 = arith.constant 8 : i32
      %mul3A_96 = arith.muli %scan3A_94, %mul3A_95 : i32
      %add3A_97 = arith.constant 0 : i32
      %add3A_98 = arith.addi %mul3A_96, %add3A_97 : i32
      %dma_wait3A = arith.constant 0 : i32
      %dma_wait3A_99 = tpu.memref_slice %arg6[%add3A_98, %dma_wait3A] : memref<80x125xi32, #tpu.memory_space<vmem>> -> memref<1x125xi32, #tpu.memory_space<vmem>>
      %dma_wait3A_100 = tpu.memref_squeeze %dma_wait3A_99 : memref<1x125xi32, #tpu.memory_space<vmem>> -> memref<125xi32, #tpu.memory_space<vmem>>
      %dma_wait3A_101 = arith.constant 0 : i32
      %dma_wait3A_102 = arith.constant 0 : i32
      %dma_wait3A_103 = tpu.memref_slice %arg2[%dma_wait3A_101, %dma_wait3A_102] : memref<10000x16xf32, #tpu.memory_space<hbm>> -> memref<10000x16xf32, #tpu.memory_space<hbm>>
      tpu.wait_indirect_dma semaphore(%arg18 : memref<!tpu.dma_semaphore, #tpu.memory_space<semaphore_mem>>) src(%dma_wait3A_103 : memref<10000x16xf32, #tpu.memory_space<hbm>>) dst(%arg8 : memref<125x16xf32, #tpu.memory_space<vmem>>)
      "tpu.region"() ({
        %run_scoped3A = tpu.sem_alloc : memref<!tpu.dma_semaphore, #tpu.memory_space<semaphore_mem>>
        %dma_start3A_227 = arith.constant 0 : i32
        %dma_start3A_228 = tpu.memref_slice %arg7[%add3A_98, %dma_start3A_227] : memref<80x125xi32, #tpu.memory_space<vmem>> -> memref<1x125xi32, #tpu.memory_space<vmem>>
        %dma_start3A_229 = tpu.memref_squeeze %dma_start3A_228 : memref<1x125xi32, #tpu.memory_space<vmem>> -> memref<125xi32, #tpu.memory_space<vmem>>
        %dma_start3A_230 = arith.constant 0 : i32
        %dma_start3A_231 = arith.constant 0 : i32
        %dma_start3A_232 = tpu.memref_slice %arg17[%dma_start3A_230, %dma_start3A_231] : memref<10240x16xf32, #tpu.memory_space<vmem_shared>> -> memref<10240x16xf32, #tpu.memory_space<vmem_shared>>
        tpu.enqueue_indirect_dma source(%arg8 : memref<125x16xf32, #tpu.memory_space<vmem>>) target(%dma_start3A_232 : memref<10240x16xf32, #tpu.memory_space<vmem_shared>>) offsets(%dma_start3A_229 : memref<125xi32, #tpu.memory_space<vmem>>) semaphore(%run_scoped3A : memref<!tpu.dma_semaphore, #tpu.memory_space<semaphore_mem>>) {add = true}
        %dma_wait3A_233 = arith.constant 0 : i32
        %dma_wait3A_234 = tpu.memref_slice %arg7[%add3A_98, %dma_wait3A_233] : memref<80x125xi32, #tpu.memory_space<vmem>> -> memref<1x125xi32, #tpu.memory_space<vmem>>
        %dma_wait3A_235 = tpu.memref_squeeze %dma_wait3A_234 : memref<1x125xi32, #tpu.memory_space<vmem>> -> memref<125xi32, #tpu.memory_space<vmem>>
        %dma_wait3A_236 = arith.constant 0 : i32
        %dma_wait3A_237 = arith.constant 0 : i32
        %dma_wait3A_238 = tpu.memref_slice %arg17[%dma_wait3A_236, %dma_wait3A_237] : memref<10240x16xf32, #tpu.memory_space<vmem_shared>> -> memref<10240x16xf32, #tpu.memory_space<vmem_shared>>
        tpu.wait_indirect_dma semaphore(%run_scoped3A : memref<!tpu.dma_semaphore, #tpu.memory_space<semaphore_mem>>) src(%arg8 : memref<125x16xf32, #tpu.memory_space<vmem>>) dst(%dma_wait3A_238 : memref<10240x16xf32, #tpu.memory_space<vmem_shared>>)
        tpu.yield
      }) : () -> ()
      %add3A_104 = arith.constant 8 : i32
      %add3A_105 = arith.addi %add3A_98, %add3A_104 : i32
      %lt3A = arith.constant 80 : i32
      %lt3A_106 = arith.cmpi slt, %add3A_105, %lt3A : i32
      %convert_element_type3A = arith.extui %lt3A_106 : i1 to i32
      %cond3A = arith.constant 0 : i32
      %cond3A_107 = arith.cmpi ne, %convert_element_type3A, %cond3A : i32
      scf.if %cond3A_107 {
        %add3A_227 = arith.constant 8 : i32
        %add3A_228 = arith.addi %add3A_98, %add3A_227 : i32
        %dma_start3A_229 = arith.constant 0 : i32
        %dma_start3A_230 = tpu.memref_slice %arg6[%add3A_228, %dma_start3A_229] : memref<80x125xi32, #tpu.memory_space<vmem>> -> memref<1x125xi32, #tpu.memory_space<vmem>>
        %dma_start3A_231 = tpu.memref_squeeze %dma_start3A_230 : memref<1x125xi32, #tpu.memory_space<vmem>> -> memref<125xi32, #tpu.memory_space<vmem>>
        %dma_start3A_232 = arith.constant 0 : i32
        %dma_start3A_233 = arith.constant 0 : i32
        %dma_start3A_234 = tpu.memref_slice %arg2[%dma_start3A_232, %dma_start3A_233] : memref<10000x16xf32, #tpu.memory_space<hbm>> -> memref<10000x16xf32, #tpu.memory_space<hbm>>
        tpu.enqueue_indirect_dma source(%dma_start3A_234 : memref<10000x16xf32, #tpu.memory_space<hbm>>) target(%arg8 : memref<125x16xf32, #tpu.memory_space<vmem>>) offsets(%dma_start3A_231 : memref<125xi32, #tpu.memory_space<vmem>>) semaphore(%arg18 : memref<!tpu.dma_semaphore, #tpu.memory_space<semaphore_mem>>)
      } else {
      }
      %mul3A_108 = arith.constant 8 : i32
      %mul3A_109 = arith.muli %scan3A_94, %mul3A_108 : i32
      %add3A_110 = arith.constant 1 : i32
      %add3A_111 = arith.addi %mul3A_109, %add3A_110 : i32
      %dma_wait3A_112 = arith.constant 0 : i32
      %dma_wait3A_113 = tpu.memref_slice %arg6[%add3A_111, %dma_wait3A_112] : memref<80x125xi32, #tpu.memory_space<vmem>> -> memref<1x125xi32, #tpu.memory_space<vmem>>
      %dma_wait3A_114 = tpu.memref_squeeze %dma_wait3A_113 : memref<1x125xi32, #tpu.memory_space<vmem>> -> memref<125xi32, #tpu.memory_space<vmem>>
      %dma_wait3A_115 = arith.constant 0 : i32
      %dma_wait3A_116 = arith.constant 0 : i32
      %dma_wait3A_117 = tpu.memref_slice %arg2[%dma_wait3A_115, %dma_wait3A_116] : memref<10000x16xf32, #tpu.memory_space<hbm>> -> memref<10000x16xf32, #tpu.memory_space<hbm>>
      tpu.wait_indirect_dma semaphore(%arg19 : memref<!tpu.dma_semaphore, #tpu.memory_space<semaphore_mem>>) src(%dma_wait3A_117 : memref<10000x16xf32, #tpu.memory_space<hbm>>) dst(%arg9 : memref<125x16xf32, #tpu.memory_space<vmem>>)
      "tpu.region"() ({
        %run_scoped3A = tpu.sem_alloc : memref<!tpu.dma_semaphore, #tpu.memory_space<semaphore_mem>>
        %dma_start3A_227 = arith.constant 0 : i32
        %dma_start3A_228 = tpu.memref_slice %arg7[%add3A_111, %dma_start3A_227] : memref<80x125xi32, #tpu.memory_space<vmem>> -> memref<1x125xi32, #tpu.memory_space<vmem>>
        %dma_start3A_229 = tpu.memref_squeeze %dma_start3A_228 : memref<1x125xi32, #tpu.memory_space<vmem>> -> memref<125xi32, #tpu.memory_space<vmem>>
        %dma_start3A_230 = arith.constant 0 : i32
        %dma_start3A_231 = arith.constant 0 : i32
        %dma_start3A_232 = tpu.memref_slice %arg17[%dma_start3A_230, %dma_start3A_231] : memref<10240x16xf32, #tpu.memory_space<vmem_shared>> -> memref<10240x16xf32, #tpu.memory_space<vmem_shared>>
        tpu.enqueue_indirect_dma source(%arg9 : memref<125x16xf32, #tpu.memory_space<vmem>>) target(%dma_start3A_232 : memref<10240x16xf32, #tpu.memory_space<vmem_shared>>) offsets(%dma_start3A_229 : memref<125xi32, #tpu.memory_space<vmem>>) semaphore(%run_scoped3A : memref<!tpu.dma_semaphore, #tpu.memory_space<semaphore_mem>>) {add = true}
        %dma_wait3A_233 = arith.constant 0 : i32
        %dma_wait3A_234 = tpu.memref_slice %arg7[%add3A_111, %dma_wait3A_233] : memref<80x125xi32, #tpu.memory_space<vmem>> -> memref<1x125xi32, #tpu.memory_space<vmem>>
        %dma_wait3A_235 = tpu.memref_squeeze %dma_wait3A_234 : memref<1x125xi32, #tpu.memory_space<vmem>> -> memref<125xi32, #tpu.memory_space<vmem>>
        %dma_wait3A_236 = arith.constant 0 : i32
        %dma_wait3A_237 = arith.constant 0 : i32
        %dma_wait3A_238 = tpu.memref_slice %arg17[%dma_wait3A_236, %dma_wait3A_237] : memref<10240x16xf32, #tpu.memory_space<vmem_shared>> -> memref<10240x16xf32, #tpu.memory_space<vmem_shared>>
        tpu.wait_indirect_dma semaphore(%run_scoped3A : memref<!tpu.dma_semaphore, #tpu.memory_space<semaphore_mem>>) src(%arg9 : memref<125x16xf32, #tpu.memory_space<vmem>>) dst(%dma_wait3A_238 : memref<10240x16xf32, #tpu.memory_space<vmem_shared>>)
        tpu.yield
      }) : () -> ()
      %add3A_118 = arith.constant 8 : i32
      %add3A_119 = arith.addi %add3A_111, %add3A_118 : i32
      %lt3A_120 = arith.constant 80 : i32
      %lt3A_121 = arith.cmpi slt, %add3A_119, %lt3A_120 : i32
      %convert_element_type3A_122 = arith.extui %lt3A_121 : i1 to i32
      %cond3A_123 = arith.constant 0 : i32
      %cond3A_124 = arith.cmpi ne, %convert_element_type3A_122, %cond3A_123 : i32
      scf.if %cond3A_124 {
        %add3A_227 = arith.constant 8 : i32
        %add3A_228 = arith.addi %add3A_111, %add3A_227 : i32
        %dma_start3A_229 = arith.constant 0 : i32
        %dma_start3A_230 = tpu.memref_slice %arg6[%add3A_228, %dma_start3A_229] : memref<80x125xi32, #tpu.memory_space<vmem>> -> memref<1x125xi32, #tpu.memory_space<vmem>>
        %dma_start3A_231 = tpu.memref_squeeze %dma_start3A_230 : memref<1x125xi32, #tpu.memory_space<vmem>> -> memref<125xi32, #tpu.memory_space<vmem>>
        %dma_start3A_232 = arith.constant 0 : i32
        %dma_start3A_233 = arith.constant 0 : i32
        %dma_start3A_234 = tpu.memref_slice %arg2[%dma_start3A_232, %dma_start3A_233] : memref<10000x16xf32, #tpu.memory_space<hbm>> -> memref<10000x16xf32, #tpu.memory_space<hbm>>
        tpu.enqueue_indirect_dma source(%dma_start3A_234 : memref<10000x16xf32, #tpu.memory_space<hbm>>) target(%arg9 : memref<125x16xf32, #tpu.memory_space<vmem>>) offsets(%dma_start3A_231 : memref<125xi32, #tpu.memory_space<vmem>>) semaphore(%arg19 : memref<!tpu.dma_semaphore, #tpu.memory_space<semaphore_mem>>)
      } else {
      }
      %mul3A_125 = arith.constant 8 : i32
      %mul3A_126 = arith.muli %scan3A_94, %mul3A_125 : i32
      %add3A_127 = arith.constant 2 : i32
      %add3A_128 = arith.addi %mul3A_126, %add3A_127 : i32
      %dma_wait3A_129 = arith.constant 0 : i32
      %dma_wait3A_130 = tpu.memref_slice %arg6[%add3A_128, %dma_wait3A_129] : memref<80x125xi32, #tpu.memory_space<vmem>> -> memref<1x125xi32, #tpu.memory_space<vmem>>
      %dma_wait3A_131 = tpu.memref_squeeze %dma_wait3A_130 : memref<1x125xi32, #tpu.memory_space<vmem>> -> memref<125xi32, #tpu.memory_space<vmem>>
      %dma_wait3A_132 = arith.constant 0 : i32
      %dma_wait3A_133 = arith.constant 0 : i32
      %dma_wait3A_134 = tpu.memref_slice %arg2[%dma_wait3A_132, %dma_wait3A_133] : memref<10000x16xf32, #tpu.memory_space<hbm>> -> memref<10000x16xf32, #tpu.memory_space<hbm>>
      tpu.wait_indirect_dma semaphore(%arg20 : memref<!tpu.dma_semaphore, #tpu.memory_space<semaphore_mem>>) src(%dma_wait3A_134 : memref<10000x16xf32, #tpu.memory_space<hbm>>) dst(%arg10 : memref<125x16xf32, #tpu.memory_space<vmem>>)
      "tpu.region"() ({
        %run_scoped3A = tpu.sem_alloc : memref<!tpu.dma_semaphore, #tpu.memory_space<semaphore_mem>>
        %dma_start3A_227 = arith.constant 0 : i32
        %dma_start3A_228 = tpu.memref_slice %arg7[%add3A_128, %dma_start3A_227] : memref<80x125xi32, #tpu.memory_space<vmem>> -> memref<1x125xi32, #tpu.memory_space<vmem>>
        %dma_start3A_229 = tpu.memref_squeeze %dma_start3A_228 : memref<1x125xi32, #tpu.memory_space<vmem>> -> memref<125xi32, #tpu.memory_space<vmem>>
        %dma_start3A_230 = arith.constant 0 : i32
        %dma_start3A_231 = arith.constant 0 : i32
        %dma_start3A_232 = tpu.memref_slice %arg17[%dma_start3A_230, %dma_start3A_231] : memref<10240x16xf32, #tpu.memory_space<vmem_shared>> -> memref<10240x16xf32, #tpu.memory_space<vmem_shared>>
        tpu.enqueue_indirect_dma source(%arg10 : memref<125x16xf32, #tpu.memory_space<vmem>>) target(%dma_start3A_232 : memref<10240x16xf32, #tpu.memory_space<vmem_shared>>) offsets(%dma_start3A_229 : memref<125xi32, #tpu.memory_space<vmem>>) semaphore(%run_scoped3A : memref<!tpu.dma_semaphore, #tpu.memory_space<semaphore_mem>>) {add = true}
        %dma_wait3A_233 = arith.constant 0 : i32
        %dma_wait3A_234 = tpu.memref_slice %arg7[%add3A_128, %dma_wait3A_233] : memref<80x125xi32, #tpu.memory_space<vmem>> -> memref<1x125xi32, #tpu.memory_space<vmem>>
        %dma_wait3A_235 = tpu.memref_squeeze %dma_wait3A_234 : memref<1x125xi32, #tpu.memory_space<vmem>> -> memref<125xi32, #tpu.memory_space<vmem>>
        %dma_wait3A_236 = arith.constant 0 : i32
        %dma_wait3A_237 = arith.constant 0 : i32
        %dma_wait3A_238 = tpu.memref_slice %arg17[%dma_wait3A_236, %dma_wait3A_237] : memref<10240x16xf32, #tpu.memory_space<vmem_shared>> -> memref<10240x16xf32, #tpu.memory_space<vmem_shared>>
        tpu.wait_indirect_dma semaphore(%run_scoped3A : memref<!tpu.dma_semaphore, #tpu.memory_space<semaphore_mem>>) src(%arg10 : memref<125x16xf32, #tpu.memory_space<vmem>>) dst(%dma_wait3A_238 : memref<10240x16xf32, #tpu.memory_space<vmem_shared>>)
        tpu.yield
      }) : () -> ()
      %add3A_135 = arith.constant 8 : i32
      %add3A_136 = arith.addi %add3A_128, %add3A_135 : i32
      %lt3A_137 = arith.constant 80 : i32
      %lt3A_138 = arith.cmpi slt, %add3A_136, %lt3A_137 : i32
      %convert_element_type3A_139 = arith.extui %lt3A_138 : i1 to i32
      %cond3A_140 = arith.constant 0 : i32
      %cond3A_141 = arith.cmpi ne, %convert_element_type3A_139, %cond3A_140 : i32
      scf.if %cond3A_141 {
        %add3A_227 = arith.constant 8 : i32
        %add3A_228 = arith.addi %add3A_128, %add3A_227 : i32
        %dma_start3A_229 = arith.constant 0 : i32
        %dma_start3A_230 = tpu.memref_slice %arg6[%add3A_228, %dma_start3A_229] : memref<80x125xi32, #tpu.memory_space<vmem>> -> memref<1x125xi32, #tpu.memory_space<vmem>>
        %dma_start3A_231 = tpu.memref_squeeze %dma_start3A_230 : memref<1x125xi32, #tpu.memory_space<vmem>> -> memref<125xi32, #tpu.memory_space<vmem>>
        %dma_start3A_232 = arith.constant 0 : i32
        %dma_start3A_233 = arith.constant 0 : i32
        %dma_start3A_234 = tpu.memref_slice %arg2[%dma_start3A_232, %dma_start3A_233] : memref<10000x16xf32, #tpu.memory_space<hbm>> -> memref<10000x16xf32, #tpu.memory_space<hbm>>
        tpu.enqueue_indirect_dma source(%dma_start3A_234 : memref<10000x16xf32, #tpu.memory_space<hbm>>) target(%arg10 : memref<125x16xf32, #tpu.memory_space<vmem>>) offsets(%dma_start3A_231 : memref<125xi32, #tpu.memory_space<vmem>>) semaphore(%arg20 : memref<!tpu.dma_semaphore, #tpu.memory_space<semaphore_mem>>)
      } else {
      }
      %mul3A_142 = arith.constant 8 : i32
      %mul3A_143 = arith.muli %scan3A_94, %mul3A_142 : i32
      %add3A_144 = arith.constant 3 : i32
      %add3A_145 = arith.addi %mul3A_143, %add3A_144 : i32
      %dma_wait3A_146 = arith.constant 0 : i32
      %dma_wait3A_147 = tpu.memref_slice %arg6[%add3A_145, %dma_wait3A_146] : memref<80x125xi32, #tpu.memory_space<vmem>> -> memref<1x125xi32, #tpu.memory_space<vmem>>
      %dma_wait3A_148 = tpu.memref_squeeze %dma_wait3A_147 : memref<1x125xi32, #tpu.memory_space<vmem>> -> memref<125xi32, #tpu.memory_space<vmem>>
      %dma_wait3A_149 = arith.constant 0 : i32
      %dma_wait3A_150 = arith.constant 0 : i32
      %dma_wait3A_151 = tpu.memref_slice %arg2[%dma_wait3A_149, %dma_wait3A_150] : memref<10000x16xf32, #tpu.memory_space<hbm>> -> memref<10000x16xf32, #tpu.memory_space<hbm>>
      tpu.wait_indirect_dma semaphore(%arg21 : memref<!tpu.dma_semaphore, #tpu.memory_space<semaphore_mem>>) src(%dma_wait3A_151 : memref<10000x16xf32, #tpu.memory_space<hbm>>) dst(%arg11 : memref<125x16xf32, #tpu.memory_space<vmem>>)
      "tpu.region"() ({
        %run_scoped3A = tpu.sem_alloc : memref<!tpu.dma_semaphore, #tpu.memory_space<semaphore_mem>>
        %dma_start3A_227 = arith.constant 0 : i32
        %dma_start3A_228 = tpu.memref_slice %arg7[%add3A_145, %dma_start3A_227] : memref<80x125xi32, #tpu.memory_space<vmem>> -> memref<1x125xi32, #tpu.memory_space<vmem>>
        %dma_start3A_229 = tpu.memref_squeeze %dma_start3A_228 : memref<1x125xi32, #tpu.memory_space<vmem>> -> memref<125xi32, #tpu.memory_space<vmem>>
        %dma_start3A_230 = arith.constant 0 : i32
        %dma_start3A_231 = arith.constant 0 : i32
        %dma_start3A_232 = tpu.memref_slice %arg17[%dma_start3A_230, %dma_start3A_231] : memref<10240x16xf32, #tpu.memory_space<vmem_shared>> -> memref<10240x16xf32, #tpu.memory_space<vmem_shared>>
        tpu.enqueue_indirect_dma source(%arg11 : memref<125x16xf32, #tpu.memory_space<vmem>>) target(%dma_start3A_232 : memref<10240x16xf32, #tpu.memory_space<vmem_shared>>) offsets(%dma_start3A_229 : memref<125xi32, #tpu.memory_space<vmem>>) semaphore(%run_scoped3A : memref<!tpu.dma_semaphore, #tpu.memory_space<semaphore_mem>>) {add = true}
        %dma_wait3A_233 = arith.constant 0 : i32
        %dma_wait3A_234 = tpu.memref_slice %arg7[%add3A_145, %dma_wait3A_233] : memref<80x125xi32, #tpu.memory_space<vmem>> -> memref<1x125xi32, #tpu.memory_space<vmem>>
        %dma_wait3A_235 = tpu.memref_squeeze %dma_wait3A_234 : memref<1x125xi32, #tpu.memory_space<vmem>> -> memref<125xi32, #tpu.memory_space<vmem>>
        %dma_wait3A_236 = arith.constant 0 : i32
        %dma_wait3A_237 = arith.constant 0 : i32
        %dma_wait3A_238 = tpu.memref_slice %arg17[%dma_wait3A_236, %dma_wait3A_237] : memref<10240x16xf32, #tpu.memory_space<vmem_shared>> -> memref<10240x16xf32, #tpu.memory_space<vmem_shared>>
        tpu.wait_indirect_dma semaphore(%run_scoped3A : memref<!tpu.dma_semaphore, #tpu.memory_space<semaphore_mem>>) src(%arg11 : memref<125x16xf32, #tpu.memory_space<vmem>>) dst(%dma_wait3A_238 : memref<10240x16xf32, #tpu.memory_space<vmem_shared>>)
        tpu.yield
      }) : () -> ()
      %add3A_152 = arith.constant 8 : i32
      %add3A_153 = arith.addi %add3A_145, %add3A_152 : i32
      %lt3A_154 = arith.constant 80 : i32
      %lt3A_155 = arith.cmpi slt, %add3A_153, %lt3A_154 : i32
      %convert_element_type3A_156 = arith.extui %lt3A_155 : i1 to i32
      %cond3A_157 = arith.constant 0 : i32
      %cond3A_158 = arith.cmpi ne, %convert_element_type3A_156, %cond3A_157 : i32
      scf.if %cond3A_158 {
        %add3A_227 = arith.constant 8 : i32
        %add3A_228 = arith.addi %add3A_145, %add3A_227 : i32
        %dma_start3A_229 = arith.constant 0 : i32
        %dma_start3A_230 = tpu.memref_slice %arg6[%add3A_228, %dma_start3A_229] : memref<80x125xi32, #tpu.memory_space<vmem>> -> memref<1x125xi32, #tpu.memory_space<vmem>>
        %dma_start3A_231 = tpu.memref_squeeze %dma_start3A_230 : memref<1x125xi32, #tpu.memory_space<vmem>> -> memref<125xi32, #tpu.memory_space<vmem>>
        %dma_start3A_232 = arith.constant 0 : i32
        %dma_start3A_233 = arith.constant 0 : i32
        %dma_start3A_234 = tpu.memref_slice %arg2[%dma_start3A_232, %dma_start3A_233] : memref<10000x16xf32, #tpu.memory_space<hbm>> -> memref<10000x16xf32, #tpu.memory_space<hbm>>
        tpu.enqueue_indirect_dma source(%dma_start3A_234 : memref<10000x16xf32, #tpu.memory_space<hbm>>) target(%arg11 : memref<125x16xf32, #tpu.memory_space<vmem>>) offsets(%dma_start3A_231 : memref<125xi32, #tpu.memory_space<vmem>>) semaphore(%arg21 : memref<!tpu.dma_semaphore, #tpu.memory_space<semaphore_mem>>)
      } else {
      }
      %mul3A_159 = arith.constant 8 : i32
      %mul3A_160 = arith.muli %scan3A_94, %mul3A_159 : i32
      %add3A_161 = arith.constant 4 : i32
      %add3A_162 = arith.addi %mul3A_160, %add3A_161 : i32
      %dma_wait3A_163 = arith.constant 0 : i32
      %dma_wait3A_164 = tpu.memref_slice %arg6[%add3A_162, %dma_wait3A_163] : memref<80x125xi32, #tpu.memory_space<vmem>> -> memref<1x125xi32, #tpu.memory_space<vmem>>
      %dma_wait3A_165 = tpu.memref_squeeze %dma_wait3A_164 : memref<1x125xi32, #tpu.memory_space<vmem>> -> memref<125xi32, #tpu.memory_space<vmem>>
      %dma_wait3A_166 = arith.constant 0 : i32
      %dma_wait3A_167 = arith.constant 0 : i32
      %dma_wait3A_168 = tpu.memref_slice %arg2[%dma_wait3A_166, %dma_wait3A_167] : memref<10000x16xf32, #tpu.memory_space<hbm>> -> memref<10000x16xf32, #tpu.memory_space<hbm>>
      tpu.wait_indirect_dma semaphore(%arg22 : memref<!tpu.dma_semaphore, #tpu.memory_space<semaphore_mem>>) src(%dma_wait3A_168 : memref<10000x16xf32, #tpu.memory_space<hbm>>) dst(%arg12 : memref<125x16xf32, #tpu.memory_space<vmem>>)
      "tpu.region"() ({
        %run_scoped3A = tpu.sem_alloc : memref<!tpu.dma_semaphore, #tpu.memory_space<semaphore_mem>>
        %dma_start3A_227 = arith.constant 0 : i32
        %dma_start3A_228 = tpu.memref_slice %arg7[%add3A_162, %dma_start3A_227] : memref<80x125xi32, #tpu.memory_space<vmem>> -> memref<1x125xi32, #tpu.memory_space<vmem>>
        %dma_start3A_229 = tpu.memref_squeeze %dma_start3A_228 : memref<1x125xi32, #tpu.memory_space<vmem>> -> memref<125xi32, #tpu.memory_space<vmem>>
        %dma_start3A_230 = arith.constant 0 : i32
        %dma_start3A_231 = arith.constant 0 : i32
        %dma_start3A_232 = tpu.memref_slice %arg17[%dma_start3A_230, %dma_start3A_231] : memref<10240x16xf32, #tpu.memory_space<vmem_shared>> -> memref<10240x16xf32, #tpu.memory_space<vmem_shared>>
        tpu.enqueue_indirect_dma source(%arg12 : memref<125x16xf32, #tpu.memory_space<vmem>>) target(%dma_start3A_232 : memref<10240x16xf32, #tpu.memory_space<vmem_shared>>) offsets(%dma_start3A_229 : memref<125xi32, #tpu.memory_space<vmem>>) semaphore(%run_scoped3A : memref<!tpu.dma_semaphore, #tpu.memory_space<semaphore_mem>>) {add = true}
        %dma_wait3A_233 = arith.constant 0 : i32
        %dma_wait3A_234 = tpu.memref_slice %arg7[%add3A_162, %dma_wait3A_233] : memref<80x125xi32, #tpu.memory_space<vmem>> -> memref<1x125xi32, #tpu.memory_space<vmem>>
        %dma_wait3A_235 = tpu.memref_squeeze %dma_wait3A_234 : memref<1x125xi32, #tpu.memory_space<vmem>> -> memref<125xi32, #tpu.memory_space<vmem>>
        %dma_wait3A_236 = arith.constant 0 : i32
        %dma_wait3A_237 = arith.constant 0 : i32
        %dma_wait3A_238 = tpu.memref_slice %arg17[%dma_wait3A_236, %dma_wait3A_237] : memref<10240x16xf32, #tpu.memory_space<vmem_shared>> -> memref<10240x16xf32, #tpu.memory_space<vmem_shared>>
        tpu.wait_indirect_dma semaphore(%run_scoped3A : memref<!tpu.dma_semaphore, #tpu.memory_space<semaphore_mem>>) src(%arg12 : memref<125x16xf32, #tpu.memory_space<vmem>>) dst(%dma_wait3A_238 : memref<10240x16xf32, #tpu.memory_space<vmem_shared>>)
        tpu.yield
      }) : () -> ()
      %add3A_169 = arith.constant 8 : i32
      %add3A_170 = arith.addi %add3A_162, %add3A_169 : i32
      %lt3A_171 = arith.constant 80 : i32
      %lt3A_172 = arith.cmpi slt, %add3A_170, %lt3A_171 : i32
      %convert_element_type3A_173 = arith.extui %lt3A_172 : i1 to i32
      %cond3A_174 = arith.constant 0 : i32
      %cond3A_175 = arith.cmpi ne, %convert_element_type3A_173, %cond3A_174 : i32
      scf.if %cond3A_175 {
        %add3A_227 = arith.constant 8 : i32
        %add3A_228 = arith.addi %add3A_162, %add3A_227 : i32
        %dma_start3A_229 = arith.constant 0 : i32
        %dma_start3A_230 = tpu.memref_slice %arg6[%add3A_228, %dma_start3A_229] : memref<80x125xi32, #tpu.memory_space<vmem>> -> memref<1x125xi32, #tpu.memory_space<vmem>>
        %dma_start3A_231 = tpu.memref_squeeze %dma_start3A_230 : memref<1x125xi32, #tpu.memory_space<vmem>> -> memref<125xi32, #tpu.memory_space<vmem>>
        %dma_start3A_232 = arith.constant 0 : i32
        %dma_start3A_233 = arith.constant 0 : i32
        %dma_start3A_234 = tpu.memref_slice %arg2[%dma_start3A_232, %dma_start3A_233] : memref<10000x16xf32, #tpu.memory_space<hbm>> -> memref<10000x16xf32, #tpu.memory_space<hbm>>
        tpu.enqueue_indirect_dma source(%dma_start3A_234 : memref<10000x16xf32, #tpu.memory_space<hbm>>) target(%arg12 : memref<125x16xf32, #tpu.memory_space<vmem>>) offsets(%dma_start3A_231 : memref<125xi32, #tpu.memory_space<vmem>>) semaphore(%arg22 : memref<!tpu.dma_semaphore, #tpu.memory_space<semaphore_mem>>)
      } else {
      }
      %mul3A_176 = arith.constant 8 : i32
      %mul3A_177 = arith.muli %scan3A_94, %mul3A_176 : i32
      %add3A_178 = arith.constant 5 : i32
      %add3A_179 = arith.addi %mul3A_177, %add3A_178 : i32
      %dma_wait3A_180 = arith.constant 0 : i32
      %dma_wait3A_181 = tpu.memref_slice %arg6[%add3A_179, %dma_wait3A_180] : memref<80x125xi32, #tpu.memory_space<vmem>> -> memref<1x125xi32, #tpu.memory_space<vmem>>
      %dma_wait3A_182 = tpu.memref_squeeze %dma_wait3A_181 : memref<1x125xi32, #tpu.memory_space<vmem>> -> memref<125xi32, #tpu.memory_space<vmem>>
      %dma_wait3A_183 = arith.constant 0 : i32
      %dma_wait3A_184 = arith.constant 0 : i32
      %dma_wait3A_185 = tpu.memref_slice %arg2[%dma_wait3A_183, %dma_wait3A_184] : memref<10000x16xf32, #tpu.memory_space<hbm>> -> memref<10000x16xf32, #tpu.memory_space<hbm>>
      tpu.wait_indirect_dma semaphore(%arg23 : memref<!tpu.dma_semaphore, #tpu.memory_space<semaphore_mem>>) src(%dma_wait3A_185 : memref<10000x16xf32, #tpu.memory_space<hbm>>) dst(%arg13 : memref<125x16xf32, #tpu.memory_space<vmem>>)
      "tpu.region"() ({
        %run_scoped3A = tpu.sem_alloc : memref<!tpu.dma_semaphore, #tpu.memory_space<semaphore_mem>>
        %dma_start3A_227 = arith.constant 0 : i32
        %dma_start3A_228 = tpu.memref_slice %arg7[%add3A_179, %dma_start3A_227] : memref<80x125xi32, #tpu.memory_space<vmem>> -> memref<1x125xi32, #tpu.memory_space<vmem>>
        %dma_start3A_229 = tpu.memref_squeeze %dma_start3A_228 : memref<1x125xi32, #tpu.memory_space<vmem>> -> memref<125xi32, #tpu.memory_space<vmem>>
        %dma_start3A_230 = arith.constant 0 : i32
        %dma_start3A_231 = arith.constant 0 : i32
        %dma_start3A_232 = tpu.memref_slice %arg17[%dma_start3A_230, %dma_start3A_231] : memref<10240x16xf32, #tpu.memory_space<vmem_shared>> -> memref<10240x16xf32, #tpu.memory_space<vmem_shared>>
        tpu.enqueue_indirect_dma source(%arg13 : memref<125x16xf32, #tpu.memory_space<vmem>>) target(%dma_start3A_232 : memref<10240x16xf32, #tpu.memory_space<vmem_shared>>) offsets(%dma_start3A_229 : memref<125xi32, #tpu.memory_space<vmem>>) semaphore(%run_scoped3A : memref<!tpu.dma_semaphore, #tpu.memory_space<semaphore_mem>>) {add = true}
        %dma_wait3A_233 = arith.constant 0 : i32
        %dma_wait3A_234 = tpu.memref_slice %arg7[%add3A_179, %dma_wait3A_233] : memref<80x125xi32, #tpu.memory_space<vmem>> -> memref<1x125xi32, #tpu.memory_space<vmem>>
        %dma_wait3A_235 = tpu.memref_squeeze %dma_wait3A_234 : memref<1x125xi32, #tpu.memory_space<vmem>> -> memref<125xi32, #tpu.memory_space<vmem>>
        %dma_wait3A_236 = arith.constant 0 : i32
        %dma_wait3A_237 = arith.constant 0 : i32
        %dma_wait3A_238 = tpu.memref_slice %arg17[%dma_wait3A_236, %dma_wait3A_237] : memref<10240x16xf32, #tpu.memory_space<vmem_shared>> -> memref<10240x16xf32, #tpu.memory_space<vmem_shared>>
        tpu.wait_indirect_dma semaphore(%run_scoped3A : memref<!tpu.dma_semaphore, #tpu.memory_space<semaphore_mem>>) src(%arg13 : memref<125x16xf32, #tpu.memory_space<vmem>>) dst(%dma_wait3A_238 : memref<10240x16xf32, #tpu.memory_space<vmem_shared>>)
        tpu.yield
      }) : () -> ()
      %add3A_186 = arith.constant 8 : i32
      %add3A_187 = arith.addi %add3A_179, %add3A_186 : i32
      %lt3A_188 = arith.constant 80 : i32
      %lt3A_189 = arith.cmpi slt, %add3A_187, %lt3A_188 : i32
      %convert_element_type3A_190 = arith.extui %lt3A_189 : i1 to i32
      %cond3A_191 = arith.constant 0 : i32
      %cond3A_192 = arith.cmpi ne, %convert_element_type3A_190, %cond3A_191 : i32
      scf.if %cond3A_192 {
        %add3A_227 = arith.constant 8 : i32
        %add3A_228 = arith.addi %add3A_179, %add3A_227 : i32
        %dma_start3A_229 = arith.constant 0 : i32
        %dma_start3A_230 = tpu.memref_slice %arg6[%add3A_228, %dma_start3A_229] : memref<80x125xi32, #tpu.memory_space<vmem>> -> memref<1x125xi32, #tpu.memory_space<vmem>>
        %dma_start3A_231 = tpu.memref_squeeze %dma_start3A_230 : memref<1x125xi32, #tpu.memory_space<vmem>> -> memref<125xi32, #tpu.memory_space<vmem>>
        %dma_start3A_232 = arith.constant 0 : i32
        %dma_start3A_233 = arith.constant 0 : i32
        %dma_start3A_234 = tpu.memref_slice %arg2[%dma_start3A_232, %dma_start3A_233] : memref<10000x16xf32, #tpu.memory_space<hbm>> -> memref<10000x16xf32, #tpu.memory_space<hbm>>
        tpu.enqueue_indirect_dma source(%dma_start3A_234 : memref<10000x16xf32, #tpu.memory_space<hbm>>) target(%arg13 : memref<125x16xf32, #tpu.memory_space<vmem>>) offsets(%dma_start3A_231 : memref<125xi32, #tpu.memory_space<vmem>>) semaphore(%arg23 : memref<!tpu.dma_semaphore, #tpu.memory_space<semaphore_mem>>)
      } else {
      }
      %mul3A_193 = arith.constant 8 : i32
      %mul3A_194 = arith.muli %scan3A_94, %mul3A_193 : i32
      %add3A_195 = arith.constant 6 : i32
      %add3A_196 = arith.addi %mul3A_194, %add3A_195 : i32
      %dma_wait3A_197 = arith.constant 0 : i32
      %dma_wait3A_198 = tpu.memref_slice %arg6[%add3A_196, %dma_wait3A_197] : memref<80x125xi32, #tpu.memory_space<vmem>> -> memref<1x125xi32, #tpu.memory_space<vmem>>
      %dma_wait3A_199 = tpu.memref_squeeze %dma_wait3A_198 : memref<1x125xi32, #tpu.memory_space<vmem>> -> memref<125xi32, #tpu.memory_space<vmem>>
      %dma_wait3A_200 = arith.constant 0 : i32
      %dma_wait3A_201 = arith.constant 0 : i32
      %dma_wait3A_202 = tpu.memref_slice %arg2[%dma_wait3A_200, %dma_wait3A_201] : memref<10000x16xf32, #tpu.memory_space<hbm>> -> memref<10000x16xf32, #tpu.memory_space<hbm>>
      tpu.wait_indirect_dma semaphore(%arg24 : memref<!tpu.dma_semaphore, #tpu.memory_space<semaphore_mem>>) src(%dma_wait3A_202 : memref<10000x16xf32, #tpu.memory_space<hbm>>) dst(%arg14 : memref<125x16xf32, #tpu.memory_space<vmem>>)
      "tpu.region"() ({
        %run_scoped3A = tpu.sem_alloc : memref<!tpu.dma_semaphore, #tpu.memory_space<semaphore_mem>>
        %dma_start3A_227 = arith.constant 0 : i32
        %dma_start3A_228 = tpu.memref_slice %arg7[%add3A_196, %dma_start3A_227] : memref<80x125xi32, #tpu.memory_space<vmem>> -> memref<1x125xi32, #tpu.memory_space<vmem>>
        %dma_start3A_229 = tpu.memref_squeeze %dma_start3A_228 : memref<1x125xi32, #tpu.memory_space<vmem>> -> memref<125xi32, #tpu.memory_space<vmem>>
        %dma_start3A_230 = arith.constant 0 : i32
        %dma_start3A_231 = arith.constant 0 : i32
        %dma_start3A_232 = tpu.memref_slice %arg17[%dma_start3A_230, %dma_start3A_231] : memref<10240x16xf32, #tpu.memory_space<vmem_shared>> -> memref<10240x16xf32, #tpu.memory_space<vmem_shared>>
        tpu.enqueue_indirect_dma source(%arg14 : memref<125x16xf32, #tpu.memory_space<vmem>>) target(%dma_start3A_232 : memref<10240x16xf32, #tpu.memory_space<vmem_shared>>) offsets(%dma_start3A_229 : memref<125xi32, #tpu.memory_space<vmem>>) semaphore(%run_scoped3A : memref<!tpu.dma_semaphore, #tpu.memory_space<semaphore_mem>>) {add = true}
        %dma_wait3A_233 = arith.constant 0 : i32
        %dma_wait3A_234 = tpu.memref_slice %arg7[%add3A_196, %dma_wait3A_233] : memref<80x125xi32, #tpu.memory_space<vmem>> -> memref<1x125xi32, #tpu.memory_space<vmem>>
        %dma_wait3A_235 = tpu.memref_squeeze %dma_wait3A_234 : memref<1x125xi32, #tpu.memory_space<vmem>> -> memref<125xi32, #tpu.memory_space<vmem>>
        %dma_wait3A_236 = arith.constant 0 : i32
        %dma_wait3A_237 = arith.constant 0 : i32
        %dma_wait3A_238 = tpu.memref_slice %arg17[%dma_wait3A_236, %dma_wait3A_237] : memref<10240x16xf32, #tpu.memory_space<vmem_shared>> -> memref<10240x16xf32, #tpu.memory_space<vmem_shared>>
        tpu.wait_indirect_dma semaphore(%run_scoped3A : memref<!tpu.dma_semaphore, #tpu.memory_space<semaphore_mem>>) src(%arg14 : memref<125x16xf32, #tpu.memory_space<vmem>>) dst(%dma_wait3A_238 : memref<10240x16xf32, #tpu.memory_space<vmem_shared>>)
        tpu.yield
      }) : () -> ()
      %add3A_203 = arith.constant 8 : i32
      %add3A_204 = arith.addi %add3A_196, %add3A_203 : i32
      %lt3A_205 = arith.constant 80 : i32
      %lt3A_206 = arith.cmpi slt, %add3A_204, %lt3A_205 : i32
      %convert_element_type3A_207 = arith.extui %lt3A_206 : i1 to i32
      %cond3A_208 = arith.constant 0 : i32
      %cond3A_209 = arith.cmpi ne, %convert_element_type3A_207, %cond3A_208 : i32
      scf.if %cond3A_209 {
        %add3A_227 = arith.constant 8 : i32
        %add3A_228 = arith.addi %add3A_196, %add3A_227 : i32
        %dma_start3A_229 = arith.constant 0 : i32
        %dma_start3A_230 = tpu.memref_slice %arg6[%add3A_228, %dma_start3A_229] : memref<80x125xi32, #tpu.memory_space<vmem>> -> memref<1x125xi32, #tpu.memory_space<vmem>>
        %dma_start3A_231 = tpu.memref_squeeze %dma_start3A_230 : memref<1x125xi32, #tpu.memory_space<vmem>> -> memref<125xi32, #tpu.memory_space<vmem>>
        %dma_start3A_232 = arith.constant 0 : i32
        %dma_start3A_233 = arith.constant 0 : i32
        %dma_start3A_234 = tpu.memref_slice %arg2[%dma_start3A_232, %dma_start3A_233] : memref<10000x16xf32, #tpu.memory_space<hbm>> -> memref<10000x16xf32, #tpu.memory_space<hbm>>
        tpu.enqueue_indirect_dma source(%dma_start3A_234 : memref<10000x16xf32, #tpu.memory_space<hbm>>) target(%arg14 : memref<125x16xf32, #tpu.memory_space<vmem>>) offsets(%dma_start3A_231 : memref<125xi32, #tpu.memory_space<vmem>>) semaphore(%arg24 : memref<!tpu.dma_semaphore, #tpu.memory_space<semaphore_mem>>)
      } else {
      }
      %mul3A_210 = arith.constant 8 : i32
      %mul3A_211 = arith.muli %scan3A_94, %mul3A_210 : i32
      %add3A_212 = arith.constant 7 : i32
      %add3A_213 = arith.addi %mul3A_211, %add3A_212 : i32
      %dma_wait3A_214 = arith.constant 0 : i32
      %dma_wait3A_215 = tpu.memref_slice %arg6[%add3A_213, %dma_wait3A_214] : memref<80x125xi32, #tpu.memory_space<vmem>> -> memref<1x125xi32, #tpu.memory_space<vmem>>
      %dma_wait3A_216 = tpu.memref_squeeze %dma_wait3A_215 : memref<1x125xi32, #tpu.memory_space<vmem>> -> memref<125xi32, #tpu.memory_space<vmem>>
      %dma_wait3A_217 = arith.constant 0 : i32
      %dma_wait3A_218 = arith.constant 0 : i32
      %dma_wait3A_219 = tpu.memref_slice %arg2[%dma_wait3A_217, %dma_wait3A_218] : memref<10000x16xf32, #tpu.memory_space<hbm>> -> memref<10000x16xf32, #tpu.memory_space<hbm>>
      tpu.wait_indirect_dma semaphore(%arg25 : memref<!tpu.dma_semaphore, #tpu.memory_space<semaphore_mem>>) src(%dma_wait3A_219 : memref<10000x16xf32, #tpu.memory_space<hbm>>) dst(%arg15 : memref<125x16xf32, #tpu.memory_space<vmem>>)
      "tpu.region"() ({
        %run_scoped3A = tpu.sem_alloc : memref<!tpu.dma_semaphore, #tpu.memory_space<semaphore_mem>>
        %dma_start3A_227 = arith.constant 0 : i32
        %dma_start3A_228 = tpu.memref_slice %arg7[%add3A_213, %dma_start3A_227] : memref<80x125xi32, #tpu.memory_space<vmem>> -> memref<1x125xi32, #tpu.memory_space<vmem>>
        %dma_start3A_229 = tpu.memref_squeeze %dma_start3A_228 : memref<1x125xi32, #tpu.memory_space<vmem>> -> memref<125xi32, #tpu.memory_space<vmem>>
        %dma_start3A_230 = arith.constant 0 : i32
        %dma_start3A_231 = arith.constant 0 : i32
        %dma_start3A_232 = tpu.memref_slice %arg17[%dma_start3A_230, %dma_start3A_231] : memref<10240x16xf32, #tpu.memory_space<vmem_shared>> -> memref<10240x16xf32, #tpu.memory_space<vmem_shared>>
        tpu.enqueue_indirect_dma source(%arg15 : memref<125x16xf32, #tpu.memory_space<vmem>>) target(%dma_start3A_232 : memref<10240x16xf32, #tpu.memory_space<vmem_shared>>) offsets(%dma_start3A_229 : memref<125xi32, #tpu.memory_space<vmem>>) semaphore(%run_scoped3A : memref<!tpu.dma_semaphore, #tpu.memory_space<semaphore_mem>>) {add = true}
        %dma_wait3A_233 = arith.constant 0 : i32
        %dma_wait3A_234 = tpu.memref_slice %arg7[%add3A_213, %dma_wait3A_233] : memref<80x125xi32, #tpu.memory_space<vmem>> -> memref<1x125xi32, #tpu.memory_space<vmem>>
        %dma_wait3A_235 = tpu.memref_squeeze %dma_wait3A_234 : memref<1x125xi32, #tpu.memory_space<vmem>> -> memref<125xi32, #tpu.memory_space<vmem>>
        %dma_wait3A_236 = arith.constant 0 : i32
        %dma_wait3A_237 = arith.constant 0 : i32
        %dma_wait3A_238 = tpu.memref_slice %arg17[%dma_wait3A_236, %dma_wait3A_237] : memref<10240x16xf32, #tpu.memory_space<vmem_shared>> -> memref<10240x16xf32, #tpu.memory_space<vmem_shared>>
        tpu.wait_indirect_dma semaphore(%run_scoped3A : memref<!tpu.dma_semaphore, #tpu.memory_space<semaphore_mem>>) src(%arg15 : memref<125x16xf32, #tpu.memory_space<vmem>>) dst(%dma_wait3A_238 : memref<10240x16xf32, #tpu.memory_space<vmem_shared>>)
        tpu.yield
      }) : () -> ()
      %add3A_220 = arith.constant 8 : i32
      %add3A_221 = arith.addi %add3A_213, %add3A_220 : i32
      %lt3A_222 = arith.constant 80 : i32
      %lt3A_223 = arith.cmpi slt, %add3A_221, %lt3A_222 : i32
      %convert_element_type3A_224 = arith.extui %lt3A_223 : i1 to i32
      %cond3A_225 = arith.constant 0 : i32
      %cond3A_226 = arith.cmpi ne, %convert_element_type3A_224, %cond3A_225 : i32
      scf.if %cond3A_226 {
        %add3A_227 = arith.constant 8 : i32
        %add3A_228 = arith.addi %add3A_213, %add3A_227 : i32
        %dma_start3A_229 = arith.constant 0 : i32
        %dma_start3A_230 = tpu.memref_slice %arg6[%add3A_228, %dma_start3A_229] : memref<80x125xi32, #tpu.memory_space<vmem>> -> memref<1x125xi32, #tpu.memory_space<vmem>>
        %dma_start3A_231 = tpu.memref_squeeze %dma_start3A_230 : memref<1x125xi32, #tpu.memory_space<vmem>> -> memref<125xi32, #tpu.memory_space<vmem>>
        %dma_start3A_232 = arith.constant 0 : i32
        %dma_start3A_233 = arith.constant 0 : i32
        %dma_start3A_234 = tpu.memref_slice %arg2[%dma_start3A_232, %dma_start3A_233] : memref<10000x16xf32, #tpu.memory_space<hbm>> -> memref<10000x16xf32, #tpu.memory_space<hbm>>
        tpu.enqueue_indirect_dma source(%dma_start3A_234 : memref<10000x16xf32, #tpu.memory_space<hbm>>) target(%arg15 : memref<125x16xf32, #tpu.memory_space<vmem>>) offsets(%dma_start3A_231 : memref<125xi32, #tpu.memory_space<vmem>>) semaphore(%arg25 : memref<!tpu.dma_semaphore, #tpu.memory_space<semaphore_mem>>)
      } else {
      }
    }
    %scan3A_88 = arith.constant 10 : i32
    %barrier3A_89 = arith.constant 0 : index
    tpu.barrier barrier_id(%barrier3A_89)
    %mul3A_90 = arith.constant 640 : i32
    %mul3A_91 = arith.muli %arg1, %mul3A_90 : i32
    %mul3A_92 = arith.constant 640 : i32
    %mul3A_93 = arith.muli %arg1, %mul3A_92 : i32
    "tpu.region"() ({
      %run_scoped3A = tpu.sem_alloc : memref<!tpu.dma_semaphore, #tpu.memory_space<semaphore_mem>>
      %dma_start3A_94 = arith.constant 0 : i32
      %dma_start3A_95 = tpu.memref_slice %arg5[%arg0, %mul3A_93, %dma_start3A_94] : memref<2x10240x16xf32, #tpu.memory_space<hbm>> -> memref<1x640x16xf32, #tpu.memory_space<hbm>>
      %dma_start3A_96 = tpu.memref_squeeze %dma_start3A_95 : memref<1x640x16xf32, #tpu.memory_space<hbm>> -> memref<640x16xf32, #tpu.memory_space<hbm>>
      %dma_start3A_97 = arith.constant 0 : i32
      %dma_start3A_98 = tpu.memref_slice %arg17[%mul3A_91, %dma_start3A_97] : memref<10240x16xf32, #tpu.memory_space<vmem_shared>> -> memref<640x16xf32, #tpu.memory_space<vmem_shared>>
      tpu.enqueue_dma source(%dma_start3A_98 : memref<640x16xf32, #tpu.memory_space<vmem_shared>>) target(%dma_start3A_96 : memref<640x16xf32, #tpu.memory_space<hbm>>) target_semaphore(%run_scoped3A : memref<!tpu.dma_semaphore, #tpu.memory_space<semaphore_mem>>)
      %dma_wait3A = arith.constant 0 : i32
      %dma_wait3A_99 = tpu.memref_slice %arg5[%arg0, %mul3A_93, %dma_wait3A] : memref<2x10240x16xf32, #tpu.memory_space<hbm>> -> memref<1x640x16xf32, #tpu.memory_space<hbm>>
      %dma_wait3A_100 = tpu.memref_squeeze %dma_wait3A_99 : memref<1x640x16xf32, #tpu.memory_space<hbm>> -> memref<640x16xf32, #tpu.memory_space<hbm>>
      %dma_wait3A_101 = arith.constant 0 : i32
      %dma_wait3A_102 = tpu.memref_slice %arg17[%mul3A_91, %dma_wait3A_101] : memref<10240x16xf32, #tpu.memory_space<vmem_shared>> -> memref<640x16xf32, #tpu.memory_space<vmem_shared>>
      tpu.wait_dma2 semaphore(%run_scoped3A : memref<!tpu.dma_semaphore, #tpu.memory_space<semaphore_mem>>) src(%dma_wait3A_102 : memref<640x16xf32, #tpu.memory_space<vmem_shared>>) dst(%dma_wait3A_100 : memref<640x16xf32, #tpu.memory_space<hbm>>)
      tpu.yield
    }) : () -> ()
    return
  }
}

#map = affine_map<(d0, d1) -> (0, 0)>
#map1 = affine_map<(d0, d1) -> (0, 0, 0)>
module attributes {stable_mosaic.version = 14 : i64} {
  func.func @agg(%arg0: i32, %arg1: i32, %arg2: memref<10000x64xbf16, #tpu.memory_space<hbm>>, %arg3: memref<16x160x125xi32, #tpu.memory_space<hbm>>, %arg4: memref<16x160x125xi32, #tpu.memory_space<hbm>>, %arg5: memref<2x10240x64xbf16, #tpu.memory_space<hbm>>, %arg6: memref<80x125xi32, #tpu.memory_space<vmem>>, %arg7: memref<80x125xi32, #tpu.memory_space<vmem>>, %arg8: memref<125x64xbf16, #tpu.memory_space<vmem>>, %arg9: memref<125x64xbf16, #tpu.memory_space<vmem>>, %arg10: memref<125x64xbf16, #tpu.memory_space<vmem>>, %arg11: memref<125x64xbf16, #tpu.memory_space<vmem>>, %arg12: memref<125x64xbf16, #tpu.memory_space<vmem>>, %arg13: memref<125x64xbf16, #tpu.memory_space<vmem>>, %arg14: memref<125x64xbf16, #tpu.memory_space<vmem>>, %arg15: memref<125x64xbf16, #tpu.memory_space<vmem>>, %arg16: memref<128x64xbf16, #tpu.memory_space<vmem>>, %arg17: memref<10240x64xbf16, #tpu.memory_space<vmem_shared>>, %arg18: memref<!tpu.dma_semaphore, #tpu.memory_space<semaphore_mem>>, %arg19: memref<!tpu.dma_semaphore, #tpu.memory_space<semaphore_mem>>, %arg20: memref<!tpu.dma_semaphore, #tpu.memory_space<semaphore_mem>>, %arg21: memref<!tpu.dma_semaphore, #tpu.memory_space<semaphore_mem>>, %arg22: memref<!tpu.dma_semaphore, #tpu.memory_space<semaphore_mem>>, %arg23: memref<!tpu.dma_semaphore, #tpu.memory_space<semaphore_mem>>, %arg24: memref<!tpu.dma_semaphore, #tpu.memory_space<semaphore_mem>>, %arg25: memref<!tpu.dma_semaphore, #tpu.memory_space<semaphore_mem>>) attributes {dimension_semantics = [#tpu.dimension_semantics<core_parallel>, #tpu.dimension_semantics<subcore_parallel>], iteration_bounds = array<i64: 2, 16>, scalar_prefetch = 0 : i64, scratch_operands = 20 : i64, tpu.core_type = #tpu.core_type<sc_vector_subcore>, window_params = [{transform_indices = #map}, {transform_indices = #map1}, {transform_indices = #map1}, {transform_indices = #map1}]} {
    %mul3A = arith.constant 80 : i32
    %mul3A_0 = arith.muli %arg0, %mul3A : i32
    "tpu.region"() ({
      %run_scoped3A = tpu.sem_alloc : memref<!tpu.dma_semaphore, #tpu.memory_space<semaphore_mem>>
      %dma_start3A_94 = arith.constant 0 : i32
      %dma_start3A_95 = tpu.memref_slice %arg3[%arg1, %mul3A_0, %dma_start3A_94] : memref<16x160x125xi32, #tpu.memory_space<hbm>> -> memref<1x80x125xi32, #tpu.memory_space<hbm>>
      %dma_start3A_96 = tpu.memref_squeeze %dma_start3A_95 : memref<1x80x125xi32, #tpu.memory_space<hbm>> -> memref<80x125xi32, #tpu.memory_space<hbm>>
      %dma_start3A_97 = arith.constant 0 : i32
      %dma_start3A_98 = tpu.memref_slice %arg3[%arg1, %mul3A_0, %dma_start3A_97] : memref<16x160x125xi32, #tpu.memory_space<hbm>> -> memref<1x80x125xi32, #tpu.memory_space<hbm>>
      %dma_start3A_99 = tpu.memref_squeeze %dma_start3A_98 : memref<1x80x125xi32, #tpu.memory_space<hbm>> -> memref<80x125xi32, #tpu.memory_space<hbm>>
      tpu.enqueue_dma source(%dma_start3A_99 : memref<80x125xi32, #tpu.memory_space<hbm>>) target(%arg6 : memref<80x125xi32, #tpu.memory_space<vmem>>) target_semaphore(%run_scoped3A : memref<!tpu.dma_semaphore, #tpu.memory_space<semaphore_mem>>)
      %dma_wait3A = arith.constant 0 : i32
      %dma_wait3A_100 = tpu.memref_slice %arg3[%arg1, %mul3A_0, %dma_wait3A] : memref<16x160x125xi32, #tpu.memory_space<hbm>> -> memref<1x80x125xi32, #tpu.memory_space<hbm>>
      %dma_wait3A_101 = tpu.memref_squeeze %dma_wait3A_100 : memref<1x80x125xi32, #tpu.memory_space<hbm>> -> memref<80x125xi32, #tpu.memory_space<hbm>>
      %dma_wait3A_102 = arith.constant 0 : i32
      %dma_wait3A_103 = tpu.memref_slice %arg3[%arg1, %mul3A_0, %dma_wait3A_102] : memref<16x160x125xi32, #tpu.memory_space<hbm>> -> memref<1x80x125xi32, #tpu.memory_space<hbm>>
      %dma_wait3A_104 = tpu.memref_squeeze %dma_wait3A_103 : memref<1x80x125xi32, #tpu.memory_space<hbm>> -> memref<80x125xi32, #tpu.memory_space<hbm>>
      tpu.wait_dma2 semaphore(%run_scoped3A : memref<!tpu.dma_semaphore, #tpu.memory_space<semaphore_mem>>) src(%dma_wait3A_104 : memref<80x125xi32, #tpu.memory_space<hbm>>) dst(%arg6 : memref<80x125xi32, #tpu.memory_space<vmem>>)
      tpu.yield
    }) : () -> ()
    %mul3A_1 = arith.constant 80 : i32
    %mul3A_2 = arith.muli %arg0, %mul3A_1 : i32
    "tpu.region"() ({
      %run_scoped3A = tpu.sem_alloc : memref<!tpu.dma_semaphore, #tpu.memory_space<semaphore_mem>>
      %dma_start3A_94 = arith.constant 0 : i32
      %dma_start3A_95 = tpu.memref_slice %arg4[%arg1, %mul3A_2, %dma_start3A_94] : memref<16x160x125xi32, #tpu.memory_space<hbm>> -> memref<1x80x125xi32, #tpu.memory_space<hbm>>
      %dma_start3A_96 = tpu.memref_squeeze %dma_start3A_95 : memref<1x80x125xi32, #tpu.memory_space<hbm>> -> memref<80x125xi32, #tpu.memory_space<hbm>>
      %dma_start3A_97 = arith.constant 0 : i32
      %dma_start3A_98 = tpu.memref_slice %arg4[%arg1, %mul3A_2, %dma_start3A_97] : memref<16x160x125xi32, #tpu.memory_space<hbm>> -> memref<1x80x125xi32, #tpu.memory_space<hbm>>
      %dma_start3A_99 = tpu.memref_squeeze %dma_start3A_98 : memref<1x80x125xi32, #tpu.memory_space<hbm>> -> memref<80x125xi32, #tpu.memory_space<hbm>>
      tpu.enqueue_dma source(%dma_start3A_99 : memref<80x125xi32, #tpu.memory_space<hbm>>) target(%arg7 : memref<80x125xi32, #tpu.memory_space<vmem>>) target_semaphore(%run_scoped3A : memref<!tpu.dma_semaphore, #tpu.memory_space<semaphore_mem>>)
      %dma_wait3A = arith.constant 0 : i32
      %dma_wait3A_100 = tpu.memref_slice %arg4[%arg1, %mul3A_2, %dma_wait3A] : memref<16x160x125xi32, #tpu.memory_space<hbm>> -> memref<1x80x125xi32, #tpu.memory_space<hbm>>
      %dma_wait3A_101 = tpu.memref_squeeze %dma_wait3A_100 : memref<1x80x125xi32, #tpu.memory_space<hbm>> -> memref<80x125xi32, #tpu.memory_space<hbm>>
      %dma_wait3A_102 = arith.constant 0 : i32
      %dma_wait3A_103 = tpu.memref_slice %arg4[%arg1, %mul3A_2, %dma_wait3A_102] : memref<16x160x125xi32, #tpu.memory_space<hbm>> -> memref<1x80x125xi32, #tpu.memory_space<hbm>>
      %dma_wait3A_104 = tpu.memref_squeeze %dma_wait3A_103 : memref<1x80x125xi32, #tpu.memory_space<hbm>> -> memref<80x125xi32, #tpu.memory_space<hbm>>
      tpu.wait_dma2 semaphore(%run_scoped3A : memref<!tpu.dma_semaphore, #tpu.memory_space<semaphore_mem>>) src(%dma_wait3A_104 : memref<80x125xi32, #tpu.memory_space<hbm>>) dst(%arg7 : memref<80x125xi32, #tpu.memory_space<vmem>>)
      tpu.yield
    }) : () -> ()
    %dma_start3A = arith.constant 0 : i32
    %dma_start3A_3 = arith.constant 0 : i32
    %dma_start3A_4 = tpu.memref_slice %arg6[%dma_start3A, %dma_start3A_3] : memref<80x125xi32, #tpu.memory_space<vmem>> -> memref<1x125xi32, #tpu.memory_space<vmem>>
    %dma_start3A_5 = tpu.memref_squeeze %dma_start3A_4 : memref<1x125xi32, #tpu.memory_space<vmem>> -> memref<125xi32, #tpu.memory_space<vmem>>
    %dma_start3A_6 = arith.constant 0 : i32
    %dma_start3A_7 = arith.constant 0 : i32
    %dma_start3A_8 = tpu.memref_slice %arg2[%dma_start3A_6, %dma_start3A_7] : memref<10000x64xbf16, #tpu.memory_space<hbm>> -> memref<10000x64xbf16, #tpu.memory_space<hbm>>
    tpu.enqueue_indirect_dma source(%dma_start3A_8 : memref<10000x64xbf16, #tpu.memory_space<hbm>>) target(%arg8 : memref<125x64xbf16, #tpu.memory_space<vmem>>) offsets(%dma_start3A_5 : memref<125xi32, #tpu.memory_space<vmem>>) semaphore(%arg18 : memref<!tpu.dma_semaphore, #tpu.memory_space<semaphore_mem>>)
    %dma_start3A_9 = arith.constant 1 : i32
    %dma_start3A_10 = arith.constant 0 : i32
    %dma_start3A_11 = tpu.memref_slice %arg6[%dma_start3A_9, %dma_start3A_10] : memref<80x125xi32, #tpu.memory_space<vmem>> -> memref<1x125xi32, #tpu.memory_space<vmem>>
    %dma_start3A_12 = tpu.memref_squeeze %dma_start3A_11 : memref<1x125xi32, #tpu.memory_space<vmem>> -> memref<125xi32, #tpu.memory_space<vmem>>
    %dma_start3A_13 = arith.constant 0 : i32
    %dma_start3A_14 = arith.constant 0 : i32
    %dma_start3A_15 = tpu.memref_slice %arg2[%dma_start3A_13, %dma_start3A_14] : memref<10000x64xbf16, #tpu.memory_space<hbm>> -> memref<10000x64xbf16, #tpu.memory_space<hbm>>
    tpu.enqueue_indirect_dma source(%dma_start3A_15 : memref<10000x64xbf16, #tpu.memory_space<hbm>>) target(%arg9 : memref<125x64xbf16, #tpu.memory_space<vmem>>) offsets(%dma_start3A_12 : memref<125xi32, #tpu.memory_space<vmem>>) semaphore(%arg19 : memref<!tpu.dma_semaphore, #tpu.memory_space<semaphore_mem>>)
    %dma_start3A_16 = arith.constant 2 : i32
    %dma_start3A_17 = arith.constant 0 : i32
    %dma_start3A_18 = tpu.memref_slice %arg6[%dma_start3A_16, %dma_start3A_17] : memref<80x125xi32, #tpu.memory_space<vmem>> -> memref<1x125xi32, #tpu.memory_space<vmem>>
    %dma_start3A_19 = tpu.memref_squeeze %dma_start3A_18 : memref<1x125xi32, #tpu.memory_space<vmem>> -> memref<125xi32, #tpu.memory_space<vmem>>
    %dma_start3A_20 = arith.constant 0 : i32
    %dma_start3A_21 = arith.constant 0 : i32
    %dma_start3A_22 = tpu.memref_slice %arg2[%dma_start3A_20, %dma_start3A_21] : memref<10000x64xbf16, #tpu.memory_space<hbm>> -> memref<10000x64xbf16, #tpu.memory_space<hbm>>
    tpu.enqueue_indirect_dma source(%dma_start3A_22 : memref<10000x64xbf16, #tpu.memory_space<hbm>>) target(%arg10 : memref<125x64xbf16, #tpu.memory_space<vmem>>) offsets(%dma_start3A_19 : memref<125xi32, #tpu.memory_space<vmem>>) semaphore(%arg20 : memref<!tpu.dma_semaphore, #tpu.memory_space<semaphore_mem>>)
    %dma_start3A_23 = arith.constant 3 : i32
    %dma_start3A_24 = arith.constant 0 : i32
    %dma_start3A_25 = tpu.memref_slice %arg6[%dma_start3A_23, %dma_start3A_24] : memref<80x125xi32, #tpu.memory_space<vmem>> -> memref<1x125xi32, #tpu.memory_space<vmem>>
    %dma_start3A_26 = tpu.memref_squeeze %dma_start3A_25 : memref<1x125xi32, #tpu.memory_space<vmem>> -> memref<125xi32, #tpu.memory_space<vmem>>
    %dma_start3A_27 = arith.constant 0 : i32
    %dma_start3A_28 = arith.constant 0 : i32
    %dma_start3A_29 = tpu.memref_slice %arg2[%dma_start3A_27, %dma_start3A_28] : memref<10000x64xbf16, #tpu.memory_space<hbm>> -> memref<10000x64xbf16, #tpu.memory_space<hbm>>
    tpu.enqueue_indirect_dma source(%dma_start3A_29 : memref<10000x64xbf16, #tpu.memory_space<hbm>>) target(%arg11 : memref<125x64xbf16, #tpu.memory_space<vmem>>) offsets(%dma_start3A_26 : memref<125xi32, #tpu.memory_space<vmem>>) semaphore(%arg21 : memref<!tpu.dma_semaphore, #tpu.memory_space<semaphore_mem>>)
    %dma_start3A_30 = arith.constant 4 : i32
    %dma_start3A_31 = arith.constant 0 : i32
    %dma_start3A_32 = tpu.memref_slice %arg6[%dma_start3A_30, %dma_start3A_31] : memref<80x125xi32, #tpu.memory_space<vmem>> -> memref<1x125xi32, #tpu.memory_space<vmem>>
    %dma_start3A_33 = tpu.memref_squeeze %dma_start3A_32 : memref<1x125xi32, #tpu.memory_space<vmem>> -> memref<125xi32, #tpu.memory_space<vmem>>
    %dma_start3A_34 = arith.constant 0 : i32
    %dma_start3A_35 = arith.constant 0 : i32
    %dma_start3A_36 = tpu.memref_slice %arg2[%dma_start3A_34, %dma_start3A_35] : memref<10000x64xbf16, #tpu.memory_space<hbm>> -> memref<10000x64xbf16, #tpu.memory_space<hbm>>
    tpu.enqueue_indirect_dma source(%dma_start3A_36 : memref<10000x64xbf16, #tpu.memory_space<hbm>>) target(%arg12 : memref<125x64xbf16, #tpu.memory_space<vmem>>) offsets(%dma_start3A_33 : memref<125xi32, #tpu.memory_space<vmem>>) semaphore(%arg22 : memref<!tpu.dma_semaphore, #tpu.memory_space<semaphore_mem>>)
    %dma_start3A_37 = arith.constant 5 : i32
    %dma_start3A_38 = arith.constant 0 : i32
    %dma_start3A_39 = tpu.memref_slice %arg6[%dma_start3A_37, %dma_start3A_38] : memref<80x125xi32, #tpu.memory_space<vmem>> -> memref<1x125xi32, #tpu.memory_space<vmem>>
    %dma_start3A_40 = tpu.memref_squeeze %dma_start3A_39 : memref<1x125xi32, #tpu.memory_space<vmem>> -> memref<125xi32, #tpu.memory_space<vmem>>
    %dma_start3A_41 = arith.constant 0 : i32
    %dma_start3A_42 = arith.constant 0 : i32
    %dma_start3A_43 = tpu.memref_slice %arg2[%dma_start3A_41, %dma_start3A_42] : memref<10000x64xbf16, #tpu.memory_space<hbm>> -> memref<10000x64xbf16, #tpu.memory_space<hbm>>
    tpu.enqueue_indirect_dma source(%dma_start3A_43 : memref<10000x64xbf16, #tpu.memory_space<hbm>>) target(%arg13 : memref<125x64xbf16, #tpu.memory_space<vmem>>) offsets(%dma_start3A_40 : memref<125xi32, #tpu.memory_space<vmem>>) semaphore(%arg23 : memref<!tpu.dma_semaphore, #tpu.memory_space<semaphore_mem>>)
    %dma_start3A_44 = arith.constant 6 : i32
    %dma_start3A_45 = arith.constant 0 : i32
    %dma_start3A_46 = tpu.memref_slice %arg6[%dma_start3A_44, %dma_start3A_45] : memref<80x125xi32, #tpu.memory_space<vmem>> -> memref<1x125xi32, #tpu.memory_space<vmem>>
    %dma_start3A_47 = tpu.memref_squeeze %dma_start3A_46 : memref<1x125xi32, #tpu.memory_space<vmem>> -> memref<125xi32, #tpu.memory_space<vmem>>
    %dma_start3A_48 = arith.constant 0 : i32
    %dma_start3A_49 = arith.constant 0 : i32
    %dma_start3A_50 = tpu.memref_slice %arg2[%dma_start3A_48, %dma_start3A_49] : memref<10000x64xbf16, #tpu.memory_space<hbm>> -> memref<10000x64xbf16, #tpu.memory_space<hbm>>
    tpu.enqueue_indirect_dma source(%dma_start3A_50 : memref<10000x64xbf16, #tpu.memory_space<hbm>>) target(%arg14 : memref<125x64xbf16, #tpu.memory_space<vmem>>) offsets(%dma_start3A_47 : memref<125xi32, #tpu.memory_space<vmem>>) semaphore(%arg24 : memref<!tpu.dma_semaphore, #tpu.memory_space<semaphore_mem>>)
    %dma_start3A_51 = arith.constant 7 : i32
    %dma_start3A_52 = arith.constant 0 : i32
    %dma_start3A_53 = tpu.memref_slice %arg6[%dma_start3A_51, %dma_start3A_52] : memref<80x125xi32, #tpu.memory_space<vmem>> -> memref<1x125xi32, #tpu.memory_space<vmem>>
    %dma_start3A_54 = tpu.memref_squeeze %dma_start3A_53 : memref<1x125xi32, #tpu.memory_space<vmem>> -> memref<125xi32, #tpu.memory_space<vmem>>
    %dma_start3A_55 = arith.constant 0 : i32
    %dma_start3A_56 = arith.constant 0 : i32
    %dma_start3A_57 = tpu.memref_slice %arg2[%dma_start3A_55, %dma_start3A_56] : memref<10000x64xbf16, #tpu.memory_space<hbm>> -> memref<10000x64xbf16, #tpu.memory_space<hbm>>
    tpu.enqueue_indirect_dma source(%dma_start3A_57 : memref<10000x64xbf16, #tpu.memory_space<hbm>>) target(%arg15 : memref<125x64xbf16, #tpu.memory_space<vmem>>) offsets(%dma_start3A_54 : memref<125xi32, #tpu.memory_space<vmem>>) semaphore(%arg25 : memref<!tpu.dma_semaphore, #tpu.memory_space<semaphore_mem>>)
    %broadcast_in_dim3A = arith.constant 0.000000e+00 : bf16
    %broadcast_in_dim3A_58 = vector.broadcast %broadcast_in_dim3A : bf16 to vector<32xbf16>
    %scan3A = arith.constant 0 : i32
    %scan3A_59 = arith.constant 0 : i32
    %scan3A_60 = arith.constant 256 : i32
    %scan3A_61 = arith.addi %scan3A_59, %scan3A_60 : i32
    %scan3A_62 = arith.constant 1 : i32
    scf.for %scan3A_94 = %scan3A_59 to %scan3A_61 step %scan3A_62  : i32 {
      %jit3A = arith.constant 2 : i32
      %div3A = arith.divsi %scan3A_94, %jit3A : i32
      %sign3A = arith.constant 0 : i32
      %sign3A_95 = arith.cmpi sgt, %scan3A_94, %sign3A : i32
      %sign3A_96 = arith.extui %sign3A_95 : i1 to i32
      %sign3A_97 = arith.constant 0 : i32
      %sign3A_98 = arith.cmpi slt, %scan3A_94, %sign3A_97 : i32
      %sign3A_99 = arith.extui %sign3A_98 : i1 to i32
      %sign3A_100 = arith.subi %sign3A_96, %sign3A_99 : i32
      %sign3A_101 = arith.constant 0 : i32
      %sign3A_102 = arith.cmpi sgt, %jit3A, %sign3A_101 : i32
      %sign3A_103 = arith.extui %sign3A_102 : i1 to i32
      %sign3A_104 = arith.constant 0 : i32
      %sign3A_105 = arith.cmpi slt, %jit3A, %sign3A_104 : i32
      %sign3A_106 = arith.extui %sign3A_105 : i1 to i32
      %sign3A_107 = arith.subi %sign3A_103, %sign3A_106 : i32
      %ne3A = arith.cmpi ne, %sign3A_100, %sign3A_107 : i32
      %rem3A = arith.remsi %scan3A_94, %jit3A : i32
      %ne3A_108 = arith.constant 0 : i32
      %ne3A_109 = arith.cmpi ne, %rem3A, %ne3A_108 : i32
      %and3A = arith.andi %ne3A, %ne3A_109 : i1
      %sub3A = arith.constant 1 : i32
      %sub3A_110 = arith.subi %div3A, %sub3A : i32
      %select_n3A = arith.select %and3A, %sub3A_110, %div3A : i32
      %jit3A_111 = arith.constant 2 : i32
      %eq3A = arith.constant 0 : i32
      %eq3A_112 = arith.cmpi eq, %jit3A_111, %eq3A : i32
      %jit3A_113 = arith.constant 1 : i32
      %select_n3A_114 = arith.select %eq3A_112, %jit3A_113, %jit3A_111 : i32
      %rem3A_115 = arith.remsi %scan3A_94, %select_n3A_114 : i32
      %ne3A_116 = arith.constant 0 : i32
      %ne3A_117 = arith.cmpi ne, %rem3A_115, %ne3A_116 : i32
      %lt3A = arith.constant 0 : i32
      %lt3A_118 = arith.cmpi slt, %rem3A_115, %lt3A : i32
      %lt3A_119 = arith.constant 0 : i32
      %lt3A_120 = arith.cmpi slt, %select_n3A_114, %lt3A_119 : i32
      %ne3A_121 = arith.xori %lt3A_118, %lt3A_120 : i1
      %and3A_122 = arith.andi %ne3A_121, %ne3A_117 : i1
      %add3A_123 = arith.addi %rem3A_115, %select_n3A_114 : i32
      %select_n3A_124 = arith.select %and3A_122, %add3A_123, %rem3A_115 : i32
      %mul3A_125 = arith.constant 32 : i32
      %mul3A_126 = arith.muli %select_n3A_124, %mul3A_125 : i32
      %swap3A = arith.index_cast %select_n3A : i32 to index
      %swap3A_127 = arith.index_cast %mul3A_126 : i32 to index
      %swap3A_128 = tpu.vector_load %arg16[%swap3A, %swap3A_127] {strides = array<i32>} : memref<128x64xbf16, #tpu.memory_space<vmem>>, vector<32xbf16>,
      tpu.vector_store %arg16[%swap3A, %swap3A_127], %broadcast_in_dim3A_58 {strides = array<i32>} : memref<128x64xbf16, #tpu.memory_space<vmem>>, vector<32xbf16>,
    }
    %scan3A_63 = arith.constant 256 : i32
    %mul3A_64 = arith.constant 640 : i32
    %mul3A_65 = arith.muli %arg1, %mul3A_64 : i32
    %add3A = arith.constant 0 : i32
    %add3A_66 = arith.addi %mul3A_65, %add3A : i32
    "tpu.region"() ({
      %run_scoped3A = tpu.sem_alloc : memref<!tpu.dma_semaphore, #tpu.memory_space<semaphore_mem>>
      %dma_start3A_94 = arith.constant 0 : i32
      %dma_start3A_95 = tpu.memref_slice %arg17[%add3A_66, %dma_start3A_94] : memref<10240x64xbf16, #tpu.memory_space<vmem_shared>> -> memref<128x64xbf16, #tpu.memory_space<vmem_shared>>
      %dma_start3A_96 = arith.constant 0 : i32
      %dma_start3A_97 = tpu.memref_slice %arg17[%add3A_66, %dma_start3A_96] : memref<10240x64xbf16, #tpu.memory_space<vmem_shared>> -> memref<128x64xbf16, #tpu.memory_space<vmem_shared>>
      tpu.enqueue_dma source(%arg16 : memref<128x64xbf16, #tpu.memory_space<vmem>>) target(%dma_start3A_97 : memref<128x64xbf16, #tpu.memory_space<vmem_shared>>) target_semaphore(%run_scoped3A : memref<!tpu.dma_semaphore, #tpu.memory_space<semaphore_mem>>)
      %dma_wait3A = arith.constant 0 : i32
      %dma_wait3A_98 = tpu.memref_slice %arg17[%add3A_66, %dma_wait3A] : memref<10240x64xbf16, #tpu.memory_space<vmem_shared>> -> memref<128x64xbf16, #tpu.memory_space<vmem_shared>>
      %dma_wait3A_99 = arith.constant 0 : i32
      %dma_wait3A_100 = tpu.memref_slice %arg17[%add3A_66, %dma_wait3A_99] : memref<10240x64xbf16, #tpu.memory_space<vmem_shared>> -> memref<128x64xbf16, #tpu.memory_space<vmem_shared>>
      tpu.wait_dma2 semaphore(%run_scoped3A : memref<!tpu.dma_semaphore, #tpu.memory_space<semaphore_mem>>) src(%arg16 : memref<128x64xbf16, #tpu.memory_space<vmem>>) dst(%dma_wait3A_100 : memref<128x64xbf16, #tpu.memory_space<vmem_shared>>)
      tpu.yield
    }) : () -> ()
    %mul3A_67 = arith.constant 640 : i32
    %mul3A_68 = arith.muli %arg1, %mul3A_67 : i32
    %add3A_69 = arith.constant 128 : i32
    %add3A_70 = arith.addi %mul3A_68, %add3A_69 : i32
    "tpu.region"() ({
      %run_scoped3A = tpu.sem_alloc : memref<!tpu.dma_semaphore, #tpu.memory_space<semaphore_mem>>
      %dma_start3A_94 = arith.constant 0 : i32
      %dma_start3A_95 = tpu.memref_slice %arg17[%add3A_70, %dma_start3A_94] : memref<10240x64xbf16, #tpu.memory_space<vmem_shared>> -> memref<128x64xbf16, #tpu.memory_space<vmem_shared>>
      %dma_start3A_96 = arith.constant 0 : i32
      %dma_start3A_97 = tpu.memref_slice %arg17[%add3A_70, %dma_start3A_96] : memref<10240x64xbf16, #tpu.memory_space<vmem_shared>> -> memref<128x64xbf16, #tpu.memory_space<vmem_shared>>
      tpu.enqueue_dma source(%arg16 : memref<128x64xbf16, #tpu.memory_space<vmem>>) target(%dma_start3A_97 : memref<128x64xbf16, #tpu.memory_space<vmem_shared>>) target_semaphore(%run_scoped3A : memref<!tpu.dma_semaphore, #tpu.memory_space<semaphore_mem>>)
      %dma_wait3A = arith.constant 0 : i32
      %dma_wait3A_98 = tpu.memref_slice %arg17[%add3A_70, %dma_wait3A] : memref<10240x64xbf16, #tpu.memory_space<vmem_shared>> -> memref<128x64xbf16, #tpu.memory_space<vmem_shared>>
      %dma_wait3A_99 = arith.constant 0 : i32
      %dma_wait3A_100 = tpu.memref_slice %arg17[%add3A_70, %dma_wait3A_99] : memref<10240x64xbf16, #tpu.memory_space<vmem_shared>> -> memref<128x64xbf16, #tpu.memory_space<vmem_shared>>
      tpu.wait_dma2 semaphore(%run_scoped3A : memref<!tpu.dma_semaphore, #tpu.memory_space<semaphore_mem>>) src(%arg16 : memref<128x64xbf16, #tpu.memory_space<vmem>>) dst(%dma_wait3A_100 : memref<128x64xbf16, #tpu.memory_space<vmem_shared>>)
      tpu.yield
    }) : () -> ()
    %mul3A_71 = arith.constant 640 : i32
    %mul3A_72 = arith.muli %arg1, %mul3A_71 : i32
    %add3A_73 = arith.constant 256 : i32
    %add3A_74 = arith.addi %mul3A_72, %add3A_73 : i32
    "tpu.region"() ({
      %run_scoped3A = tpu.sem_alloc : memref<!tpu.dma_semaphore, #tpu.memory_space<semaphore_mem>>
      %dma_start3A_94 = arith.constant 0 : i32
      %dma_start3A_95 = tpu.memref_slice %arg17[%add3A_74, %dma_start3A_94] : memref<10240x64xbf16, #tpu.memory_space<vmem_shared>> -> memref<128x64xbf16, #tpu.memory_space<vmem_shared>>
      %dma_start3A_96 = arith.constant 0 : i32
      %dma_start3A_97 = tpu.memref_slice %arg17[%add3A_74, %dma_start3A_96] : memref<10240x64xbf16, #tpu.memory_space<vmem_shared>> -> memref<128x64xbf16, #tpu.memory_space<vmem_shared>>
      tpu.enqueue_dma source(%arg16 : memref<128x64xbf16, #tpu.memory_space<vmem>>) target(%dma_start3A_97 : memref<128x64xbf16, #tpu.memory_space<vmem_shared>>) target_semaphore(%run_scoped3A : memref<!tpu.dma_semaphore, #tpu.memory_space<semaphore_mem>>)
      %dma_wait3A = arith.constant 0 : i32
      %dma_wait3A_98 = tpu.memref_slice %arg17[%add3A_74, %dma_wait3A] : memref<10240x64xbf16, #tpu.memory_space<vmem_shared>> -> memref<128x64xbf16, #tpu.memory_space<vmem_shared>>
      %dma_wait3A_99 = arith.constant 0 : i32
      %dma_wait3A_100 = tpu.memref_slice %arg17[%add3A_74, %dma_wait3A_99] : memref<10240x64xbf16, #tpu.memory_space<vmem_shared>> -> memref<128x64xbf16, #tpu.memory_space<vmem_shared>>
      tpu.wait_dma2 semaphore(%run_scoped3A : memref<!tpu.dma_semaphore, #tpu.memory_space<semaphore_mem>>) src(%arg16 : memref<128x64xbf16, #tpu.memory_space<vmem>>) dst(%dma_wait3A_100 : memref<128x64xbf16, #tpu.memory_space<vmem_shared>>)
      tpu.yield
    }) : () -> ()
    %mul3A_75 = arith.constant 640 : i32
    %mul3A_76 = arith.muli %arg1, %mul3A_75 : i32
    %add3A_77 = arith.constant 384 : i32
    %add3A_78 = arith.addi %mul3A_76, %add3A_77 : i32
    "tpu.region"() ({
      %run_scoped3A = tpu.sem_alloc : memref<!tpu.dma_semaphore, #tpu.memory_space<semaphore_mem>>
      %dma_start3A_94 = arith.constant 0 : i32
      %dma_start3A_95 = tpu.memref_slice %arg17[%add3A_78, %dma_start3A_94] : memref<10240x64xbf16, #tpu.memory_space<vmem_shared>> -> memref<128x64xbf16, #tpu.memory_space<vmem_shared>>
      %dma_start3A_96 = arith.constant 0 : i32
      %dma_start3A_97 = tpu.memref_slice %arg17[%add3A_78, %dma_start3A_96] : memref<10240x64xbf16, #tpu.memory_space<vmem_shared>> -> memref<128x64xbf16, #tpu.memory_space<vmem_shared>>
      tpu.enqueue_dma source(%arg16 : memref<128x64xbf16, #tpu.memory_space<vmem>>) target(%dma_start3A_97 : memref<128x64xbf16, #tpu.memory_space<vmem_shared>>) target_semaphore(%run_scoped3A : memref<!tpu.dma_semaphore, #tpu.memory_space<semaphore_mem>>)
      %dma_wait3A = arith.constant 0 : i32
      %dma_wait3A_98 = tpu.memref_slice %arg17[%add3A_78, %dma_wait3A] : memref<10240x64xbf16, #tpu.memory_space<vmem_shared>> -> memref<128x64xbf16, #tpu.memory_space<vmem_shared>>
      %dma_wait3A_99 = arith.constant 0 : i32
      %dma_wait3A_100 = tpu.memref_slice %arg17[%add3A_78, %dma_wait3A_99] : memref<10240x64xbf16, #tpu.memory_space<vmem_shared>> -> memref<128x64xbf16, #tpu.memory_space<vmem_shared>>
      tpu.wait_dma2 semaphore(%run_scoped3A : memref<!tpu.dma_semaphore, #tpu.memory_space<semaphore_mem>>) src(%arg16 : memref<128x64xbf16, #tpu.memory_space<vmem>>) dst(%dma_wait3A_100 : memref<128x64xbf16, #tpu.memory_space<vmem_shared>>)
      tpu.yield
    }) : () -> ()
    %mul3A_79 = arith.constant 640 : i32
    %mul3A_80 = arith.muli %arg1, %mul3A_79 : i32
    %add3A_81 = arith.constant 512 : i32
    %add3A_82 = arith.addi %mul3A_80, %add3A_81 : i32
    "tpu.region"() ({
      %run_scoped3A = tpu.sem_alloc : memref<!tpu.dma_semaphore, #tpu.memory_space<semaphore_mem>>
      %dma_start3A_94 = arith.constant 0 : i32
      %dma_start3A_95 = tpu.memref_slice %arg17[%add3A_82, %dma_start3A_94] : memref<10240x64xbf16, #tpu.memory_space<vmem_shared>> -> memref<128x64xbf16, #tpu.memory_space<vmem_shared>>
      %dma_start3A_96 = arith.constant 0 : i32
      %dma_start3A_97 = tpu.memref_slice %arg17[%add3A_82, %dma_start3A_96] : memref<10240x64xbf16, #tpu.memory_space<vmem_shared>> -> memref<128x64xbf16, #tpu.memory_space<vmem_shared>>
      tpu.enqueue_dma source(%arg16 : memref<128x64xbf16, #tpu.memory_space<vmem>>) target(%dma_start3A_97 : memref<128x64xbf16, #tpu.memory_space<vmem_shared>>) target_semaphore(%run_scoped3A : memref<!tpu.dma_semaphore, #tpu.memory_space<semaphore_mem>>)
      %dma_wait3A = arith.constant 0 : i32
      %dma_wait3A_98 = tpu.memref_slice %arg17[%add3A_82, %dma_wait3A] : memref<10240x64xbf16, #tpu.memory_space<vmem_shared>> -> memref<128x64xbf16, #tpu.memory_space<vmem_shared>>
      %dma_wait3A_99 = arith.constant 0 : i32
      %dma_wait3A_100 = tpu.memref_slice %arg17[%add3A_82, %dma_wait3A_99] : memref<10240x64xbf16, #tpu.memory_space<vmem_shared>> -> memref<128x64xbf16, #tpu.memory_space<vmem_shared>>
      tpu.wait_dma2 semaphore(%run_scoped3A : memref<!tpu.dma_semaphore, #tpu.memory_space<semaphore_mem>>) src(%arg16 : memref<128x64xbf16, #tpu.memory_space<vmem>>) dst(%dma_wait3A_100 : memref<128x64xbf16, #tpu.memory_space<vmem_shared>>)
      tpu.yield
    }) : () -> ()
    %barrier3A = arith.constant 0 : index
    tpu.barrier barrier_id(%barrier3A)
    %scan3A_83 = arith.constant 0 : i32
    %scan3A_84 = arith.constant 0 : i32
    %scan3A_85 = arith.constant 10 : i32
    %scan3A_86 = arith.addi %scan3A_84, %scan3A_85 : i32
    %scan3A_87 = arith.constant 1 : i32
    scf.for %scan3A_94 = %scan3A_84 to %scan3A_86 step %scan3A_87  : i32 {
      %mul3A_95 = arith.constant 8 : i32
      %mul3A_96 = arith.muli %scan3A_94, %mul3A_95 : i32
      %add3A_97 = arith.constant 0 : i32
      %add3A_98 = arith.addi %mul3A_96, %add3A_97 : i32
      %dma_wait3A = arith.constant 0 : i32
      %dma_wait3A_99 = tpu.memref_slice %arg6[%add3A_98, %dma_wait3A] : memref<80x125xi32, #tpu.memory_space<vmem>> -> memref<1x125xi32, #tpu.memory_space<vmem>>
      %dma_wait3A_100 = tpu.memref_squeeze %dma_wait3A_99 : memref<1x125xi32, #tpu.memory_space<vmem>> -> memref<125xi32, #tpu.memory_space<vmem>>
      %dma_wait3A_101 = arith.constant 0 : i32
      %dma_wait3A_102 = arith.constant 0 : i32
      %dma_wait3A_103 = tpu.memref_slice %arg2[%dma_wait3A_101, %dma_wait3A_102] : memref<10000x64xbf16, #tpu.memory_space<hbm>> -> memref<10000x64xbf16, #tpu.memory_space<hbm>>
      tpu.wait_indirect_dma semaphore(%arg18 : memref<!tpu.dma_semaphore, #tpu.memory_space<semaphore_mem>>) src(%dma_wait3A_103 : memref<10000x64xbf16, #tpu.memory_space<hbm>>) dst(%arg8 : memref<125x64xbf16, #tpu.memory_space<vmem>>)
      "tpu.region"() ({
        %run_scoped3A = tpu.sem_alloc : memref<!tpu.dma_semaphore, #tpu.memory_space<semaphore_mem>>
        %dma_start3A_227 = arith.constant 0 : i32
        %dma_start3A_228 = tpu.memref_slice %arg7[%add3A_98, %dma_start3A_227] : memref<80x125xi32, #tpu.memory_space<vmem>> -> memref<1x125xi32, #tpu.memory_space<vmem>>
        %dma_start3A_229 = tpu.memref_squeeze %dma_start3A_228 : memref<1x125xi32, #tpu.memory_space<vmem>> -> memref<125xi32, #tpu.memory_space<vmem>>
        %dma_start3A_230 = arith.constant 0 : i32
        %dma_start3A_231 = arith.constant 0 : i32
        %dma_start3A_232 = tpu.memref_slice %arg17[%dma_start3A_230, %dma_start3A_231] : memref<10240x64xbf16, #tpu.memory_space<vmem_shared>> -> memref<10240x64xbf16, #tpu.memory_space<vmem_shared>>
        tpu.enqueue_indirect_dma source(%arg8 : memref<125x64xbf16, #tpu.memory_space<vmem>>) target(%dma_start3A_232 : memref<10240x64xbf16, #tpu.memory_space<vmem_shared>>) offsets(%dma_start3A_229 : memref<125xi32, #tpu.memory_space<vmem>>) semaphore(%run_scoped3A : memref<!tpu.dma_semaphore, #tpu.memory_space<semaphore_mem>>) {add = true}
        %dma_wait3A_233 = arith.constant 0 : i32
        %dma_wait3A_234 = tpu.memref_slice %arg7[%add3A_98, %dma_wait3A_233] : memref<80x125xi32, #tpu.memory_space<vmem>> -> memref<1x125xi32, #tpu.memory_space<vmem>>
        %dma_wait3A_235 = tpu.memref_squeeze %dma_wait3A_234 : memref<1x125xi32, #tpu.memory_space<vmem>> -> memref<125xi32, #tpu.memory_space<vmem>>
        %dma_wait3A_236 = arith.constant 0 : i32
        %dma_wait3A_237 = arith.constant 0 : i32
        %dma_wait3A_238 = tpu.memref_slice %arg17[%dma_wait3A_236, %dma_wait3A_237] : memref<10240x64xbf16, #tpu.memory_space<vmem_shared>> -> memref<10240x64xbf16, #tpu.memory_space<vmem_shared>>
        tpu.wait_indirect_dma semaphore(%run_scoped3A : memref<!tpu.dma_semaphore, #tpu.memory_space<semaphore_mem>>) src(%arg8 : memref<125x64xbf16, #tpu.memory_space<vmem>>) dst(%dma_wait3A_238 : memref<10240x64xbf16, #tpu.memory_space<vmem_shared>>)
        tpu.yield
      }) : () -> ()
      %add3A_104 = arith.constant 8 : i32
      %add3A_105 = arith.addi %add3A_98, %add3A_104 : i32
      %lt3A = arith.constant 80 : i32
      %lt3A_106 = arith.cmpi slt, %add3A_105, %lt3A : i32
      %convert_element_type3A = arith.extui %lt3A_106 : i1 to i32
      %cond3A = arith.constant 0 : i32
      %cond3A_107 = arith.cmpi ne, %convert_element_type3A, %cond3A : i32
      scf.if %cond3A_107 {
        %add3A_227 = arith.constant 8 : i32
        %add3A_228 = arith.addi %add3A_98, %add3A_227 : i32
        %dma_start3A_229 = arith.constant 0 : i32
        %dma_start3A_230 = tpu.memref_slice %arg6[%add3A_228, %dma_start3A_229] : memref<80x125xi32, #tpu.memory_space<vmem>> -> memref<1x125xi32, #tpu.memory_space<vmem>>
        %dma_start3A_231 = tpu.memref_squeeze %dma_start3A_230 : memref<1x125xi32, #tpu.memory_space<vmem>> -> memref<125xi32, #tpu.memory_space<vmem>>
        %dma_start3A_232 = arith.constant 0 : i32
        %dma_start3A_233 = arith.constant 0 : i32
        %dma_start3A_234 = tpu.memref_slice %arg2[%dma_start3A_232, %dma_start3A_233] : memref<10000x64xbf16, #tpu.memory_space<hbm>> -> memref<10000x64xbf16, #tpu.memory_space<hbm>>
        tpu.enqueue_indirect_dma source(%dma_start3A_234 : memref<10000x64xbf16, #tpu.memory_space<hbm>>) target(%arg8 : memref<125x64xbf16, #tpu.memory_space<vmem>>) offsets(%dma_start3A_231 : memref<125xi32, #tpu.memory_space<vmem>>) semaphore(%arg18 : memref<!tpu.dma_semaphore, #tpu.memory_space<semaphore_mem>>)
      } else {
      }
      %mul3A_108 = arith.constant 8 : i32
      %mul3A_109 = arith.muli %scan3A_94, %mul3A_108 : i32
      %add3A_110 = arith.constant 1 : i32
      %add3A_111 = arith.addi %mul3A_109, %add3A_110 : i32
      %dma_wait3A_112 = arith.constant 0 : i32
      %dma_wait3A_113 = tpu.memref_slice %arg6[%add3A_111, %dma_wait3A_112] : memref<80x125xi32, #tpu.memory_space<vmem>> -> memref<1x125xi32, #tpu.memory_space<vmem>>
      %dma_wait3A_114 = tpu.memref_squeeze %dma_wait3A_113 : memref<1x125xi32, #tpu.memory_space<vmem>> -> memref<125xi32, #tpu.memory_space<vmem>>
      %dma_wait3A_115 = arith.constant 0 : i32
      %dma_wait3A_116 = arith.constant 0 : i32
      %dma_wait3A_117 = tpu.memref_slice %arg2[%dma_wait3A_115, %dma_wait3A_116] : memref<10000x64xbf16, #tpu.memory_space<hbm>> -> memref<10000x64xbf16, #tpu.memory_space<hbm>>
      tpu.wait_indirect_dma semaphore(%arg19 : memref<!tpu.dma_semaphore, #tpu.memory_space<semaphore_mem>>) src(%dma_wait3A_117 : memref<10000x64xbf16, #tpu.memory_space<hbm>>) dst(%arg9 : memref<125x64xbf16, #tpu.memory_space<vmem>>)
      "tpu.region"() ({
        %run_scoped3A = tpu.sem_alloc : memref<!tpu.dma_semaphore, #tpu.memory_space<semaphore_mem>>
        %dma_start3A_227 = arith.constant 0 : i32
        %dma_start3A_228 = tpu.memref_slice %arg7[%add3A_111, %dma_start3A_227] : memref<80x125xi32, #tpu.memory_space<vmem>> -> memref<1x125xi32, #tpu.memory_space<vmem>>
        %dma_start3A_229 = tpu.memref_squeeze %dma_start3A_228 : memref<1x125xi32, #tpu.memory_space<vmem>> -> memref<125xi32, #tpu.memory_space<vmem>>
        %dma_start3A_230 = arith.constant 0 : i32
        %dma_start3A_231 = arith.constant 0 : i32
        %dma_start3A_232 = tpu.memref_slice %arg17[%dma_start3A_230, %dma_start3A_231] : memref<10240x64xbf16, #tpu.memory_space<vmem_shared>> -> memref<10240x64xbf16, #tpu.memory_space<vmem_shared>>
        tpu.enqueue_indirect_dma source(%arg9 : memref<125x64xbf16, #tpu.memory_space<vmem>>) target(%dma_start3A_232 : memref<10240x64xbf16, #tpu.memory_space<vmem_shared>>) offsets(%dma_start3A_229 : memref<125xi32, #tpu.memory_space<vmem>>) semaphore(%run_scoped3A : memref<!tpu.dma_semaphore, #tpu.memory_space<semaphore_mem>>) {add = true}
        %dma_wait3A_233 = arith.constant 0 : i32
        %dma_wait3A_234 = tpu.memref_slice %arg7[%add3A_111, %dma_wait3A_233] : memref<80x125xi32, #tpu.memory_space<vmem>> -> memref<1x125xi32, #tpu.memory_space<vmem>>
        %dma_wait3A_235 = tpu.memref_squeeze %dma_wait3A_234 : memref<1x125xi32, #tpu.memory_space<vmem>> -> memref<125xi32, #tpu.memory_space<vmem>>
        %dma_wait3A_236 = arith.constant 0 : i32
        %dma_wait3A_237 = arith.constant 0 : i32
        %dma_wait3A_238 = tpu.memref_slice %arg17[%dma_wait3A_236, %dma_wait3A_237] : memref<10240x64xbf16, #tpu.memory_space<vmem_shared>> -> memref<10240x64xbf16, #tpu.memory_space<vmem_shared>>
        tpu.wait_indirect_dma semaphore(%run_scoped3A : memref<!tpu.dma_semaphore, #tpu.memory_space<semaphore_mem>>) src(%arg9 : memref<125x64xbf16, #tpu.memory_space<vmem>>) dst(%dma_wait3A_238 : memref<10240x64xbf16, #tpu.memory_space<vmem_shared>>)
        tpu.yield
      }) : () -> ()
      %add3A_118 = arith.constant 8 : i32
      %add3A_119 = arith.addi %add3A_111, %add3A_118 : i32
      %lt3A_120 = arith.constant 80 : i32
      %lt3A_121 = arith.cmpi slt, %add3A_119, %lt3A_120 : i32
      %convert_element_type3A_122 = arith.extui %lt3A_121 : i1 to i32
      %cond3A_123 = arith.constant 0 : i32
      %cond3A_124 = arith.cmpi ne, %convert_element_type3A_122, %cond3A_123 : i32
      scf.if %cond3A_124 {
        %add3A_227 = arith.constant 8 : i32
        %add3A_228 = arith.addi %add3A_111, %add3A_227 : i32
        %dma_start3A_229 = arith.constant 0 : i32
        %dma_start3A_230 = tpu.memref_slice %arg6[%add3A_228, %dma_start3A_229] : memref<80x125xi32, #tpu.memory_space<vmem>> -> memref<1x125xi32, #tpu.memory_space<vmem>>
        %dma_start3A_231 = tpu.memref_squeeze %dma_start3A_230 : memref<1x125xi32, #tpu.memory_space<vmem>> -> memref<125xi32, #tpu.memory_space<vmem>>
        %dma_start3A_232 = arith.constant 0 : i32
        %dma_start3A_233 = arith.constant 0 : i32
        %dma_start3A_234 = tpu.memref_slice %arg2[%dma_start3A_232, %dma_start3A_233] : memref<10000x64xbf16, #tpu.memory_space<hbm>> -> memref<10000x64xbf16, #tpu.memory_space<hbm>>
        tpu.enqueue_indirect_dma source(%dma_start3A_234 : memref<10000x64xbf16, #tpu.memory_space<hbm>>) target(%arg9 : memref<125x64xbf16, #tpu.memory_space<vmem>>) offsets(%dma_start3A_231 : memref<125xi32, #tpu.memory_space<vmem>>) semaphore(%arg19 : memref<!tpu.dma_semaphore, #tpu.memory_space<semaphore_mem>>)
      } else {
      }
      %mul3A_125 = arith.constant 8 : i32
      %mul3A_126 = arith.muli %scan3A_94, %mul3A_125 : i32
      %add3A_127 = arith.constant 2 : i32
      %add3A_128 = arith.addi %mul3A_126, %add3A_127 : i32
      %dma_wait3A_129 = arith.constant 0 : i32
      %dma_wait3A_130 = tpu.memref_slice %arg6[%add3A_128, %dma_wait3A_129] : memref<80x125xi32, #tpu.memory_space<vmem>> -> memref<1x125xi32, #tpu.memory_space<vmem>>
      %dma_wait3A_131 = tpu.memref_squeeze %dma_wait3A_130 : memref<1x125xi32, #tpu.memory_space<vmem>> -> memref<125xi32, #tpu.memory_space<vmem>>
      %dma_wait3A_132 = arith.constant 0 : i32
      %dma_wait3A_133 = arith.constant 0 : i32
      %dma_wait3A_134 = tpu.memref_slice %arg2[%dma_wait3A_132, %dma_wait3A_133] : memref<10000x64xbf16, #tpu.memory_space<hbm>> -> memref<10000x64xbf16, #tpu.memory_space<hbm>>
      tpu.wait_indirect_dma semaphore(%arg20 : memref<!tpu.dma_semaphore, #tpu.memory_space<semaphore_mem>>) src(%dma_wait3A_134 : memref<10000x64xbf16, #tpu.memory_space<hbm>>) dst(%arg10 : memref<125x64xbf16, #tpu.memory_space<vmem>>)
      "tpu.region"() ({
        %run_scoped3A = tpu.sem_alloc : memref<!tpu.dma_semaphore, #tpu.memory_space<semaphore_mem>>
        %dma_start3A_227 = arith.constant 0 : i32
        %dma_start3A_228 = tpu.memref_slice %arg7[%add3A_128, %dma_start3A_227] : memref<80x125xi32, #tpu.memory_space<vmem>> -> memref<1x125xi32, #tpu.memory_space<vmem>>
        %dma_start3A_229 = tpu.memref_squeeze %dma_start3A_228 : memref<1x125xi32, #tpu.memory_space<vmem>> -> memref<125xi32, #tpu.memory_space<vmem>>
        %dma_start3A_230 = arith.constant 0 : i32
        %dma_start3A_231 = arith.constant 0 : i32
        %dma_start3A_232 = tpu.memref_slice %arg17[%dma_start3A_230, %dma_start3A_231] : memref<10240x64xbf16, #tpu.memory_space<vmem_shared>> -> memref<10240x64xbf16, #tpu.memory_space<vmem_shared>>
        tpu.enqueue_indirect_dma source(%arg10 : memref<125x64xbf16, #tpu.memory_space<vmem>>) target(%dma_start3A_232 : memref<10240x64xbf16, #tpu.memory_space<vmem_shared>>) offsets(%dma_start3A_229 : memref<125xi32, #tpu.memory_space<vmem>>) semaphore(%run_scoped3A : memref<!tpu.dma_semaphore, #tpu.memory_space<semaphore_mem>>) {add = true}
        %dma_wait3A_233 = arith.constant 0 : i32
        %dma_wait3A_234 = tpu.memref_slice %arg7[%add3A_128, %dma_wait3A_233] : memref<80x125xi32, #tpu.memory_space<vmem>> -> memref<1x125xi32, #tpu.memory_space<vmem>>
        %dma_wait3A_235 = tpu.memref_squeeze %dma_wait3A_234 : memref<1x125xi32, #tpu.memory_space<vmem>> -> memref<125xi32, #tpu.memory_space<vmem>>
        %dma_wait3A_236 = arith.constant 0 : i32
        %dma_wait3A_237 = arith.constant 0 : i32
        %dma_wait3A_238 = tpu.memref_slice %arg17[%dma_wait3A_236, %dma_wait3A_237] : memref<10240x64xbf16, #tpu.memory_space<vmem_shared>> -> memref<10240x64xbf16, #tpu.memory_space<vmem_shared>>
        tpu.wait_indirect_dma semaphore(%run_scoped3A : memref<!tpu.dma_semaphore, #tpu.memory_space<semaphore_mem>>) src(%arg10 : memref<125x64xbf16, #tpu.memory_space<vmem>>) dst(%dma_wait3A_238 : memref<10240x64xbf16, #tpu.memory_space<vmem_shared>>)
        tpu.yield
      }) : () -> ()
      %add3A_135 = arith.constant 8 : i32
      %add3A_136 = arith.addi %add3A_128, %add3A_135 : i32
      %lt3A_137 = arith.constant 80 : i32
      %lt3A_138 = arith.cmpi slt, %add3A_136, %lt3A_137 : i32
      %convert_element_type3A_139 = arith.extui %lt3A_138 : i1 to i32
      %cond3A_140 = arith.constant 0 : i32
      %cond3A_141 = arith.cmpi ne, %convert_element_type3A_139, %cond3A_140 : i32
      scf.if %cond3A_141 {
        %add3A_227 = arith.constant 8 : i32
        %add3A_228 = arith.addi %add3A_128, %add3A_227 : i32
        %dma_start3A_229 = arith.constant 0 : i32
        %dma_start3A_230 = tpu.memref_slice %arg6[%add3A_228, %dma_start3A_229] : memref<80x125xi32, #tpu.memory_space<vmem>> -> memref<1x125xi32, #tpu.memory_space<vmem>>
        %dma_start3A_231 = tpu.memref_squeeze %dma_start3A_230 : memref<1x125xi32, #tpu.memory_space<vmem>> -> memref<125xi32, #tpu.memory_space<vmem>>
        %dma_start3A_232 = arith.constant 0 : i32
        %dma_start3A_233 = arith.constant 0 : i32
        %dma_start3A_234 = tpu.memref_slice %arg2[%dma_start3A_232, %dma_start3A_233] : memref<10000x64xbf16, #tpu.memory_space<hbm>> -> memref<10000x64xbf16, #tpu.memory_space<hbm>>
        tpu.enqueue_indirect_dma source(%dma_start3A_234 : memref<10000x64xbf16, #tpu.memory_space<hbm>>) target(%arg10 : memref<125x64xbf16, #tpu.memory_space<vmem>>) offsets(%dma_start3A_231 : memref<125xi32, #tpu.memory_space<vmem>>) semaphore(%arg20 : memref<!tpu.dma_semaphore, #tpu.memory_space<semaphore_mem>>)
      } else {
      }
      %mul3A_142 = arith.constant 8 : i32
      %mul3A_143 = arith.muli %scan3A_94, %mul3A_142 : i32
      %add3A_144 = arith.constant 3 : i32
      %add3A_145 = arith.addi %mul3A_143, %add3A_144 : i32
      %dma_wait3A_146 = arith.constant 0 : i32
      %dma_wait3A_147 = tpu.memref_slice %arg6[%add3A_145, %dma_wait3A_146] : memref<80x125xi32, #tpu.memory_space<vmem>> -> memref<1x125xi32, #tpu.memory_space<vmem>>
      %dma_wait3A_148 = tpu.memref_squeeze %dma_wait3A_147 : memref<1x125xi32, #tpu.memory_space<vmem>> -> memref<125xi32, #tpu.memory_space<vmem>>
      %dma_wait3A_149 = arith.constant 0 : i32
      %dma_wait3A_150 = arith.constant 0 : i32
      %dma_wait3A_151 = tpu.memref_slice %arg2[%dma_wait3A_149, %dma_wait3A_150] : memref<10000x64xbf16, #tpu.memory_space<hbm>> -> memref<10000x64xbf16, #tpu.memory_space<hbm>>
      tpu.wait_indirect_dma semaphore(%arg21 : memref<!tpu.dma_semaphore, #tpu.memory_space<semaphore_mem>>) src(%dma_wait3A_151 : memref<10000x64xbf16, #tpu.memory_space<hbm>>) dst(%arg11 : memref<125x64xbf16, #tpu.memory_space<vmem>>)
      "tpu.region"() ({
        %run_scoped3A = tpu.sem_alloc : memref<!tpu.dma_semaphore, #tpu.memory_space<semaphore_mem>>
        %dma_start3A_227 = arith.constant 0 : i32
        %dma_start3A_228 = tpu.memref_slice %arg7[%add3A_145, %dma_start3A_227] : memref<80x125xi32, #tpu.memory_space<vmem>> -> memref<1x125xi32, #tpu.memory_space<vmem>>
        %dma_start3A_229 = tpu.memref_squeeze %dma_start3A_228 : memref<1x125xi32, #tpu.memory_space<vmem>> -> memref<125xi32, #tpu.memory_space<vmem>>
        %dma_start3A_230 = arith.constant 0 : i32
        %dma_start3A_231 = arith.constant 0 : i32
        %dma_start3A_232 = tpu.memref_slice %arg17[%dma_start3A_230, %dma_start3A_231] : memref<10240x64xbf16, #tpu.memory_space<vmem_shared>> -> memref<10240x64xbf16, #tpu.memory_space<vmem_shared>>
        tpu.enqueue_indirect_dma source(%arg11 : memref<125x64xbf16, #tpu.memory_space<vmem>>) target(%dma_start3A_232 : memref<10240x64xbf16, #tpu.memory_space<vmem_shared>>) offsets(%dma_start3A_229 : memref<125xi32, #tpu.memory_space<vmem>>) semaphore(%run_scoped3A : memref<!tpu.dma_semaphore, #tpu.memory_space<semaphore_mem>>) {add = true}
        %dma_wait3A_233 = arith.constant 0 : i32
        %dma_wait3A_234 = tpu.memref_slice %arg7[%add3A_145, %dma_wait3A_233] : memref<80x125xi32, #tpu.memory_space<vmem>> -> memref<1x125xi32, #tpu.memory_space<vmem>>
        %dma_wait3A_235 = tpu.memref_squeeze %dma_wait3A_234 : memref<1x125xi32, #tpu.memory_space<vmem>> -> memref<125xi32, #tpu.memory_space<vmem>>
        %dma_wait3A_236 = arith.constant 0 : i32
        %dma_wait3A_237 = arith.constant 0 : i32
        %dma_wait3A_238 = tpu.memref_slice %arg17[%dma_wait3A_236, %dma_wait3A_237] : memref<10240x64xbf16, #tpu.memory_space<vmem_shared>> -> memref<10240x64xbf16, #tpu.memory_space<vmem_shared>>
        tpu.wait_indirect_dma semaphore(%run_scoped3A : memref<!tpu.dma_semaphore, #tpu.memory_space<semaphore_mem>>) src(%arg11 : memref<125x64xbf16, #tpu.memory_space<vmem>>) dst(%dma_wait3A_238 : memref<10240x64xbf16, #tpu.memory_space<vmem_shared>>)
        tpu.yield
      }) : () -> ()
      %add3A_152 = arith.constant 8 : i32
      %add3A_153 = arith.addi %add3A_145, %add3A_152 : i32
      %lt3A_154 = arith.constant 80 : i32
      %lt3A_155 = arith.cmpi slt, %add3A_153, %lt3A_154 : i32
      %convert_element_type3A_156 = arith.extui %lt3A_155 : i1 to i32
      %cond3A_157 = arith.constant 0 : i32
      %cond3A_158 = arith.cmpi ne, %convert_element_type3A_156, %cond3A_157 : i32
      scf.if %cond3A_158 {
        %add3A_227 = arith.constant 8 : i32
        %add3A_228 = arith.addi %add3A_145, %add3A_227 : i32
        %dma_start3A_229 = arith.constant 0 : i32
        %dma_start3A_230 = tpu.memref_slice %arg6[%add3A_228, %dma_start3A_229] : memref<80x125xi32, #tpu.memory_space<vmem>> -> memref<1x125xi32, #tpu.memory_space<vmem>>
        %dma_start3A_231 = tpu.memref_squeeze %dma_start3A_230 : memref<1x125xi32, #tpu.memory_space<vmem>> -> memref<125xi32, #tpu.memory_space<vmem>>
        %dma_start3A_232 = arith.constant 0 : i32
        %dma_start3A_233 = arith.constant 0 : i32
        %dma_start3A_234 = tpu.memref_slice %arg2[%dma_start3A_232, %dma_start3A_233] : memref<10000x64xbf16, #tpu.memory_space<hbm>> -> memref<10000x64xbf16, #tpu.memory_space<hbm>>
        tpu.enqueue_indirect_dma source(%dma_start3A_234 : memref<10000x64xbf16, #tpu.memory_space<hbm>>) target(%arg11 : memref<125x64xbf16, #tpu.memory_space<vmem>>) offsets(%dma_start3A_231 : memref<125xi32, #tpu.memory_space<vmem>>) semaphore(%arg21 : memref<!tpu.dma_semaphore, #tpu.memory_space<semaphore_mem>>)
      } else {
      }
      %mul3A_159 = arith.constant 8 : i32
      %mul3A_160 = arith.muli %scan3A_94, %mul3A_159 : i32
      %add3A_161 = arith.constant 4 : i32
      %add3A_162 = arith.addi %mul3A_160, %add3A_161 : i32
      %dma_wait3A_163 = arith.constant 0 : i32
      %dma_wait3A_164 = tpu.memref_slice %arg6[%add3A_162, %dma_wait3A_163] : memref<80x125xi32, #tpu.memory_space<vmem>> -> memref<1x125xi32, #tpu.memory_space<vmem>>
      %dma_wait3A_165 = tpu.memref_squeeze %dma_wait3A_164 : memref<1x125xi32, #tpu.memory_space<vmem>> -> memref<125xi32, #tpu.memory_space<vmem>>
      %dma_wait3A_166 = arith.constant 0 : i32
      %dma_wait3A_167 = arith.constant 0 : i32
      %dma_wait3A_168 = tpu.memref_slice %arg2[%dma_wait3A_166, %dma_wait3A_167] : memref<10000x64xbf16, #tpu.memory_space<hbm>> -> memref<10000x64xbf16, #tpu.memory_space<hbm>>
      tpu.wait_indirect_dma semaphore(%arg22 : memref<!tpu.dma_semaphore, #tpu.memory_space<semaphore_mem>>) src(%dma_wait3A_168 : memref<10000x64xbf16, #tpu.memory_space<hbm>>) dst(%arg12 : memref<125x64xbf16, #tpu.memory_space<vmem>>)
      "tpu.region"() ({
        %run_scoped3A = tpu.sem_alloc : memref<!tpu.dma_semaphore, #tpu.memory_space<semaphore_mem>>
        %dma_start3A_227 = arith.constant 0 : i32
        %dma_start3A_228 = tpu.memref_slice %arg7[%add3A_162, %dma_start3A_227] : memref<80x125xi32, #tpu.memory_space<vmem>> -> memref<1x125xi32, #tpu.memory_space<vmem>>
        %dma_start3A_229 = tpu.memref_squeeze %dma_start3A_228 : memref<1x125xi32, #tpu.memory_space<vmem>> -> memref<125xi32, #tpu.memory_space<vmem>>
        %dma_start3A_230 = arith.constant 0 : i32
        %dma_start3A_231 = arith.constant 0 : i32
        %dma_start3A_232 = tpu.memref_slice %arg17[%dma_start3A_230, %dma_start3A_231] : memref<10240x64xbf16, #tpu.memory_space<vmem_shared>> -> memref<10240x64xbf16, #tpu.memory_space<vmem_shared>>
        tpu.enqueue_indirect_dma source(%arg12 : memref<125x64xbf16, #tpu.memory_space<vmem>>) target(%dma_start3A_232 : memref<10240x64xbf16, #tpu.memory_space<vmem_shared>>) offsets(%dma_start3A_229 : memref<125xi32, #tpu.memory_space<vmem>>) semaphore(%run_scoped3A : memref<!tpu.dma_semaphore, #tpu.memory_space<semaphore_mem>>) {add = true}
        %dma_wait3A_233 = arith.constant 0 : i32
        %dma_wait3A_234 = tpu.memref_slice %arg7[%add3A_162, %dma_wait3A_233] : memref<80x125xi32, #tpu.memory_space<vmem>> -> memref<1x125xi32, #tpu.memory_space<vmem>>
        %dma_wait3A_235 = tpu.memref_squeeze %dma_wait3A_234 : memref<1x125xi32, #tpu.memory_space<vmem>> -> memref<125xi32, #tpu.memory_space<vmem>>
        %dma_wait3A_236 = arith.constant 0 : i32
        %dma_wait3A_237 = arith.constant 0 : i32
        %dma_wait3A_238 = tpu.memref_slice %arg17[%dma_wait3A_236, %dma_wait3A_237] : memref<10240x64xbf16, #tpu.memory_space<vmem_shared>> -> memref<10240x64xbf16, #tpu.memory_space<vmem_shared>>
        tpu.wait_indirect_dma semaphore(%run_scoped3A : memref<!tpu.dma_semaphore, #tpu.memory_space<semaphore_mem>>) src(%arg12 : memref<125x64xbf16, #tpu.memory_space<vmem>>) dst(%dma_wait3A_238 : memref<10240x64xbf16, #tpu.memory_space<vmem_shared>>)
        tpu.yield
      }) : () -> ()
      %add3A_169 = arith.constant 8 : i32
      %add3A_170 = arith.addi %add3A_162, %add3A_169 : i32
      %lt3A_171 = arith.constant 80 : i32
      %lt3A_172 = arith.cmpi slt, %add3A_170, %lt3A_171 : i32
      %convert_element_type3A_173 = arith.extui %lt3A_172 : i1 to i32
      %cond3A_174 = arith.constant 0 : i32
      %cond3A_175 = arith.cmpi ne, %convert_element_type3A_173, %cond3A_174 : i32
      scf.if %cond3A_175 {
        %add3A_227 = arith.constant 8 : i32
        %add3A_228 = arith.addi %add3A_162, %add3A_227 : i32
        %dma_start3A_229 = arith.constant 0 : i32
        %dma_start3A_230 = tpu.memref_slice %arg6[%add3A_228, %dma_start3A_229] : memref<80x125xi32, #tpu.memory_space<vmem>> -> memref<1x125xi32, #tpu.memory_space<vmem>>
        %dma_start3A_231 = tpu.memref_squeeze %dma_start3A_230 : memref<1x125xi32, #tpu.memory_space<vmem>> -> memref<125xi32, #tpu.memory_space<vmem>>
        %dma_start3A_232 = arith.constant 0 : i32
        %dma_start3A_233 = arith.constant 0 : i32
        %dma_start3A_234 = tpu.memref_slice %arg2[%dma_start3A_232, %dma_start3A_233] : memref<10000x64xbf16, #tpu.memory_space<hbm>> -> memref<10000x64xbf16, #tpu.memory_space<hbm>>
        tpu.enqueue_indirect_dma source(%dma_start3A_234 : memref<10000x64xbf16, #tpu.memory_space<hbm>>) target(%arg12 : memref<125x64xbf16, #tpu.memory_space<vmem>>) offsets(%dma_start3A_231 : memref<125xi32, #tpu.memory_space<vmem>>) semaphore(%arg22 : memref<!tpu.dma_semaphore, #tpu.memory_space<semaphore_mem>>)
      } else {
      }
      %mul3A_176 = arith.constant 8 : i32
      %mul3A_177 = arith.muli %scan3A_94, %mul3A_176 : i32
      %add3A_178 = arith.constant 5 : i32
      %add3A_179 = arith.addi %mul3A_177, %add3A_178 : i32
      %dma_wait3A_180 = arith.constant 0 : i32
      %dma_wait3A_181 = tpu.memref_slice %arg6[%add3A_179, %dma_wait3A_180] : memref<80x125xi32, #tpu.memory_space<vmem>> -> memref<1x125xi32, #tpu.memory_space<vmem>>
      %dma_wait3A_182 = tpu.memref_squeeze %dma_wait3A_181 : memref<1x125xi32, #tpu.memory_space<vmem>> -> memref<125xi32, #tpu.memory_space<vmem>>
      %dma_wait3A_183 = arith.constant 0 : i32
      %dma_wait3A_184 = arith.constant 0 : i32
      %dma_wait3A_185 = tpu.memref_slice %arg2[%dma_wait3A_183, %dma_wait3A_184] : memref<10000x64xbf16, #tpu.memory_space<hbm>> -> memref<10000x64xbf16, #tpu.memory_space<hbm>>
      tpu.wait_indirect_dma semaphore(%arg23 : memref<!tpu.dma_semaphore, #tpu.memory_space<semaphore_mem>>) src(%dma_wait3A_185 : memref<10000x64xbf16, #tpu.memory_space<hbm>>) dst(%arg13 : memref<125x64xbf16, #tpu.memory_space<vmem>>)
      "tpu.region"() ({
        %run_scoped3A = tpu.sem_alloc : memref<!tpu.dma_semaphore, #tpu.memory_space<semaphore_mem>>
        %dma_start3A_227 = arith.constant 0 : i32
        %dma_start3A_228 = tpu.memref_slice %arg7[%add3A_179, %dma_start3A_227] : memref<80x125xi32, #tpu.memory_space<vmem>> -> memref<1x125xi32, #tpu.memory_space<vmem>>
        %dma_start3A_229 = tpu.memref_squeeze %dma_start3A_228 : memref<1x125xi32, #tpu.memory_space<vmem>> -> memref<125xi32, #tpu.memory_space<vmem>>
        %dma_start3A_230 = arith.constant 0 : i32
        %dma_start3A_231 = arith.constant 0 : i32
        %dma_start3A_232 = tpu.memref_slice %arg17[%dma_start3A_230, %dma_start3A_231] : memref<10240x64xbf16, #tpu.memory_space<vmem_shared>> -> memref<10240x64xbf16, #tpu.memory_space<vmem_shared>>
        tpu.enqueue_indirect_dma source(%arg13 : memref<125x64xbf16, #tpu.memory_space<vmem>>) target(%dma_start3A_232 : memref<10240x64xbf16, #tpu.memory_space<vmem_shared>>) offsets(%dma_start3A_229 : memref<125xi32, #tpu.memory_space<vmem>>) semaphore(%run_scoped3A : memref<!tpu.dma_semaphore, #tpu.memory_space<semaphore_mem>>) {add = true}
        %dma_wait3A_233 = arith.constant 0 : i32
        %dma_wait3A_234 = tpu.memref_slice %arg7[%add3A_179, %dma_wait3A_233] : memref<80x125xi32, #tpu.memory_space<vmem>> -> memref<1x125xi32, #tpu.memory_space<vmem>>
        %dma_wait3A_235 = tpu.memref_squeeze %dma_wait3A_234 : memref<1x125xi32, #tpu.memory_space<vmem>> -> memref<125xi32, #tpu.memory_space<vmem>>
        %dma_wait3A_236 = arith.constant 0 : i32
        %dma_wait3A_237 = arith.constant 0 : i32
        %dma_wait3A_238 = tpu.memref_slice %arg17[%dma_wait3A_236, %dma_wait3A_237] : memref<10240x64xbf16, #tpu.memory_space<vmem_shared>> -> memref<10240x64xbf16, #tpu.memory_space<vmem_shared>>
        tpu.wait_indirect_dma semaphore(%run_scoped3A : memref<!tpu.dma_semaphore, #tpu.memory_space<semaphore_mem>>) src(%arg13 : memref<125x64xbf16, #tpu.memory_space<vmem>>) dst(%dma_wait3A_238 : memref<10240x64xbf16, #tpu.memory_space<vmem_shared>>)
        tpu.yield
      }) : () -> ()
      %add3A_186 = arith.constant 8 : i32
      %add3A_187 = arith.addi %add3A_179, %add3A_186 : i32
      %lt3A_188 = arith.constant 80 : i32
      %lt3A_189 = arith.cmpi slt, %add3A_187, %lt3A_188 : i32
      %convert_element_type3A_190 = arith.extui %lt3A_189 : i1 to i32
      %cond3A_191 = arith.constant 0 : i32
      %cond3A_192 = arith.cmpi ne, %convert_element_type3A_190, %cond3A_191 : i32
      scf.if %cond3A_192 {
        %add3A_227 = arith.constant 8 : i32
        %add3A_228 = arith.addi %add3A_179, %add3A_227 : i32
        %dma_start3A_229 = arith.constant 0 : i32
        %dma_start3A_230 = tpu.memref_slice %arg6[%add3A_228, %dma_start3A_229] : memref<80x125xi32, #tpu.memory_space<vmem>> -> memref<1x125xi32, #tpu.memory_space<vmem>>
        %dma_start3A_231 = tpu.memref_squeeze %dma_start3A_230 : memref<1x125xi32, #tpu.memory_space<vmem>> -> memref<125xi32, #tpu.memory_space<vmem>>
        %dma_start3A_232 = arith.constant 0 : i32
        %dma_start3A_233 = arith.constant 0 : i32
        %dma_start3A_234 = tpu.memref_slice %arg2[%dma_start3A_232, %dma_start3A_233] : memref<10000x64xbf16, #tpu.memory_space<hbm>> -> memref<10000x64xbf16, #tpu.memory_space<hbm>>
        tpu.enqueue_indirect_dma source(%dma_start3A_234 : memref<10000x64xbf16, #tpu.memory_space<hbm>>) target(%arg13 : memref<125x64xbf16, #tpu.memory_space<vmem>>) offsets(%dma_start3A_231 : memref<125xi32, #tpu.memory_space<vmem>>) semaphore(%arg23 : memref<!tpu.dma_semaphore, #tpu.memory_space<semaphore_mem>>)
      } else {
      }
      %mul3A_193 = arith.constant 8 : i32
      %mul3A_194 = arith.muli %scan3A_94, %mul3A_193 : i32
      %add3A_195 = arith.constant 6 : i32
      %add3A_196 = arith.addi %mul3A_194, %add3A_195 : i32
      %dma_wait3A_197 = arith.constant 0 : i32
      %dma_wait3A_198 = tpu.memref_slice %arg6[%add3A_196, %dma_wait3A_197] : memref<80x125xi32, #tpu.memory_space<vmem>> -> memref<1x125xi32, #tpu.memory_space<vmem>>
      %dma_wait3A_199 = tpu.memref_squeeze %dma_wait3A_198 : memref<1x125xi32, #tpu.memory_space<vmem>> -> memref<125xi32, #tpu.memory_space<vmem>>
      %dma_wait3A_200 = arith.constant 0 : i32
      %dma_wait3A_201 = arith.constant 0 : i32
      %dma_wait3A_202 = tpu.memref_slice %arg2[%dma_wait3A_200, %dma_wait3A_201] : memref<10000x64xbf16, #tpu.memory_space<hbm>> -> memref<10000x64xbf16, #tpu.memory_space<hbm>>
      tpu.wait_indirect_dma semaphore(%arg24 : memref<!tpu.dma_semaphore, #tpu.memory_space<semaphore_mem>>) src(%dma_wait3A_202 : memref<10000x64xbf16, #tpu.memory_space<hbm>>) dst(%arg14 : memref<125x64xbf16, #tpu.memory_space<vmem>>)
      "tpu.region"() ({
        %run_scoped3A = tpu.sem_alloc : memref<!tpu.dma_semaphore, #tpu.memory_space<semaphore_mem>>
        %dma_start3A_227 = arith.constant 0 : i32
        %dma_start3A_228 = tpu.memref_slice %arg7[%add3A_196, %dma_start3A_227] : memref<80x125xi32, #tpu.memory_space<vmem>> -> memref<1x125xi32, #tpu.memory_space<vmem>>
        %dma_start3A_229 = tpu.memref_squeeze %dma_start3A_228 : memref<1x125xi32, #tpu.memory_space<vmem>> -> memref<125xi32, #tpu.memory_space<vmem>>
        %dma_start3A_230 = arith.constant 0 : i32
        %dma_start3A_231 = arith.constant 0 : i32
        %dma_start3A_232 = tpu.memref_slice %arg17[%dma_start3A_230, %dma_start3A_231] : memref<10240x64xbf16, #tpu.memory_space<vmem_shared>> -> memref<10240x64xbf16, #tpu.memory_space<vmem_shared>>
        tpu.enqueue_indirect_dma source(%arg14 : memref<125x64xbf16, #tpu.memory_space<vmem>>) target(%dma_start3A_232 : memref<10240x64xbf16, #tpu.memory_space<vmem_shared>>) offsets(%dma_start3A_229 : memref<125xi32, #tpu.memory_space<vmem>>) semaphore(%run_scoped3A : memref<!tpu.dma_semaphore, #tpu.memory_space<semaphore_mem>>) {add = true}
        %dma_wait3A_233 = arith.constant 0 : i32
        %dma_wait3A_234 = tpu.memref_slice %arg7[%add3A_196, %dma_wait3A_233] : memref<80x125xi32, #tpu.memory_space<vmem>> -> memref<1x125xi32, #tpu.memory_space<vmem>>
        %dma_wait3A_235 = tpu.memref_squeeze %dma_wait3A_234 : memref<1x125xi32, #tpu.memory_space<vmem>> -> memref<125xi32, #tpu.memory_space<vmem>>
        %dma_wait3A_236 = arith.constant 0 : i32
        %dma_wait3A_237 = arith.constant 0 : i32
        %dma_wait3A_238 = tpu.memref_slice %arg17[%dma_wait3A_236, %dma_wait3A_237] : memref<10240x64xbf16, #tpu.memory_space<vmem_shared>> -> memref<10240x64xbf16, #tpu.memory_space<vmem_shared>>
        tpu.wait_indirect_dma semaphore(%run_scoped3A : memref<!tpu.dma_semaphore, #tpu.memory_space<semaphore_mem>>) src(%arg14 : memref<125x64xbf16, #tpu.memory_space<vmem>>) dst(%dma_wait3A_238 : memref<10240x64xbf16, #tpu.memory_space<vmem_shared>>)
        tpu.yield
      }) : () -> ()
      %add3A_203 = arith.constant 8 : i32
      %add3A_204 = arith.addi %add3A_196, %add3A_203 : i32
      %lt3A_205 = arith.constant 80 : i32
      %lt3A_206 = arith.cmpi slt, %add3A_204, %lt3A_205 : i32
      %convert_element_type3A_207 = arith.extui %lt3A_206 : i1 to i32
      %cond3A_208 = arith.constant 0 : i32
      %cond3A_209 = arith.cmpi ne, %convert_element_type3A_207, %cond3A_208 : i32
      scf.if %cond3A_209 {
        %add3A_227 = arith.constant 8 : i32
        %add3A_228 = arith.addi %add3A_196, %add3A_227 : i32
        %dma_start3A_229 = arith.constant 0 : i32
        %dma_start3A_230 = tpu.memref_slice %arg6[%add3A_228, %dma_start3A_229] : memref<80x125xi32, #tpu.memory_space<vmem>> -> memref<1x125xi32, #tpu.memory_space<vmem>>
        %dma_start3A_231 = tpu.memref_squeeze %dma_start3A_230 : memref<1x125xi32, #tpu.memory_space<vmem>> -> memref<125xi32, #tpu.memory_space<vmem>>
        %dma_start3A_232 = arith.constant 0 : i32
        %dma_start3A_233 = arith.constant 0 : i32
        %dma_start3A_234 = tpu.memref_slice %arg2[%dma_start3A_232, %dma_start3A_233] : memref<10000x64xbf16, #tpu.memory_space<hbm>> -> memref<10000x64xbf16, #tpu.memory_space<hbm>>
        tpu.enqueue_indirect_dma source(%dma_start3A_234 : memref<10000x64xbf16, #tpu.memory_space<hbm>>) target(%arg14 : memref<125x64xbf16, #tpu.memory_space<vmem>>) offsets(%dma_start3A_231 : memref<125xi32, #tpu.memory_space<vmem>>) semaphore(%arg24 : memref<!tpu.dma_semaphore, #tpu.memory_space<semaphore_mem>>)
      } else {
      }
      %mul3A_210 = arith.constant 8 : i32
      %mul3A_211 = arith.muli %scan3A_94, %mul3A_210 : i32
      %add3A_212 = arith.constant 7 : i32
      %add3A_213 = arith.addi %mul3A_211, %add3A_212 : i32
      %dma_wait3A_214 = arith.constant 0 : i32
      %dma_wait3A_215 = tpu.memref_slice %arg6[%add3A_213, %dma_wait3A_214] : memref<80x125xi32, #tpu.memory_space<vmem>> -> memref<1x125xi32, #tpu.memory_space<vmem>>
      %dma_wait3A_216 = tpu.memref_squeeze %dma_wait3A_215 : memref<1x125xi32, #tpu.memory_space<vmem>> -> memref<125xi32, #tpu.memory_space<vmem>>
      %dma_wait3A_217 = arith.constant 0 : i32
      %dma_wait3A_218 = arith.constant 0 : i32
      %dma_wait3A_219 = tpu.memref_slice %arg2[%dma_wait3A_217, %dma_wait3A_218] : memref<10000x64xbf16, #tpu.memory_space<hbm>> -> memref<10000x64xbf16, #tpu.memory_space<hbm>>
      tpu.wait_indirect_dma semaphore(%arg25 : memref<!tpu.dma_semaphore, #tpu.memory_space<semaphore_mem>>) src(%dma_wait3A_219 : memref<10000x64xbf16, #tpu.memory_space<hbm>>) dst(%arg15 : memref<125x64xbf16, #tpu.memory_space<vmem>>)
      "tpu.region"() ({
        %run_scoped3A = tpu.sem_alloc : memref<!tpu.dma_semaphore, #tpu.memory_space<semaphore_mem>>
        %dma_start3A_227 = arith.constant 0 : i32
        %dma_start3A_228 = tpu.memref_slice %arg7[%add3A_213, %dma_start3A_227] : memref<80x125xi32, #tpu.memory_space<vmem>> -> memref<1x125xi32, #tpu.memory_space<vmem>>
        %dma_start3A_229 = tpu.memref_squeeze %dma_start3A_228 : memref<1x125xi32, #tpu.memory_space<vmem>> -> memref<125xi32, #tpu.memory_space<vmem>>
        %dma_start3A_230 = arith.constant 0 : i32
        %dma_start3A_231 = arith.constant 0 : i32
        %dma_start3A_232 = tpu.memref_slice %arg17[%dma_start3A_230, %dma_start3A_231] : memref<10240x64xbf16, #tpu.memory_space<vmem_shared>> -> memref<10240x64xbf16, #tpu.memory_space<vmem_shared>>
        tpu.enqueue_indirect_dma source(%arg15 : memref<125x64xbf16, #tpu.memory_space<vmem>>) target(%dma_start3A_232 : memref<10240x64xbf16, #tpu.memory_space<vmem_shared>>) offsets(%dma_start3A_229 : memref<125xi32, #tpu.memory_space<vmem>>) semaphore(%run_scoped3A : memref<!tpu.dma_semaphore, #tpu.memory_space<semaphore_mem>>) {add = true}
        %dma_wait3A_233 = arith.constant 0 : i32
        %dma_wait3A_234 = tpu.memref_slice %arg7[%add3A_213, %dma_wait3A_233] : memref<80x125xi32, #tpu.memory_space<vmem>> -> memref<1x125xi32, #tpu.memory_space<vmem>>
        %dma_wait3A_235 = tpu.memref_squeeze %dma_wait3A_234 : memref<1x125xi32, #tpu.memory_space<vmem>> -> memref<125xi32, #tpu.memory_space<vmem>>
        %dma_wait3A_236 = arith.constant 0 : i32
        %dma_wait3A_237 = arith.constant 0 : i32
        %dma_wait3A_238 = tpu.memref_slice %arg17[%dma_wait3A_236, %dma_wait3A_237] : memref<10240x64xbf16, #tpu.memory_space<vmem_shared>> -> memref<10240x64xbf16, #tpu.memory_space<vmem_shared>>
        tpu.wait_indirect_dma semaphore(%run_scoped3A : memref<!tpu.dma_semaphore, #tpu.memory_space<semaphore_mem>>) src(%arg15 : memref<125x64xbf16, #tpu.memory_space<vmem>>) dst(%dma_wait3A_238 : memref<10240x64xbf16, #tpu.memory_space<vmem_shared>>)
        tpu.yield
      }) : () -> ()
      %add3A_220 = arith.constant 8 : i32
      %add3A_221 = arith.addi %add3A_213, %add3A_220 : i32
      %lt3A_222 = arith.constant 80 : i32
      %lt3A_223 = arith.cmpi slt, %add3A_221, %lt3A_222 : i32
      %convert_element_type3A_224 = arith.extui %lt3A_223 : i1 to i32
      %cond3A_225 = arith.constant 0 : i32
      %cond3A_226 = arith.cmpi ne, %convert_element_type3A_224, %cond3A_225 : i32
      scf.if %cond3A_226 {
        %add3A_227 = arith.constant 8 : i32
        %add3A_228 = arith.addi %add3A_213, %add3A_227 : i32
        %dma_start3A_229 = arith.constant 0 : i32
        %dma_start3A_230 = tpu.memref_slice %arg6[%add3A_228, %dma_start3A_229] : memref<80x125xi32, #tpu.memory_space<vmem>> -> memref<1x125xi32, #tpu.memory_space<vmem>>
        %dma_start3A_231 = tpu.memref_squeeze %dma_start3A_230 : memref<1x125xi32, #tpu.memory_space<vmem>> -> memref<125xi32, #tpu.memory_space<vmem>>
        %dma_start3A_232 = arith.constant 0 : i32
        %dma_start3A_233 = arith.constant 0 : i32
        %dma_start3A_234 = tpu.memref_slice %arg2[%dma_start3A_232, %dma_start3A_233] : memref<10000x64xbf16, #tpu.memory_space<hbm>> -> memref<10000x64xbf16, #tpu.memory_space<hbm>>
        tpu.enqueue_indirect_dma source(%dma_start3A_234 : memref<10000x64xbf16, #tpu.memory_space<hbm>>) target(%arg15 : memref<125x64xbf16, #tpu.memory_space<vmem>>) offsets(%dma_start3A_231 : memref<125xi32, #tpu.memory_space<vmem>>) semaphore(%arg25 : memref<!tpu.dma_semaphore, #tpu.memory_space<semaphore_mem>>)
      } else {
      }
    }
    %scan3A_88 = arith.constant 10 : i32
    %barrier3A_89 = arith.constant 0 : index
    tpu.barrier barrier_id(%barrier3A_89)
    %mul3A_90 = arith.constant 640 : i32
    %mul3A_91 = arith.muli %arg1, %mul3A_90 : i32
    %mul3A_92 = arith.constant 640 : i32
    %mul3A_93 = arith.muli %arg1, %mul3A_92 : i32
    "tpu.region"() ({
      %run_scoped3A = tpu.sem_alloc : memref<!tpu.dma_semaphore, #tpu.memory_space<semaphore_mem>>
      %dma_start3A_94 = arith.constant 0 : i32
      %dma_start3A_95 = tpu.memref_slice %arg5[%arg0, %mul3A_93, %dma_start3A_94] : memref<2x10240x64xbf16, #tpu.memory_space<hbm>> -> memref<1x640x64xbf16, #tpu.memory_space<hbm>>
      %dma_start3A_96 = tpu.memref_squeeze %dma_start3A_95 : memref<1x640x64xbf16, #tpu.memory_space<hbm>> -> memref<640x64xbf16, #tpu.memory_space<hbm>>
      %dma_start3A_97 = arith.constant 0 : i32
      %dma_start3A_98 = tpu.memref_slice %arg17[%mul3A_91, %dma_start3A_97] : memref<10240x64xbf16, #tpu.memory_space<vmem_shared>> -> memref<640x64xbf16, #tpu.memory_space<vmem_shared>>
      tpu.enqueue_dma source(%dma_start3A_98 : memref<640x64xbf16, #tpu.memory_space<vmem_shared>>) target(%dma_start3A_96 : memref<640x64xbf16, #tpu.memory_space<hbm>>) target_semaphore(%run_scoped3A : memref<!tpu.dma_semaphore, #tpu.memory_space<semaphore_mem>>)
      %dma_wait3A = arith.constant 0 : i32
      %dma_wait3A_99 = tpu.memref_slice %arg5[%arg0, %mul3A_93, %dma_wait3A] : memref<2x10240x64xbf16, #tpu.memory_space<hbm>> -> memref<1x640x64xbf16, #tpu.memory_space<hbm>>
      %dma_wait3A_100 = tpu.memref_squeeze %dma_wait3A_99 : memref<1x640x64xbf16, #tpu.memory_space<hbm>> -> memref<640x64xbf16, #tpu.memory_space<hbm>>
      %dma_wait3A_101 = arith.constant 0 : i32
      %dma_wait3A_102 = tpu.memref_slice %arg17[%mul3A_91, %dma_wait3A_101] : memref<10240x64xbf16, #tpu.memory_space<vmem_shared>> -> memref<640x64xbf16, #tpu.memory_space<vmem_shared>>
      tpu.wait_dma2 semaphore(%run_scoped3A : memref<!tpu.dma_semaphore, #tpu.memory_space<semaphore_mem>>) src(%dma_wait3A_102 : memref<640x64xbf16, #tpu.memory_space<vmem_shared>>) dst(%dma_wait3A_100 : memref<640x64xbf16, #tpu.memory_space<hbm>>)
      tpu.yield
    }) : () -> ()
    return
  }
}

#map = affine_map<(d0, d1) -> (0, 0, 0)>
module attributes {stable_mosaic.version = 14 : i64} {
  func.func @agg(%arg0: i32, %arg1: i32, %arg2: memref<2x10000x64xbf16, #tpu.memory_space<hbm>>, %arg3: memref<16x160x125xi32, #tpu.memory_space<hbm>>, %arg4: memref<16x160x125xi32, #tpu.memory_space<hbm>>, %arg5: memref<2x10240x64xbf16, #tpu.memory_space<hbm>>, %arg6: memref<160x125xi32, #tpu.memory_space<vmem>>, %arg7: memref<160x125xi32, #tpu.memory_space<vmem>>, %arg8: memref<125x64xbf16, #tpu.memory_space<vmem>>, %arg9: memref<125x64xbf16, #tpu.memory_space<vmem>>, %arg10: memref<125x64xbf16, #tpu.memory_space<vmem>>, %arg11: memref<125x64xbf16, #tpu.memory_space<vmem>>, %arg12: memref<125x64xbf16, #tpu.memory_space<vmem>>, %arg13: memref<125x64xbf16, #tpu.memory_space<vmem>>, %arg14: memref<125x64xbf16, #tpu.memory_space<vmem>>, %arg15: memref<125x64xbf16, #tpu.memory_space<vmem>>, %arg16: memref<128x64xbf16, #tpu.memory_space<vmem>>, %arg17: memref<10240x64xbf16, #tpu.memory_space<vmem_shared>>, %arg18: memref<!tpu.dma_semaphore, #tpu.memory_space<semaphore_mem>>, %arg19: memref<!tpu.dma_semaphore, #tpu.memory_space<semaphore_mem>>, %arg20: memref<!tpu.dma_semaphore, #tpu.memory_space<semaphore_mem>>, %arg21: memref<!tpu.dma_semaphore, #tpu.memory_space<semaphore_mem>>, %arg22: memref<!tpu.dma_semaphore, #tpu.memory_space<semaphore_mem>>, %arg23: memref<!tpu.dma_semaphore, #tpu.memory_space<semaphore_mem>>, %arg24: memref<!tpu.dma_semaphore, #tpu.memory_space<semaphore_mem>>, %arg25: memref<!tpu.dma_semaphore, #tpu.memory_space<semaphore_mem>>) attributes {dimension_semantics = [#tpu.dimension_semantics<core_parallel>, #tpu.dimension_semantics<subcore_parallel>], iteration_bounds = array<i64: 2, 16>, scalar_prefetch = 0 : i64, scratch_operands = 20 : i64, tpu.core_type = #tpu.core_type<sc_vector_subcore>, window_params = [{transform_indices = #map}, {transform_indices = #map}, {transform_indices = #map}, {transform_indices = #map}]} {
    "tpu.region"() ({
      %run_scoped3A = tpu.sem_alloc : memref<!tpu.dma_semaphore, #tpu.memory_space<semaphore_mem>>
      %dma_start3A_122 = arith.constant 0 : i32
      %dma_start3A_123 = arith.constant 0 : i32
      %dma_start3A_124 = tpu.memref_slice %arg3[%arg1, %dma_start3A_122, %dma_start3A_123] : memref<16x160x125xi32, #tpu.memory_space<hbm>> -> memref<1x160x125xi32, #tpu.memory_space<hbm>>
      %dma_start3A_125 = tpu.memref_squeeze %dma_start3A_124 : memref<1x160x125xi32, #tpu.memory_space<hbm>> -> memref<160x125xi32, #tpu.memory_space<hbm>>
      %dma_start3A_126 = arith.constant 0 : i32
      %dma_start3A_127 = arith.constant 0 : i32
      %dma_start3A_128 = tpu.memref_slice %arg3[%arg1, %dma_start3A_126, %dma_start3A_127] : memref<16x160x125xi32, #tpu.memory_space<hbm>> -> memref<1x160x125xi32, #tpu.memory_space<hbm>>
      %dma_start3A_129 = tpu.memref_squeeze %dma_start3A_128 : memref<1x160x125xi32, #tpu.memory_space<hbm>> -> memref<160x125xi32, #tpu.memory_space<hbm>>
      tpu.enqueue_dma source(%dma_start3A_129 : memref<160x125xi32, #tpu.memory_space<hbm>>) target(%arg6 : memref<160x125xi32, #tpu.memory_space<vmem>>) target_semaphore(%run_scoped3A : memref<!tpu.dma_semaphore, #tpu.memory_space<semaphore_mem>>)
      %dma_wait3A = arith.constant 0 : i32
      %dma_wait3A_130 = arith.constant 0 : i32
      %dma_wait3A_131 = tpu.memref_slice %arg3[%arg1, %dma_wait3A, %dma_wait3A_130] : memref<16x160x125xi32, #tpu.memory_space<hbm>> -> memref<1x160x125xi32, #tpu.memory_space<hbm>>
      %dma_wait3A_132 = tpu.memref_squeeze %dma_wait3A_131 : memref<1x160x125xi32, #tpu.memory_space<hbm>> -> memref<160x125xi32, #tpu.memory_space<hbm>>
      %dma_wait3A_133 = arith.constant 0 : i32
      %dma_wait3A_134 = arith.constant 0 : i32
      %dma_wait3A_135 = tpu.memref_slice %arg3[%arg1, %dma_wait3A_133, %dma_wait3A_134] : memref<16x160x125xi32, #tpu.memory_space<hbm>> -> memref<1x160x125xi32, #tpu.memory_space<hbm>>
      %dma_wait3A_136 = tpu.memref_squeeze %dma_wait3A_135 : memref<1x160x125xi32, #tpu.memory_space<hbm>> -> memref<160x125xi32, #tpu.memory_space<hbm>>
      tpu.wait_dma2 semaphore(%run_scoped3A : memref<!tpu.dma_semaphore, #tpu.memory_space<semaphore_mem>>) src(%dma_wait3A_136 : memref<160x125xi32, #tpu.memory_space<hbm>>) dst(%arg6 : memref<160x125xi32, #tpu.memory_space<vmem>>)
      tpu.yield
    }) : () -> ()
    "tpu.region"() ({
      %run_scoped3A = tpu.sem_alloc : memref<!tpu.dma_semaphore, #tpu.memory_space<semaphore_mem>>
      %dma_start3A_122 = arith.constant 0 : i32
      %dma_start3A_123 = arith.constant 0 : i32
      %dma_start3A_124 = tpu.memref_slice %arg4[%arg1, %dma_start3A_122, %dma_start3A_123] : memref<16x160x125xi32, #tpu.memory_space<hbm>> -> memref<1x160x125xi32, #tpu.memory_space<hbm>>
      %dma_start3A_125 = tpu.memref_squeeze %dma_start3A_124 : memref<1x160x125xi32, #tpu.memory_space<hbm>> -> memref<160x125xi32, #tpu.memory_space<hbm>>
      %dma_start3A_126 = arith.constant 0 : i32
      %dma_start3A_127 = arith.constant 0 : i32
      %dma_start3A_128 = tpu.memref_slice %arg4[%arg1, %dma_start3A_126, %dma_start3A_127] : memref<16x160x125xi32, #tpu.memory_space<hbm>> -> memref<1x160x125xi32, #tpu.memory_space<hbm>>
      %dma_start3A_129 = tpu.memref_squeeze %dma_start3A_128 : memref<1x160x125xi32, #tpu.memory_space<hbm>> -> memref<160x125xi32, #tpu.memory_space<hbm>>
      tpu.enqueue_dma source(%dma_start3A_129 : memref<160x125xi32, #tpu.memory_space<hbm>>) target(%arg7 : memref<160x125xi32, #tpu.memory_space<vmem>>) target_semaphore(%run_scoped3A : memref<!tpu.dma_semaphore, #tpu.memory_space<semaphore_mem>>)
      %dma_wait3A = arith.constant 0 : i32
      %dma_wait3A_130 = arith.constant 0 : i32
      %dma_wait3A_131 = tpu.memref_slice %arg4[%arg1, %dma_wait3A, %dma_wait3A_130] : memref<16x160x125xi32, #tpu.memory_space<hbm>> -> memref<1x160x125xi32, #tpu.memory_space<hbm>>
      %dma_wait3A_132 = tpu.memref_squeeze %dma_wait3A_131 : memref<1x160x125xi32, #tpu.memory_space<hbm>> -> memref<160x125xi32, #tpu.memory_space<hbm>>
      %dma_wait3A_133 = arith.constant 0 : i32
      %dma_wait3A_134 = arith.constant 0 : i32
      %dma_wait3A_135 = tpu.memref_slice %arg4[%arg1, %dma_wait3A_133, %dma_wait3A_134] : memref<16x160x125xi32, #tpu.memory_space<hbm>> -> memref<1x160x125xi32, #tpu.memory_space<hbm>>
      %dma_wait3A_136 = tpu.memref_squeeze %dma_wait3A_135 : memref<1x160x125xi32, #tpu.memory_space<hbm>> -> memref<160x125xi32, #tpu.memory_space<hbm>>
      tpu.wait_dma2 semaphore(%run_scoped3A : memref<!tpu.dma_semaphore, #tpu.memory_space<semaphore_mem>>) src(%dma_wait3A_136 : memref<160x125xi32, #tpu.memory_space<hbm>>) dst(%arg7 : memref<160x125xi32, #tpu.memory_space<vmem>>)
      tpu.yield
    }) : () -> ()
    %dma_start3A = arith.constant 0 : i32
    %dma_start3A_0 = arith.constant 0 : i32
    %dma_start3A_1 = tpu.memref_slice %arg6[%dma_start3A, %dma_start3A_0] : memref<160x125xi32, #tpu.memory_space<vmem>> -> memref<1x125xi32, #tpu.memory_space<vmem>>
    %dma_start3A_2 = tpu.memref_squeeze %dma_start3A_1 : memref<1x125xi32, #tpu.memory_space<vmem>> -> memref<125xi32, #tpu.memory_space<vmem>>
    %dma_start3A_3 = arith.constant 0 : i32
    %dma_start3A_4 = arith.constant 0 : i32
    %dma_start3A_5 = tpu.memref_slice %arg2[%arg0, %dma_start3A_3, %dma_start3A_4] : memref<2x10000x64xbf16, #tpu.memory_space<hbm>> -> memref<1x10000x64xbf16, #tpu.memory_space<hbm>>
    %dma_start3A_6 = tpu.memref_squeeze %dma_start3A_5 : memref<1x10000x64xbf16, #tpu.memory_space<hbm>> -> memref<10000x64xbf16, #tpu.memory_space<hbm>>
    %dma_start3A_7 = arith.constant 0 : i32
    %dma_start3A_8 = arith.constant 0 : i32
    %dma_start3A_9 = tpu.memref_slice %dma_start3A_6[%dma_start3A_7, %dma_start3A_8] : memref<10000x64xbf16, #tpu.memory_space<hbm>> -> memref<10000x64xbf16, #tpu.memory_space<hbm>>
    tpu.enqueue_indirect_dma source(%dma_start3A_9 : memref<10000x64xbf16, #tpu.memory_space<hbm>>) target(%arg8 : memref<125x64xbf16, #tpu.memory_space<vmem>>) offsets(%dma_start3A_2 : memref<125xi32, #tpu.memory_space<vmem>>) semaphore(%arg18 : memref<!tpu.dma_semaphore, #tpu.memory_space<semaphore_mem>>)
    %dma_start3A_10 = arith.constant 1 : i32
    %dma_start3A_11 = arith.constant 0 : i32
    %dma_start3A_12 = tpu.memref_slice %arg6[%dma_start3A_10, %dma_start3A_11] : memref<160x125xi32, #tpu.memory_space<vmem>> -> memref<1x125xi32, #tpu.memory_space<vmem>>
    %dma_start3A_13 = tpu.memref_squeeze %dma_start3A_12 : memref<1x125xi32, #tpu.memory_space<vmem>> -> memref<125xi32, #tpu.memory_space<vmem>>
    %dma_start3A_14 = arith.constant 0 : i32
    %dma_start3A_15 = arith.constant 0 : i32
    %dma_start3A_16 = tpu.memref_slice %arg2[%arg0, %dma_start3A_14, %dma_start3A_15] : memref<2x10000x64xbf16, #tpu.memory_space<hbm>> -> memref<1x10000x64xbf16, #tpu.memory_space<hbm>>
    %dma_start3A_17 = tpu.memref_squeeze %dma_start3A_16 : memref<1x10000x64xbf16, #tpu.memory_space<hbm>> -> memref<10000x64xbf16, #tpu.memory_space<hbm>>
    %dma_start3A_18 = arith.constant 0 : i32
    %dma_start3A_19 = arith.constant 0 : i32
    %dma_start3A_20 = tpu.memref_slice %dma_start3A_17[%dma_start3A_18, %dma_start3A_19] : memref<10000x64xbf16, #tpu.memory_space<hbm>> -> memref<10000x64xbf16, #tpu.memory_space<hbm>>
    tpu.enqueue_indirect_dma source(%dma_start3A_20 : memref<10000x64xbf16, #tpu.memory_space<hbm>>) target(%arg9 : memref<125x64xbf16, #tpu.memory_space<vmem>>) offsets(%dma_start3A_13 : memref<125xi32, #tpu.memory_space<vmem>>) semaphore(%arg19 : memref<!tpu.dma_semaphore, #tpu.memory_space<semaphore_mem>>)
    %dma_start3A_21 = arith.constant 2 : i32
    %dma_start3A_22 = arith.constant 0 : i32
    %dma_start3A_23 = tpu.memref_slice %arg6[%dma_start3A_21, %dma_start3A_22] : memref<160x125xi32, #tpu.memory_space<vmem>> -> memref<1x125xi32, #tpu.memory_space<vmem>>
    %dma_start3A_24 = tpu.memref_squeeze %dma_start3A_23 : memref<1x125xi32, #tpu.memory_space<vmem>> -> memref<125xi32, #tpu.memory_space<vmem>>
    %dma_start3A_25 = arith.constant 0 : i32
    %dma_start3A_26 = arith.constant 0 : i32
    %dma_start3A_27 = tpu.memref_slice %arg2[%arg0, %dma_start3A_25, %dma_start3A_26] : memref<2x10000x64xbf16, #tpu.memory_space<hbm>> -> memref<1x10000x64xbf16, #tpu.memory_space<hbm>>
    %dma_start3A_28 = tpu.memref_squeeze %dma_start3A_27 : memref<1x10000x64xbf16, #tpu.memory_space<hbm>> -> memref<10000x64xbf16, #tpu.memory_space<hbm>>
    %dma_start3A_29 = arith.constant 0 : i32
    %dma_start3A_30 = arith.constant 0 : i32
    %dma_start3A_31 = tpu.memref_slice %dma_start3A_28[%dma_start3A_29, %dma_start3A_30] : memref<10000x64xbf16, #tpu.memory_space<hbm>> -> memref<10000x64xbf16, #tpu.memory_space<hbm>>
    tpu.enqueue_indirect_dma source(%dma_start3A_31 : memref<10000x64xbf16, #tpu.memory_space<hbm>>) target(%arg10 : memref<125x64xbf16, #tpu.memory_space<vmem>>) offsets(%dma_start3A_24 : memref<125xi32, #tpu.memory_space<vmem>>) semaphore(%arg20 : memref<!tpu.dma_semaphore, #tpu.memory_space<semaphore_mem>>)
    %dma_start3A_32 = arith.constant 3 : i32
    %dma_start3A_33 = arith.constant 0 : i32
    %dma_start3A_34 = tpu.memref_slice %arg6[%dma_start3A_32, %dma_start3A_33] : memref<160x125xi32, #tpu.memory_space<vmem>> -> memref<1x125xi32, #tpu.memory_space<vmem>>
    %dma_start3A_35 = tpu.memref_squeeze %dma_start3A_34 : memref<1x125xi32, #tpu.memory_space<vmem>> -> memref<125xi32, #tpu.memory_space<vmem>>
    %dma_start3A_36 = arith.constant 0 : i32
    %dma_start3A_37 = arith.constant 0 : i32
    %dma_start3A_38 = tpu.memref_slice %arg2[%arg0, %dma_start3A_36, %dma_start3A_37] : memref<2x10000x64xbf16, #tpu.memory_space<hbm>> -> memref<1x10000x64xbf16, #tpu.memory_space<hbm>>
    %dma_start3A_39 = tpu.memref_squeeze %dma_start3A_38 : memref<1x10000x64xbf16, #tpu.memory_space<hbm>> -> memref<10000x64xbf16, #tpu.memory_space<hbm>>
    %dma_start3A_40 = arith.constant 0 : i32
    %dma_start3A_41 = arith.constant 0 : i32
    %dma_start3A_42 = tpu.memref_slice %dma_start3A_39[%dma_start3A_40, %dma_start3A_41] : memref<10000x64xbf16, #tpu.memory_space<hbm>> -> memref<10000x64xbf16, #tpu.memory_space<hbm>>
    tpu.enqueue_indirect_dma source(%dma_start3A_42 : memref<10000x64xbf16, #tpu.memory_space<hbm>>) target(%arg11 : memref<125x64xbf16, #tpu.memory_space<vmem>>) offsets(%dma_start3A_35 : memref<125xi32, #tpu.memory_space<vmem>>) semaphore(%arg21 : memref<!tpu.dma_semaphore, #tpu.memory_space<semaphore_mem>>)
    %dma_start3A_43 = arith.constant 4 : i32
    %dma_start3A_44 = arith.constant 0 : i32
    %dma_start3A_45 = tpu.memref_slice %arg6[%dma_start3A_43, %dma_start3A_44] : memref<160x125xi32, #tpu.memory_space<vmem>> -> memref<1x125xi32, #tpu.memory_space<vmem>>
    %dma_start3A_46 = tpu.memref_squeeze %dma_start3A_45 : memref<1x125xi32, #tpu.memory_space<vmem>> -> memref<125xi32, #tpu.memory_space<vmem>>
    %dma_start3A_47 = arith.constant 0 : i32
    %dma_start3A_48 = arith.constant 0 : i32
    %dma_start3A_49 = tpu.memref_slice %arg2[%arg0, %dma_start3A_47, %dma_start3A_48] : memref<2x10000x64xbf16, #tpu.memory_space<hbm>> -> memref<1x10000x64xbf16, #tpu.memory_space<hbm>>
    %dma_start3A_50 = tpu.memref_squeeze %dma_start3A_49 : memref<1x10000x64xbf16, #tpu.memory_space<hbm>> -> memref<10000x64xbf16, #tpu.memory_space<hbm>>
    %dma_start3A_51 = arith.constant 0 : i32
    %dma_start3A_52 = arith.constant 0 : i32
    %dma_start3A_53 = tpu.memref_slice %dma_start3A_50[%dma_start3A_51, %dma_start3A_52] : memref<10000x64xbf16, #tpu.memory_space<hbm>> -> memref<10000x64xbf16, #tpu.memory_space<hbm>>
    tpu.enqueue_indirect_dma source(%dma_start3A_53 : memref<10000x64xbf16, #tpu.memory_space<hbm>>) target(%arg12 : memref<125x64xbf16, #tpu.memory_space<vmem>>) offsets(%dma_start3A_46 : memref<125xi32, #tpu.memory_space<vmem>>) semaphore(%arg22 : memref<!tpu.dma_semaphore, #tpu.memory_space<semaphore_mem>>)
    %dma_start3A_54 = arith.constant 5 : i32
    %dma_start3A_55 = arith.constant 0 : i32
    %dma_start3A_56 = tpu.memref_slice %arg6[%dma_start3A_54, %dma_start3A_55] : memref<160x125xi32, #tpu.memory_space<vmem>> -> memref<1x125xi32, #tpu.memory_space<vmem>>
    %dma_start3A_57 = tpu.memref_squeeze %dma_start3A_56 : memref<1x125xi32, #tpu.memory_space<vmem>> -> memref<125xi32, #tpu.memory_space<vmem>>
    %dma_start3A_58 = arith.constant 0 : i32
    %dma_start3A_59 = arith.constant 0 : i32
    %dma_start3A_60 = tpu.memref_slice %arg2[%arg0, %dma_start3A_58, %dma_start3A_59] : memref<2x10000x64xbf16, #tpu.memory_space<hbm>> -> memref<1x10000x64xbf16, #tpu.memory_space<hbm>>
    %dma_start3A_61 = tpu.memref_squeeze %dma_start3A_60 : memref<1x10000x64xbf16, #tpu.memory_space<hbm>> -> memref<10000x64xbf16, #tpu.memory_space<hbm>>
    %dma_start3A_62 = arith.constant 0 : i32
    %dma_start3A_63 = arith.constant 0 : i32
    %dma_start3A_64 = tpu.memref_slice %dma_start3A_61[%dma_start3A_62, %dma_start3A_63] : memref<10000x64xbf16, #tpu.memory_space<hbm>> -> memref<10000x64xbf16, #tpu.memory_space<hbm>>
    tpu.enqueue_indirect_dma source(%dma_start3A_64 : memref<10000x64xbf16, #tpu.memory_space<hbm>>) target(%arg13 : memref<125x64xbf16, #tpu.memory_space<vmem>>) offsets(%dma_start3A_57 : memref<125xi32, #tpu.memory_space<vmem>>) semaphore(%arg23 : memref<!tpu.dma_semaphore, #tpu.memory_space<semaphore_mem>>)
    %dma_start3A_65 = arith.constant 6 : i32
    %dma_start3A_66 = arith.constant 0 : i32
    %dma_start3A_67 = tpu.memref_slice %arg6[%dma_start3A_65, %dma_start3A_66] : memref<160x125xi32, #tpu.memory_space<vmem>> -> memref<1x125xi32, #tpu.memory_space<vmem>>
    %dma_start3A_68 = tpu.memref_squeeze %dma_start3A_67 : memref<1x125xi32, #tpu.memory_space<vmem>> -> memref<125xi32, #tpu.memory_space<vmem>>
    %dma_start3A_69 = arith.constant 0 : i32
    %dma_start3A_70 = arith.constant 0 : i32
    %dma_start3A_71 = tpu.memref_slice %arg2[%arg0, %dma_start3A_69, %dma_start3A_70] : memref<2x10000x64xbf16, #tpu.memory_space<hbm>> -> memref<1x10000x64xbf16, #tpu.memory_space<hbm>>
    %dma_start3A_72 = tpu.memref_squeeze %dma_start3A_71 : memref<1x10000x64xbf16, #tpu.memory_space<hbm>> -> memref<10000x64xbf16, #tpu.memory_space<hbm>>
    %dma_start3A_73 = arith.constant 0 : i32
    %dma_start3A_74 = arith.constant 0 : i32
    %dma_start3A_75 = tpu.memref_slice %dma_start3A_72[%dma_start3A_73, %dma_start3A_74] : memref<10000x64xbf16, #tpu.memory_space<hbm>> -> memref<10000x64xbf16, #tpu.memory_space<hbm>>
    tpu.enqueue_indirect_dma source(%dma_start3A_75 : memref<10000x64xbf16, #tpu.memory_space<hbm>>) target(%arg14 : memref<125x64xbf16, #tpu.memory_space<vmem>>) offsets(%dma_start3A_68 : memref<125xi32, #tpu.memory_space<vmem>>) semaphore(%arg24 : memref<!tpu.dma_semaphore, #tpu.memory_space<semaphore_mem>>)
    %dma_start3A_76 = arith.constant 7 : i32
    %dma_start3A_77 = arith.constant 0 : i32
    %dma_start3A_78 = tpu.memref_slice %arg6[%dma_start3A_76, %dma_start3A_77] : memref<160x125xi32, #tpu.memory_space<vmem>> -> memref<1x125xi32, #tpu.memory_space<vmem>>
    %dma_start3A_79 = tpu.memref_squeeze %dma_start3A_78 : memref<1x125xi32, #tpu.memory_space<vmem>> -> memref<125xi32, #tpu.memory_space<vmem>>
    %dma_start3A_80 = arith.constant 0 : i32
    %dma_start3A_81 = arith.constant 0 : i32
    %dma_start3A_82 = tpu.memref_slice %arg2[%arg0, %dma_start3A_80, %dma_start3A_81] : memref<2x10000x64xbf16, #tpu.memory_space<hbm>> -> memref<1x10000x64xbf16, #tpu.memory_space<hbm>>
    %dma_start3A_83 = tpu.memref_squeeze %dma_start3A_82 : memref<1x10000x64xbf16, #tpu.memory_space<hbm>> -> memref<10000x64xbf16, #tpu.memory_space<hbm>>
    %dma_start3A_84 = arith.constant 0 : i32
    %dma_start3A_85 = arith.constant 0 : i32
    %dma_start3A_86 = tpu.memref_slice %dma_start3A_83[%dma_start3A_84, %dma_start3A_85] : memref<10000x64xbf16, #tpu.memory_space<hbm>> -> memref<10000x64xbf16, #tpu.memory_space<hbm>>
    tpu.enqueue_indirect_dma source(%dma_start3A_86 : memref<10000x64xbf16, #tpu.memory_space<hbm>>) target(%arg15 : memref<125x64xbf16, #tpu.memory_space<vmem>>) offsets(%dma_start3A_79 : memref<125xi32, #tpu.memory_space<vmem>>) semaphore(%arg25 : memref<!tpu.dma_semaphore, #tpu.memory_space<semaphore_mem>>)
    %broadcast_in_dim3A = arith.constant 0.000000e+00 : bf16
    %broadcast_in_dim3A_87 = vector.broadcast %broadcast_in_dim3A : bf16 to vector<32xbf16>
    %scan3A = arith.constant 0 : i32
    %scan3A_88 = arith.constant 0 : i32
    %scan3A_89 = arith.constant 256 : i32
    %scan3A_90 = arith.addi %scan3A_88, %scan3A_89 : i32
    %scan3A_91 = arith.constant 1 : i32
    scf.for %scan3A_122 = %scan3A_88 to %scan3A_90 step %scan3A_91  : i32 {
      %jit3A = arith.constant 2 : i32
      %div3A = arith.divsi %scan3A_122, %jit3A : i32
      %sign3A = arith.constant 0 : i32
      %sign3A_123 = arith.cmpi sgt, %scan3A_122, %sign3A : i32
      %sign3A_124 = arith.extui %sign3A_123 : i1 to i32
      %sign3A_125 = arith.constant 0 : i32
      %sign3A_126 = arith.cmpi slt, %scan3A_122, %sign3A_125 : i32
      %sign3A_127 = arith.extui %sign3A_126 : i1 to i32
      %sign3A_128 = arith.subi %sign3A_124, %sign3A_127 : i32
      %sign3A_129 = arith.constant 0 : i32
      %sign3A_130 = arith.cmpi sgt, %jit3A, %sign3A_129 : i32
      %sign3A_131 = arith.extui %sign3A_130 : i1 to i32
      %sign3A_132 = arith.constant 0 : i32
      %sign3A_133 = arith.cmpi slt, %jit3A, %sign3A_132 : i32
      %sign3A_134 = arith.extui %sign3A_133 : i1 to i32
      %sign3A_135 = arith.subi %sign3A_131, %sign3A_134 : i32
      %ne3A = arith.cmpi ne, %sign3A_128, %sign3A_135 : i32
      %rem3A = arith.remsi %scan3A_122, %jit3A : i32
      %ne3A_136 = arith.constant 0 : i32
      %ne3A_137 = arith.cmpi ne, %rem3A, %ne3A_136 : i32
      %and3A = arith.andi %ne3A, %ne3A_137 : i1
      %sub3A = arith.constant 1 : i32
      %sub3A_138 = arith.subi %div3A, %sub3A : i32
      %select_n3A = arith.select %and3A, %sub3A_138, %div3A : i32
      %jit3A_139 = arith.constant 2 : i32
      %eq3A = arith.constant 0 : i32
      %eq3A_140 = arith.cmpi eq, %jit3A_139, %eq3A : i32
      %jit3A_141 = arith.constant 1 : i32
      %select_n3A_142 = arith.select %eq3A_140, %jit3A_141, %jit3A_139 : i32
      %rem3A_143 = arith.remsi %scan3A_122, %select_n3A_142 : i32
      %ne3A_144 = arith.constant 0 : i32
      %ne3A_145 = arith.cmpi ne, %rem3A_143, %ne3A_144 : i32
      %lt3A = arith.constant 0 : i32
      %lt3A_146 = arith.cmpi slt, %rem3A_143, %lt3A : i32
      %lt3A_147 = arith.constant 0 : i32
      %lt3A_148 = arith.cmpi slt, %select_n3A_142, %lt3A_147 : i32
      %ne3A_149 = arith.xori %lt3A_146, %lt3A_148 : i1
      %and3A_150 = arith.andi %ne3A_149, %ne3A_145 : i1
      %add3A_151 = arith.addi %rem3A_143, %select_n3A_142 : i32
      %select_n3A_152 = arith.select %and3A_150, %add3A_151, %rem3A_143 : i32
      %mul3A_153 = arith.constant 32 : i32
      %mul3A_154 = arith.muli %select_n3A_152, %mul3A_153 : i32
      %swap3A = arith.index_cast %select_n3A : i32 to index
      %swap3A_155 = arith.index_cast %mul3A_154 : i32 to index
      %swap3A_156 = tpu.vector_load %arg16[%swap3A, %swap3A_155] {strides = array<i32>} : memref<128x64xbf16, #tpu.memory_space<vmem>>, vector<32xbf16>,
      tpu.vector_store %arg16[%swap3A, %swap3A_155], %broadcast_in_dim3A_87 {strides = array<i32>} : memref<128x64xbf16, #tpu.memory_space<vmem>>, vector<32xbf16>,
    }
    %scan3A_92 = arith.constant 256 : i32
    %mul3A = arith.constant 640 : i32
    %mul3A_93 = arith.muli %arg1, %mul3A : i32
    %add3A = arith.constant 0 : i32
    %add3A_94 = arith.addi %mul3A_93, %add3A : i32
    "tpu.region"() ({
      %run_scoped3A = tpu.sem_alloc : memref<!tpu.dma_semaphore, #tpu.memory_space<semaphore_mem>>
      %dma_start3A_122 = arith.constant 0 : i32
      %dma_start3A_123 = tpu.memref_slice %arg17[%add3A_94, %dma_start3A_122] : memref<10240x64xbf16, #tpu.memory_space<vmem_shared>> -> memref<128x64xbf16, #tpu.memory_space<vmem_shared>>
      %dma_start3A_124 = arith.constant 0 : i32
      %dma_start3A_125 = tpu.memref_slice %arg17[%add3A_94, %dma_start3A_124] : memref<10240x64xbf16, #tpu.memory_space<vmem_shared>> -> memref<128x64xbf16, #tpu.memory_space<vmem_shared>>
      tpu.enqueue_dma source(%arg16 : memref<128x64xbf16, #tpu.memory_space<vmem>>) target(%dma_start3A_125 : memref<128x64xbf16, #tpu.memory_space<vmem_shared>>) target_semaphore(%run_scoped3A : memref<!tpu.dma_semaphore, #tpu.memory_space<semaphore_mem>>)
      %dma_wait3A = arith.constant 0 : i32
      %dma_wait3A_126 = tpu.memref_slice %arg17[%add3A_94, %dma_wait3A] : memref<10240x64xbf16, #tpu.memory_space<vmem_shared>> -> memref<128x64xbf16, #tpu.memory_space<vmem_shared>>
      %dma_wait3A_127 = arith.constant 0 : i32
      %dma_wait3A_128 = tpu.memref_slice %arg17[%add3A_94, %dma_wait3A_127] : memref<10240x64xbf16, #tpu.memory_space<vmem_shared>> -> memref<128x64xbf16, #tpu.memory_space<vmem_shared>>
      tpu.wait_dma2 semaphore(%run_scoped3A : memref<!tpu.dma_semaphore, #tpu.memory_space<semaphore_mem>>) src(%arg16 : memref<128x64xbf16, #tpu.memory_space<vmem>>) dst(%dma_wait3A_128 : memref<128x64xbf16, #tpu.memory_space<vmem_shared>>)
      tpu.yield
    }) : () -> ()
    %mul3A_95 = arith.constant 640 : i32
    %mul3A_96 = arith.muli %arg1, %mul3A_95 : i32
    %add3A_97 = arith.constant 128 : i32
    %add3A_98 = arith.addi %mul3A_96, %add3A_97 : i32
    "tpu.region"() ({
      %run_scoped3A = tpu.sem_alloc : memref<!tpu.dma_semaphore, #tpu.memory_space<semaphore_mem>>
      %dma_start3A_122 = arith.constant 0 : i32
      %dma_start3A_123 = tpu.memref_slice %arg17[%add3A_98, %dma_start3A_122] : memref<10240x64xbf16, #tpu.memory_space<vmem_shared>> -> memref<128x64xbf16, #tpu.memory_space<vmem_shared>>
      %dma_start3A_124 = arith.constant 0 : i32
      %dma_start3A_125 = tpu.memref_slice %arg17[%add3A_98, %dma_start3A_124] : memref<10240x64xbf16, #tpu.memory_space<vmem_shared>> -> memref<128x64xbf16, #tpu.memory_space<vmem_shared>>
      tpu.enqueue_dma source(%arg16 : memref<128x64xbf16, #tpu.memory_space<vmem>>) target(%dma_start3A_125 : memref<128x64xbf16, #tpu.memory_space<vmem_shared>>) target_semaphore(%run_scoped3A : memref<!tpu.dma_semaphore, #tpu.memory_space<semaphore_mem>>)
      %dma_wait3A = arith.constant 0 : i32
      %dma_wait3A_126 = tpu.memref_slice %arg17[%add3A_98, %dma_wait3A] : memref<10240x64xbf16, #tpu.memory_space<vmem_shared>> -> memref<128x64xbf16, #tpu.memory_space<vmem_shared>>
      %dma_wait3A_127 = arith.constant 0 : i32
      %dma_wait3A_128 = tpu.memref_slice %arg17[%add3A_98, %dma_wait3A_127] : memref<10240x64xbf16, #tpu.memory_space<vmem_shared>> -> memref<128x64xbf16, #tpu.memory_space<vmem_shared>>
      tpu.wait_dma2 semaphore(%run_scoped3A : memref<!tpu.dma_semaphore, #tpu.memory_space<semaphore_mem>>) src(%arg16 : memref<128x64xbf16, #tpu.memory_space<vmem>>) dst(%dma_wait3A_128 : memref<128x64xbf16, #tpu.memory_space<vmem_shared>>)
      tpu.yield
    }) : () -> ()
    %mul3A_99 = arith.constant 640 : i32
    %mul3A_100 = arith.muli %arg1, %mul3A_99 : i32
    %add3A_101 = arith.constant 256 : i32
    %add3A_102 = arith.addi %mul3A_100, %add3A_101 : i32
    "tpu.region"() ({
      %run_scoped3A = tpu.sem_alloc : memref<!tpu.dma_semaphore, #tpu.memory_space<semaphore_mem>>
      %dma_start3A_122 = arith.constant 0 : i32
      %dma_start3A_123 = tpu.memref_slice %arg17[%add3A_102, %dma_start3A_122] : memref<10240x64xbf16, #tpu.memory_space<vmem_shared>> -> memref<128x64xbf16, #tpu.memory_space<vmem_shared>>
      %dma_start3A_124 = arith.constant 0 : i32
      %dma_start3A_125 = tpu.memref_slice %arg17[%add3A_102, %dma_start3A_124] : memref<10240x64xbf16, #tpu.memory_space<vmem_shared>> -> memref<128x64xbf16, #tpu.memory_space<vmem_shared>>
      tpu.enqueue_dma source(%arg16 : memref<128x64xbf16, #tpu.memory_space<vmem>>) target(%dma_start3A_125 : memref<128x64xbf16, #tpu.memory_space<vmem_shared>>) target_semaphore(%run_scoped3A : memref<!tpu.dma_semaphore, #tpu.memory_space<semaphore_mem>>)
      %dma_wait3A = arith.constant 0 : i32
      %dma_wait3A_126 = tpu.memref_slice %arg17[%add3A_102, %dma_wait3A] : memref<10240x64xbf16, #tpu.memory_space<vmem_shared>> -> memref<128x64xbf16, #tpu.memory_space<vmem_shared>>
      %dma_wait3A_127 = arith.constant 0 : i32
      %dma_wait3A_128 = tpu.memref_slice %arg17[%add3A_102, %dma_wait3A_127] : memref<10240x64xbf16, #tpu.memory_space<vmem_shared>> -> memref<128x64xbf16, #tpu.memory_space<vmem_shared>>
      tpu.wait_dma2 semaphore(%run_scoped3A : memref<!tpu.dma_semaphore, #tpu.memory_space<semaphore_mem>>) src(%arg16 : memref<128x64xbf16, #tpu.memory_space<vmem>>) dst(%dma_wait3A_128 : memref<128x64xbf16, #tpu.memory_space<vmem_shared>>)
      tpu.yield
    }) : () -> ()
    %mul3A_103 = arith.constant 640 : i32
    %mul3A_104 = arith.muli %arg1, %mul3A_103 : i32
    %add3A_105 = arith.constant 384 : i32
    %add3A_106 = arith.addi %mul3A_104, %add3A_105 : i32
    "tpu.region"() ({
      %run_scoped3A = tpu.sem_alloc : memref<!tpu.dma_semaphore, #tpu.memory_space<semaphore_mem>>
      %dma_start3A_122 = arith.constant 0 : i32
      %dma_start3A_123 = tpu.memref_slice %arg17[%add3A_106, %dma_start3A_122] : memref<10240x64xbf16, #tpu.memory_space<vmem_shared>> -> memref<128x64xbf16, #tpu.memory_space<vmem_shared>>
      %dma_start3A_124 = arith.constant 0 : i32
      %dma_start3A_125 = tpu.memref_slice %arg17[%add3A_106, %dma_start3A_124] : memref<10240x64xbf16, #tpu.memory_space<vmem_shared>> -> memref<128x64xbf16, #tpu.memory_space<vmem_shared>>
      tpu.enqueue_dma source(%arg16 : memref<128x64xbf16, #tpu.memory_space<vmem>>) target(%dma_start3A_125 : memref<128x64xbf16, #tpu.memory_space<vmem_shared>>) target_semaphore(%run_scoped3A : memref<!tpu.dma_semaphore, #tpu.memory_space<semaphore_mem>>)
      %dma_wait3A = arith.constant 0 : i32
      %dma_wait3A_126 = tpu.memref_slice %arg17[%add3A_106, %dma_wait3A] : memref<10240x64xbf16, #tpu.memory_space<vmem_shared>> -> memref<128x64xbf16, #tpu.memory_space<vmem_shared>>
      %dma_wait3A_127 = arith.constant 0 : i32
      %dma_wait3A_128 = tpu.memref_slice %arg17[%add3A_106, %dma_wait3A_127] : memref<10240x64xbf16, #tpu.memory_space<vmem_shared>> -> memref<128x64xbf16, #tpu.memory_space<vmem_shared>>
      tpu.wait_dma2 semaphore(%run_scoped3A : memref<!tpu.dma_semaphore, #tpu.memory_space<semaphore_mem>>) src(%arg16 : memref<128x64xbf16, #tpu.memory_space<vmem>>) dst(%dma_wait3A_128 : memref<128x64xbf16, #tpu.memory_space<vmem_shared>>)
      tpu.yield
    }) : () -> ()
    %mul3A_107 = arith.constant 640 : i32
    %mul3A_108 = arith.muli %arg1, %mul3A_107 : i32
    %add3A_109 = arith.constant 512 : i32
    %add3A_110 = arith.addi %mul3A_108, %add3A_109 : i32
    "tpu.region"() ({
      %run_scoped3A = tpu.sem_alloc : memref<!tpu.dma_semaphore, #tpu.memory_space<semaphore_mem>>
      %dma_start3A_122 = arith.constant 0 : i32
      %dma_start3A_123 = tpu.memref_slice %arg17[%add3A_110, %dma_start3A_122] : memref<10240x64xbf16, #tpu.memory_space<vmem_shared>> -> memref<128x64xbf16, #tpu.memory_space<vmem_shared>>
      %dma_start3A_124 = arith.constant 0 : i32
      %dma_start3A_125 = tpu.memref_slice %arg17[%add3A_110, %dma_start3A_124] : memref<10240x64xbf16, #tpu.memory_space<vmem_shared>> -> memref<128x64xbf16, #tpu.memory_space<vmem_shared>>
      tpu.enqueue_dma source(%arg16 : memref<128x64xbf16, #tpu.memory_space<vmem>>) target(%dma_start3A_125 : memref<128x64xbf16, #tpu.memory_space<vmem_shared>>) target_semaphore(%run_scoped3A : memref<!tpu.dma_semaphore, #tpu.memory_space<semaphore_mem>>)
      %dma_wait3A = arith.constant 0 : i32
      %dma_wait3A_126 = tpu.memref_slice %arg17[%add3A_110, %dma_wait3A] : memref<10240x64xbf16, #tpu.memory_space<vmem_shared>> -> memref<128x64xbf16, #tpu.memory_space<vmem_shared>>
      %dma_wait3A_127 = arith.constant 0 : i32
      %dma_wait3A_128 = tpu.memref_slice %arg17[%add3A_110, %dma_wait3A_127] : memref<10240x64xbf16, #tpu.memory_space<vmem_shared>> -> memref<128x64xbf16, #tpu.memory_space<vmem_shared>>
      tpu.wait_dma2 semaphore(%run_scoped3A : memref<!tpu.dma_semaphore, #tpu.memory_space<semaphore_mem>>) src(%arg16 : memref<128x64xbf16, #tpu.memory_space<vmem>>) dst(%dma_wait3A_128 : memref<128x64xbf16, #tpu.memory_space<vmem_shared>>)
      tpu.yield
    }) : () -> ()
    %barrier3A = arith.constant 0 : index
    tpu.barrier barrier_id(%barrier3A)
    %scan3A_111 = arith.constant 0 : i32
    %scan3A_112 = arith.constant 0 : i32
    %scan3A_113 = arith.constant 20 : i32
    %scan3A_114 = arith.addi %scan3A_112, %scan3A_113 : i32
    %scan3A_115 = arith.constant 1 : i32
    scf.for %scan3A_122 = %scan3A_112 to %scan3A_114 step %scan3A_115  : i32 {
      %mul3A_123 = arith.constant 8 : i32
      %mul3A_124 = arith.muli %scan3A_122, %mul3A_123 : i32
      %add3A_125 = arith.constant 0 : i32
      %add3A_126 = arith.addi %mul3A_124, %add3A_125 : i32
      %dma_wait3A = arith.constant 0 : i32
      %dma_wait3A_127 = tpu.memref_slice %arg6[%add3A_126, %dma_wait3A] : memref<160x125xi32, #tpu.memory_space<vmem>> -> memref<1x125xi32, #tpu.memory_space<vmem>>
      %dma_wait3A_128 = tpu.memref_squeeze %dma_wait3A_127 : memref<1x125xi32, #tpu.memory_space<vmem>> -> memref<125xi32, #tpu.memory_space<vmem>>
      %dma_wait3A_129 = arith.constant 0 : i32
      %dma_wait3A_130 = arith.constant 0 : i32
      %dma_wait3A_131 = tpu.memref_slice %arg2[%arg0, %dma_wait3A_129, %dma_wait3A_130] : memref<2x10000x64xbf16, #tpu.memory_space<hbm>> -> memref<1x10000x64xbf16, #tpu.memory_space<hbm>>
      %dma_wait3A_132 = tpu.memref_squeeze %dma_wait3A_131 : memref<1x10000x64xbf16, #tpu.memory_space<hbm>> -> memref<10000x64xbf16, #tpu.memory_space<hbm>>
      %dma_wait3A_133 = arith.constant 0 : i32
      %dma_wait3A_134 = arith.constant 0 : i32
      %dma_wait3A_135 = tpu.memref_slice %dma_wait3A_132[%dma_wait3A_133, %dma_wait3A_134] : memref<10000x64xbf16, #tpu.memory_space<hbm>> -> memref<10000x64xbf16, #tpu.memory_space<hbm>>
      tpu.wait_indirect_dma semaphore(%arg18 : memref<!tpu.dma_semaphore, #tpu.memory_space<semaphore_mem>>) src(%dma_wait3A_135 : memref<10000x64xbf16, #tpu.memory_space<hbm>>) dst(%arg8 : memref<125x64xbf16, #tpu.memory_space<vmem>>)
      "tpu.region"() ({
        %run_scoped3A = tpu.sem_alloc : memref<!tpu.dma_semaphore, #tpu.memory_space<semaphore_mem>>
        %dma_start3A_287 = arith.constant 0 : i32
        %dma_start3A_288 = tpu.memref_slice %arg7[%add3A_126, %dma_start3A_287] : memref<160x125xi32, #tpu.memory_space<vmem>> -> memref<1x125xi32, #tpu.memory_space<vmem>>
        %dma_start3A_289 = tpu.memref_squeeze %dma_start3A_288 : memref<1x125xi32, #tpu.memory_space<vmem>> -> memref<125xi32, #tpu.memory_space<vmem>>
        %dma_start3A_290 = arith.constant 0 : i32
        %dma_start3A_291 = arith.constant 0 : i32
        %dma_start3A_292 = tpu.memref_slice %arg17[%dma_start3A_290, %dma_start3A_291] : memref<10240x64xbf16, #tpu.memory_space<vmem_shared>> -> memref<10240x64xbf16, #tpu.memory_space<vmem_shared>>
        tpu.enqueue_indirect_dma source(%arg8 : memref<125x64xbf16, #tpu.memory_space<vmem>>) target(%dma_start3A_292 : memref<10240x64xbf16, #tpu.memory_space<vmem_shared>>) offsets(%dma_start3A_289 : memref<125xi32, #tpu.memory_space<vmem>>) semaphore(%run_scoped3A : memref<!tpu.dma_semaphore, #tpu.memory_space<semaphore_mem>>) {add = true}
        %dma_wait3A_293 = arith.constant 0 : i32
        %dma_wait3A_294 = tpu.memref_slice %arg7[%add3A_126, %dma_wait3A_293] : memref<160x125xi32, #tpu.memory_space<vmem>> -> memref<1x125xi32, #tpu.memory_space<vmem>>
        %dma_wait3A_295 = tpu.memref_squeeze %dma_wait3A_294 : memref<1x125xi32, #tpu.memory_space<vmem>> -> memref<125xi32, #tpu.memory_space<vmem>>
        %dma_wait3A_296 = arith.constant 0 : i32
        %dma_wait3A_297 = arith.constant 0 : i32
        %dma_wait3A_298 = tpu.memref_slice %arg17[%dma_wait3A_296, %dma_wait3A_297] : memref<10240x64xbf16, #tpu.memory_space<vmem_shared>> -> memref<10240x64xbf16, #tpu.memory_space<vmem_shared>>
        tpu.wait_indirect_dma semaphore(%run_scoped3A : memref<!tpu.dma_semaphore, #tpu.memory_space<semaphore_mem>>) src(%arg8 : memref<125x64xbf16, #tpu.memory_space<vmem>>) dst(%dma_wait3A_298 : memref<10240x64xbf16, #tpu.memory_space<vmem_shared>>)
        tpu.yield
      }) : () -> ()
      %add3A_136 = arith.constant 8 : i32
      %add3A_137 = arith.addi %add3A_126, %add3A_136 : i32
      %lt3A = arith.constant 160 : i32
      %lt3A_138 = arith.cmpi slt, %add3A_137, %lt3A : i32
      %convert_element_type3A = arith.extui %lt3A_138 : i1 to i32
      %cond3A = arith.constant 0 : i32
      %cond3A_139 = arith.cmpi ne, %convert_element_type3A, %cond3A : i32
      scf.if %cond3A_139 {
        %add3A_287 = arith.constant 8 : i32
        %add3A_288 = arith.addi %add3A_126, %add3A_287 : i32
        %dma_start3A_289 = arith.constant 0 : i32
        %dma_start3A_290 = tpu.memref_slice %arg6[%add3A_288, %dma_start3A_289] : memref<160x125xi32, #tpu.memory_space<vmem>> -> memref<1x125xi32, #tpu.memory_space<vmem>>
        %dma_start3A_291 = tpu.memref_squeeze %dma_start3A_290 : memref<1x125xi32, #tpu.memory_space<vmem>> -> memref<125xi32, #tpu.memory_space<vmem>>
        %dma_start3A_292 = arith.constant 0 : i32
        %dma_start3A_293 = arith.constant 0 : i32
        %dma_start3A_294 = tpu.memref_slice %arg2[%arg0, %dma_start3A_292, %dma_start3A_293] : memref<2x10000x64xbf16, #tpu.memory_space<hbm>> -> memref<1x10000x64xbf16, #tpu.memory_space<hbm>>
        %dma_start3A_295 = tpu.memref_squeeze %dma_start3A_294 : memref<1x10000x64xbf16, #tpu.memory_space<hbm>> -> memref<10000x64xbf16, #tpu.memory_space<hbm>>
        %dma_start3A_296 = arith.constant 0 : i32
        %dma_start3A_297 = arith.constant 0 : i32
        %dma_start3A_298 = tpu.memref_slice %dma_start3A_295[%dma_start3A_296, %dma_start3A_297] : memref<10000x64xbf16, #tpu.memory_space<hbm>> -> memref<10000x64xbf16, #tpu.memory_space<hbm>>
        tpu.enqueue_indirect_dma source(%dma_start3A_298 : memref<10000x64xbf16, #tpu.memory_space<hbm>>) target(%arg8 : memref<125x64xbf16, #tpu.memory_space<vmem>>) offsets(%dma_start3A_291 : memref<125xi32, #tpu.memory_space<vmem>>) semaphore(%arg18 : memref<!tpu.dma_semaphore, #tpu.memory_space<semaphore_mem>>)
      } else {
      }
      %mul3A_140 = arith.constant 8 : i32
      %mul3A_141 = arith.muli %scan3A_122, %mul3A_140 : i32
      %add3A_142 = arith.constant 1 : i32
      %add3A_143 = arith.addi %mul3A_141, %add3A_142 : i32
      %dma_wait3A_144 = arith.constant 0 : i32
      %dma_wait3A_145 = tpu.memref_slice %arg6[%add3A_143, %dma_wait3A_144] : memref<160x125xi32, #tpu.memory_space<vmem>> -> memref<1x125xi32, #tpu.memory_space<vmem>>
      %dma_wait3A_146 = tpu.memref_squeeze %dma_wait3A_145 : memref<1x125xi32, #tpu.memory_space<vmem>> -> memref<125xi32, #tpu.memory_space<vmem>>
      %dma_wait3A_147 = arith.constant 0 : i32
      %dma_wait3A_148 = arith.constant 0 : i32
      %dma_wait3A_149 = tpu.memref_slice %arg2[%arg0, %dma_wait3A_147, %dma_wait3A_148] : memref<2x10000x64xbf16, #tpu.memory_space<hbm>> -> memref<1x10000x64xbf16, #tpu.memory_space<hbm>>
      %dma_wait3A_150 = tpu.memref_squeeze %dma_wait3A_149 : memref<1x10000x64xbf16, #tpu.memory_space<hbm>> -> memref<10000x64xbf16, #tpu.memory_space<hbm>>
      %dma_wait3A_151 = arith.constant 0 : i32
      %dma_wait3A_152 = arith.constant 0 : i32
      %dma_wait3A_153 = tpu.memref_slice %dma_wait3A_150[%dma_wait3A_151, %dma_wait3A_152] : memref<10000x64xbf16, #tpu.memory_space<hbm>> -> memref<10000x64xbf16, #tpu.memory_space<hbm>>
      tpu.wait_indirect_dma semaphore(%arg19 : memref<!tpu.dma_semaphore, #tpu.memory_space<semaphore_mem>>) src(%dma_wait3A_153 : memref<10000x64xbf16, #tpu.memory_space<hbm>>) dst(%arg9 : memref<125x64xbf16, #tpu.memory_space<vmem>>)
      "tpu.region"() ({
        %run_scoped3A = tpu.sem_alloc : memref<!tpu.dma_semaphore, #tpu.memory_space<semaphore_mem>>
        %dma_start3A_287 = arith.constant 0 : i32
        %dma_start3A_288 = tpu.memref_slice %arg7[%add3A_143, %dma_start3A_287] : memref<160x125xi32, #tpu.memory_space<vmem>> -> memref<1x125xi32, #tpu.memory_space<vmem>>
        %dma_start3A_289 = tpu.memref_squeeze %dma_start3A_288 : memref<1x125xi32, #tpu.memory_space<vmem>> -> memref<125xi32, #tpu.memory_space<vmem>>
        %dma_start3A_290 = arith.constant 0 : i32
        %dma_start3A_291 = arith.constant 0 : i32
        %dma_start3A_292 = tpu.memref_slice %arg17[%dma_start3A_290, %dma_start3A_291] : memref<10240x64xbf16, #tpu.memory_space<vmem_shared>> -> memref<10240x64xbf16, #tpu.memory_space<vmem_shared>>
        tpu.enqueue_indirect_dma source(%arg9 : memref<125x64xbf16, #tpu.memory_space<vmem>>) target(%dma_start3A_292 : memref<10240x64xbf16, #tpu.memory_space<vmem_shared>>) offsets(%dma_start3A_289 : memref<125xi32, #tpu.memory_space<vmem>>) semaphore(%run_scoped3A : memref<!tpu.dma_semaphore, #tpu.memory_space<semaphore_mem>>) {add = true}
        %dma_wait3A_293 = arith.constant 0 : i32
        %dma_wait3A_294 = tpu.memref_slice %arg7[%add3A_143, %dma_wait3A_293] : memref<160x125xi32, #tpu.memory_space<vmem>> -> memref<1x125xi32, #tpu.memory_space<vmem>>
        %dma_wait3A_295 = tpu.memref_squeeze %dma_wait3A_294 : memref<1x125xi32, #tpu.memory_space<vmem>> -> memref<125xi32, #tpu.memory_space<vmem>>
        %dma_wait3A_296 = arith.constant 0 : i32
        %dma_wait3A_297 = arith.constant 0 : i32
        %dma_wait3A_298 = tpu.memref_slice %arg17[%dma_wait3A_296, %dma_wait3A_297] : memref<10240x64xbf16, #tpu.memory_space<vmem_shared>> -> memref<10240x64xbf16, #tpu.memory_space<vmem_shared>>
        tpu.wait_indirect_dma semaphore(%run_scoped3A : memref<!tpu.dma_semaphore, #tpu.memory_space<semaphore_mem>>) src(%arg9 : memref<125x64xbf16, #tpu.memory_space<vmem>>) dst(%dma_wait3A_298 : memref<10240x64xbf16, #tpu.memory_space<vmem_shared>>)
        tpu.yield
      }) : () -> ()
      %add3A_154 = arith.constant 8 : i32
      %add3A_155 = arith.addi %add3A_143, %add3A_154 : i32
      %lt3A_156 = arith.constant 160 : i32
      %lt3A_157 = arith.cmpi slt, %add3A_155, %lt3A_156 : i32
      %convert_element_type3A_158 = arith.extui %lt3A_157 : i1 to i32
      %cond3A_159 = arith.constant 0 : i32
      %cond3A_160 = arith.cmpi ne, %convert_element_type3A_158, %cond3A_159 : i32
      scf.if %cond3A_160 {
        %add3A_287 = arith.constant 8 : i32
        %add3A_288 = arith.addi %add3A_143, %add3A_287 : i32
        %dma_start3A_289 = arith.constant 0 : i32
        %dma_start3A_290 = tpu.memref_slice %arg6[%add3A_288, %dma_start3A_289] : memref<160x125xi32, #tpu.memory_space<vmem>> -> memref<1x125xi32, #tpu.memory_space<vmem>>
        %dma_start3A_291 = tpu.memref_squeeze %dma_start3A_290 : memref<1x125xi32, #tpu.memory_space<vmem>> -> memref<125xi32, #tpu.memory_space<vmem>>
        %dma_start3A_292 = arith.constant 0 : i32
        %dma_start3A_293 = arith.constant 0 : i32
        %dma_start3A_294 = tpu.memref_slice %arg2[%arg0, %dma_start3A_292, %dma_start3A_293] : memref<2x10000x64xbf16, #tpu.memory_space<hbm>> -> memref<1x10000x64xbf16, #tpu.memory_space<hbm>>
        %dma_start3A_295 = tpu.memref_squeeze %dma_start3A_294 : memref<1x10000x64xbf16, #tpu.memory_space<hbm>> -> memref<10000x64xbf16, #tpu.memory_space<hbm>>
        %dma_start3A_296 = arith.constant 0 : i32
        %dma_start3A_297 = arith.constant 0 : i32
        %dma_start3A_298 = tpu.memref_slice %dma_start3A_295[%dma_start3A_296, %dma_start3A_297] : memref<10000x64xbf16, #tpu.memory_space<hbm>> -> memref<10000x64xbf16, #tpu.memory_space<hbm>>
        tpu.enqueue_indirect_dma source(%dma_start3A_298 : memref<10000x64xbf16, #tpu.memory_space<hbm>>) target(%arg9 : memref<125x64xbf16, #tpu.memory_space<vmem>>) offsets(%dma_start3A_291 : memref<125xi32, #tpu.memory_space<vmem>>) semaphore(%arg19 : memref<!tpu.dma_semaphore, #tpu.memory_space<semaphore_mem>>)
      } else {
      }
      %mul3A_161 = arith.constant 8 : i32
      %mul3A_162 = arith.muli %scan3A_122, %mul3A_161 : i32
      %add3A_163 = arith.constant 2 : i32
      %add3A_164 = arith.addi %mul3A_162, %add3A_163 : i32
      %dma_wait3A_165 = arith.constant 0 : i32
      %dma_wait3A_166 = tpu.memref_slice %arg6[%add3A_164, %dma_wait3A_165] : memref<160x125xi32, #tpu.memory_space<vmem>> -> memref<1x125xi32, #tpu.memory_space<vmem>>
      %dma_wait3A_167 = tpu.memref_squeeze %dma_wait3A_166 : memref<1x125xi32, #tpu.memory_space<vmem>> -> memref<125xi32, #tpu.memory_space<vmem>>
      %dma_wait3A_168 = arith.constant 0 : i32
      %dma_wait3A_169 = arith.constant 0 : i32
      %dma_wait3A_170 = tpu.memref_slice %arg2[%arg0, %dma_wait3A_168, %dma_wait3A_169] : memref<2x10000x64xbf16, #tpu.memory_space<hbm>> -> memref<1x10000x64xbf16, #tpu.memory_space<hbm>>
      %dma_wait3A_171 = tpu.memref_squeeze %dma_wait3A_170 : memref<1x10000x64xbf16, #tpu.memory_space<hbm>> -> memref<10000x64xbf16, #tpu.memory_space<hbm>>
      %dma_wait3A_172 = arith.constant 0 : i32
      %dma_wait3A_173 = arith.constant 0 : i32
      %dma_wait3A_174 = tpu.memref_slice %dma_wait3A_171[%dma_wait3A_172, %dma_wait3A_173] : memref<10000x64xbf16, #tpu.memory_space<hbm>> -> memref<10000x64xbf16, #tpu.memory_space<hbm>>
      tpu.wait_indirect_dma semaphore(%arg20 : memref<!tpu.dma_semaphore, #tpu.memory_space<semaphore_mem>>) src(%dma_wait3A_174 : memref<10000x64xbf16, #tpu.memory_space<hbm>>) dst(%arg10 : memref<125x64xbf16, #tpu.memory_space<vmem>>)
      "tpu.region"() ({
        %run_scoped3A = tpu.sem_alloc : memref<!tpu.dma_semaphore, #tpu.memory_space<semaphore_mem>>
        %dma_start3A_287 = arith.constant 0 : i32
        %dma_start3A_288 = tpu.memref_slice %arg7[%add3A_164, %dma_start3A_287] : memref<160x125xi32, #tpu.memory_space<vmem>> -> memref<1x125xi32, #tpu.memory_space<vmem>>
        %dma_start3A_289 = tpu.memref_squeeze %dma_start3A_288 : memref<1x125xi32, #tpu.memory_space<vmem>> -> memref<125xi32, #tpu.memory_space<vmem>>
        %dma_start3A_290 = arith.constant 0 : i32
        %dma_start3A_291 = arith.constant 0 : i32
        %dma_start3A_292 = tpu.memref_slice %arg17[%dma_start3A_290, %dma_start3A_291] : memref<10240x64xbf16, #tpu.memory_space<vmem_shared>> -> memref<10240x64xbf16, #tpu.memory_space<vmem_shared>>
        tpu.enqueue_indirect_dma source(%arg10 : memref<125x64xbf16, #tpu.memory_space<vmem>>) target(%dma_start3A_292 : memref<10240x64xbf16, #tpu.memory_space<vmem_shared>>) offsets(%dma_start3A_289 : memref<125xi32, #tpu.memory_space<vmem>>) semaphore(%run_scoped3A : memref<!tpu.dma_semaphore, #tpu.memory_space<semaphore_mem>>) {add = true}
        %dma_wait3A_293 = arith.constant 0 : i32
        %dma_wait3A_294 = tpu.memref_slice %arg7[%add3A_164, %dma_wait3A_293] : memref<160x125xi32, #tpu.memory_space<vmem>> -> memref<1x125xi32, #tpu.memory_space<vmem>>
        %dma_wait3A_295 = tpu.memref_squeeze %dma_wait3A_294 : memref<1x125xi32, #tpu.memory_space<vmem>> -> memref<125xi32, #tpu.memory_space<vmem>>
        %dma_wait3A_296 = arith.constant 0 : i32
        %dma_wait3A_297 = arith.constant 0 : i32
        %dma_wait3A_298 = tpu.memref_slice %arg17[%dma_wait3A_296, %dma_wait3A_297] : memref<10240x64xbf16, #tpu.memory_space<vmem_shared>> -> memref<10240x64xbf16, #tpu.memory_space<vmem_shared>>
        tpu.wait_indirect_dma semaphore(%run_scoped3A : memref<!tpu.dma_semaphore, #tpu.memory_space<semaphore_mem>>) src(%arg10 : memref<125x64xbf16, #tpu.memory_space<vmem>>) dst(%dma_wait3A_298 : memref<10240x64xbf16, #tpu.memory_space<vmem_shared>>)
        tpu.yield
      }) : () -> ()
      %add3A_175 = arith.constant 8 : i32
      %add3A_176 = arith.addi %add3A_164, %add3A_175 : i32
      %lt3A_177 = arith.constant 160 : i32
      %lt3A_178 = arith.cmpi slt, %add3A_176, %lt3A_177 : i32
      %convert_element_type3A_179 = arith.extui %lt3A_178 : i1 to i32
      %cond3A_180 = arith.constant 0 : i32
      %cond3A_181 = arith.cmpi ne, %convert_element_type3A_179, %cond3A_180 : i32
      scf.if %cond3A_181 {
        %add3A_287 = arith.constant 8 : i32
        %add3A_288 = arith.addi %add3A_164, %add3A_287 : i32
        %dma_start3A_289 = arith.constant 0 : i32
        %dma_start3A_290 = tpu.memref_slice %arg6[%add3A_288, %dma_start3A_289] : memref<160x125xi32, #tpu.memory_space<vmem>> -> memref<1x125xi32, #tpu.memory_space<vmem>>
        %dma_start3A_291 = tpu.memref_squeeze %dma_start3A_290 : memref<1x125xi32, #tpu.memory_space<vmem>> -> memref<125xi32, #tpu.memory_space<vmem>>
        %dma_start3A_292 = arith.constant 0 : i32
        %dma_start3A_293 = arith.constant 0 : i32
        %dma_start3A_294 = tpu.memref_slice %arg2[%arg0, %dma_start3A_292, %dma_start3A_293] : memref<2x10000x64xbf16, #tpu.memory_space<hbm>> -> memref<1x10000x64xbf16, #tpu.memory_space<hbm>>
        %dma_start3A_295 = tpu.memref_squeeze %dma_start3A_294 : memref<1x10000x64xbf16, #tpu.memory_space<hbm>> -> memref<10000x64xbf16, #tpu.memory_space<hbm>>
        %dma_start3A_296 = arith.constant 0 : i32
        %dma_start3A_297 = arith.constant 0 : i32
        %dma_start3A_298 = tpu.memref_slice %dma_start3A_295[%dma_start3A_296, %dma_start3A_297] : memref<10000x64xbf16, #tpu.memory_space<hbm>> -> memref<10000x64xbf16, #tpu.memory_space<hbm>>
        tpu.enqueue_indirect_dma source(%dma_start3A_298 : memref<10000x64xbf16, #tpu.memory_space<hbm>>) target(%arg10 : memref<125x64xbf16, #tpu.memory_space<vmem>>) offsets(%dma_start3A_291 : memref<125xi32, #tpu.memory_space<vmem>>) semaphore(%arg20 : memref<!tpu.dma_semaphore, #tpu.memory_space<semaphore_mem>>)
      } else {
      }
      %mul3A_182 = arith.constant 8 : i32
      %mul3A_183 = arith.muli %scan3A_122, %mul3A_182 : i32
      %add3A_184 = arith.constant 3 : i32
      %add3A_185 = arith.addi %mul3A_183, %add3A_184 : i32
      %dma_wait3A_186 = arith.constant 0 : i32
      %dma_wait3A_187 = tpu.memref_slice %arg6[%add3A_185, %dma_wait3A_186] : memref<160x125xi32, #tpu.memory_space<vmem>> -> memref<1x125xi32, #tpu.memory_space<vmem>>
      %dma_wait3A_188 = tpu.memref_squeeze %dma_wait3A_187 : memref<1x125xi32, #tpu.memory_space<vmem>> -> memref<125xi32, #tpu.memory_space<vmem>>
      %dma_wait3A_189 = arith.constant 0 : i32
      %dma_wait3A_190 = arith.constant 0 : i32
      %dma_wait3A_191 = tpu.memref_slice %arg2[%arg0, %dma_wait3A_189, %dma_wait3A_190] : memref<2x10000x64xbf16, #tpu.memory_space<hbm>> -> memref<1x10000x64xbf16, #tpu.memory_space<hbm>>
      %dma_wait3A_192 = tpu.memref_squeeze %dma_wait3A_191 : memref<1x10000x64xbf16, #tpu.memory_space<hbm>> -> memref<10000x64xbf16, #tpu.memory_space<hbm>>
      %dma_wait3A_193 = arith.constant 0 : i32
      %dma_wait3A_194 = arith.constant 0 : i32
      %dma_wait3A_195 = tpu.memref_slice %dma_wait3A_192[%dma_wait3A_193, %dma_wait3A_194] : memref<10000x64xbf16, #tpu.memory_space<hbm>> -> memref<10000x64xbf16, #tpu.memory_space<hbm>>
      tpu.wait_indirect_dma semaphore(%arg21 : memref<!tpu.dma_semaphore, #tpu.memory_space<semaphore_mem>>) src(%dma_wait3A_195 : memref<10000x64xbf16, #tpu.memory_space<hbm>>) dst(%arg11 : memref<125x64xbf16, #tpu.memory_space<vmem>>)
      "tpu.region"() ({
        %run_scoped3A = tpu.sem_alloc : memref<!tpu.dma_semaphore, #tpu.memory_space<semaphore_mem>>
        %dma_start3A_287 = arith.constant 0 : i32
        %dma_start3A_288 = tpu.memref_slice %arg7[%add3A_185, %dma_start3A_287] : memref<160x125xi32, #tpu.memory_space<vmem>> -> memref<1x125xi32, #tpu.memory_space<vmem>>
        %dma_start3A_289 = tpu.memref_squeeze %dma_start3A_288 : memref<1x125xi32, #tpu.memory_space<vmem>> -> memref<125xi32, #tpu.memory_space<vmem>>
        %dma_start3A_290 = arith.constant 0 : i32
        %dma_start3A_291 = arith.constant 0 : i32
        %dma_start3A_292 = tpu.memref_slice %arg17[%dma_start3A_290, %dma_start3A_291] : memref<10240x64xbf16, #tpu.memory_space<vmem_shared>> -> memref<10240x64xbf16, #tpu.memory_space<vmem_shared>>
        tpu.enqueue_indirect_dma source(%arg11 : memref<125x64xbf16, #tpu.memory_space<vmem>>) target(%dma_start3A_292 : memref<10240x64xbf16, #tpu.memory_space<vmem_shared>>) offsets(%dma_start3A_289 : memref<125xi32, #tpu.memory_space<vmem>>) semaphore(%run_scoped3A : memref<!tpu.dma_semaphore, #tpu.memory_space<semaphore_mem>>) {add = true}
        %dma_wait3A_293 = arith.constant 0 : i32
        %dma_wait3A_294 = tpu.memref_slice %arg7[%add3A_185, %dma_wait3A_293] : memref<160x125xi32, #tpu.memory_space<vmem>> -> memref<1x125xi32, #tpu.memory_space<vmem>>
        %dma_wait3A_295 = tpu.memref_squeeze %dma_wait3A_294 : memref<1x125xi32, #tpu.memory_space<vmem>> -> memref<125xi32, #tpu.memory_space<vmem>>
        %dma_wait3A_296 = arith.constant 0 : i32
        %dma_wait3A_297 = arith.constant 0 : i32
        %dma_wait3A_298 = tpu.memref_slice %arg17[%dma_wait3A_296, %dma_wait3A_297] : memref<10240x64xbf16, #tpu.memory_space<vmem_shared>> -> memref<10240x64xbf16, #tpu.memory_space<vmem_shared>>
        tpu.wait_indirect_dma semaphore(%run_scoped3A : memref<!tpu.dma_semaphore, #tpu.memory_space<semaphore_mem>>) src(%arg11 : memref<125x64xbf16, #tpu.memory_space<vmem>>) dst(%dma_wait3A_298 : memref<10240x64xbf16, #tpu.memory_space<vmem_shared>>)
        tpu.yield
      }) : () -> ()
      %add3A_196 = arith.constant 8 : i32
      %add3A_197 = arith.addi %add3A_185, %add3A_196 : i32
      %lt3A_198 = arith.constant 160 : i32
      %lt3A_199 = arith.cmpi slt, %add3A_197, %lt3A_198 : i32
      %convert_element_type3A_200 = arith.extui %lt3A_199 : i1 to i32
      %cond3A_201 = arith.constant 0 : i32
      %cond3A_202 = arith.cmpi ne, %convert_element_type3A_200, %cond3A_201 : i32
      scf.if %cond3A_202 {
        %add3A_287 = arith.constant 8 : i32
        %add3A_288 = arith.addi %add3A_185, %add3A_287 : i32
        %dma_start3A_289 = arith.constant 0 : i32
        %dma_start3A_290 = tpu.memref_slice %arg6[%add3A_288, %dma_start3A_289] : memref<160x125xi32, #tpu.memory_space<vmem>> -> memref<1x125xi32, #tpu.memory_space<vmem>>
        %dma_start3A_291 = tpu.memref_squeeze %dma_start3A_290 : memref<1x125xi32, #tpu.memory_space<vmem>> -> memref<125xi32, #tpu.memory_space<vmem>>
        %dma_start3A_292 = arith.constant 0 : i32
        %dma_start3A_293 = arith.constant 0 : i32
        %dma_start3A_294 = tpu.memref_slice %arg2[%arg0, %dma_start3A_292, %dma_start3A_293] : memref<2x10000x64xbf16, #tpu.memory_space<hbm>> -> memref<1x10000x64xbf16, #tpu.memory_space<hbm>>
        %dma_start3A_295 = tpu.memref_squeeze %dma_start3A_294 : memref<1x10000x64xbf16, #tpu.memory_space<hbm>> -> memref<10000x64xbf16, #tpu.memory_space<hbm>>
        %dma_start3A_296 = arith.constant 0 : i32
        %dma_start3A_297 = arith.constant 0 : i32
        %dma_start3A_298 = tpu.memref_slice %dma_start3A_295[%dma_start3A_296, %dma_start3A_297] : memref<10000x64xbf16, #tpu.memory_space<hbm>> -> memref<10000x64xbf16, #tpu.memory_space<hbm>>
        tpu.enqueue_indirect_dma source(%dma_start3A_298 : memref<10000x64xbf16, #tpu.memory_space<hbm>>) target(%arg11 : memref<125x64xbf16, #tpu.memory_space<vmem>>) offsets(%dma_start3A_291 : memref<125xi32, #tpu.memory_space<vmem>>) semaphore(%arg21 : memref<!tpu.dma_semaphore, #tpu.memory_space<semaphore_mem>>)
      } else {
      }
      %mul3A_203 = arith.constant 8 : i32
      %mul3A_204 = arith.muli %scan3A_122, %mul3A_203 : i32
      %add3A_205 = arith.constant 4 : i32
      %add3A_206 = arith.addi %mul3A_204, %add3A_205 : i32
      %dma_wait3A_207 = arith.constant 0 : i32
      %dma_wait3A_208 = tpu.memref_slice %arg6[%add3A_206, %dma_wait3A_207] : memref<160x125xi32, #tpu.memory_space<vmem>> -> memref<1x125xi32, #tpu.memory_space<vmem>>
      %dma_wait3A_209 = tpu.memref_squeeze %dma_wait3A_208 : memref<1x125xi32, #tpu.memory_space<vmem>> -> memref<125xi32, #tpu.memory_space<vmem>>
      %dma_wait3A_210 = arith.constant 0 : i32
      %dma_wait3A_211 = arith.constant 0 : i32
      %dma_wait3A_212 = tpu.memref_slice %arg2[%arg0, %dma_wait3A_210, %dma_wait3A_211] : memref<2x10000x64xbf16, #tpu.memory_space<hbm>> -> memref<1x10000x64xbf16, #tpu.memory_space<hbm>>
      %dma_wait3A_213 = tpu.memref_squeeze %dma_wait3A_212 : memref<1x10000x64xbf16, #tpu.memory_space<hbm>> -> memref<10000x64xbf16, #tpu.memory_space<hbm>>
      %dma_wait3A_214 = arith.constant 0 : i32
      %dma_wait3A_215 = arith.constant 0 : i32
      %dma_wait3A_216 = tpu.memref_slice %dma_wait3A_213[%dma_wait3A_214, %dma_wait3A_215] : memref<10000x64xbf16, #tpu.memory_space<hbm>> -> memref<10000x64xbf16, #tpu.memory_space<hbm>>
      tpu.wait_indirect_dma semaphore(%arg22 : memref<!tpu.dma_semaphore, #tpu.memory_space<semaphore_mem>>) src(%dma_wait3A_216 : memref<10000x64xbf16, #tpu.memory_space<hbm>>) dst(%arg12 : memref<125x64xbf16, #tpu.memory_space<vmem>>)
      "tpu.region"() ({
        %run_scoped3A = tpu.sem_alloc : memref<!tpu.dma_semaphore, #tpu.memory_space<semaphore_mem>>
        %dma_start3A_287 = arith.constant 0 : i32
        %dma_start3A_288 = tpu.memref_slice %arg7[%add3A_206, %dma_start3A_287] : memref<160x125xi32, #tpu.memory_space<vmem>> -> memref<1x125xi32, #tpu.memory_space<vmem>>
        %dma_start3A_289 = tpu.memref_squeeze %dma_start3A_288 : memref<1x125xi32, #tpu.memory_space<vmem>> -> memref<125xi32, #tpu.memory_space<vmem>>
        %dma_start3A_290 = arith.constant 0 : i32
        %dma_start3A_291 = arith.constant 0 : i32
        %dma_start3A_292 = tpu.memref_slice %arg17[%dma_start3A_290, %dma_start3A_291] : memref<10240x64xbf16, #tpu.memory_space<vmem_shared>> -> memref<10240x64xbf16, #tpu.memory_space<vmem_shared>>
        tpu.enqueue_indirect_dma source(%arg12 : memref<125x64xbf16, #tpu.memory_space<vmem>>) target(%dma_start3A_292 : memref<10240x64xbf16, #tpu.memory_space<vmem_shared>>) offsets(%dma_start3A_289 : memref<125xi32, #tpu.memory_space<vmem>>) semaphore(%run_scoped3A : memref<!tpu.dma_semaphore, #tpu.memory_space<semaphore_mem>>) {add = true}
        %dma_wait3A_293 = arith.constant 0 : i32
        %dma_wait3A_294 = tpu.memref_slice %arg7[%add3A_206, %dma_wait3A_293] : memref<160x125xi32, #tpu.memory_space<vmem>> -> memref<1x125xi32, #tpu.memory_space<vmem>>
        %dma_wait3A_295 = tpu.memref_squeeze %dma_wait3A_294 : memref<1x125xi32, #tpu.memory_space<vmem>> -> memref<125xi32, #tpu.memory_space<vmem>>
        %dma_wait3A_296 = arith.constant 0 : i32
        %dma_wait3A_297 = arith.constant 0 : i32
        %dma_wait3A_298 = tpu.memref_slice %arg17[%dma_wait3A_296, %dma_wait3A_297] : memref<10240x64xbf16, #tpu.memory_space<vmem_shared>> -> memref<10240x64xbf16, #tpu.memory_space<vmem_shared>>
        tpu.wait_indirect_dma semaphore(%run_scoped3A : memref<!tpu.dma_semaphore, #tpu.memory_space<semaphore_mem>>) src(%arg12 : memref<125x64xbf16, #tpu.memory_space<vmem>>) dst(%dma_wait3A_298 : memref<10240x64xbf16, #tpu.memory_space<vmem_shared>>)
        tpu.yield
      }) : () -> ()
      %add3A_217 = arith.constant 8 : i32
      %add3A_218 = arith.addi %add3A_206, %add3A_217 : i32
      %lt3A_219 = arith.constant 160 : i32
      %lt3A_220 = arith.cmpi slt, %add3A_218, %lt3A_219 : i32
      %convert_element_type3A_221 = arith.extui %lt3A_220 : i1 to i32
      %cond3A_222 = arith.constant 0 : i32
      %cond3A_223 = arith.cmpi ne, %convert_element_type3A_221, %cond3A_222 : i32
      scf.if %cond3A_223 {
        %add3A_287 = arith.constant 8 : i32
        %add3A_288 = arith.addi %add3A_206, %add3A_287 : i32
        %dma_start3A_289 = arith.constant 0 : i32
        %dma_start3A_290 = tpu.memref_slice %arg6[%add3A_288, %dma_start3A_289] : memref<160x125xi32, #tpu.memory_space<vmem>> -> memref<1x125xi32, #tpu.memory_space<vmem>>
        %dma_start3A_291 = tpu.memref_squeeze %dma_start3A_290 : memref<1x125xi32, #tpu.memory_space<vmem>> -> memref<125xi32, #tpu.memory_space<vmem>>
        %dma_start3A_292 = arith.constant 0 : i32
        %dma_start3A_293 = arith.constant 0 : i32
        %dma_start3A_294 = tpu.memref_slice %arg2[%arg0, %dma_start3A_292, %dma_start3A_293] : memref<2x10000x64xbf16, #tpu.memory_space<hbm>> -> memref<1x10000x64xbf16, #tpu.memory_space<hbm>>
        %dma_start3A_295 = tpu.memref_squeeze %dma_start3A_294 : memref<1x10000x64xbf16, #tpu.memory_space<hbm>> -> memref<10000x64xbf16, #tpu.memory_space<hbm>>
        %dma_start3A_296 = arith.constant 0 : i32
        %dma_start3A_297 = arith.constant 0 : i32
        %dma_start3A_298 = tpu.memref_slice %dma_start3A_295[%dma_start3A_296, %dma_start3A_297] : memref<10000x64xbf16, #tpu.memory_space<hbm>> -> memref<10000x64xbf16, #tpu.memory_space<hbm>>
        tpu.enqueue_indirect_dma source(%dma_start3A_298 : memref<10000x64xbf16, #tpu.memory_space<hbm>>) target(%arg12 : memref<125x64xbf16, #tpu.memory_space<vmem>>) offsets(%dma_start3A_291 : memref<125xi32, #tpu.memory_space<vmem>>) semaphore(%arg22 : memref<!tpu.dma_semaphore, #tpu.memory_space<semaphore_mem>>)
      } else {
      }
      %mul3A_224 = arith.constant 8 : i32
      %mul3A_225 = arith.muli %scan3A_122, %mul3A_224 : i32
      %add3A_226 = arith.constant 5 : i32
      %add3A_227 = arith.addi %mul3A_225, %add3A_226 : i32
      %dma_wait3A_228 = arith.constant 0 : i32
      %dma_wait3A_229 = tpu.memref_slice %arg6[%add3A_227, %dma_wait3A_228] : memref<160x125xi32, #tpu.memory_space<vmem>> -> memref<1x125xi32, #tpu.memory_space<vmem>>
      %dma_wait3A_230 = tpu.memref_squeeze %dma_wait3A_229 : memref<1x125xi32, #tpu.memory_space<vmem>> -> memref<125xi32, #tpu.memory_space<vmem>>
      %dma_wait3A_231 = arith.constant 0 : i32
      %dma_wait3A_232 = arith.constant 0 : i32
      %dma_wait3A_233 = tpu.memref_slice %arg2[%arg0, %dma_wait3A_231, %dma_wait3A_232] : memref<2x10000x64xbf16, #tpu.memory_space<hbm>> -> memref<1x10000x64xbf16, #tpu.memory_space<hbm>>
      %dma_wait3A_234 = tpu.memref_squeeze %dma_wait3A_233 : memref<1x10000x64xbf16, #tpu.memory_space<hbm>> -> memref<10000x64xbf16, #tpu.memory_space<hbm>>
      %dma_wait3A_235 = arith.constant 0 : i32
      %dma_wait3A_236 = arith.constant 0 : i32
      %dma_wait3A_237 = tpu.memref_slice %dma_wait3A_234[%dma_wait3A_235, %dma_wait3A_236] : memref<10000x64xbf16, #tpu.memory_space<hbm>> -> memref<10000x64xbf16, #tpu.memory_space<hbm>>
      tpu.wait_indirect_dma semaphore(%arg23 : memref<!tpu.dma_semaphore, #tpu.memory_space<semaphore_mem>>) src(%dma_wait3A_237 : memref<10000x64xbf16, #tpu.memory_space<hbm>>) dst(%arg13 : memref<125x64xbf16, #tpu.memory_space<vmem>>)
      "tpu.region"() ({
        %run_scoped3A = tpu.sem_alloc : memref<!tpu.dma_semaphore, #tpu.memory_space<semaphore_mem>>
        %dma_start3A_287 = arith.constant 0 : i32
        %dma_start3A_288 = tpu.memref_slice %arg7[%add3A_227, %dma_start3A_287] : memref<160x125xi32, #tpu.memory_space<vmem>> -> memref<1x125xi32, #tpu.memory_space<vmem>>
        %dma_start3A_289 = tpu.memref_squeeze %dma_start3A_288 : memref<1x125xi32, #tpu.memory_space<vmem>> -> memref<125xi32, #tpu.memory_space<vmem>>
        %dma_start3A_290 = arith.constant 0 : i32
        %dma_start3A_291 = arith.constant 0 : i32
        %dma_start3A_292 = tpu.memref_slice %arg17[%dma_start3A_290, %dma_start3A_291] : memref<10240x64xbf16, #tpu.memory_space<vmem_shared>> -> memref<10240x64xbf16, #tpu.memory_space<vmem_shared>>
        tpu.enqueue_indirect_dma source(%arg13 : memref<125x64xbf16, #tpu.memory_space<vmem>>) target(%dma_start3A_292 : memref<10240x64xbf16, #tpu.memory_space<vmem_shared>>) offsets(%dma_start3A_289 : memref<125xi32, #tpu.memory_space<vmem>>) semaphore(%run_scoped3A : memref<!tpu.dma_semaphore, #tpu.memory_space<semaphore_mem>>) {add = true}
        %dma_wait3A_293 = arith.constant 0 : i32
        %dma_wait3A_294 = tpu.memref_slice %arg7[%add3A_227, %dma_wait3A_293] : memref<160x125xi32, #tpu.memory_space<vmem>> -> memref<1x125xi32, #tpu.memory_space<vmem>>
        %dma_wait3A_295 = tpu.memref_squeeze %dma_wait3A_294 : memref<1x125xi32, #tpu.memory_space<vmem>> -> memref<125xi32, #tpu.memory_space<vmem>>
        %dma_wait3A_296 = arith.constant 0 : i32
        %dma_wait3A_297 = arith.constant 0 : i32
        %dma_wait3A_298 = tpu.memref_slice %arg17[%dma_wait3A_296, %dma_wait3A_297] : memref<10240x64xbf16, #tpu.memory_space<vmem_shared>> -> memref<10240x64xbf16, #tpu.memory_space<vmem_shared>>
        tpu.wait_indirect_dma semaphore(%run_scoped3A : memref<!tpu.dma_semaphore, #tpu.memory_space<semaphore_mem>>) src(%arg13 : memref<125x64xbf16, #tpu.memory_space<vmem>>) dst(%dma_wait3A_298 : memref<10240x64xbf16, #tpu.memory_space<vmem_shared>>)
        tpu.yield
      }) : () -> ()
      %add3A_238 = arith.constant 8 : i32
      %add3A_239 = arith.addi %add3A_227, %add3A_238 : i32
      %lt3A_240 = arith.constant 160 : i32
      %lt3A_241 = arith.cmpi slt, %add3A_239, %lt3A_240 : i32
      %convert_element_type3A_242 = arith.extui %lt3A_241 : i1 to i32
      %cond3A_243 = arith.constant 0 : i32
      %cond3A_244 = arith.cmpi ne, %convert_element_type3A_242, %cond3A_243 : i32
      scf.if %cond3A_244 {
        %add3A_287 = arith.constant 8 : i32
        %add3A_288 = arith.addi %add3A_227, %add3A_287 : i32
        %dma_start3A_289 = arith.constant 0 : i32
        %dma_start3A_290 = tpu.memref_slice %arg6[%add3A_288, %dma_start3A_289] : memref<160x125xi32, #tpu.memory_space<vmem>> -> memref<1x125xi32, #tpu.memory_space<vmem>>
        %dma_start3A_291 = tpu.memref_squeeze %dma_start3A_290 : memref<1x125xi32, #tpu.memory_space<vmem>> -> memref<125xi32, #tpu.memory_space<vmem>>
        %dma_start3A_292 = arith.constant 0 : i32
        %dma_start3A_293 = arith.constant 0 : i32
        %dma_start3A_294 = tpu.memref_slice %arg2[%arg0, %dma_start3A_292, %dma_start3A_293] : memref<2x10000x64xbf16, #tpu.memory_space<hbm>> -> memref<1x10000x64xbf16, #tpu.memory_space<hbm>>
        %dma_start3A_295 = tpu.memref_squeeze %dma_start3A_294 : memref<1x10000x64xbf16, #tpu.memory_space<hbm>> -> memref<10000x64xbf16, #tpu.memory_space<hbm>>
        %dma_start3A_296 = arith.constant 0 : i32
        %dma_start3A_297 = arith.constant 0 : i32
        %dma_start3A_298 = tpu.memref_slice %dma_start3A_295[%dma_start3A_296, %dma_start3A_297] : memref<10000x64xbf16, #tpu.memory_space<hbm>> -> memref<10000x64xbf16, #tpu.memory_space<hbm>>
        tpu.enqueue_indirect_dma source(%dma_start3A_298 : memref<10000x64xbf16, #tpu.memory_space<hbm>>) target(%arg13 : memref<125x64xbf16, #tpu.memory_space<vmem>>) offsets(%dma_start3A_291 : memref<125xi32, #tpu.memory_space<vmem>>) semaphore(%arg23 : memref<!tpu.dma_semaphore, #tpu.memory_space<semaphore_mem>>)
      } else {
      }
      %mul3A_245 = arith.constant 8 : i32
      %mul3A_246 = arith.muli %scan3A_122, %mul3A_245 : i32
      %add3A_247 = arith.constant 6 : i32
      %add3A_248 = arith.addi %mul3A_246, %add3A_247 : i32
      %dma_wait3A_249 = arith.constant 0 : i32
      %dma_wait3A_250 = tpu.memref_slice %arg6[%add3A_248, %dma_wait3A_249] : memref<160x125xi32, #tpu.memory_space<vmem>> -> memref<1x125xi32, #tpu.memory_space<vmem>>
      %dma_wait3A_251 = tpu.memref_squeeze %dma_wait3A_250 : memref<1x125xi32, #tpu.memory_space<vmem>> -> memref<125xi32, #tpu.memory_space<vmem>>
      %dma_wait3A_252 = arith.constant 0 : i32
      %dma_wait3A_253 = arith.constant 0 : i32
      %dma_wait3A_254 = tpu.memref_slice %arg2[%arg0, %dma_wait3A_252, %dma_wait3A_253] : memref<2x10000x64xbf16, #tpu.memory_space<hbm>> -> memref<1x10000x64xbf16, #tpu.memory_space<hbm>>
      %dma_wait3A_255 = tpu.memref_squeeze %dma_wait3A_254 : memref<1x10000x64xbf16, #tpu.memory_space<hbm>> -> memref<10000x64xbf16, #tpu.memory_space<hbm>>
      %dma_wait3A_256 = arith.constant 0 : i32
      %dma_wait3A_257 = arith.constant 0 : i32
      %dma_wait3A_258 = tpu.memref_slice %dma_wait3A_255[%dma_wait3A_256, %dma_wait3A_257] : memref<10000x64xbf16, #tpu.memory_space<hbm>> -> memref<10000x64xbf16, #tpu.memory_space<hbm>>
      tpu.wait_indirect_dma semaphore(%arg24 : memref<!tpu.dma_semaphore, #tpu.memory_space<semaphore_mem>>) src(%dma_wait3A_258 : memref<10000x64xbf16, #tpu.memory_space<hbm>>) dst(%arg14 : memref<125x64xbf16, #tpu.memory_space<vmem>>)
      "tpu.region"() ({
        %run_scoped3A = tpu.sem_alloc : memref<!tpu.dma_semaphore, #tpu.memory_space<semaphore_mem>>
        %dma_start3A_287 = arith.constant 0 : i32
        %dma_start3A_288 = tpu.memref_slice %arg7[%add3A_248, %dma_start3A_287] : memref<160x125xi32, #tpu.memory_space<vmem>> -> memref<1x125xi32, #tpu.memory_space<vmem>>
        %dma_start3A_289 = tpu.memref_squeeze %dma_start3A_288 : memref<1x125xi32, #tpu.memory_space<vmem>> -> memref<125xi32, #tpu.memory_space<vmem>>
        %dma_start3A_290 = arith.constant 0 : i32
        %dma_start3A_291 = arith.constant 0 : i32
        %dma_start3A_292 = tpu.memref_slice %arg17[%dma_start3A_290, %dma_start3A_291] : memref<10240x64xbf16, #tpu.memory_space<vmem_shared>> -> memref<10240x64xbf16, #tpu.memory_space<vmem_shared>>
        tpu.enqueue_indirect_dma source(%arg14 : memref<125x64xbf16, #tpu.memory_space<vmem>>) target(%dma_start3A_292 : memref<10240x64xbf16, #tpu.memory_space<vmem_shared>>) offsets(%dma_start3A_289 : memref<125xi32, #tpu.memory_space<vmem>>) semaphore(%run_scoped3A : memref<!tpu.dma_semaphore, #tpu.memory_space<semaphore_mem>>) {add = true}
        %dma_wait3A_293 = arith.constant 0 : i32
        %dma_wait3A_294 = tpu.memref_slice %arg7[%add3A_248, %dma_wait3A_293] : memref<160x125xi32, #tpu.memory_space<vmem>> -> memref<1x125xi32, #tpu.memory_space<vmem>>
        %dma_wait3A_295 = tpu.memref_squeeze %dma_wait3A_294 : memref<1x125xi32, #tpu.memory_space<vmem>> -> memref<125xi32, #tpu.memory_space<vmem>>
        %dma_wait3A_296 = arith.constant 0 : i32
        %dma_wait3A_297 = arith.constant 0 : i32
        %dma_wait3A_298 = tpu.memref_slice %arg17[%dma_wait3A_296, %dma_wait3A_297] : memref<10240x64xbf16, #tpu.memory_space<vmem_shared>> -> memref<10240x64xbf16, #tpu.memory_space<vmem_shared>>
        tpu.wait_indirect_dma semaphore(%run_scoped3A : memref<!tpu.dma_semaphore, #tpu.memory_space<semaphore_mem>>) src(%arg14 : memref<125x64xbf16, #tpu.memory_space<vmem>>) dst(%dma_wait3A_298 : memref<10240x64xbf16, #tpu.memory_space<vmem_shared>>)
        tpu.yield
      }) : () -> ()
      %add3A_259 = arith.constant 8 : i32
      %add3A_260 = arith.addi %add3A_248, %add3A_259 : i32
      %lt3A_261 = arith.constant 160 : i32
      %lt3A_262 = arith.cmpi slt, %add3A_260, %lt3A_261 : i32
      %convert_element_type3A_263 = arith.extui %lt3A_262 : i1 to i32
      %cond3A_264 = arith.constant 0 : i32
      %cond3A_265 = arith.cmpi ne, %convert_element_type3A_263, %cond3A_264 : i32
      scf.if %cond3A_265 {
        %add3A_287 = arith.constant 8 : i32
        %add3A_288 = arith.addi %add3A_248, %add3A_287 : i32
        %dma_start3A_289 = arith.constant 0 : i32
        %dma_start3A_290 = tpu.memref_slice %arg6[%add3A_288, %dma_start3A_289] : memref<160x125xi32, #tpu.memory_space<vmem>> -> memref<1x125xi32, #tpu.memory_space<vmem>>
        %dma_start3A_291 = tpu.memref_squeeze %dma_start3A_290 : memref<1x125xi32, #tpu.memory_space<vmem>> -> memref<125xi32, #tpu.memory_space<vmem>>
        %dma_start3A_292 = arith.constant 0 : i32
        %dma_start3A_293 = arith.constant 0 : i32
        %dma_start3A_294 = tpu.memref_slice %arg2[%arg0, %dma_start3A_292, %dma_start3A_293] : memref<2x10000x64xbf16, #tpu.memory_space<hbm>> -> memref<1x10000x64xbf16, #tpu.memory_space<hbm>>
        %dma_start3A_295 = tpu.memref_squeeze %dma_start3A_294 : memref<1x10000x64xbf16, #tpu.memory_space<hbm>> -> memref<10000x64xbf16, #tpu.memory_space<hbm>>
        %dma_start3A_296 = arith.constant 0 : i32
        %dma_start3A_297 = arith.constant 0 : i32
        %dma_start3A_298 = tpu.memref_slice %dma_start3A_295[%dma_start3A_296, %dma_start3A_297] : memref<10000x64xbf16, #tpu.memory_space<hbm>> -> memref<10000x64xbf16, #tpu.memory_space<hbm>>
        tpu.enqueue_indirect_dma source(%dma_start3A_298 : memref<10000x64xbf16, #tpu.memory_space<hbm>>) target(%arg14 : memref<125x64xbf16, #tpu.memory_space<vmem>>) offsets(%dma_start3A_291 : memref<125xi32, #tpu.memory_space<vmem>>) semaphore(%arg24 : memref<!tpu.dma_semaphore, #tpu.memory_space<semaphore_mem>>)
      } else {
      }
      %mul3A_266 = arith.constant 8 : i32
      %mul3A_267 = arith.muli %scan3A_122, %mul3A_266 : i32
      %add3A_268 = arith.constant 7 : i32
      %add3A_269 = arith.addi %mul3A_267, %add3A_268 : i32
      %dma_wait3A_270 = arith.constant 0 : i32
      %dma_wait3A_271 = tpu.memref_slice %arg6[%add3A_269, %dma_wait3A_270] : memref<160x125xi32, #tpu.memory_space<vmem>> -> memref<1x125xi32, #tpu.memory_space<vmem>>
      %dma_wait3A_272 = tpu.memref_squeeze %dma_wait3A_271 : memref<1x125xi32, #tpu.memory_space<vmem>> -> memref<125xi32, #tpu.memory_space<vmem>>
      %dma_wait3A_273 = arith.constant 0 : i32
      %dma_wait3A_274 = arith.constant 0 : i32
      %dma_wait3A_275 = tpu.memref_slice %arg2[%arg0, %dma_wait3A_273, %dma_wait3A_274] : memref<2x10000x64xbf16, #tpu.memory_space<hbm>> -> memref<1x10000x64xbf16, #tpu.memory_space<hbm>>
      %dma_wait3A_276 = tpu.memref_squeeze %dma_wait3A_275 : memref<1x10000x64xbf16, #tpu.memory_space<hbm>> -> memref<10000x64xbf16, #tpu.memory_space<hbm>>
      %dma_wait3A_277 = arith.constant 0 : i32
      %dma_wait3A_278 = arith.constant 0 : i32
      %dma_wait3A_279 = tpu.memref_slice %dma_wait3A_276[%dma_wait3A_277, %dma_wait3A_278] : memref<10000x64xbf16, #tpu.memory_space<hbm>> -> memref<10000x64xbf16, #tpu.memory_space<hbm>>
      tpu.wait_indirect_dma semaphore(%arg25 : memref<!tpu.dma_semaphore, #tpu.memory_space<semaphore_mem>>) src(%dma_wait3A_279 : memref<10000x64xbf16, #tpu.memory_space<hbm>>) dst(%arg15 : memref<125x64xbf16, #tpu.memory_space<vmem>>)
      "tpu.region"() ({
        %run_scoped3A = tpu.sem_alloc : memref<!tpu.dma_semaphore, #tpu.memory_space<semaphore_mem>>
        %dma_start3A_287 = arith.constant 0 : i32
        %dma_start3A_288 = tpu.memref_slice %arg7[%add3A_269, %dma_start3A_287] : memref<160x125xi32, #tpu.memory_space<vmem>> -> memref<1x125xi32, #tpu.memory_space<vmem>>
        %dma_start3A_289 = tpu.memref_squeeze %dma_start3A_288 : memref<1x125xi32, #tpu.memory_space<vmem>> -> memref<125xi32, #tpu.memory_space<vmem>>
        %dma_start3A_290 = arith.constant 0 : i32
        %dma_start3A_291 = arith.constant 0 : i32
        %dma_start3A_292 = tpu.memref_slice %arg17[%dma_start3A_290, %dma_start3A_291] : memref<10240x64xbf16, #tpu.memory_space<vmem_shared>> -> memref<10240x64xbf16, #tpu.memory_space<vmem_shared>>
        tpu.enqueue_indirect_dma source(%arg15 : memref<125x64xbf16, #tpu.memory_space<vmem>>) target(%dma_start3A_292 : memref<10240x64xbf16, #tpu.memory_space<vmem_shared>>) offsets(%dma_start3A_289 : memref<125xi32, #tpu.memory_space<vmem>>) semaphore(%run_scoped3A : memref<!tpu.dma_semaphore, #tpu.memory_space<semaphore_mem>>) {add = true}
        %dma_wait3A_293 = arith.constant 0 : i32
        %dma_wait3A_294 = tpu.memref_slice %arg7[%add3A_269, %dma_wait3A_293] : memref<160x125xi32, #tpu.memory_space<vmem>> -> memref<1x125xi32, #tpu.memory_space<vmem>>
        %dma_wait3A_295 = tpu.memref_squeeze %dma_wait3A_294 : memref<1x125xi32, #tpu.memory_space<vmem>> -> memref<125xi32, #tpu.memory_space<vmem>>
        %dma_wait3A_296 = arith.constant 0 : i32
        %dma_wait3A_297 = arith.constant 0 : i32
        %dma_wait3A_298 = tpu.memref_slice %arg17[%dma_wait3A_296, %dma_wait3A_297] : memref<10240x64xbf16, #tpu.memory_space<vmem_shared>> -> memref<10240x64xbf16, #tpu.memory_space<vmem_shared>>
        tpu.wait_indirect_dma semaphore(%run_scoped3A : memref<!tpu.dma_semaphore, #tpu.memory_space<semaphore_mem>>) src(%arg15 : memref<125x64xbf16, #tpu.memory_space<vmem>>) dst(%dma_wait3A_298 : memref<10240x64xbf16, #tpu.memory_space<vmem_shared>>)
        tpu.yield
      }) : () -> ()
      %add3A_280 = arith.constant 8 : i32
      %add3A_281 = arith.addi %add3A_269, %add3A_280 : i32
      %lt3A_282 = arith.constant 160 : i32
      %lt3A_283 = arith.cmpi slt, %add3A_281, %lt3A_282 : i32
      %convert_element_type3A_284 = arith.extui %lt3A_283 : i1 to i32
      %cond3A_285 = arith.constant 0 : i32
      %cond3A_286 = arith.cmpi ne, %convert_element_type3A_284, %cond3A_285 : i32
      scf.if %cond3A_286 {
        %add3A_287 = arith.constant 8 : i32
        %add3A_288 = arith.addi %add3A_269, %add3A_287 : i32
        %dma_start3A_289 = arith.constant 0 : i32
        %dma_start3A_290 = tpu.memref_slice %arg6[%add3A_288, %dma_start3A_289] : memref<160x125xi32, #tpu.memory_space<vmem>> -> memref<1x125xi32, #tpu.memory_space<vmem>>
        %dma_start3A_291 = tpu.memref_squeeze %dma_start3A_290 : memref<1x125xi32, #tpu.memory_space<vmem>> -> memref<125xi32, #tpu.memory_space<vmem>>
        %dma_start3A_292 = arith.constant 0 : i32
        %dma_start3A_293 = arith.constant 0 : i32
        %dma_start3A_294 = tpu.memref_slice %arg2[%arg0, %dma_start3A_292, %dma_start3A_293] : memref<2x10000x64xbf16, #tpu.memory_space<hbm>> -> memref<1x10000x64xbf16, #tpu.memory_space<hbm>>
        %dma_start3A_295 = tpu.memref_squeeze %dma_start3A_294 : memref<1x10000x64xbf16, #tpu.memory_space<hbm>> -> memref<10000x64xbf16, #tpu.memory_space<hbm>>
        %dma_start3A_296 = arith.constant 0 : i32
        %dma_start3A_297 = arith.constant 0 : i32
        %dma_start3A_298 = tpu.memref_slice %dma_start3A_295[%dma_start3A_296, %dma_start3A_297] : memref<10000x64xbf16, #tpu.memory_space<hbm>> -> memref<10000x64xbf16, #tpu.memory_space<hbm>>
        tpu.enqueue_indirect_dma source(%dma_start3A_298 : memref<10000x64xbf16, #tpu.memory_space<hbm>>) target(%arg15 : memref<125x64xbf16, #tpu.memory_space<vmem>>) offsets(%dma_start3A_291 : memref<125xi32, #tpu.memory_space<vmem>>) semaphore(%arg25 : memref<!tpu.dma_semaphore, #tpu.memory_space<semaphore_mem>>)
      } else {
      }
    }
    %scan3A_116 = arith.constant 20 : i32
    %barrier3A_117 = arith.constant 0 : index
    tpu.barrier barrier_id(%barrier3A_117)
    %mul3A_118 = arith.constant 640 : i32
    %mul3A_119 = arith.muli %arg1, %mul3A_118 : i32
    %mul3A_120 = arith.constant 640 : i32
    %mul3A_121 = arith.muli %arg1, %mul3A_120 : i32
    "tpu.region"() ({
      %run_scoped3A = tpu.sem_alloc : memref<!tpu.dma_semaphore, #tpu.memory_space<semaphore_mem>>
      %dma_start3A_122 = arith.constant 0 : i32
      %dma_start3A_123 = tpu.memref_slice %arg5[%arg0, %mul3A_121, %dma_start3A_122] : memref<2x10240x64xbf16, #tpu.memory_space<hbm>> -> memref<1x640x64xbf16, #tpu.memory_space<hbm>>
      %dma_start3A_124 = tpu.memref_squeeze %dma_start3A_123 : memref<1x640x64xbf16, #tpu.memory_space<hbm>> -> memref<640x64xbf16, #tpu.memory_space<hbm>>
      %dma_start3A_125 = arith.constant 0 : i32
      %dma_start3A_126 = tpu.memref_slice %arg17[%mul3A_119, %dma_start3A_125] : memref<10240x64xbf16, #tpu.memory_space<vmem_shared>> -> memref<640x64xbf16, #tpu.memory_space<vmem_shared>>
      tpu.enqueue_dma source(%dma_start3A_126 : memref<640x64xbf16, #tpu.memory_space<vmem_shared>>) target(%dma_start3A_124 : memref<640x64xbf16, #tpu.memory_space<hbm>>) target_semaphore(%run_scoped3A : memref<!tpu.dma_semaphore, #tpu.memory_space<semaphore_mem>>)
      %dma_wait3A = arith.constant 0 : i32
      %dma_wait3A_127 = tpu.memref_slice %arg5[%arg0, %mul3A_121, %dma_wait3A] : memref<2x10240x64xbf16, #tpu.memory_space<hbm>> -> memref<1x640x64xbf16, #tpu.memory_space<hbm>>
      %dma_wait3A_128 = tpu.memref_squeeze %dma_wait3A_127 : memref<1x640x64xbf16, #tpu.memory_space<hbm>> -> memref<640x64xbf16, #tpu.memory_space<hbm>>
      %dma_wait3A_129 = arith.constant 0 : i32
      %dma_wait3A_130 = tpu.memref_slice %arg17[%mul3A_119, %dma_wait3A_129] : memref<10240x64xbf16, #tpu.memory_space<vmem_shared>> -> memref<640x64xbf16, #tpu.memory_space<vmem_shared>>
      tpu.wait_dma2 semaphore(%run_scoped3A : memref<!tpu.dma_semaphore, #tpu.memory_space<semaphore_mem>>) src(%dma_wait3A_130 : memref<640x64xbf16, #tpu.memory_space<vmem_shared>>) dst(%dma_wait3A_128 : memref<640x64xbf16, #tpu.memory_space<hbm>>)
      tpu.yield
    }) : () -> ()
    return
  }
}

module attributes {stable_mosaic.version = 14 : i64} {
  func.func @_tc0_body(%arg0: i32, %arg1: memref<640000xf32, #tpu.memory_space<vmem>>, %arg2: memref<10000x128xf32, #tpu.memory_space<vmem>>, %arg3: memref<2x10000x64xbf16, #tpu.memory_space<vmem>>, %arg4: memref<10000x128xf32, #tpu.memory_space<vmem>>, %arg5: memref<10000x128xf32, #tpu.memory_space<vmem>>) attributes {dimension_semantics = [#tpu.dimension_semantics<arbitrary>], iteration_bounds = array<i64: 1>, scalar_prefetch = 0 : i64, scratch_operands = 0 : i64, tpu.core_type = #tpu.core_type<tc>, window_params = [{pipeline_mode = #tpu.pipeline_mode<synchronous>, transform_indices = @transform_0, window_bounds = array<i64: 640000>}, {pipeline_mode = #tpu.pipeline_mode<synchronous>, transform_indices = @transform_1, window_bounds = array<i64: 10000, 128>}, {pipeline_mode = #tpu.pipeline_mode<synchronous>, transform_indices = @transform_2, window_bounds = array<i64: 2, 10000, 64>}, {pipeline_mode = #tpu.pipeline_mode<synchronous>, transform_indices = @transform_3, window_bounds = array<i64: 10000, 128>}, {pipeline_mode = #tpu.pipeline_mode<synchronous>, transform_indices = @transform_4, window_bounds = array<i64: 10000, 128>}]} {
    %broadcast_in_dim3A = arith.constant 0.000000e+00 : f32
    %broadcast_in_dim3A_0 = vector.broadcast %broadcast_in_dim3A : f32 to vector<10000xf32>
    %broadcast_in_dim3A_1 = arith.constant 0.000000e+00 : f32
    %broadcast_in_dim3A_2 = vector.broadcast %broadcast_in_dim3A_1 : f32 to vector<10000xf32>
    %get3A = arith.constant 0 : index
    %get3A_3 = vector.load %arg1[%get3A] : memref<640000xf32, #tpu.memory_space<vmem>>, vector<10000xf32>
    %add3A = arith.addf %broadcast_in_dim3A_0, %get3A_3 : vector<10000xf32>
    %get3A_4 = arith.constant 10000 : index
    %get3A_5 = vector.load %arg1[%get3A_4] : memref<640000xf32, #tpu.memory_space<vmem>>, vector<10000xf32>
    %add3A_6 = arith.addf %broadcast_in_dim3A_2, %get3A_5 : vector<10000xf32>
    %get3A_7 = arith.constant 20000 : index
    %get3A_8 = vector.load %arg1[%get3A_7] : memref<640000xf32, #tpu.memory_space<vmem>>, vector<10000xf32>
    %add3A_9 = arith.addf %add3A, %get3A_8 : vector<10000xf32>
    %get3A_10 = arith.constant 30000 : index
    %get3A_11 = vector.load %arg1[%get3A_10] : memref<640000xf32, #tpu.memory_space<vmem>>, vector<10000xf32>
    %add3A_12 = arith.addf %add3A_6, %get3A_11 : vector<10000xf32>
    %get3A_13 = arith.constant 40000 : index
    %get3A_14 = vector.load %arg1[%get3A_13] : memref<640000xf32, #tpu.memory_space<vmem>>, vector<10000xf32>
    %add3A_15 = arith.addf %add3A_9, %get3A_14 : vector<10000xf32>
    %get3A_16 = arith.constant 50000 : index
    %get3A_17 = vector.load %arg1[%get3A_16] : memref<640000xf32, #tpu.memory_space<vmem>>, vector<10000xf32>
    %add3A_18 = arith.addf %add3A_12, %get3A_17 : vector<10000xf32>
    %get3A_19 = arith.constant 60000 : index
    %get3A_20 = vector.load %arg1[%get3A_19] : memref<640000xf32, #tpu.memory_space<vmem>>, vector<10000xf32>
    %add3A_21 = arith.addf %add3A_15, %get3A_20 : vector<10000xf32>
    %get3A_22 = arith.constant 70000 : index
    %get3A_23 = vector.load %arg1[%get3A_22] : memref<640000xf32, #tpu.memory_space<vmem>>, vector<10000xf32>
    %add3A_24 = arith.addf %add3A_18, %get3A_23 : vector<10000xf32>
    %get3A_25 = arith.constant 80000 : index
    %get3A_26 = vector.load %arg1[%get3A_25] : memref<640000xf32, #tpu.memory_space<vmem>>, vector<10000xf32>
    %add3A_27 = arith.addf %add3A_21, %get3A_26 : vector<10000xf32>
    %get3A_28 = arith.constant 90000 : index
    %get3A_29 = vector.load %arg1[%get3A_28] : memref<640000xf32, #tpu.memory_space<vmem>>, vector<10000xf32>
    %add3A_30 = arith.addf %add3A_24, %get3A_29 : vector<10000xf32>
    %get3A_31 = arith.constant 100000 : index
    %get3A_32 = vector.load %arg1[%get3A_31] : memref<640000xf32, #tpu.memory_space<vmem>>, vector<10000xf32>
    %add3A_33 = arith.addf %add3A_27, %get3A_32 : vector<10000xf32>
    %get3A_34 = arith.constant 110000 : index
    %get3A_35 = vector.load %arg1[%get3A_34] : memref<640000xf32, #tpu.memory_space<vmem>>, vector<10000xf32>
    %add3A_36 = arith.addf %add3A_30, %get3A_35 : vector<10000xf32>
    %get3A_37 = arith.constant 120000 : index
    %get3A_38 = vector.load %arg1[%get3A_37] : memref<640000xf32, #tpu.memory_space<vmem>>, vector<10000xf32>
    %add3A_39 = arith.addf %add3A_33, %get3A_38 : vector<10000xf32>
    %get3A_40 = arith.constant 130000 : index
    %get3A_41 = vector.load %arg1[%get3A_40] : memref<640000xf32, #tpu.memory_space<vmem>>, vector<10000xf32>
    %add3A_42 = arith.addf %add3A_36, %get3A_41 : vector<10000xf32>
    %get3A_43 = arith.constant 140000 : index
    %get3A_44 = vector.load %arg1[%get3A_43] : memref<640000xf32, #tpu.memory_space<vmem>>, vector<10000xf32>
    %add3A_45 = arith.addf %add3A_39, %get3A_44 : vector<10000xf32>
    %get3A_46 = arith.constant 150000 : index
    %get3A_47 = vector.load %arg1[%get3A_46] : memref<640000xf32, #tpu.memory_space<vmem>>, vector<10000xf32>
    %add3A_48 = arith.addf %add3A_42, %get3A_47 : vector<10000xf32>
    %get3A_49 = arith.constant 160000 : index
    %get3A_50 = vector.load %arg1[%get3A_49] : memref<640000xf32, #tpu.memory_space<vmem>>, vector<10000xf32>
    %add3A_51 = arith.addf %add3A_45, %get3A_50 : vector<10000xf32>
    %get3A_52 = arith.constant 170000 : index
    %get3A_53 = vector.load %arg1[%get3A_52] : memref<640000xf32, #tpu.memory_space<vmem>>, vector<10000xf32>
    %add3A_54 = arith.addf %add3A_48, %get3A_53 : vector<10000xf32>
    %get3A_55 = arith.constant 180000 : index
    %get3A_56 = vector.load %arg1[%get3A_55] : memref<640000xf32, #tpu.memory_space<vmem>>, vector<10000xf32>
    %add3A_57 = arith.addf %add3A_51, %get3A_56 : vector<10000xf32>
    %get3A_58 = arith.constant 190000 : index
    %get3A_59 = vector.load %arg1[%get3A_58] : memref<640000xf32, #tpu.memory_space<vmem>>, vector<10000xf32>
    %add3A_60 = arith.addf %add3A_54, %get3A_59 : vector<10000xf32>
    %get3A_61 = arith.constant 200000 : index
    %get3A_62 = vector.load %arg1[%get3A_61] : memref<640000xf32, #tpu.memory_space<vmem>>, vector<10000xf32>
    %add3A_63 = arith.addf %add3A_57, %get3A_62 : vector<10000xf32>
    %get3A_64 = arith.constant 210000 : index
    %get3A_65 = vector.load %arg1[%get3A_64] : memref<640000xf32, #tpu.memory_space<vmem>>, vector<10000xf32>
    %add3A_66 = arith.addf %add3A_60, %get3A_65 : vector<10000xf32>
    %get3A_67 = arith.constant 220000 : index
    %get3A_68 = vector.load %arg1[%get3A_67] : memref<640000xf32, #tpu.memory_space<vmem>>, vector<10000xf32>
    %add3A_69 = arith.addf %add3A_63, %get3A_68 : vector<10000xf32>
    %get3A_70 = arith.constant 230000 : index
    %get3A_71 = vector.load %arg1[%get3A_70] : memref<640000xf32, #tpu.memory_space<vmem>>, vector<10000xf32>
    %add3A_72 = arith.addf %add3A_66, %get3A_71 : vector<10000xf32>
    %get3A_73 = arith.constant 240000 : index
    %get3A_74 = vector.load %arg1[%get3A_73] : memref<640000xf32, #tpu.memory_space<vmem>>, vector<10000xf32>
    %add3A_75 = arith.addf %add3A_69, %get3A_74 : vector<10000xf32>
    %get3A_76 = arith.constant 250000 : index
    %get3A_77 = vector.load %arg1[%get3A_76] : memref<640000xf32, #tpu.memory_space<vmem>>, vector<10000xf32>
    %add3A_78 = arith.addf %add3A_72, %get3A_77 : vector<10000xf32>
    %get3A_79 = arith.constant 260000 : index
    %get3A_80 = vector.load %arg1[%get3A_79] : memref<640000xf32, #tpu.memory_space<vmem>>, vector<10000xf32>
    %add3A_81 = arith.addf %add3A_75, %get3A_80 : vector<10000xf32>
    %get3A_82 = arith.constant 270000 : index
    %get3A_83 = vector.load %arg1[%get3A_82] : memref<640000xf32, #tpu.memory_space<vmem>>, vector<10000xf32>
    %add3A_84 = arith.addf %add3A_78, %get3A_83 : vector<10000xf32>
    %get3A_85 = arith.constant 280000 : index
    %get3A_86 = vector.load %arg1[%get3A_85] : memref<640000xf32, #tpu.memory_space<vmem>>, vector<10000xf32>
    %add3A_87 = arith.addf %add3A_81, %get3A_86 : vector<10000xf32>
    %get3A_88 = arith.constant 290000 : index
    %get3A_89 = vector.load %arg1[%get3A_88] : memref<640000xf32, #tpu.memory_space<vmem>>, vector<10000xf32>
    %add3A_90 = arith.addf %add3A_84, %get3A_89 : vector<10000xf32>
    %get3A_91 = arith.constant 300000 : index
    %get3A_92 = vector.load %arg1[%get3A_91] : memref<640000xf32, #tpu.memory_space<vmem>>, vector<10000xf32>
    %add3A_93 = arith.addf %add3A_87, %get3A_92 : vector<10000xf32>
    %get3A_94 = arith.constant 310000 : index
    %get3A_95 = vector.load %arg1[%get3A_94] : memref<640000xf32, #tpu.memory_space<vmem>>, vector<10000xf32>
    %add3A_96 = arith.addf %add3A_90, %get3A_95 : vector<10000xf32>
    %get3A_97 = arith.constant 320000 : index
    %get3A_98 = vector.load %arg1[%get3A_97] : memref<640000xf32, #tpu.memory_space<vmem>>, vector<10000xf32>
    %add3A_99 = arith.addf %add3A_93, %get3A_98 : vector<10000xf32>
    %get3A_100 = arith.constant 330000 : index
    %get3A_101 = vector.load %arg1[%get3A_100] : memref<640000xf32, #tpu.memory_space<vmem>>, vector<10000xf32>
    %add3A_102 = arith.addf %add3A_96, %get3A_101 : vector<10000xf32>
    %get3A_103 = arith.constant 340000 : index
    %get3A_104 = vector.load %arg1[%get3A_103] : memref<640000xf32, #tpu.memory_space<vmem>>, vector<10000xf32>
    %add3A_105 = arith.addf %add3A_99, %get3A_104 : vector<10000xf32>
    %get3A_106 = arith.constant 350000 : index
    %get3A_107 = vector.load %arg1[%get3A_106] : memref<640000xf32, #tpu.memory_space<vmem>>, vector<10000xf32>
    %add3A_108 = arith.addf %add3A_102, %get3A_107 : vector<10000xf32>
    %get3A_109 = arith.constant 360000 : index
    %get3A_110 = vector.load %arg1[%get3A_109] : memref<640000xf32, #tpu.memory_space<vmem>>, vector<10000xf32>
    %add3A_111 = arith.addf %add3A_105, %get3A_110 : vector<10000xf32>
    %get3A_112 = arith.constant 370000 : index
    %get3A_113 = vector.load %arg1[%get3A_112] : memref<640000xf32, #tpu.memory_space<vmem>>, vector<10000xf32>
    %add3A_114 = arith.addf %add3A_108, %get3A_113 : vector<10000xf32>
    %get3A_115 = arith.constant 380000 : index
    %get3A_116 = vector.load %arg1[%get3A_115] : memref<640000xf32, #tpu.memory_space<vmem>>, vector<10000xf32>
    %add3A_117 = arith.addf %add3A_111, %get3A_116 : vector<10000xf32>
    %get3A_118 = arith.constant 390000 : index
    %get3A_119 = vector.load %arg1[%get3A_118] : memref<640000xf32, #tpu.memory_space<vmem>>, vector<10000xf32>
    %add3A_120 = arith.addf %add3A_114, %get3A_119 : vector<10000xf32>
    %get3A_121 = arith.constant 400000 : index
    %get3A_122 = vector.load %arg1[%get3A_121] : memref<640000xf32, #tpu.memory_space<vmem>>, vector<10000xf32>
    %add3A_123 = arith.addf %add3A_117, %get3A_122 : vector<10000xf32>
    %get3A_124 = arith.constant 410000 : index
    %get3A_125 = vector.load %arg1[%get3A_124] : memref<640000xf32, #tpu.memory_space<vmem>>, vector<10000xf32>
    %add3A_126 = arith.addf %add3A_120, %get3A_125 : vector<10000xf32>
    %get3A_127 = arith.constant 420000 : index
    %get3A_128 = vector.load %arg1[%get3A_127] : memref<640000xf32, #tpu.memory_space<vmem>>, vector<10000xf32>
    %add3A_129 = arith.addf %add3A_123, %get3A_128 : vector<10000xf32>
    %get3A_130 = arith.constant 430000 : index
    %get3A_131 = vector.load %arg1[%get3A_130] : memref<640000xf32, #tpu.memory_space<vmem>>, vector<10000xf32>
    %add3A_132 = arith.addf %add3A_126, %get3A_131 : vector<10000xf32>
    %get3A_133 = arith.constant 440000 : index
    %get3A_134 = vector.load %arg1[%get3A_133] : memref<640000xf32, #tpu.memory_space<vmem>>, vector<10000xf32>
    %add3A_135 = arith.addf %add3A_129, %get3A_134 : vector<10000xf32>
    %get3A_136 = arith.constant 450000 : index
    %get3A_137 = vector.load %arg1[%get3A_136] : memref<640000xf32, #tpu.memory_space<vmem>>, vector<10000xf32>
    %add3A_138 = arith.addf %add3A_132, %get3A_137 : vector<10000xf32>
    %get3A_139 = arith.constant 460000 : index
    %get3A_140 = vector.load %arg1[%get3A_139] : memref<640000xf32, #tpu.memory_space<vmem>>, vector<10000xf32>
    %add3A_141 = arith.addf %add3A_135, %get3A_140 : vector<10000xf32>
    %get3A_142 = arith.constant 470000 : index
    %get3A_143 = vector.load %arg1[%get3A_142] : memref<640000xf32, #tpu.memory_space<vmem>>, vector<10000xf32>
    %add3A_144 = arith.addf %add3A_138, %get3A_143 : vector<10000xf32>
    %get3A_145 = arith.constant 480000 : index
    %get3A_146 = vector.load %arg1[%get3A_145] : memref<640000xf32, #tpu.memory_space<vmem>>, vector<10000xf32>
    %add3A_147 = arith.addf %add3A_141, %get3A_146 : vector<10000xf32>
    %get3A_148 = arith.constant 490000 : index
    %get3A_149 = vector.load %arg1[%get3A_148] : memref<640000xf32, #tpu.memory_space<vmem>>, vector<10000xf32>
    %add3A_150 = arith.addf %add3A_144, %get3A_149 : vector<10000xf32>
    %get3A_151 = arith.constant 500000 : index
    %get3A_152 = vector.load %arg1[%get3A_151] : memref<640000xf32, #tpu.memory_space<vmem>>, vector<10000xf32>
    %add3A_153 = arith.addf %add3A_147, %get3A_152 : vector<10000xf32>
    %get3A_154 = arith.constant 510000 : index
    %get3A_155 = vector.load %arg1[%get3A_154] : memref<640000xf32, #tpu.memory_space<vmem>>, vector<10000xf32>
    %add3A_156 = arith.addf %add3A_150, %get3A_155 : vector<10000xf32>
    %get3A_157 = arith.constant 520000 : index
    %get3A_158 = vector.load %arg1[%get3A_157] : memref<640000xf32, #tpu.memory_space<vmem>>, vector<10000xf32>
    %add3A_159 = arith.addf %add3A_153, %get3A_158 : vector<10000xf32>
    %get3A_160 = arith.constant 530000 : index
    %get3A_161 = vector.load %arg1[%get3A_160] : memref<640000xf32, #tpu.memory_space<vmem>>, vector<10000xf32>
    %add3A_162 = arith.addf %add3A_156, %get3A_161 : vector<10000xf32>
    %get3A_163 = arith.constant 540000 : index
    %get3A_164 = vector.load %arg1[%get3A_163] : memref<640000xf32, #tpu.memory_space<vmem>>, vector<10000xf32>
    %add3A_165 = arith.addf %add3A_159, %get3A_164 : vector<10000xf32>
    %get3A_166 = arith.constant 550000 : index
    %get3A_167 = vector.load %arg1[%get3A_166] : memref<640000xf32, #tpu.memory_space<vmem>>, vector<10000xf32>
    %add3A_168 = arith.addf %add3A_162, %get3A_167 : vector<10000xf32>
    %get3A_169 = arith.constant 560000 : index
    %get3A_170 = vector.load %arg1[%get3A_169] : memref<640000xf32, #tpu.memory_space<vmem>>, vector<10000xf32>
    %add3A_171 = arith.addf %add3A_165, %get3A_170 : vector<10000xf32>
    %get3A_172 = arith.constant 570000 : index
    %get3A_173 = vector.load %arg1[%get3A_172] : memref<640000xf32, #tpu.memory_space<vmem>>, vector<10000xf32>
    %add3A_174 = arith.addf %add3A_168, %get3A_173 : vector<10000xf32>
    %get3A_175 = arith.constant 580000 : index
    %get3A_176 = vector.load %arg1[%get3A_175] : memref<640000xf32, #tpu.memory_space<vmem>>, vector<10000xf32>
    %add3A_177 = arith.addf %add3A_171, %get3A_176 : vector<10000xf32>
    %get3A_178 = arith.constant 590000 : index
    %get3A_179 = vector.load %arg1[%get3A_178] : memref<640000xf32, #tpu.memory_space<vmem>>, vector<10000xf32>
    %add3A_180 = arith.addf %add3A_174, %get3A_179 : vector<10000xf32>
    %get3A_181 = arith.constant 600000 : index
    %get3A_182 = vector.load %arg1[%get3A_181] : memref<640000xf32, #tpu.memory_space<vmem>>, vector<10000xf32>
    %add3A_183 = arith.addf %add3A_177, %get3A_182 : vector<10000xf32>
    %get3A_184 = arith.constant 610000 : index
    %get3A_185 = vector.load %arg1[%get3A_184] : memref<640000xf32, #tpu.memory_space<vmem>>, vector<10000xf32>
    %add3A_186 = arith.addf %add3A_180, %get3A_185 : vector<10000xf32>
    %get3A_187 = arith.constant 620000 : index
    %get3A_188 = vector.load %arg1[%get3A_187] : memref<640000xf32, #tpu.memory_space<vmem>>, vector<10000xf32>
    %add3A_189 = arith.addf %add3A_183, %get3A_188 : vector<10000xf32>
    %get3A_190 = arith.constant 630000 : index
    %get3A_191 = vector.load %arg1[%get3A_190] : memref<640000xf32, #tpu.memory_space<vmem>>, vector<10000xf32>
    %add3A_192 = arith.addf %add3A_186, %get3A_191 : vector<10000xf32>
    %stack3A = vector.shape_cast %add3A_189 : vector<10000xf32> to vector<1x10000xf32>
    %stack3A_193 = vector.shape_cast %add3A_192 : vector<10000xf32> to vector<1x10000xf32>
    %stack3A_194 = tpu.concatenate %stack3A, %stack3A_193 in 0 : vector<1x10000xf32>, vector<1x10000xf32> -> vector<2x10000xf32>
    %gt3A = arith.constant 0.000000e+00 : f32
    %gt3A_195 = vector.broadcast %gt3A : f32 to vector<2x10000xf32>
    %gt3A_196 = arith.cmpf ogt, %stack3A_194, %gt3A_195 : vector<2x10000xf32>
    %rsqrt3A = math.rsqrt %stack3A_194 : vector<2x10000xf32>
    %jit3A = arith.constant 0.000000e+00 : f32
    %broadcast_in_dim3A_197 = vector.broadcast %jit3A : f32 to vector<2x10000xf32>
    %select_n3A = arith.select %gt3A_196, %rsqrt3A, %broadcast_in_dim3A_197 : vector<2x10000xi1>, vector<2x10000xf32>
    %transpose3A = tpu.transpose %select_n3A, [1, 0] : vector<2x10000xf32> -> vector<10000x2xf32>
    %slice3A = vector.extract_strided_slice %transpose3A {offsets = [0, 0], sizes = [10000, 1], strides = [1, 1]} : vector<10000x2xf32> to vector<10000x1xf32>
    %broadcast_in_dim3A_198 = vector.shape_cast %slice3A : vector<10000x1xf32> to vector<10000x1xf32>
    %broadcast_in_dim3A_199 = vector.broadcast %broadcast_in_dim3A_198 : vector<10000x1xf32> to vector<10000x128xf32>
    %slice3A_200 = vector.extract_strided_slice %transpose3A {offsets = [0, 1], sizes = [10000, 1], strides = [1, 1]} : vector<10000x2xf32> to vector<10000x1xf32>
    %broadcast_in_dim3A_201 = vector.shape_cast %slice3A_200 : vector<10000x1xf32> to vector<10000x1xf32>
    %broadcast_in_dim3A_202 = vector.broadcast %broadcast_in_dim3A_201 : vector<10000x1xf32> to vector<10000x128xf32>
    %swap3A = arith.constant 0 : index
    %swap3A_203 = arith.constant 0 : index
    %swap3A_204 = vector.load %arg4[%swap3A, %swap3A_203] : memref<10000x128xf32, #tpu.memory_space<vmem>>, vector<10000x128xf32>
    tpu.vector_store %arg4[%swap3A, %swap3A_203], %broadcast_in_dim3A_199 {strides = array<i32>} : memref<10000x128xf32, #tpu.memory_space<vmem>>, vector<10000x128xf32>,
    %swap3A_205 = arith.constant 0 : index
    %swap3A_206 = arith.constant 0 : index
    %swap3A_207 = vector.load %arg5[%swap3A_205, %swap3A_206] : memref<10000x128xf32, #tpu.memory_space<vmem>>, vector<10000x128xf32>
    tpu.vector_store %arg5[%swap3A_205, %swap3A_206], %broadcast_in_dim3A_202 {strides = array<i32>} : memref<10000x128xf32, #tpu.memory_space<vmem>>, vector<10000x128xf32>,
    %get3A_208 = arith.constant 0 : index
    %get3A_209 = arith.constant 0 : index
    %get3A_210 = vector.load %arg2[%get3A_208, %get3A_209] : memref<10000x128xf32, #tpu.memory_space<vmem>>, vector<10000x128xf32>
    %mul3A = arith.mulf %get3A_210, %broadcast_in_dim3A_199 : vector<10000x128xf32>
    %convert_element_type3A = arith.truncf %mul3A : vector<10000x128xf32> to vector<10000x128xbf16>
    %slice3A_211 = vector.extract_strided_slice %convert_element_type3A {offsets = [0, 0], sizes = [10000, 64], strides = [1, 1]} : vector<10000x128xbf16> to vector<10000x64xbf16>
    %swap3A_212 = arith.constant 0 : index
    %swap3A_213 = arith.constant 0 : index
    %swap3A_214 = arith.constant 0 : index
    %swap3A_215 = vector.load %arg3[%swap3A_212, %swap3A_213, %swap3A_214] : memref<2x10000x64xbf16, #tpu.memory_space<vmem>>, vector<1x10000x64xbf16>
    %swap3A_216 = vector.shape_cast %swap3A_215 : vector<1x10000x64xbf16> to vector<10000x64xbf16>
    %swap3A_217 = vector.shape_cast %slice3A_211 : vector<10000x64xbf16> to vector<1x10000x64xbf16>
    tpu.vector_store %arg3[%swap3A_212, %swap3A_213, %swap3A_214], %swap3A_217 {strides = array<i32>} : memref<2x10000x64xbf16, #tpu.memory_space<vmem>>, vector<1x10000x64xbf16>,
    %slice3A_218 = vector.extract_strided_slice %convert_element_type3A {offsets = [0, 64], sizes = [10000, 64], strides = [1, 1]} : vector<10000x128xbf16> to vector<10000x64xbf16>
    %swap3A_219 = arith.constant 1 : index
    %swap3A_220 = arith.constant 0 : index
    %swap3A_221 = arith.constant 0 : index
    %swap3A_222 = vector.load %arg3[%swap3A_219, %swap3A_220, %swap3A_221] : memref<2x10000x64xbf16, #tpu.memory_space<vmem>>, vector<1x10000x64xbf16>
    %swap3A_223 = vector.shape_cast %swap3A_222 : vector<1x10000x64xbf16> to vector<10000x64xbf16>
    %swap3A_224 = vector.shape_cast %slice3A_218 : vector<10000x64xbf16> to vector<1x10000x64xbf16>
    tpu.vector_store %arg3[%swap3A_219, %swap3A_220, %swap3A_221], %swap3A_224 {strides = array<i32>} : memref<2x10000x64xbf16, #tpu.memory_space<vmem>>, vector<1x10000x64xbf16>,
    return
  }
  func.func @transform_0(%arg0: i32) -> i32 {
    %c0_i32 = arith.constant 0 : i32
    %c0_i32_0 = arith.constant 0 : i32
    return %c0_i32 : i32
  }
  func.func @transform_1(%arg0: i32) -> (i32, i32) {
    %c0_i32 = arith.constant 0 : i32
    %c0_i32_0 = arith.constant 0 : i32
    %c0_i32_1 = arith.constant 0 : i32
    return %c0_i32, %c0_i32_0 : i32, i32
  }
  func.func @transform_2(%arg0: i32) -> (i32, i32, i32) {
    %c0_i32 = arith.constant 0 : i32
    %c0_i32_0 = arith.constant 0 : i32
    %c0_i32_1 = arith.constant 0 : i32
    %c0_i32_2 = arith.constant 0 : i32
    return %c0_i32, %c0_i32_0, %c0_i32_1 : i32, i32, i32
  }
  func.func @transform_3(%arg0: i32) -> (i32, i32) {
    %c0_i32 = arith.constant 0 : i32
    %c0_i32_0 = arith.constant 0 : i32
    %c0_i32_1 = arith.constant 0 : i32
    return %c0_i32, %c0_i32_0 : i32, i32
  }
  func.func @transform_4(%arg0: i32) -> (i32, i32) {
    %c0_i32 = arith.constant 0 : i32
    %c0_i32_0 = arith.constant 0 : i32
    %c0_i32_1 = arith.constant 0 : i32
    return %c0_i32, %c0_i32_0 : i32, i32
  }
}

module attributes {stable_mosaic.version = 14 : i64} {
  func.func @_tc1_body(%arg0: i32, %arg1: memref<2x2000x64xbf16, #tpu.memory_space<vmem>>, %arg2: memref<2000x128xf32, #tpu.memory_space<vmem>>, %arg3: memref<2000x128xf32, #tpu.memory_space<vmem>>, %arg4: memref<128x128xf32, #tpu.memory_space<vmem>>, %arg5: memref<1x128xf32, #tpu.memory_space<vmem>>, %arg6: memref<128x64xf32, #tpu.memory_space<vmem>>, %arg7: memref<2000x64xbf16, #tpu.memory_space<vmem>>) attributes {dimension_semantics = [#tpu.dimension_semantics<arbitrary>], iteration_bounds = array<i64: 5>, scalar_prefetch = 0 : i64, scratch_operands = 0 : i64, tpu.core_type = #tpu.core_type<tc>, window_params = [{transform_indices = @transform_0, window_bounds = array<i64: 2, 2000, 64>}, {transform_indices = @transform_1, window_bounds = array<i64: 2000, 128>}, {transform_indices = @transform_2, window_bounds = array<i64: 2000, 128>}, {pipeline_mode = #tpu.pipeline_mode<synchronous>, transform_indices = @transform_3, window_bounds = array<i64: 128, 128>}, {pipeline_mode = #tpu.pipeline_mode<synchronous>, transform_indices = @transform_4, window_bounds = array<i64: 1, 128>}, {pipeline_mode = #tpu.pipeline_mode<synchronous>, transform_indices = @transform_5, window_bounds = array<i64: 128, 64>}, {transform_indices = @transform_6, window_bounds = array<i64: 2000, 64>}]} {
    %get3A = arith.constant 0 : index
    %get3A_0 = arith.constant 0 : index
    %get3A_1 = arith.constant 0 : index
    %get3A_2 = vector.load %arg1[%get3A, %get3A_0, %get3A_1] : memref<2x2000x64xbf16, #tpu.memory_space<vmem>>, vector<1x2000x64xbf16>
    %get3A_3 = vector.shape_cast %get3A_2 : vector<1x2000x64xbf16> to vector<2000x64xbf16>
    %get3A_4 = arith.constant 1 : index
    %get3A_5 = arith.constant 0 : index
    %get3A_6 = arith.constant 0 : index
    %get3A_7 = vector.load %arg1[%get3A_4, %get3A_5, %get3A_6] : memref<2x2000x64xbf16, #tpu.memory_space<vmem>>, vector<1x2000x64xbf16>
    %get3A_8 = vector.shape_cast %get3A_7 : vector<1x2000x64xbf16> to vector<2000x64xbf16>
    %concatenate3A = tpu.concatenate %get3A_3, %get3A_8 in 1 : vector<2000x64xbf16>, vector<2000x64xbf16> -> vector<2000x128xbf16>
    %convert_element_type3A = arith.extf %concatenate3A : vector<2000x128xbf16> to vector<2000x128xf32>
    %get3A_9 = arith.constant 0 : index
    %get3A_10 = arith.constant 0 : index
    %get3A_11 = vector.load %arg2[%get3A_9, %get3A_10] : memref<2000x128xf32, #tpu.memory_space<vmem>>, vector<2000x128xf32>
    %mul3A = arith.mulf %convert_element_type3A, %get3A_11 : vector<2000x128xf32>
    %get3A_12 = arith.constant 0 : index
    %get3A_13 = arith.constant 0 : index
    %get3A_14 = vector.load %arg4[%get3A_12, %get3A_13] : memref<128x128xf32, #tpu.memory_space<vmem>>, vector<128x128xf32>
    %dot_general3A = arith.constant dense<0.000000e+00> : vector<2000x128xf32>
    %dot_general3A_15 = tpu.matmul %mul3A, %get3A_14, %dot_general3A {dimension_numbers = #tpu.dot_dimension_numbers<[1], [0], [0], [1], [0, 0, 1, 1], [], []>, transpose_lhs_hint = false} : vector<2000x128xf32>, vector<128x128xf32>, vector<2000x128xf32> -> vector<2000x128xf32>
    %get3A_16 = arith.constant 0 : index
    %get3A_17 = arith.constant 0 : index
    %get3A_18 = vector.load %arg5[%get3A_16, %get3A_17] : memref<1x128xf32, #tpu.memory_space<vmem>>, vector<1x128xf32>
    %add3A = vector.broadcast %get3A_18 : vector<1x128xf32> to vector<2000x128xf32>
    %add3A_19 = arith.addf %dot_general3A_15, %add3A : vector<2000x128xf32>
    %max3A = arith.constant 0.000000e+00 : f32
    %max3A_20 = vector.broadcast %max3A : f32 to vector<2000x128xf32>
    %max3A_21 = arith.maximumf %add3A_19, %max3A_20 : vector<2000x128xf32>
    %get3A_22 = arith.constant 0 : index
    %get3A_23 = arith.constant 0 : index
    %get3A_24 = vector.load %arg6[%get3A_22, %get3A_23] : memref<128x64xf32, #tpu.memory_space<vmem>>, vector<128x64xf32>
    %dot_general3A_25 = arith.constant dense<0.000000e+00> : vector<2000x64xf32>
    %dot_general3A_26 = tpu.matmul %max3A_21, %get3A_24, %dot_general3A_25 {dimension_numbers = #tpu.dot_dimension_numbers<[1], [0], [0], [1], [0, 0, 1, 1], [], []>, transpose_lhs_hint = false} : vector<2000x128xf32>, vector<128x64xf32>, vector<2000x64xf32> -> vector<2000x64xf32>
    %get3A_27 = arith.constant 0 : index
    %get3A_28 = arith.constant 0 : index
    %get3A_29 = vector.load %arg3[%get3A_27, %get3A_28] : memref<2000x128xf32, #tpu.memory_space<vmem>>, vector<2000x128xf32>
    %slice3A = vector.extract_strided_slice %get3A_29 {offsets = [0, 0], sizes = [2000, 64], strides = [1, 1]} : vector<2000x128xf32> to vector<2000x64xf32>
    %mul3A_30 = arith.mulf %dot_general3A_26, %slice3A : vector<2000x64xf32>
    %convert_element_type3A_31 = arith.truncf %mul3A_30 : vector<2000x64xf32> to vector<2000x64xbf16>
    %swap3A = arith.constant 0 : index
    %swap3A_32 = arith.constant 0 : index
    %swap3A_33 = vector.load %arg7[%swap3A, %swap3A_32] : memref<2000x64xbf16, #tpu.memory_space<vmem>>, vector<2000x64xbf16>
    tpu.vector_store %arg7[%swap3A, %swap3A_32], %convert_element_type3A_31 {strides = array<i32>} : memref<2000x64xbf16, #tpu.memory_space<vmem>>, vector<2000x64xbf16>,
    return
  }
  func.func @transform_0(%arg0: i32) -> (i32, i32, i32) {
    %c0_i32 = arith.constant 0 : i32
    %c0_i32_0 = arith.constant 0 : i32
    %c0_i32_1 = arith.constant 0 : i32
    return %c0_i32, %arg0, %c0_i32_0 : i32, i32, i32
  }
  func.func @transform_1(%arg0: i32) -> (i32, i32) {
    %c0_i32 = arith.constant 0 : i32
    %c0_i32_0 = arith.constant 0 : i32
    return %arg0, %c0_i32 : i32, i32
  }
  func.func @transform_2(%arg0: i32) -> (i32, i32) {
    %c0_i32 = arith.constant 0 : i32
    %c0_i32_0 = arith.constant 0 : i32
    return %arg0, %c0_i32 : i32, i32
  }
  func.func @transform_3(%arg0: i32) -> (i32, i32) {
    %c0_i32 = arith.constant 0 : i32
    %c0_i32_0 = arith.constant 0 : i32
    %c0_i32_1 = arith.constant 0 : i32
    return %c0_i32, %c0_i32_0 : i32, i32
  }
  func.func @transform_4(%arg0: i32) -> (i32, i32) {
    %c0_i32 = arith.constant 0 : i32
    %c0_i32_0 = arith.constant 0 : i32
    %c0_i32_1 = arith.constant 0 : i32
    return %c0_i32, %c0_i32_0 : i32, i32
  }
  func.func @transform_5(%arg0: i32) -> (i32, i32) {
    %c0_i32 = arith.constant 0 : i32
    %c0_i32_0 = arith.constant 0 : i32
    %c0_i32_1 = arith.constant 0 : i32
    return %c0_i32, %c0_i32_0 : i32, i32
  }
  func.func @transform_6(%arg0: i32) -> (i32, i32) {
    %c0_i32 = arith.constant 0 : i32
    %c0_i32_0 = arith.constant 0 : i32
    return %arg0, %c0_i32 : i32, i32
  }
}

module attributes {stable_mosaic.version = 14 : i64} {
  func.func @_tc2_body(%arg0: i32, %arg1: memref<2x2000x64xbf16, #tpu.memory_space<vmem>>, %arg2: memref<2000x128xf32, #tpu.memory_space<vmem>>, %arg3: memref<2000x128xf32, #tpu.memory_space<vmem>>, %arg4: memref<1x64xf32, #tpu.memory_space<vmem>>, %arg5: memref<64x16xf32, #tpu.memory_space<vmem>>, %arg6: memref<2000x16xf32, #tpu.memory_space<vmem>>) attributes {dimension_semantics = [#tpu.dimension_semantics<arbitrary>], iteration_bounds = array<i64: 5>, scalar_prefetch = 0 : i64, scratch_operands = 0 : i64, tpu.core_type = #tpu.core_type<tc>, window_params = [{transform_indices = @transform_0, window_bounds = array<i64: 2, 2000, 64>}, {transform_indices = @transform_1, window_bounds = array<i64: 2000, 128>}, {transform_indices = @transform_2, window_bounds = array<i64: 2000, 128>}, {pipeline_mode = #tpu.pipeline_mode<synchronous>, transform_indices = @transform_3, window_bounds = array<i64: 1, 64>}, {pipeline_mode = #tpu.pipeline_mode<synchronous>, transform_indices = @transform_4, window_bounds = array<i64: 64, 16>}, {transform_indices = @transform_5, window_bounds = array<i64: 2000, 16>}]} {
    %get3A = arith.constant 0 : index
    %get3A_0 = arith.constant 0 : index
    %get3A_1 = arith.constant 0 : index
    %get3A_2 = vector.load %arg1[%get3A, %get3A_0, %get3A_1] : memref<2x2000x64xbf16, #tpu.memory_space<vmem>>, vector<1x2000x64xbf16>
    %get3A_3 = vector.shape_cast %get3A_2 : vector<1x2000x64xbf16> to vector<2000x64xbf16>
    %convert_element_type3A = arith.extf %get3A_3 : vector<2000x64xbf16> to vector<2000x64xf32>
    %get3A_4 = arith.constant 1 : index
    %get3A_5 = arith.constant 0 : index
    %get3A_6 = arith.constant 0 : index
    %get3A_7 = vector.load %arg1[%get3A_4, %get3A_5, %get3A_6] : memref<2x2000x64xbf16, #tpu.memory_space<vmem>>, vector<1x2000x64xbf16>
    %get3A_8 = vector.shape_cast %get3A_7 : vector<1x2000x64xbf16> to vector<2000x64xbf16>
    %convert_element_type3A_9 = arith.extf %get3A_8 : vector<2000x64xbf16> to vector<2000x64xf32>
    %add3A = arith.addf %convert_element_type3A, %convert_element_type3A_9 : vector<2000x64xf32>
    %get3A_10 = arith.constant 0 : index
    %get3A_11 = arith.constant 0 : index
    %get3A_12 = vector.load %arg2[%get3A_10, %get3A_11] : memref<2000x128xf32, #tpu.memory_space<vmem>>, vector<2000x128xf32>
    %slice3A = vector.extract_strided_slice %get3A_12 {offsets = [0, 0], sizes = [2000, 64], strides = [1, 1]} : vector<2000x128xf32> to vector<2000x64xf32>
    %mul3A = arith.mulf %add3A, %slice3A : vector<2000x64xf32>
    %get3A_13 = arith.constant 0 : index
    %get3A_14 = arith.constant 0 : index
    %get3A_15 = vector.load %arg4[%get3A_13, %get3A_14] : memref<1x64xf32, #tpu.memory_space<vmem>>, vector<1x64xf32>
    %add3A_16 = vector.broadcast %get3A_15 : vector<1x64xf32> to vector<2000x64xf32>
    %add3A_17 = arith.addf %mul3A, %add3A_16 : vector<2000x64xf32>
    %max3A = arith.constant 0.000000e+00 : f32
    %max3A_18 = vector.broadcast %max3A : f32 to vector<2000x64xf32>
    %max3A_19 = arith.maximumf %add3A_17, %max3A_18 : vector<2000x64xf32>
    %get3A_20 = arith.constant 0 : index
    %get3A_21 = arith.constant 0 : index
    %get3A_22 = vector.load %arg5[%get3A_20, %get3A_21] : memref<64x16xf32, #tpu.memory_space<vmem>>, vector<64x16xf32>
    %dot_general3A = arith.constant dense<0.000000e+00> : vector<2000x16xf32>
    %dot_general3A_23 = tpu.matmul %max3A_19, %get3A_22, %dot_general3A {dimension_numbers = #tpu.dot_dimension_numbers<[1], [0], [0], [1], [0, 0, 1, 1], [], []>, transpose_lhs_hint = false} : vector<2000x64xf32>, vector<64x16xf32>, vector<2000x16xf32> -> vector<2000x16xf32>
    %get3A_24 = arith.constant 0 : index
    %get3A_25 = arith.constant 0 : index
    %get3A_26 = vector.load %arg3[%get3A_24, %get3A_25] : memref<2000x128xf32, #tpu.memory_space<vmem>>, vector<2000x128xf32>
    %slice3A_27 = vector.extract_strided_slice %get3A_26 {offsets = [0, 0], sizes = [2000, 16], strides = [1, 1]} : vector<2000x128xf32> to vector<2000x16xf32>
    %mul3A_28 = arith.mulf %dot_general3A_23, %slice3A_27 : vector<2000x16xf32>
    %swap3A = arith.constant 0 : index
    %swap3A_29 = arith.constant 0 : index
    %swap3A_30 = vector.load %arg6[%swap3A, %swap3A_29] : memref<2000x16xf32, #tpu.memory_space<vmem>>, vector<2000x16xf32>
    tpu.vector_store %arg6[%swap3A, %swap3A_29], %mul3A_28 {strides = array<i32>} : memref<2000x16xf32, #tpu.memory_space<vmem>>, vector<2000x16xf32>,
    return
  }
  func.func @transform_0(%arg0: i32) -> (i32, i32, i32) {
    %c0_i32 = arith.constant 0 : i32
    %c0_i32_0 = arith.constant 0 : i32
    %c0_i32_1 = arith.constant 0 : i32
    return %c0_i32, %arg0, %c0_i32_0 : i32, i32, i32
  }
  func.func @transform_1(%arg0: i32) -> (i32, i32) {
    %c0_i32 = arith.constant 0 : i32
    %c0_i32_0 = arith.constant 0 : i32
    return %arg0, %c0_i32 : i32, i32
  }
  func.func @transform_2(%arg0: i32) -> (i32, i32) {
    %c0_i32 = arith.constant 0 : i32
    %c0_i32_0 = arith.constant 0 : i32
    return %arg0, %c0_i32 : i32, i32
  }
  func.func @transform_3(%arg0: i32) -> (i32, i32) {
    %c0_i32 = arith.constant 0 : i32
    %c0_i32_0 = arith.constant 0 : i32
    %c0_i32_1 = arith.constant 0 : i32
    return %c0_i32, %c0_i32_0 : i32, i32
  }
  func.func @transform_4(%arg0: i32) -> (i32, i32) {
    %c0_i32 = arith.constant 0 : i32
    %c0_i32_0 = arith.constant 0 : i32
    %c0_i32_1 = arith.constant 0 : i32
    return %c0_i32, %c0_i32_0 : i32, i32
  }
  func.func @transform_5(%arg0: i32) -> (i32, i32) {
    %c0_i32 = arith.constant 0 : i32
    %c0_i32_0 = arith.constant 0 : i32
    return %arg0, %c0_i32 : i32, i32
  }
}

module attributes {stable_mosaic.version = 14 : i64} {
  func.func @_tc3_body(%arg0: i32, %arg1: memref<2x2000x16xf32, #tpu.memory_space<vmem>>, %arg2: memref<2000x128xf32, #tpu.memory_space<vmem>>, %arg3: memref<1x16xf32, #tpu.memory_space<vmem>>, %arg4: memref<2000x16xf32, #tpu.memory_space<vmem>>) attributes {dimension_semantics = [#tpu.dimension_semantics<arbitrary>], iteration_bounds = array<i64: 5>, scalar_prefetch = 0 : i64, scratch_operands = 0 : i64, tpu.core_type = #tpu.core_type<tc>, window_params = [{transform_indices = @transform_0, window_bounds = array<i64: 2, 2000, 16>}, {transform_indices = @transform_1, window_bounds = array<i64: 2000, 128>}, {pipeline_mode = #tpu.pipeline_mode<synchronous>, transform_indices = @transform_2, window_bounds = array<i64: 1, 16>}, {transform_indices = @transform_3, window_bounds = array<i64: 2000, 16>}]} {
    %get3A = arith.constant 0 : index
    %get3A_0 = arith.constant 0 : index
    %get3A_1 = arith.constant 0 : index
    %get3A_2 = vector.load %arg1[%get3A, %get3A_0, %get3A_1] : memref<2x2000x16xf32, #tpu.memory_space<vmem>>, vector<1x2000x16xf32>
    %get3A_3 = vector.shape_cast %get3A_2 : vector<1x2000x16xf32> to vector<2000x16xf32>
    %get3A_4 = arith.constant 1 : index
    %get3A_5 = arith.constant 0 : index
    %get3A_6 = arith.constant 0 : index
    %get3A_7 = vector.load %arg1[%get3A_4, %get3A_5, %get3A_6] : memref<2x2000x16xf32, #tpu.memory_space<vmem>>, vector<1x2000x16xf32>
    %get3A_8 = vector.shape_cast %get3A_7 : vector<1x2000x16xf32> to vector<2000x16xf32>
    %add3A = arith.addf %get3A_3, %get3A_8 : vector<2000x16xf32>
    %get3A_9 = arith.constant 0 : index
    %get3A_10 = arith.constant 0 : index
    %get3A_11 = vector.load %arg2[%get3A_9, %get3A_10] : memref<2000x128xf32, #tpu.memory_space<vmem>>, vector<2000x128xf32>
    %slice3A = vector.extract_strided_slice %get3A_11 {offsets = [0, 0], sizes = [2000, 16], strides = [1, 1]} : vector<2000x128xf32> to vector<2000x16xf32>
    %mul3A = arith.mulf %add3A, %slice3A : vector<2000x16xf32>
    %get3A_12 = arith.constant 0 : index
    %get3A_13 = arith.constant 0 : index
    %get3A_14 = vector.load %arg3[%get3A_12, %get3A_13] : memref<1x16xf32, #tpu.memory_space<vmem>>, vector<1x16xf32>
    %add3A_15 = vector.broadcast %get3A_14 : vector<1x16xf32> to vector<2000x16xf32>
    %add3A_16 = arith.addf %mul3A, %add3A_15 : vector<2000x16xf32>
    %swap3A = arith.constant 0 : index
    %swap3A_17 = arith.constant 0 : index
    %swap3A_18 = vector.load %arg4[%swap3A, %swap3A_17] : memref<2000x16xf32, #tpu.memory_space<vmem>>, vector<2000x16xf32>
    tpu.vector_store %arg4[%swap3A, %swap3A_17], %add3A_16 {strides = array<i32>} : memref<2000x16xf32, #tpu.memory_space<vmem>>, vector<2000x16xf32>,
    return
  }
  func.func @transform_0(%arg0: i32) -> (i32, i32, i32) {
    %c0_i32 = arith.constant 0 : i32
    %c0_i32_0 = arith.constant 0 : i32
    %c0_i32_1 = arith.constant 0 : i32
    return %c0_i32, %arg0, %c0_i32_0 : i32, i32, i32
  }
  func.func @transform_1(%arg0: i32) -> (i32, i32) {
    %c0_i32 = arith.constant 0 : i32
    %c0_i32_0 = arith.constant 0 : i32
    return %arg0, %c0_i32 : i32, i32
  }
  func.func @transform_2(%arg0: i32) -> (i32, i32) {
    %c0_i32 = arith.constant 0 : i32
    %c0_i32_0 = arith.constant 0 : i32
    %c0_i32_1 = arith.constant 0 : i32
    return %c0_i32, %c0_i32_0 : i32, i32
  }
  func.func @transform_3(%arg0: i32) -> (i32, i32) {
    %c0_i32 = arith.constant 0 : i32
    %c0_i32_0 = arith.constant 0 : i32
    return %arg0, %c0_i32 : i32, i32
  }
}

</mosaic_0001>

<sc_bundles>
// kernel: kernel.10.cloned.1.call-start
scs
__scs_entry_jumppad:
0x0: {  	(pc) =	sbr.rel $0x88, $3  }
0x1: {  	(tag) =	ssettag $0x0;
	lr =	simm.s32 $0x1  }
0x2: {  	[smem:$0x3F99] =	sst lr;
	_ =	strace $0xD0000000  }
0x3: {  	_ = 	snop  }
0x4: {  	_ = 	snop  }
0x5: {  	_ = 	snop  }
0x6: {  	_ = 	snop  }
0x7: {  	_ = 	snop  }
__scs_overlays_trampoline_lowered:
0x8: {  	[smem:$0x3FA8] =	sst s0  }
0x9: {  	[smem:$0x3FA9] =	sst s1  }
0xa: {  	[smem:$0x3FAA] =	sst s2  }
0xb: {  	[smem:$0x3FAB] =	sst s3  }
0xc: {  	[smem:$0x3FAC] =	sst s4  }
0xd: {  	[smem:$0x3FAD] =	sst s5  }
0xe: {  	[smem:$0x3FAE] =	sst s6  }
0xf: {  	[smem:$0x3FAF] =	sst s7  }
0x10: {  	[smem:$0x3FB0] =	sst s8  }
0x11: {  	[smem:$0x3FB1] =	sst s9;
	s0 =	simm.s32 @!p0 $0x0  }
0x12: {  	s1 =	sld [smem:$0x3F97];
	s0 =	simm.s32 @p0 $0x1  }
0x13: {  	[smem:$0x3FB2] =	sst s0;
	s0 =	simm.s32 @!p1 $0x0  }
0x14: {  	s2 =	sld [smem:$0x3F96];
	s0 =	simm.s32 @p1 $0x1  }
0x15: {  	[smem:$0x3FB3] =	sst s0;
	s0 =	simm.s32 @!p2 $0x0  }
0x16: {  	s3 =	sld [smem:$0x3FDB];
	s0 =	simm.s32 @p2 $0x1  }
0x17: {  	s4 =	simm.s32 $0x1BF5;
	[smem:$0x3FB5] =	sst s0  }
0x18: {  	s0 =	sld [smem:$0x3F98];
	_ =	swait.ge [sflag:s4], $0x0  }
0x19: {  	s7 =	sld [smem:$0x3F99]  }
0x1a: {  	s8 =	sadd.s32 $0xFFFFE003, lr  }
0x1b: {  	s9 =	sadd.s32 $0xFFFFFEF7, lr;
	s5 =	simm.s32 $0xFFFFFFFF;
	p2 =	slt.u32 s8, $0xFFFFF086  }
0x1c: {  	p1 =	slt.u32 s9, $0xF7A;
	s5 =	simm.s32 @!p2 $0x0  }
0x1d: {  	s5 =	simm.s32 @p1 $0x1;
	p0 =	seq.s32 s7, s2  }
0x1e: {  	s7 =	smul.u32 @!p0 $0xF7A, s2;
	p2 =	seq.s32 @!p0 s5, $0x0  }
0x1f: {  	s9 =	smul.u32 $0xF7A, s1;
	s8 =	simm.s32 @!p0 $0x1BF5;
	p2 =	por !p2, p0  }
0x20: {  	[sflag:s8] =	ssyncset.s32 @!p0 $0xFFFFF086;
	s6 =	sadd.s32 @!p0 s3, s7;
	s7 =	simm.s32 @!p0 $0x108  }
0x21: {  	s3 =	sadd.s32 s3, s9;
	s6 =	sadd.s32 @!p0 $0x88, s6;
	s7 =	simm.s32 @p2 $0x1082  }
0x22: {  	[simem:s7], [sflag:s8] =	dma.local @!p0 [hbm:s6], $0xF7A  }
0x23: {  	s9 =	sor.u32 $0xD0000000, s2;
	s6 =	simm.s32 $0x108;
	_ =	swait.ge @!p0 [sflag:s8], $0x0  }
0x24: {  	s3 =	sadd.s32 $0x88, s3;
	s6 =	simm.s32 @!p1 $0x1082;
	[sflag:s4] =	ssyncset.s32 $0xFFFFF086  }
0x25: {  	[simem:s6], [sflag:s4] =	dma.local [hbm:s3], $0xF7A  }
0x26: {  	[smem:$0x3F99] =	sst s1;
	(tag) =	ssettag s2;
	_ =	strace s9  }
0x27: {  	s1 =	sld [smem:$0x3FA9]  }
0x28: {  	s2 =	sld [smem:$0x3FAA]  }
0x29: {  	s4 =	sld [smem:$0x3FAC]  }
0x2a: {  	p0 =	seq.s32 s5, $0x0;
	s5 =	sld [smem:$0x3FAD]  }
0x2b: {  	s6 =	sld [smem:$0x3FAE]  }
0x2c: {  	s7 =	sld [smem:$0x3FAF]  }
0x2d: {  	s3 =	simm.s32 $0x108;
	s8 =	sld [smem:$0x3FB0]  }
0x2e: {  	s3 =	simm.s32 @!p0 $0x1082;
	s9 =	sld [smem:$0x3FB1]  }
0x2f: {  	lr =	sadd.s32 s0, s3;
	s0 =	sld [smem:$0x3FA8]  }
0x30: {  	s3 =	sld [smem:$0x3FAB]  }
0x31: {  	[smem:$0x3FB4] =	sst s10  }
0x32: {  	s10 =	sld [smem:$0x3FB2];
	_ =	sdelay $0x3  }
0x33: {  	p0 =	seq.s32 s10, $0x1;
	s10 =	sld [smem:$0x3FB4];
	_ =	sdelay $0x3  }
0x34: {  	[smem:$0x3FB4] =	sst s10  }
0x35: {  	s10 =	sld [smem:$0x3FB3];
	_ =	sdelay $0x3  }
0x36: {  	p1 =	seq.s32 s10, $0x1;
	s10 =	sld [smem:$0x3FB4];
	_ =	sdelay $0x3  }
0x37: {  	[smem:$0x3FB4] =	sst s10  }
0x38: {  	s10 =	sld [smem:$0x3FB5]  }
0x39: {  	_ = 	snop;
	(pc) =	sbr.ind lr, $3  }
0x3a: {  	_ = 	snop  }
0x3b: {  	_ = 	snop  }
0x3c: {  	p2 =	seq.s32 s10, $0x1;
	s10 =	sld [smem:$0x3FB4]  }
0x3d: {  	_ =	shalt  }
0x3e: {  	_ =	shalt  }
0x3f: {  	_ =	shalt  }
0x40: {  	_ =	shalt  }
0x41: {  	_ =	shalt  }
0x42: {  	_ =	shalt  }
0x43: {  	_ =	shalt  }
0x44: {  	_ =	shalt  }
0x45: {  	_ =	shalt  }
0x46: {  	_ =	shalt  }
0x47: {  	_ =	shalt  }
0x48: {  	_ =	shalt  }
0x49: {  	_ =	shalt  }
0x4a: {  	_ =	shalt  }
0x4b: {  	_ =	shalt  }
0x4c: {  	_ =	shalt  }
0x4d: {  	_ =	shalt  }
0x4e: {  	_ =	shalt  }
0x4f: {  	_ =	shalt  }
0x50: {  	_ =	shalt  }
0x51: {  	_ =	shalt  }
0x52: {  	_ =	shalt  }
0x53: {  	_ =	shalt  }
0x54: {  	_ =	shalt  }
0x55: {  	_ =	shalt  }
0x56: {  	_ =	shalt  }
0x57: {  	_ =	shalt  }
0x58: {  	_ =	shalt  }
0x59: {  	_ =	shalt  }
0x5a: {  	_ =	shalt  }
0x5b: {  	_ =	shalt  }
0x5c: {  	_ =	shalt  }
0x5d: {  	_ =	shalt  }
0x5e: {  	_ =	shalt  }
0x5f: {  	_ =	shalt  }
0x60: {  	_ =	shalt  }
0x61: {  	_ =	shalt  }
0x62: {  	_ =	shalt  }
0x63: {  	_ =	shalt  }
0x64: {  	_ =	shalt  }
0x65: {  	_ =	shalt  }
0x66: {  	_ =	shalt  }
0x67: {  	_ =	shalt  }
0x68: {  	_ =	shalt  }
0x69: {  	_ =	shalt  }
0x6a: {  	_ =	shalt  }
0x6b: {  	_ =	shalt  }
0x6c: {  	_ =	shalt  }
0x6d: {  	_ =	shalt  }
0x6e: {  	_ =	shalt  }
0x6f: {  	_ =	shalt  }
0x70: {  	_ =	shalt  }
0x71: {  	_ =	shalt  }
0x72: {  	_ =	shalt  }
0x73: {  	_ =	shalt  }
0x74: {  	_ =	shalt  }
0x75: {  	_ =	shalt  }
0x76: {  	_ =	shalt  }
0x77: {  	_ =	shalt  }
0x78: {  	_ =	shalt  }
0x79: {  	_ =	shalt  }
0x7a: {  	_ =	shalt  }
0x7b: {  	_ =	shalt  }
0x7c: {  	_ =	shalt  }
0x7d: {  	_ =	shalt  }
0x7e: {  	_ =	shalt  }
0x7f: {  	_ =	shalt  }
0x80: {  	_ =	shalt  }
0x81: {  	_ =	shalt  }
0x82: {  	_ =	shalt  }
0x83: {  	_ =	shalt  }
0x84: {  	_ =	shalt  }
0x85: {  	_ =	shalt  }
0x86: {  	_ =	shalt  }
0x87: {  	_ =	shalt  }
.Lfunc_end0:
.L_simem_size_0:
called_computation_lowered:
.L_overlay_start_0:
0x88: {  	s2 =	sld [smem:$0x3FD9]  }
0x89: {  	s3 =	sld [smem:$0x3FFE];
	_ =	sdelay $0x1  }
0x8a: {  	s1 =	srdreg.scid  }
0x8b: {  	s0 =	sand.u32 $0x1, s1  }
0x8c: {  	s16 =	sshll.u32 s0, $0xA;
	s2 =	sadd.s32 s3, s2  }
0x8d: {  	s2 =	sadd.s32 s2, s16  }
0x8e: {  	[smem:$0x3FC0] =	sst s2  }
0x8f: {  	_ = 	snop  }
0x90: {  	(tm) =	ssettm $0x1  }
0x91: {  	s17 =	sld [smem:$0x3FFB];
	_ =	sdelay $0x3  }
0x92: {  	_ =	strace s17  }
0x93: {  	s2 =	sld [smem:$0x3FFC];
	_ =	sdelay $0x3  }
0x94: {  	_ =	strace s2  }
0x95: {  	s2 =	sld [smem:$0x3FFD];
	_ =	sdelay $0x3  }
0x96: {  	_ =	strace s2  }
0x97: {  	_ =	strace $0x8FFFFFFF  }
0x98: {  	s18 =	sld [smem:$0x3FDB];
	_ =	sdelay $0x1  }
0x99: {  	s19 =	simm.s32 $_scs_section_size  }
0x9a: {  	s4 =	simm.s32 $_size__tile_overlayer_lowered;
	s5 =	simm.s32 $_tile_overlayer_lowered  }
0x9b: {  	s22 =	simm.s32 $0x1BFF;
	s21 =	sshll.u32 s5, $0x1;
	s2 =	sadd.s32 s19, s18  }
0x9c: {  	s6 =	simm.s32 $0x0;
	s20 =	sshll.u32 s4, $0x1;
	s4 =	sadd.s32 s21, s2  }
0x9d: {  	[timem:s6], [sflag:s22] =	dma.local [hbm:s4], s20  }
0x9e: {  	_ =	swait.ge [sflag:s22], s20  }
0x9f: {  	s3 =	ssub.s32 $0x0, s20;
	[sflag:s22] =	ssyncset.done $0x0  }
0xa0: {  	[sflag:s22] =	ssyncadd.s32 s3;
	_ =	sdelay $0x1  }
0xa1: {  	s23 =	simm.s32 $0x1B8B  }
0xa2: {  	_ =	swait.ge [sflag:s23], $0x1  }
0xa3: {  	[sflag:s23] =	ssyncset.done $0x0  }
0xa4: {  	s25 =	simm.s32 $0x1B8E;
	s24 =	sld [smem:$0x3FFE];
	[sflag:s23] =	ssyncadd.s32 $0xFFFFFFFF  }
0xa5: {  	s26 =	simm.s32 $execute0_lowered;
	[smem:$0x3FD2] =	sst s25  }
0xa6: {  	s4 =	sshll.u32 s26, $0x1;
	_ =	strace $0x80000046;
	[dreg:$0x1] =	wrdreg $0xFFFFFFFF  }
0xa7: {  	s28 =	simm.s32 $_size_execute0_lowered;
	s2 =	sadd.s32 s2, s4;
	[dreg:$0x0] =	wrdreg $0x0  }
0xa8: {  	s4 =	sshll.u32 s28, $0x1;
	[dreg:$0x2] =	wrdreg s2  }
0xa9: {  	[dreg:$0x3] =	wrdreg s4  }
0xaa: {  	[dreg:$0x4] =	wrdreg $0xC0  }
0xab: {  	_ =	task [dreg:s6], $0x5FFFF  }
0xac: {  	[dreg:$0x1] =	wrdreg $0xFFFFFFFF  }
0xad: {  	[dreg:$0x0] =	wrdreg $0x60  }
0xae: {  	[dreg:$0x2] =	wrdreg s24  }
0xaf: {  	[dreg:$0x3] =	wrdreg $0x9  }
0xb0: {  	_ =	task.clear_ibuf [dreg:s6], $0x4FFFF;
	_ =	strace $0x90000046  }
0xb1: {  	s29 =	simm.s32 $0x9;
	_ =	strace $0x80000048  }
0xb2: {  	_ =	swait.ge [sflag:s29], $0x1  }
0xb3: {  	[sflag:s29] =	ssyncadd.s32 $0xFFFFFFFF  }
0xb4: {  	_ =	strace $0x90000048  }
0xb5: {  	_ =	sfence  }
0xb6: {  	s30 =	sld [smem:$0x0];
	_ =	sdelay $0x2  }
0xb7: {  	s31 =	sshll.u32 s1, $0xD;
	s1 =	sshrl.u32 s1, $0x2  }
0xb8: {  	s3 =	sand.u32 $0x4000, s31;
	s1 =	sadd.s32 s1, s30  }
0xb9: {  	s0 =	sor.u32 s3, s0;
	s1 =	sshll.u32 s1, $0x11  }
0xba: {  	s0 =	sor.u32 s1, s0  }
0xbb: {  	s0 =	sadd.s32 $0x8F2B, s0  }
0xbc: {  	[sflag:s0] =	ssyncadd.remote.s32 $0x1  }
0xbd: {  	_ =	sfence.sel $0xFFFF  }
0xbe: {  	[dreg:$0x0] =	wrdreg $0xFFFFFFFF;
	(pc) =	sbr.abs _section_cstart, $3  }
0xbf: {  	[dreg:$0x1] =	wrdreg $0xFFFFFFFF  }
0xc0: {  	_ =	task.clear_ibuf [dreg:s6], $0x2FFFF;
	_ =	strace $0x9FFFFFFF  }
0xc1: {  	(tm) =	ssettm $0x7FFFFFFF  }
tec
execute0_lowered:
.L_overlay_start_1:
0x0: {  	(tag) =	ssettag $0x1  }
0x1: {  	s0 =	srdreg.scid  }
0x2: {  	s4 =	rddreg [dreg:$0x0];
	s3 =	sand.u32 $0x1, s0  }
0x3: {  	s2 =	simm.s32 $0x0;
	s0 =	stileid.u32;
	s1 =	sshll.u32 s3, $0x4  }
0x4: {  	s8 =	simm.s32 $0x1;
	s9 =	simm.s32 $0x2710;
	s5 =	sor.u32 s0, s1  }
0x5: {  	s10 =	simm.s32 $0x4E20;
	s11 =	simm.s32 $0x0;
	s6 =	smul.u32 $0x4E20, s5  }
0x6: {  	[smem:$0x7FF] =	sst s2;
	s3 =	ssub.s32 $0x2, s3;
	s5 =	smul.u32 $0x4E2, s5  }
0x7: {  	s1 =	rddreg [dreg:$0x1];
	_ =	strace $0x80000047;
	s7 =	sshrl.u32 s3, $0x1  }
0x8: {  	s7 =	ssub.s32 s3, s7;
	s6 =	sshrl.u32 s6, $0x3;
	s5 =	sadd.s32 s5, s4  }
0x9: {  	s7 =	smax.u32 s7, $0x1;
	s6 =	sadd.s32 s6, s4;
	s3 =	sadd.s32 $0xBA00, s5  }
0xa: {  	v0 =	vimm.f32 $0.0e+00;
	v1 =	vimm.f32 $1.000000000e+00;
	s4 =	sadd.s32 $0x1C00, s5;
	s5 =	sadd.s32 $0x15800, s6;
	s6 =	sadd.s32 $0x15CE2, s6  }
.LBB2_1:
0xb: {  	s13 =	simm.s32 $0x2730  }
0xc: {  	s12 =	simm.s32 $0x4E40;
	[tilespmem:s13+$0xFFFFFFE0] =	vst v0  }
0xd: {  	[tilespmem:s12+$0xFFFFFFE0] =	vst v0  }
0xe: {  	[tilespmem:s13+$0xFFFFFFF0] =	vst v0  }
0xf: {  	[tilespmem:s12+$0xFFFFFFF0] =	vst v0  }
0x10: {  	[tilespmem:s13+$0x0] =	vst v0  }
0x11: {  	[tilespmem:s12+$0x0] =	vst v0  }
0x12: {  	[tilespmem:s13+$0x10] =	vst v0  }
0x13: {  	s14 =	simm.s32 $0x2770;
	s13 =	simm.s32 $0x0;
	[tilespmem:s12+$0x10] =	vst v0  }
.LBB2_2:
0x14: {  	[tilespmem:s14+$0xFFFFFFE0] =	vst v0;
	s12 =	sadd.s32 $0x40, s12  }
0x15: {  	s13 =	sadd.s32 $0x4, s13;
	[tilespmem:s12+$0xFFFFFFE0] =	vst v0  }
0x16: {  	p0 =	slt.u32 s13, $0x26C;
	[tilespmem:s14+$0xFFFFFFF0] =	vst v0  }
.Ltmp0:
0x17: {  	[tilespmem:s12+$0xFFFFFFF0] =	vst v0;
	(pc) =	sbr.rel @p0 .LBB2_2-.Ltmp0, $4  }
0x18: {  	[tilespmem:s14+$0x0] =	vst v0  }
0x19: {  	[tilespmem:s12+$0x0] =	vst v0  }
0x1a: {  	[tilespmem:s14+$0x10] =	vst v0  }
0x1b: {  	s14 =	sadd.s32 $0x40, s14;
	[tilespmem:s12+$0x10] =	vst v0  }
0x1c: {  	[tilespmem:$0x4E10] =	vst v0  }
0x1d: {  	[tilespmem:$0x7520] =	vst v0  }
0x1e: {  	[tilespmem:s2], [sflag:$0x1] =	stream.linear.gather [hbm4b:s3+s2], $0x2710, $0x38;
	[tilespmem:$0x7530] =	vst v63  }
0x1f: {  	_ =	swait.ge [sflag:s8], $0x2710  }
0x20: {  	[sflag:s8] =	ssyncset.done $0x0  }
0x21: {  	s12 =	simm.s32 $0xFFFFFFFC;
	s13 =	simm.s32 $0x20;
	[sflag:s8] =	ssyncadd.s32 $0xFFFFD8F0  }
.LBB2_4:
0x22: {  	v2 =	vld [tilespmem:s13+$0xFFFFFFE0];
	_ =	sdelay $0x7  }
0x23: {  	[tilespmem:v2+s9+$0x0] =	vst.idx.add.f32.msk $0xffff, v1  }
0x24: {  	v2 =	vld [tilespmem:s13+$0xFFFFFFF0];
	_ =	sdelay $0x7  }
0x25: {  	[tilespmem:v2+s9+$0x0] =	vst.idx.add.f32.msk $0xffff, v1  }
0x26: {  	v2 =	vld [tilespmem:s13+$0x0];
	_ =	sdelay $0x7  }
0x27: {  	[tilespmem:v2+s9+$0x0] =	vst.idx.add.f32.msk $0xffff, v1  }
0x28: {  	v2 =	vld [tilespmem:s13+$0x10];
	_ =	sdelay $0x1  }
0x29: {  	s12 =	sadd.s32 $0x4, s12  }
0x2a: {  	p0 =	slt.u32 s12, $0x26C  }
.Ltmp1:
0x2b: {  	_ = 	snop;
	(pc) =	sbr.rel @p0 .LBB2_4-.Ltmp1, $2  }
0x2c: {  	_ =	sdelay $0x2  }
0x2d: {  	s13 =	sadd.s32 $0x40, s13;
	[tilespmem:v2+s9+$0x0] =	vst.idx.add.f32.msk $0xffff, v1  }
0x2e: {  	v2 =	vld [tilespmem:$0x2700];
	_ =	sdelay $0x7  }
0x2f: {  	[tilespmem:v2+s9+$0x0] =	vst.idx.add.f32.msk $0xffff, v1  }
0x30: {  	[tilespmem:s2], [sflag:$0x1] =	stream.linear.gather [hbm4b:s4+s2], $0x2710, $0x38;
	[tilespmem:$0x7530] =	vst v63  }
0x31: {  	_ =	swait.ge [sflag:s8], $0x2710  }
0x32: {  	[sflag:s8] =	ssyncset.done $0x0  }
0x33: {  	s12 =	simm.s32 $0xFFFFFFFC;
	s13 =	simm.s32 $0x20;
	[sflag:s8] =	ssyncadd.s32 $0xFFFFD8F0  }
.LBB2_6:
0x34: {  	v2 =	vld [tilespmem:s13+$0xFFFFFFE0];
	_ =	sdelay $0x7  }
0x35: {  	[tilespmem:v2+s10+$0x0] =	vst.idx.add.f32.msk $0xffff, v1  }
0x36: {  	v2 =	vld [tilespmem:s13+$0xFFFFFFF0];
	_ =	sdelay $0x7  }
0x37: {  	[tilespmem:v2+s10+$0x0] =	vst.idx.add.f32.msk $0xffff, v1  }
0x38: {  	v2 =	vld [tilespmem:s13+$0x0];
	_ =	sdelay $0x7  }
0x39: {  	[tilespmem:v2+s10+$0x0] =	vst.idx.add.f32.msk $0xffff, v1  }
0x3a: {  	v2 =	vld [tilespmem:s13+$0x10];
	_ =	sdelay $0x1  }
0x3b: {  	s12 =	sadd.s32 $0x4, s12  }
0x3c: {  	p0 =	slt.u32 s12, $0x26C  }
.Ltmp2:
0x3d: {  	_ = 	snop;
	(pc) =	sbr.rel @p0 .LBB2_6-.Ltmp2, $2  }
0x3e: {  	_ =	sdelay $0x2  }
0x3f: {  	s13 =	sadd.s32 $0x40, s13;
	[tilespmem:v2+s10+$0x0] =	vst.idx.add.f32.msk $0xffff, v1  }
0x40: {  	v2 =	vld [tilespmem:$0x2700];
	_ =	sdelay $0x7  }
0x41: {  	[tilespmem:v2+s10+$0x0] =	vst.idx.add.f32.msk $0xffff, v1  }
0x42: {  	[hbm4b:s5+s2] =	stream.linear.scatter [tilespmem:s9], [sflag:$0x1], $0x2710, $0x38;
	[tilespmem:$0x7530] =	vst v63  }
0x43: {  	s11 =	sadd.s32 $0x1, s11;
	_ =	swait.ge [sflag:s8], $0x2710  }
0x44: {  	p0 =	sne.s32 s11, s7;
	[sflag:s8] =	ssyncset.done $0x0  }
.Ltmp3:
0x45: {  	[sflag:s8] =	ssyncadd.s32 $0xFFFFD8F0;
	(pc) =	sbr.rel @p0 .LBB2_1-.Ltmp3, $4  }
0x46: {  	[hbm4b:s6+s2] =	stream.linear.scatter [tilespmem:s10], [sflag:$0x1], $0x2710, $0x38;
	[tilespmem:$0x7530] =	vst v63  }
0x47: {  	_ =	swait.ge [sflag:s8], $0x2710  }
0x48: {  	[sflag:s8] =	ssyncset.done $0x0  }
0x49: {  	[sflag:s8] =	ssyncadd.s32 $0xFFFFD8F0  }
0x4a: {  	_ =	sfence.sel $0x180000  }
0x4b: {  	[bflag:$0x0] =	sbarrier.arrive $0xFFFF  }
0x4c: {  	p0 =	sne.s32 s0, $0x0;
	_ =	strace $0x90000047  }
0x4d: {  	s0 =	sadd.s32 @!p0 $0x100000, s1;
	[bflag:$0x2] =	sbarrier.arrive $0xFFFF  }
0x4e: {  	[sflag:s0] =	ssyncadd.tile.s32 @!p0 $0x1;
	_ =	shalt  }
.Lfunc_end2:
_tile_overlayer_lowered:
.L_overlay_start_2:
0x4f: {  	(tag) =	ssettag $0x2  }
0x50: {  	s0 =	rddreg [dreg:$0x0];
	s2 =	stileid.u32  }
0x51: {  	s1 =	rddreg [dreg:$0x1];
	p0 =	sne.s32 s2, $0x0  }
0x52: {  	s3 =	rddreg [dreg:$0x2];
	[bflag:$0x3] =	sbarrier.arrive $0xFFFF;
	s2 =	simm.s32 @!p0 $0x1C01  }
0x53: {  	[timem:s3], [sflag:s2] =	dma.local @!p0 [hbm:s0], s1  }
0x54: {  	s0 =	simm.s32 @!p0 $0x1  }
0x55: {  	_ =	swait.ge @!p0 [sflag:s0], s1  }
0x56: {  	s1 =	ssub.s32 @!p0 $0x0, s1;
	[sflag:s0] =	ssyncset.done @!p0 $0x0  }
0x57: {  	[sflag:s0] =	ssyncadd.s32 @!p0 s1  }
0x58: {  	[bflag:$0x3] =	sbarrier.arrive $0xFFFF  }
0x59: {  	_ =	shalt  }

// kernel: kernel.13.cloned.1.call-start
scs
__scs_entry_jumppad:
0x0: {  	(pc) =	sbr.rel $0x88, $3  }
0x1: {  	(tag) =	ssettag $0x0;
	lr =	simm.s32 $0x1  }
0x2: {  	[smem:$0x3F99] =	sst lr;
	_ =	strace $0xD0000000  }
0x3: {  	_ = 	snop  }
0x4: {  	_ = 	snop  }
0x5: {  	_ = 	snop  }
0x6: {  	_ = 	snop  }
0x7: {  	_ = 	snop  }
__scs_overlays_trampoline_lowered:
0x8: {  	[smem:$0x3FA8] =	sst s0  }
0x9: {  	[smem:$0x3FA9] =	sst s1  }
0xa: {  	[smem:$0x3FAA] =	sst s2  }
0xb: {  	[smem:$0x3FAB] =	sst s3  }
0xc: {  	[smem:$0x3FAC] =	sst s4  }
0xd: {  	[smem:$0x3FAD] =	sst s5  }
0xe: {  	[smem:$0x3FAE] =	sst s6  }
0xf: {  	[smem:$0x3FAF] =	sst s7  }
0x10: {  	[smem:$0x3FB0] =	sst s8  }
0x11: {  	[smem:$0x3FB1] =	sst s9;
	s0 =	simm.s32 @!p0 $0x0  }
0x12: {  	s1 =	sld [smem:$0x3F97];
	s0 =	simm.s32 @p0 $0x1  }
0x13: {  	[smem:$0x3FB2] =	sst s0;
	s0 =	simm.s32 @!p1 $0x0  }
0x14: {  	s2 =	sld [smem:$0x3F96];
	s0 =	simm.s32 @p1 $0x1  }
0x15: {  	[smem:$0x3FB3] =	sst s0;
	s0 =	simm.s32 @!p2 $0x0  }
0x16: {  	s3 =	sld [smem:$0x3FDB];
	s0 =	simm.s32 @p2 $0x1  }
0x17: {  	s4 =	simm.s32 $0x1BF5;
	[smem:$0x3FB5] =	sst s0  }
0x18: {  	s0 =	sld [smem:$0x3F98];
	_ =	swait.ge [sflag:s4], $0x0  }
0x19: {  	s7 =	sld [smem:$0x3F99]  }
0x1a: {  	s8 =	sadd.s32 $0xFFFFE003, lr  }
0x1b: {  	s9 =	sadd.s32 $0xFFFFFEF7, lr;
	s5 =	simm.s32 $0xFFFFFFFF;
	p2 =	slt.u32 s8, $0xFFFFF086  }
0x1c: {  	p1 =	slt.u32 s9, $0xF7A;
	s5 =	simm.s32 @!p2 $0x0  }
0x1d: {  	s5 =	simm.s32 @p1 $0x1;
	p0 =	seq.s32 s7, s2  }
0x1e: {  	s7 =	smul.u32 @!p0 $0xF7A, s2;
	p2 =	seq.s32 @!p0 s5, $0x0  }
0x1f: {  	s9 =	smul.u32 $0xF7A, s1;
	s8 =	simm.s32 @!p0 $0x1BF5;
	p2 =	por !p2, p0  }
0x20: {  	[sflag:s8] =	ssyncset.s32 @!p0 $0xFFFFF086;
	s6 =	sadd.s32 @!p0 s3, s7;
	s7 =	simm.s32 @!p0 $0x108  }
0x21: {  	s3 =	sadd.s32 s3, s9;
	s6 =	sadd.s32 @!p0 $0x88, s6;
	s7 =	simm.s32 @p2 $0x1082  }
0x22: {  	[simem:s7], [sflag:s8] =	dma.local @!p0 [hbm:s6], $0xF7A  }
0x23: {  	s9 =	sor.u32 $0xD0000000, s2;
	s6 =	simm.s32 $0x108;
	_ =	swait.ge @!p0 [sflag:s8], $0x0  }
0x24: {  	s3 =	sadd.s32 $0x88, s3;
	s6 =	simm.s32 @!p1 $0x1082;
	[sflag:s4] =	ssyncset.s32 $0xFFFFF086  }
0x25: {  	[simem:s6], [sflag:s4] =	dma.local [hbm:s3], $0xF7A  }
0x26: {  	[smem:$0x3F99] =	sst s1;
	(tag) =	ssettag s2;
	_ =	strace s9  }
0x27: {  	s1 =	sld [smem:$0x3FA9]  }
0x28: {  	s2 =	sld [smem:$0x3FAA]  }
0x29: {  	s4 =	sld [smem:$0x3FAC]  }
0x2a: {  	p0 =	seq.s32 s5, $0x0;
	s5 =	sld [smem:$0x3FAD]  }
0x2b: {  	s6 =	sld [smem:$0x3FAE]  }
0x2c: {  	s7 =	sld [smem:$0x3FAF]  }
0x2d: {  	s3 =	simm.s32 $0x108;
	s8 =	sld [smem:$0x3FB0]  }
0x2e: {  	s3 =	simm.s32 @!p0 $0x1082;
	s9 =	sld [smem:$0x3FB1]  }
0x2f: {  	lr =	sadd.s32 s0, s3;
	s0 =	sld [smem:$0x3FA8]  }
0x30: {  	s3 =	sld [smem:$0x3FAB]  }
0x31: {  	[smem:$0x3FB4] =	sst s10  }
0x32: {  	s10 =	sld [smem:$0x3FB2];
	_ =	sdelay $0x3  }
0x33: {  	p0 =	seq.s32 s10, $0x1;
	s10 =	sld [smem:$0x3FB4];
	_ =	sdelay $0x3  }
0x34: {  	[smem:$0x3FB4] =	sst s10  }
0x35: {  	s10 =	sld [smem:$0x3FB3];
	_ =	sdelay $0x3  }
0x36: {  	p1 =	seq.s32 s10, $0x1;
	s10 =	sld [smem:$0x3FB4];
	_ =	sdelay $0x3  }
0x37: {  	[smem:$0x3FB4] =	sst s10  }
0x38: {  	s10 =	sld [smem:$0x3FB5]  }
0x39: {  	_ = 	snop;
	(pc) =	sbr.ind lr, $3  }
0x3a: {  	_ = 	snop  }
0x3b: {  	_ = 	snop  }
0x3c: {  	p2 =	seq.s32 s10, $0x1;
	s10 =	sld [smem:$0x3FB4]  }
0x3d: {  	_ =	shalt  }
0x3e: {  	_ =	shalt  }
0x3f: {  	_ =	shalt  }
0x40: {  	_ =	shalt  }
0x41: {  	_ =	shalt  }
0x42: {  	_ =	shalt  }
0x43: {  	_ =	shalt  }
0x44: {  	_ =	shalt  }
0x45: {  	_ =	shalt  }
0x46: {  	_ =	shalt  }
0x47: {  	_ =	shalt  }
0x48: {  	_ =	shalt  }
0x49: {  	_ =	shalt  }
0x4a: {  	_ =	shalt  }
0x4b: {  	_ =	shalt  }
0x4c: {  	_ =	shalt  }
0x4d: {  	_ =	shalt  }
0x4e: {  	_ =	shalt  }
0x4f: {  	_ =	shalt  }
0x50: {  	_ =	shalt  }
0x51: {  	_ =	shalt  }
0x52: {  	_ =	shalt  }
0x53: {  	_ =	shalt  }
0x54: {  	_ =	shalt  }
0x55: {  	_ =	shalt  }
0x56: {  	_ =	shalt  }
0x57: {  	_ =	shalt  }
0x58: {  	_ =	shalt  }
0x59: {  	_ =	shalt  }
0x5a: {  	_ =	shalt  }
0x5b: {  	_ =	shalt  }
0x5c: {  	_ =	shalt  }
0x5d: {  	_ =	shalt  }
0x5e: {  	_ =	shalt  }
0x5f: {  	_ =	shalt  }
0x60: {  	_ =	shalt  }
0x61: {  	_ =	shalt  }
0x62: {  	_ =	shalt  }
0x63: {  	_ =	shalt  }
0x64: {  	_ =	shalt  }
0x65: {  	_ =	shalt  }
0x66: {  	_ =	shalt  }
0x67: {  	_ =	shalt  }
0x68: {  	_ =	shalt  }
0x69: {  	_ =	shalt  }
0x6a: {  	_ =	shalt  }
0x6b: {  	_ =	shalt  }
0x6c: {  	_ =	shalt  }
0x6d: {  	_ =	shalt  }
0x6e: {  	_ =	shalt  }
0x6f: {  	_ =	shalt  }
0x70: {  	_ =	shalt  }
0x71: {  	_ =	shalt  }
0x72: {  	_ =	shalt  }
0x73: {  	_ =	shalt  }
0x74: {  	_ =	shalt  }
0x75: {  	_ =	shalt  }
0x76: {  	_ =	shalt  }
0x77: {  	_ =	shalt  }
0x78: {  	_ =	shalt  }
0x79: {  	_ =	shalt  }
0x7a: {  	_ =	shalt  }
0x7b: {  	_ =	shalt  }
0x7c: {  	_ =	shalt  }
0x7d: {  	_ =	shalt  }
0x7e: {  	_ =	shalt  }
0x7f: {  	_ =	shalt  }
0x80: {  	_ =	shalt  }
0x81: {  	_ =	shalt  }
0x82: {  	_ =	shalt  }
0x83: {  	_ =	shalt  }
0x84: {  	_ =	shalt  }
0x85: {  	_ =	shalt  }
0x86: {  	_ =	shalt  }
0x87: {  	_ =	shalt  }
.Lfunc_end0:
.L_simem_size_0:
called_computation.1_lowered:
.L_overlay_start_0:
0x88: {  	s2 =	sld [smem:$0x3FD9]  }
0x89: {  	s3 =	sld [smem:$0x3FFE];
	_ =	sdelay $0x1  }
0x8a: {  	s1 =	srdreg.scid  }
0x8b: {  	s0 =	sand.u32 $0x1, s1  }
0x8c: {  	s16 =	sshll.u32 s0, $0xA;
	s2 =	sadd.s32 s3, s2  }
0x8d: {  	s2 =	sadd.s32 s2, s16  }
0x8e: {  	[smem:$0x3FC0] =	sst s2  }
0x8f: {  	_ = 	snop  }
0x90: {  	(tm) =	ssettm $0x1  }
0x91: {  	s17 =	sld [smem:$0x3FFB];
	_ =	sdelay $0x3  }
0x92: {  	_ =	strace s17  }
0x93: {  	s2 =	sld [smem:$0x3FFC];
	_ =	sdelay $0x3  }
0x94: {  	_ =	strace s2  }
0x95: {  	s2 =	sld [smem:$0x3FFD];
	_ =	sdelay $0x3  }
0x96: {  	_ =	strace s2  }
0x97: {  	_ =	strace $0x8FFFFFFF  }
0x98: {  	s18 =	sld [smem:$0x3FDB];
	_ =	sdelay $0x1  }
0x99: {  	s19 =	simm.s32 $_scs_section_size  }
0x9a: {  	s4 =	simm.s32 $_size__tile_overlayer_lowered;
	s5 =	simm.s32 $_tile_overlayer_lowered  }
0x9b: {  	s22 =	simm.s32 $0x1BFF;
	s21 =	sshll.u32 s5, $0x1;
	s2 =	sadd.s32 s19, s18  }
0x9c: {  	s6 =	simm.s32 $0x0;
	s20 =	sshll.u32 s4, $0x1;
	s4 =	sadd.s32 s21, s2  }
0x9d: {  	[timem:s6], [sflag:s22] =	dma.local [hbm:s4], s20  }
0x9e: {  	_ =	swait.ge [sflag:s22], s20  }
0x9f: {  	s3 =	ssub.s32 $0x0, s20;
	[sflag:s22] =	ssyncset.done $0x0  }
0xa0: {  	[sflag:s22] =	ssyncadd.s32 s3;
	_ =	sdelay $0x1  }
0xa1: {  	s23 =	simm.s32 $0x1B8B  }
0xa2: {  	_ =	swait.ge [sflag:s23], $0x1  }
0xa3: {  	[sflag:s23] =	ssyncset.done $0x0  }
0xa4: {  	s25 =	simm.s32 $0x1B8E;
	s24 =	sld [smem:$0x3FFE];
	[sflag:s23] =	ssyncadd.s32 $0xFFFFFFFF  }
0xa5: {  	s26 =	simm.s32 $execute0_lowered;
	[smem:$0x3FD2] =	sst s25  }
0xa6: {  	s4 =	sshll.u32 s26, $0x1;
	_ =	strace $0x80000049;
	[dreg:$0x1] =	wrdreg $0xFFFFFFFF  }
0xa7: {  	s28 =	simm.s32 $_size_execute0_lowered;
	s2 =	sadd.s32 s2, s4;
	[dreg:$0x0] =	wrdreg $0x0  }
0xa8: {  	s4 =	sshll.u32 s28, $0x1;
	[dreg:$0x2] =	wrdreg s2  }
0xa9: {  	[dreg:$0x3] =	wrdreg s4  }
0xaa: {  	[dreg:$0x4] =	wrdreg $0xC0  }
0xab: {  	_ =	task [dreg:s6], $0x5FFFF  }
0xac: {  	[dreg:$0x1] =	wrdreg $0xFFFFFFFF  }
0xad: {  	[dreg:$0x0] =	wrdreg $0x60  }
0xae: {  	[dreg:$0x2] =	wrdreg s24  }
0xaf: {  	[dreg:$0x3] =	wrdreg $0x12D000  }
0xb0: {  	[dreg:$0x4] =	wrdreg $0x9  }
0xb1: {  	_ =	task.clear_ibuf [dreg:s6], $0x5FFFF;
	_ =	strace $0x90000049  }
0xb2: {  	s29 =	simm.s32 $0x9;
	_ =	strace $0x8000004B  }
0xb3: {  	_ =	swait.ge [sflag:s29], $0x1  }
0xb4: {  	[sflag:s29] =	ssyncadd.s32 $0xFFFFFFFF  }
0xb5: {  	_ =	strace $0x9000004B  }
0xb6: {  	_ =	sfence  }
0xb7: {  	s30 =	sld [smem:$0x0];
	_ =	sdelay $0x2  }
0xb8: {  	s31 =	sshll.u32 s1, $0xD;
	s1 =	sshrl.u32 s1, $0x2  }
0xb9: {  	s3 =	sand.u32 $0x4000, s31;
	s1 =	sadd.s32 s1, s30  }
0xba: {  	s0 =	sor.u32 s3, s0;
	s1 =	sshll.u32 s1, $0x11  }
0xbb: {  	s0 =	sor.u32 s1, s0  }
0xbc: {  	s0 =	sadd.s32 $0x8F2B, s0  }
0xbd: {  	[sflag:s0] =	ssyncadd.remote.s32 $0x1  }
0xbe: {  	_ =	sfence.sel $0xFFFF  }
0xbf: {  	[dreg:$0x0] =	wrdreg $0xFFFFFFFF;
	(pc) =	sbr.abs _section_cstart, $3  }
0xc0: {  	[dreg:$0x1] =	wrdreg $0xFFFFFFFF  }
0xc1: {  	_ =	task.clear_ibuf [dreg:s6], $0x2FFFF;
	_ =	strace $0x9FFFFFFF  }
0xc2: {  	(tm) =	ssettm $0x7FFFFFFF  }
0xc3: {  	_ =	shalt  }
tec
execute0_lowered:
.L_overlay_start_1:
0x0: {  	(tag) =	ssettag $0x1  }
0x1: {  	s0 =	rddreg [dreg:$0x0]  }
0x2: {  	s1 =	srdreg.scid;
	s2 =	rddreg [dreg:$0x1]  }
0x3: {  	s8 =	stileid.u32;
	s3 =	simm.s32 $0x0;
	s14 =	simm.s32 $0x9  }
0x4: {  	s16 =	simm.s32 $0x7D;
	s17 =	simm.s32 $0xA000;
	s21 =	simm.s32 $0xBF40  }
0x5: {  	s30 =	simm.s32 $0xFDC0;
	s15 =	simm.s32 $0x1;
	s5 =	smul.u32 $0xA000, s8  }
0x6: {  	s18 =	simm.s32 $0x3;
	s19 =	simm.s32 $0x5;
	s7 =	smul.u32 $0xA00, s8  }
0x7: {  	s20 =	simm.s32 $0x7;
	s1 =	sand.u32 $0x1, s1;
	s8 =	smul.u32 $0x14000, s8  }
0x8: {  	s22 =	simm.s32 $0x8;
	s23 =	simm.s32 $0x0;
	s4 =	smul.u32 $0x9C40, s1  }
0x9: {  	[smem:$0x7FF] =	sst s3;
	s6 =	smul.u32 $0xA0000, s1;
	s1 =	ssub.s32 $0x2, s1  }
0xa: {  	_ =	strace $0x8000004A;
	s7 =	sadd.s32 s7, s0;
	s24 =	sshrl.u32 s1, $0x1  }
0xb: {  	s26 =	sshrl.u32 s8, $0x2;
	s4 =	sadd.s32 s4, s0;
	s6 =	sadd.s32 s5, s6  }
0xc: {  	s1 =	ssub.s32 s1, s24;
	s25 =	sadd.s32 $0x33200, s7;
	s7 =	sadd.s32 $0x29200, s7  }
0xd: {  	s5 =	sshrl.u32 s5, $0x1;
	s8 =	sadd.s32 s26, s2;
	[dreg:$0x3] =	wrdreg s25  }
0xe: {  	s6 =	sshrl.u32 s6, $0x4;
	[dreg:$0x4] =	wrdreg s7;
	s7 =	sadd.s32 s5, s2  }
.Ltmp0:
0xf: {  	s28 =	sadd.s32 $0x1000, s8;
	s29 =	sadd.s32 $0x2000, s8;
	(pc) =	sbr.rel .LBB2_1-.Ltmp0, $4  }
0x10: {  	s31 =	sadd.s32 $0x3000, s8;
	s11 =	sadd.s32 $0x4000, s8;
	s13 =	smax.u32 s1, $0x1  }
0x11: {  	s25 =	simm.s32 $0xDE80;
	s1 =	simm.s32 $0x11D00;
	[dreg:$0x5] =	wrdreg s28  }
0x12: {  	s0 =	sadd.s32 s6, s0;
	s6 =	sadd.s32 $0x1C00, s4;
	[dreg:$0x6] =	wrdreg s29  }
0x13: {  	v0 =	vimm.bf16 $0.0e+00;
	[dreg:$0x7] =	wrdreg s31;
	s12 =	sadd.s32 $0x3D200, s0;
	s0 =	simm.s32 $0x10D60  }
.LBB2_6:
0x14: {  	_ =	swait.ge [sflag:s22], $0xFA0  }
0x15: {  	[sflag:s22] =	ssyncset.done $0x0  }
0x16: {  	[sflag:s22] =	ssyncadd.s32 $0xFFFFF060  }
0x17: {  	[spmem:s2] =	stream.indirect.scatter.add.bf16 [tilespmem:s0], [sflag:$0x9], $0x20, s4, s16, $0xb8;
	[tilespmem:$0x17D00] =	vst v63  }
0x18: {  	s31 =	stileid.u32;
	_ =	swait.ge [sflag:s14], $0xFA0  }
0x19: {  	s5 =	sshrl.u32 s7, $0x3;
	s23 =	sadd.s32 $0x1, s23;
	[sflag:s14] =	ssyncset.done $0x0  }
0x1a: {  	p0 =	sne.s32 s23, s13;
	s4 =	sshll.u32 s31, $0x6;
	[sflag:s14] =	ssyncadd.s32 $0xFFFFF060  }
.Ltmp1:
0x1b: {  	s4 =	sor.u32 $0x1C09, s4;
	[bflag:$0x0] =	sbarrier.arrive $0xFFFF;
	(pc) =	sbr.rel @!p0 .LBB2_7-.Ltmp1, $4  }
0x1c: {  	[hbm:s12], [sflag:s4] =	dma.local [spmem:s5], $0xA00  }
0x1d: {  	_ =	swait.ge [sflag:s14], $0xA00  }
0x1e: {  	[sflag:s14] =	ssyncset.done $0x0  }
0x1f: {  	[sflag:s14] =	ssyncadd.s32 $0xFFFFF600  }
.LBB2_1:
0x20: {  	s4 =	rddreg [dreg:$0x3]  }
0x21: {  	[tilespmem:s3], [sflag:$0x9] =	stream.linear.gather [hbm4b:s4+s3], $0x5000, $0x38;
	[tilespmem:$0x17D00] =	vst v63  }
0x22: {  	_ =	swait.ge [sflag:s14], $0x5000  }
0x23: {  	[sflag:s14] =	ssyncset.done $0x0  }
0x24: {  	s5 =	simm.s32 $0x5000;
	s26 =	rddreg [dreg:$0x4];
	[sflag:s14] =	ssyncadd.s32 $0xFFFFB000  }
0x25: {  	[tilespmem:s5], [sflag:$0x9] =	stream.linear.gather [hbm4b:s26+s3], $0x5000, $0x38;
	[tilespmem:$0x17D00] =	vst v63  }
0x26: {  	_ =	swait.ge [sflag:s14], $0x5000  }
0x27: {  	[sflag:s14] =	ssyncset.done $0x0  }
0x28: {  	[sflag:s14] =	ssyncadd.s32 $0xFFFFB000  }
0x29: {  	[tilespmem:s17], [sflag:$0x1] =	stream.indirect.gather [hbm4b:s6+s16], $0x20, s3, s16, $0xb8;
	[tilespmem:$0x17D00] =	vst v63  }
0x2a: {  	s28 =	simm.s32 $0x80;
	s29 =	simm.s32 $0xAFA0  }
0x2b: {  	[tilespmem:s29], [sflag:$0x2] =	stream.indirect.gather [hbm4b:s6+s16], $0x20, s28, s16, $0xb8;
	[tilespmem:$0x17D00] =	vst v63  }
0x2c: {  	s31 =	simm.s32 $0x100  }
0x2d: {  	[tilespmem:s21], [sflag:$0x3] =	stream.indirect.gather [hbm4b:s6+s16], $0x20, s31, s16, $0xb8;
	[tilespmem:$0x17D00] =	vst v63  }
0x2e: {  	s8 =	simm.s32 $0xCEE0;
	s5 =	simm.s32 $0x180  }
0x2f: {  	[tilespmem:s8], [sflag:$0x4] =	stream.indirect.gather [hbm4b:s6+s16], $0x20, s5, s16, $0xb8;
	[tilespmem:$0x17D00] =	vst v63  }
0x30: {  	s9 =	simm.s32 $0x200;
	s10 =	simm.s32 $0x280  }
0x31: {  	[tilespmem:s25], [sflag:$0x5] =	stream.indirect.gather [hbm4b:s6+s16], $0x20, s9, s16, $0xb8;
	[tilespmem:$0x17D00] =	vst v63  }
0x32: {  	s24 =	simm.s32 $0xEE20;
	s29 =	sand.u32 $0x3F80, s3;
	s31 =	sand.u32 $0x20, s3  }
0x33: {  	[tilespmem:s24], [sflag:$0x6] =	stream.indirect.gather [hbm4b:s6+s16], $0x20, s10, s16, $0xb8;
	[tilespmem:$0x17D00] =	vst v63  }
0x34: {  	s26 =	simm.s32 $0x300;
	s4 =	sshrl.u32 s29, $0x2;
	s5 =	sshrl.u32 s31, $0x1  }
0x35: {  	[tilespmem:s30], [sflag:$0x7] =	stream.indirect.gather [hbm4b:s6+s16], $0x20, s26, s16, $0xb8;
	[tilespmem:$0x17D00] =	vst v63  }
0x36: {  	s28 =	simm.s32 $0x380;
	s5 =	sor.u32 s5, s4  }
0x37: {  	[tilespmem:s0], [sflag:$0x8] =	stream.indirect.gather [hbm4b:s6+s16], $0x20, s28, s16, $0xb8;
	[tilespmem:$0x17D00] =	vst v63  }
0x38: {  	s4 =	simm.s32 $0x40;
	[tilespmem:s5+$0x11D00] =	vst v0;
	s5 =	simm.s32 $0x0  }
.LBB2_2:
0x39: {  	p0 =	sne.s32 s4, $0x3FC0  }
.Ltmp2:
0x3a: {  	s8 =	sand.u32 $0x3F80, s4;
	s5 =	sadd.s32 $0x20, s5;
	(pc) =	sbr.rel @p0 .LBB2_2-.Ltmp2, $4  }
0x3b: {  	s4 =	sadd.s32 $0x40, s4;
	s24 =	sand.u32 $0x20, s5  }
0x3c: {  	s8 =	sshrl.u32 s8, $0x2;
	s24 =	sshrl.u32 s24, $0x1  }
0x3d: {  	s8 =	sor.u32 s24, s8  }
0x3e: {  	[tilespmem:s8+$0x11D00] =	vst v0  }
0x3f: {  	[spmem:s7] =	stream.linear.scatter [tilespmem:s1], [sflag:$0x9], $0x1000, $0x38;
	[tilespmem:$0x17D00] =	vst v63  }
0x40: {  	_ =	swait.ge [sflag:s14], $0x1000  }
0x41: {  	[sflag:s14] =	ssyncset.done $0x0  }
0x42: {  	s4 =	rddreg [dreg:$0x5];
	[sflag:s14] =	ssyncadd.s32 $0xFFFFF000  }
0x43: {  	[spmem:s4] =	stream.linear.scatter [tilespmem:s1], [sflag:$0x9], $0x1000, $0x38;
	[tilespmem:$0x17D00] =	vst v63  }
0x44: {  	_ =	swait.ge [sflag:s14], $0x1000  }
0x45: {  	[sflag:s14] =	ssyncset.done $0x0  }
0x46: {  	s29 =	rddreg [dreg:$0x6];
	[sflag:s14] =	ssyncadd.s32 $0xFFFFF000  }
0x47: {  	[spmem:s29] =	stream.linear.scatter [tilespmem:s1], [sflag:$0x9], $0x1000, $0x38;
	[tilespmem:$0x17D00] =	vst v63  }
0x48: {  	_ =	swait.ge [sflag:s14], $0x1000  }
0x49: {  	[sflag:s14] =	ssyncset.done $0x0  }
0x4a: {  	s31 =	rddreg [dreg:$0x7];
	[sflag:s14] =	ssyncadd.s32 $0xFFFFF000  }
0x4b: {  	[spmem:s31] =	stream.linear.scatter [tilespmem:s1], [sflag:$0x9], $0x1000, $0x38;
	[tilespmem:$0x17D00] =	vst v63  }
0x4c: {  	_ =	swait.ge [sflag:s14], $0x1000  }
0x4d: {  	[sflag:s14] =	ssyncset.done $0x0  }
0x4e: {  	[sflag:s14] =	ssyncadd.s32 $0xFFFFF000  }
0x4f: {  	[spmem:s11] =	stream.linear.scatter [tilespmem:s1], [sflag:$0x9], $0x1000, $0x38;
	[tilespmem:$0x17D00] =	vst v63  }
0x50: {  	_ =	swait.ge [sflag:s14], $0x1000  }
0x51: {  	[sflag:s14] =	ssyncset.done $0x0  }
0x52: {  	[sflag:s14] =	ssyncadd.s32 $0xFFFFF000  }
0x53: {  	s24 =	simm.s32 $0x0;
	[bflag:$0x0] =	sbarrier.arrive $0xFFFF  }
.LBB2_4:
0x54: {  	_ =	swait.ge [sflag:s15], $0xFA0  }
0x55: {  	s26 =	sshra.s32 s24, $0x2;
	[sflag:s15] =	ssyncset.done $0x0  }
0x56: {  	s4 =	sadd.s32 $0x5000, s26;
	[sflag:s15] =	ssyncadd.s32 $0xFFFFF060  }
0x57: {  	[spmem:s2] =	stream.indirect.scatter.add.bf16 [tilespmem:s17], [sflag:$0x9], $0x20, s4, s16, $0xb8;
	[tilespmem:$0x17D00] =	vst v63  }
0x58: {  	_ =	swait.ge [sflag:s14], $0xFA0  }
0x59: {  	p0 =	seq.s32 s24, $0x13000;
	[sflag:s14] =	ssyncset.done $0x0  }
0x5a: {  	s4 =	simm.s32 @p0 $0x2;
	[sflag:s14] =	ssyncadd.s32 $0xFFFFF060  }
0x5b: {  	_ =	swait.ge @p0 [sflag:s4], $0xFA0  }
0x5c: {  	s31 =	sshra.s32 @p0 s24, $0x2;
	s8 =	simm.s32 @p0 $0xAFA0;
	[sflag:s4] =	ssyncset.done @p0 $0x0  }
0x5d: {  	s5 =	sadd.s32 @p0 $0x5080, s31;
	[sflag:s4] =	ssyncadd.s32 @p0 $0xFFFFF060;
	s4 =	simm.s32 @p0 $0x7D  }
0x5e: {  	[spmem:s2] =	stream.indirect.scatter.add.bf16 @p0 [tilespmem:s8], [sflag:$0x9], $0x20, s5, s4, $0xb8;
	[tilespmem:$0x17D00] =	vst v63  }
0x5f: {  	s5 =	simm.s32 @p0 $0x9  }
0x60: {  	_ =	swait.ge @p0 [sflag:s5], $0xFA0  }
0x61: {  	s28 =	sshra.s32 @!p0 s24, $0x2;
	s29 =	simm.s32 @!p0 $0x7D;
	[sflag:s5] =	ssyncset.done @p0 $0x0  }
0x62: {  	s9 =	simm.s32 @!p0 $0xA000;
	s8 =	sadd.s32 @!p0 $0x400, s28;
	[sflag:s5] =	ssyncadd.s32 @p0 $0xFFFFF060  }
0x63: {  	[tilespmem:s9], [sflag:$0x1] =	stream.indirect.gather @!p0 [hbm4b:s6+s29], $0x20, s8, s29, $0xb8;
	[tilespmem:$0x17D00] =	vst v63  }
0x64: {  	s8 =	simm.s32 @!p0 $0x2  }
0x65: {  	_ =	swait.ge @!p0 [sflag:s8], $0xFA0  }
0x66: {  	[sflag:s8] =	ssyncset.done @!p0 $0x0  }
0x67: {  	s9 =	simm.s32 @!p0 $0xAFA0;
	[sflag:s8] =	ssyncadd.s32 @!p0 $0xFFFFF060;
	s8 =	sadd.s32 @!p0 $0x5080, s28  }
0x68: {  	[spmem:s2] =	stream.indirect.scatter.add.bf16 @!p0 [tilespmem:s9], [sflag:$0x9], $0x20, s8, s29, $0xb8;
	[tilespmem:$0x17D00] =	vst v63  }
0x69: {  	s8 =	simm.s32 @!p0 $0x9  }
0x6a: {  	_ =	swait.ge @!p0 [sflag:s8], $0xFA0  }
0x6b: {  	[sflag:s8] =	ssyncset.done @!p0 $0x0  }
0x6c: {  	s10 =	sadd.s32 @!p0 $0x480, s28;
	[sflag:s8] =	ssyncadd.s32 @!p0 $0xFFFFF060  }
0x6d: {  	[tilespmem:s9], [sflag:$0x2] =	stream.indirect.gather @!p0 [hbm4b:s6+s29], $0x20, s10, s29, $0xb8;
	[tilespmem:$0x17D00] =	vst v63  }
0x6e: {  	_ =	swait.ge [sflag:s18], $0xFA0  }
0x6f: {  	[sflag:s18] =	ssyncset.done $0x0  }
0x70: {  	s10 =	sadd.s32 $0x5100, s26;
	[sflag:s18] =	ssyncadd.s32 $0xFFFFF060  }
0x71: {  	[spmem:s2] =	stream.indirect.scatter.add.bf16 [tilespmem:s21], [sflag:$0x9], $0x20, s10, s16, $0xb8;
	[tilespmem:$0x17D00] =	vst v63  }
0x72: {  	_ =	swait.ge [sflag:s14], $0xFA0  }
0x73: {  	[sflag:s14] =	ssyncset.done $0x0  }
0x74: {  	s9 =	simm.s32 @p0 $0x4;
	[sflag:s14] =	ssyncadd.s32 $0xFFFFF060  }
0x75: {  	_ =	swait.ge @p0 [sflag:s9], $0xFA0  }
0x76: {  	[sflag:s9] =	ssyncset.done @p0 $0x0  }
0x77: {  	s10 =	simm.s32 @p0 $0xCEE0;
	[sflag:s9] =	ssyncadd.s32 @p0 $0xFFFFF060;
	s9 =	sadd.s32 @p0 $0x5180, s31  }
0x78: {  	[spmem:s2] =	stream.indirect.scatter.add.bf16 @p0 [tilespmem:s10], [sflag:$0x9], $0x20, s9, s4, $0xb8;
	[tilespmem:$0x17D00] =	vst v63  }
0x79: {  	_ =	swait.ge @p0 [sflag:s5], $0xFA0  }
0x7a: {  	[sflag:s5] =	ssyncset.done @p0 $0x0  }
0x7b: {  	s9 =	sadd.s32 @!p0 $0x500, s28;
	s10 =	simm.s32 @!p0 $0xBF40;
	[sflag:s5] =	ssyncadd.s32 @p0 $0xFFFFF060  }
0x7c: {  	[tilespmem:s10], [sflag:$0x3] =	stream.indirect.gather @!p0 [hbm4b:s6+s29], $0x20, s9, s29, $0xb8;
	[tilespmem:$0x17D00] =	vst v63  }
0x7d: {  	s9 =	simm.s32 @!p0 $0x4  }
0x7e: {  	_ =	swait.ge @!p0 [sflag:s9], $0xFA0  }
0x7f: {  	[sflag:s9] =	ssyncset.done @!p0 $0x0  }
0x80: {  	s10 =	simm.s32 @!p0 $0xCEE0;
	[sflag:s9] =	ssyncadd.s32 @!p0 $0xFFFFF060;
	s9 =	sadd.s32 @!p0 $0x5180, s28  }
0x81: {  	[spmem:s2] =	stream.indirect.scatter.add.bf16 @!p0 [tilespmem:s10], [sflag:$0x9], $0x20, s9, s29, $0xb8;
	[tilespmem:$0x17D00] =	vst v63  }
0x82: {  	_ =	swait.ge @!p0 [sflag:s8], $0xFA0  }
0x83: {  	[sflag:s8] =	ssyncset.done @!p0 $0x0  }
0x84: {  	s9 =	sadd.s32 @!p0 $0x580, s28;
	[sflag:s8] =	ssyncadd.s32 @!p0 $0xFFFFF060  }
0x85: {  	[tilespmem:s10], [sflag:$0x4] =	stream.indirect.gather @!p0 [hbm4b:s6+s29], $0x20, s9, s29, $0xb8;
	[tilespmem:$0x17D00] =	vst v63  }
0x86: {  	_ =	swait.ge [sflag:s19], $0xFA0  }
0x87: {  	[sflag:s19] =	ssyncset.done $0x0  }
0x88: {  	s10 =	sadd.s32 $0x5200, s26;
	[sflag:s19] =	ssyncadd.s32 $0xFFFFF060  }
0x89: {  	[spmem:s2] =	stream.indirect.scatter.add.bf16 [tilespmem:s25], [sflag:$0x9], $0x20, s10, s16, $0xb8;
	[tilespmem:$0x17D00] =	vst v63  }
0x8a: {  	_ =	swait.ge [sflag:s14], $0xFA0  }
0x8b: {  	[sflag:s14] =	ssyncset.done $0x0  }
0x8c: {  	s9 =	simm.s32 @p0 $0x6;
	[sflag:s14] =	ssyncadd.s32 $0xFFFFF060  }
0x8d: {  	_ =	swait.ge @p0 [sflag:s9], $0xFA0  }
0x8e: {  	[sflag:s9] =	ssyncset.done @p0 $0x0  }
0x8f: {  	s10 =	simm.s32 @p0 $0xEE20;
	[sflag:s9] =	ssyncadd.s32 @p0 $0xFFFFF060;
	s9 =	sadd.s32 @p0 $0x5280, s31  }
0x90: {  	[spmem:s2] =	stream.indirect.scatter.add.bf16 @p0 [tilespmem:s10], [sflag:$0x9], $0x20, s9, s4, $0xb8;
	[tilespmem:$0x17D00] =	vst v63  }
0x91: {  	_ =	swait.ge @p0 [sflag:s5], $0xFA0  }
0x92: {  	[sflag:s5] =	ssyncset.done @p0 $0x0  }
0x93: {  	s4 =	sadd.s32 @!p0 $0x600, s28;
	[sflag:s5] =	ssyncadd.s32 @p0 $0xFFFFF060;
	s5 =	simm.s32 @!p0 $0xDE80  }
0x94: {  	[tilespmem:s5], [sflag:$0x5] =	stream.indirect.gather @!p0 [hbm4b:s6+s29], $0x20, s4, s29, $0xb8;
	[tilespmem:$0x17D00] =	vst v63  }
0x95: {  	s4 =	simm.s32 @!p0 $0x6  }
0x96: {  	_ =	swait.ge @!p0 [sflag:s4], $0xFA0  }
0x97: {  	[sflag:s4] =	ssyncset.done @!p0 $0x0  }
0x98: {  	s5 =	simm.s32 @!p0 $0xEE20;
	[sflag:s4] =	ssyncadd.s32 @!p0 $0xFFFFF060;
	s4 =	sadd.s32 @!p0 $0x5280, s28  }
0x99: {  	[spmem:s2] =	stream.indirect.scatter.add.bf16 @!p0 [tilespmem:s5], [sflag:$0x9], $0x20, s4, s29, $0xb8;
	[tilespmem:$0x17D00] =	vst v63  }
0x9a: {  	_ =	swait.ge @!p0 [sflag:s8], $0xFA0  }
0x9b: {  	[sflag:s8] =	ssyncset.done @!p0 $0x0  }
0x9c: {  	s4 =	sadd.s32 @!p0 $0x680, s28;
	[sflag:s8] =	ssyncadd.s32 @!p0 $0xFFFFF060  }
0x9d: {  	[tilespmem:s5], [sflag:$0x6] =	stream.indirect.gather @!p0 [hbm4b:s6+s29], $0x20, s4, s29, $0xb8;
	[tilespmem:$0x17D00] =	vst v63  }
0x9e: {  	_ =	swait.ge [sflag:s20], $0xFA0  }
0x9f: {  	[sflag:s20] =	ssyncset.done $0x0  }
.Ltmp3:
0xa0: {  	s31 =	sadd.s32 $0x5300, s26;
	[sflag:s20] =	ssyncadd.s32 $0xFFFFF060;
	(pc) =	sbr.rel @p0 .LBB2_6-.Ltmp3, $4  }
0xa1: {  	[spmem:s2] =	stream.indirect.scatter.add.bf16 [tilespmem:s30], [sflag:$0x9], $0x20, s31, s16, $0xb8;
	[tilespmem:$0x17D00] =	vst v63  }
0xa2: {  	_ =	swait.ge [sflag:s14], $0xFA0  }
0xa3: {  	[sflag:s14] =	ssyncset.done $0x0  }
0xa4: {  	s4 =	sadd.s32 $0x5380, s26;
	[sflag:s14] =	ssyncadd.s32 $0xFFFFF060  }
0xa5: {  	s5 =	sadd.s32 $0x700, s26  }
0xa6: {  	[tilespmem:s30], [sflag:$0x7] =	stream.indirect.gather [hbm4b:s6+s16], $0x20, s5, s16, $0xb8;
	[tilespmem:$0x17D00] =	vst v63  }
0xa7: {  	_ =	swait.ge [sflag:s22], $0xFA0  }
0xa8: {  	[sflag:s22] =	ssyncset.done $0x0  }
0xa9: {  	[sflag:s22] =	ssyncadd.s32 $0xFFFFF060  }
0xaa: {  	[spmem:s2] =	stream.indirect.scatter.add.bf16 [tilespmem:s0], [sflag:$0x9], $0x20, s4, s16, $0xb8;
	[tilespmem:$0x17D00] =	vst v63  }
.Ltmp4:
0xab: {  	_ = 	snop;
	(pc) =	sbr.rel .LBB2_4-.Ltmp4, $4  }
0xac: {  	_ =	swait.ge [sflag:s14], $0xFA0  }
0xad: {  	[sflag:s14] =	ssyncset.done $0x0  }
0xae: {  	s31 =	sadd.s32 $0x780, s26;
	s24 =	sadd.s32 $0x1000, s24;
	[sflag:s14] =	ssyncadd.s32 $0xFFFFF060  }
0xaf: {  	[tilespmem:s0], [sflag:$0x8] =	stream.indirect.gather [hbm4b:s6+s16], $0x20, s31, s16, $0xb8;
	[tilespmem:$0x17D00] =	vst v63  }
.LBB2_7:
0xb0: {  	_ =	sfence.sel $0x180000  }
0xb1: {  	[bflag:$0x0] =	sbarrier.arrive $0xFFFF  }
0xb2: {  	_ =	strace $0x9000004A  }
0xb3: {  	s0 =	stileid.u32;
	[bflag:$0x2] =	sbarrier.arrive $0xFFFF  }
0xb4: {  	p0 =	sne.s32 s0, $0x0;
	s0 =	rddreg [dreg:$0x2]  }
0xb5: {  	s0 =	sadd.s32 @!p0 $0x100000, s0  }
0xb6: {  	[sflag:s0] =	ssyncadd.tile.s32 @!p0 $0x1;
	_ =	shalt  }
.Lfunc_end2:
_tile_overlayer_lowered:
.L_overlay_start_2:
0xb7: {  	(tag) =	ssettag $0x2  }
0xb8: {  	s0 =	rddreg [dreg:$0x0];
	s2 =	stileid.u32  }
0xb9: {  	s1 =	rddreg [dreg:$0x1];
	p0 =	sne.s32 s2, $0x0  }
0xba: {  	s3 =	rddreg [dreg:$0x2];
	[bflag:$0x3] =	sbarrier.arrive $0xFFFF;
	s2 =	simm.s32 @!p0 $0x1C09  }
0xbb: {  	[timem:s3], [sflag:s2] =	dma.local @!p0 [hbm:s0], s1  }
0xbc: {  	s0 =	simm.s32 @!p0 $0x9  }
0xbd: {  	_ =	swait.ge @!p0 [sflag:s0], s1  }
0xbe: {  	s1 =	ssub.s32 @!p0 $0x0, s1;
	[sflag:s0] =	ssyncset.done @!p0 $0x0  }
0xbf: {  	[sflag:s0] =	ssyncadd.s32 @!p0 s1  }
0xc0: {  	[bflag:$0x3] =	sbarrier.arrive $0xFFFF  }
0xc1: {  	_ =	shalt  }

// kernel: kernel.16.cloned.1.call-start
scs
__scs_entry_jumppad:
0x0: {  	(pc) =	sbr.rel $0x88, $3  }
0x1: {  	(tag) =	ssettag $0x0;
	lr =	simm.s32 $0x1  }
0x2: {  	[smem:$0x3F99] =	sst lr;
	_ =	strace $0xD0000000  }
0x3: {  	_ = 	snop  }
0x4: {  	_ = 	snop  }
0x5: {  	_ = 	snop  }
0x6: {  	_ = 	snop  }
0x7: {  	_ = 	snop  }
__scs_overlays_trampoline_lowered:
0x8: {  	[smem:$0x3FA8] =	sst s0  }
0x9: {  	[smem:$0x3FA9] =	sst s1  }
0xa: {  	[smem:$0x3FAA] =	sst s2  }
0xb: {  	[smem:$0x3FAB] =	sst s3  }
0xc: {  	[smem:$0x3FAC] =	sst s4  }
0xd: {  	[smem:$0x3FAD] =	sst s5  }
0xe: {  	[smem:$0x3FAE] =	sst s6  }
0xf: {  	[smem:$0x3FAF] =	sst s7  }
0x10: {  	[smem:$0x3FB0] =	sst s8  }
0x11: {  	[smem:$0x3FB1] =	sst s9;
	s0 =	simm.s32 @!p0 $0x0  }
0x12: {  	s1 =	sld [smem:$0x3F97];
	s0 =	simm.s32 @p0 $0x1  }
0x13: {  	[smem:$0x3FB2] =	sst s0;
	s0 =	simm.s32 @!p1 $0x0  }
0x14: {  	s2 =	sld [smem:$0x3F96];
	s0 =	simm.s32 @p1 $0x1  }
0x15: {  	[smem:$0x3FB3] =	sst s0;
	s0 =	simm.s32 @!p2 $0x0  }
0x16: {  	s3 =	sld [smem:$0x3FDB];
	s0 =	simm.s32 @p2 $0x1  }
0x17: {  	s4 =	simm.s32 $0x1BF5;
	[smem:$0x3FB5] =	sst s0  }
0x18: {  	s0 =	sld [smem:$0x3F98];
	_ =	swait.ge [sflag:s4], $0x0  }
0x19: {  	s7 =	sld [smem:$0x3F99]  }
0x1a: {  	s8 =	sadd.s32 $0xFFFFE003, lr  }
0x1b: {  	s9 =	sadd.s32 $0xFFFFFEF7, lr;
	s5 =	simm.s32 $0xFFFFFFFF;
	p2 =	slt.u32 s8, $0xFFFFF086  }
0x1c: {  	p1 =	slt.u32 s9, $0xF7A;
	s5 =	simm.s32 @!p2 $0x0  }
0x1d: {  	s5 =	simm.s32 @p1 $0x1;
	p0 =	seq.s32 s7, s2  }
0x1e: {  	s7 =	smul.u32 @!p0 $0xF7A, s2;
	p2 =	seq.s32 @!p0 s5, $0x0  }
0x1f: {  	s9 =	smul.u32 $0xF7A, s1;
	s8 =	simm.s32 @!p0 $0x1BF5;
	p2 =	por !p2, p0  }
0x20: {  	[sflag:s8] =	ssyncset.s32 @!p0 $0xFFFFF086;
	s6 =	sadd.s32 @!p0 s3, s7;
	s7 =	simm.s32 @!p0 $0x108  }
0x21: {  	s3 =	sadd.s32 s3, s9;
	s6 =	sadd.s32 @!p0 $0x88, s6;
	s7 =	simm.s32 @p2 $0x1082  }
0x22: {  	[simem:s7], [sflag:s8] =	dma.local @!p0 [hbm:s6], $0xF7A  }
0x23: {  	s9 =	sor.u32 $0xD0000000, s2;
	s6 =	simm.s32 $0x108;
	_ =	swait.ge @!p0 [sflag:s8], $0x0  }
0x24: {  	s3 =	sadd.s32 $0x88, s3;
	s6 =	simm.s32 @!p1 $0x1082;
	[sflag:s4] =	ssyncset.s32 $0xFFFFF086  }
0x25: {  	[simem:s6], [sflag:s4] =	dma.local [hbm:s3], $0xF7A  }
0x26: {  	[smem:$0x3F99] =	sst s1;
	(tag) =	ssettag s2;
	_ =	strace s9  }
0x27: {  	s1 =	sld [smem:$0x3FA9]  }
0x28: {  	s2 =	sld [smem:$0x3FAA]  }
0x29: {  	s4 =	sld [smem:$0x3FAC]  }
0x2a: {  	p0 =	seq.s32 s5, $0x0;
	s5 =	sld [smem:$0x3FAD]  }
0x2b: {  	s6 =	sld [smem:$0x3FAE]  }
0x2c: {  	s7 =	sld [smem:$0x3FAF]  }
0x2d: {  	s3 =	simm.s32 $0x108;
	s8 =	sld [smem:$0x3FB0]  }
0x2e: {  	s3 =	simm.s32 @!p0 $0x1082;
	s9 =	sld [smem:$0x3FB1]  }
0x2f: {  	lr =	sadd.s32 s0, s3;
	s0 =	sld [smem:$0x3FA8]  }
0x30: {  	s3 =	sld [smem:$0x3FAB]  }
0x31: {  	[smem:$0x3FB4] =	sst s10  }
0x32: {  	s10 =	sld [smem:$0x3FB2];
	_ =	sdelay $0x3  }
0x33: {  	p0 =	seq.s32 s10, $0x1;
	s10 =	sld [smem:$0x3FB4];
	_ =	sdelay $0x3  }
0x34: {  	[smem:$0x3FB4] =	sst s10  }
0x35: {  	s10 =	sld [smem:$0x3FB3];
	_ =	sdelay $0x3  }
0x36: {  	p1 =	seq.s32 s10, $0x1;
	s10 =	sld [smem:$0x3FB4];
	_ =	sdelay $0x3  }
0x37: {  	[smem:$0x3FB4] =	sst s10  }
0x38: {  	s10 =	sld [smem:$0x3FB5]  }
0x39: {  	_ = 	snop;
	(pc) =	sbr.ind lr, $3  }
0x3a: {  	_ = 	snop  }
0x3b: {  	_ = 	snop  }
0x3c: {  	p2 =	seq.s32 s10, $0x1;
	s10 =	sld [smem:$0x3FB4]  }
0x3d: {  	_ =	shalt  }
0x3e: {  	_ =	shalt  }
0x3f: {  	_ =	shalt  }
0x40: {  	_ =	shalt  }
0x41: {  	_ =	shalt  }
0x42: {  	_ =	shalt  }
0x43: {  	_ =	shalt  }
0x44: {  	_ =	shalt  }
0x45: {  	_ =	shalt  }
0x46: {  	_ =	shalt  }
0x47: {  	_ =	shalt  }
0x48: {  	_ =	shalt  }
0x49: {  	_ =	shalt  }
0x4a: {  	_ =	shalt  }
0x4b: {  	_ =	shalt  }
0x4c: {  	_ =	shalt  }
0x4d: {  	_ =	shalt  }
0x4e: {  	_ =	shalt  }
0x4f: {  	_ =	shalt  }
0x50: {  	_ =	shalt  }
0x51: {  	_ =	shalt  }
0x52: {  	_ =	shalt  }
0x53: {  	_ =	shalt  }
0x54: {  	_ =	shalt  }
0x55: {  	_ =	shalt  }
0x56: {  	_ =	shalt  }
0x57: {  	_ =	shalt  }
0x58: {  	_ =	shalt  }
0x59: {  	_ =	shalt  }
0x5a: {  	_ =	shalt  }
0x5b: {  	_ =	shalt  }
0x5c: {  	_ =	shalt  }
0x5d: {  	_ =	shalt  }
0x5e: {  	_ =	shalt  }
0x5f: {  	_ =	shalt  }
0x60: {  	_ =	shalt  }
0x61: {  	_ =	shalt  }
0x62: {  	_ =	shalt  }
0x63: {  	_ =	shalt  }
0x64: {  	_ =	shalt  }
0x65: {  	_ =	shalt  }
0x66: {  	_ =	shalt  }
0x67: {  	_ =	shalt  }
0x68: {  	_ =	shalt  }
0x69: {  	_ =	shalt  }
0x6a: {  	_ =	shalt  }
0x6b: {  	_ =	shalt  }
0x6c: {  	_ =	shalt  }
0x6d: {  	_ =	shalt  }
0x6e: {  	_ =	shalt  }
0x6f: {  	_ =	shalt  }
0x70: {  	_ =	shalt  }
0x71: {  	_ =	shalt  }
0x72: {  	_ =	shalt  }
0x73: {  	_ =	shalt  }
0x74: {  	_ =	shalt  }
0x75: {  	_ =	shalt  }
0x76: {  	_ =	shalt  }
0x77: {  	_ =	shalt  }
0x78: {  	_ =	shalt  }
0x79: {  	_ =	shalt  }
0x7a: {  	_ =	shalt  }
0x7b: {  	_ =	shalt  }
0x7c: {  	_ =	shalt  }
0x7d: {  	_ =	shalt  }
0x7e: {  	_ =	shalt  }
0x7f: {  	_ =	shalt  }
0x80: {  	_ =	shalt  }
0x81: {  	_ =	shalt  }
0x82: {  	_ =	shalt  }
0x83: {  	_ =	shalt  }
0x84: {  	_ =	shalt  }
0x85: {  	_ =	shalt  }
0x86: {  	_ =	shalt  }
0x87: {  	_ =	shalt  }
.Lfunc_end0:
.L_simem_size_0:
called_computation.2_lowered:
.L_overlay_start_0:
0x88: {  	s2 =	sld [smem:$0x3FD9]  }
0x89: {  	s3 =	sld [smem:$0x3FFE];
	_ =	sdelay $0x1  }
0x8a: {  	s1 =	srdreg.scid  }
0x8b: {  	s0 =	sand.u32 $0x1, s1  }
0x8c: {  	s16 =	sshll.u32 s0, $0xA;
	s2 =	sadd.s32 s3, s2  }
0x8d: {  	s2 =	sadd.s32 s2, s16  }
0x8e: {  	[smem:$0x3FC0] =	sst s2  }
0x8f: {  	_ = 	snop  }
0x90: {  	(tm) =	ssettm $0x1  }
0x91: {  	s17 =	sld [smem:$0x3FFB];
	_ =	sdelay $0x3  }
0x92: {  	_ =	strace s17  }
0x93: {  	s2 =	sld [smem:$0x3FFC];
	_ =	sdelay $0x3  }
0x94: {  	_ =	strace s2  }
0x95: {  	s2 =	sld [smem:$0x3FFD];
	_ =	sdelay $0x3  }
0x96: {  	_ =	strace s2  }
0x97: {  	_ =	strace $0x8FFFFFFF  }
0x98: {  	s18 =	sld [smem:$0x3FDB];
	_ =	sdelay $0x1  }
0x99: {  	s19 =	simm.s32 $_scs_section_size  }
0x9a: {  	s4 =	simm.s32 $_size__tile_overlayer_lowered;
	s5 =	simm.s32 $_tile_overlayer_lowered  }
0x9b: {  	s22 =	simm.s32 $0x1BFF;
	s21 =	sshll.u32 s5, $0x1;
	s2 =	sadd.s32 s19, s18  }
0x9c: {  	s6 =	simm.s32 $0x0;
	s20 =	sshll.u32 s4, $0x1;
	s4 =	sadd.s32 s21, s2  }
0x9d: {  	[timem:s6], [sflag:s22] =	dma.local [hbm:s4], s20  }
0x9e: {  	_ =	swait.ge [sflag:s22], s20  }
0x9f: {  	s3 =	ssub.s32 $0x0, s20;
	[sflag:s22] =	ssyncset.done $0x0  }
0xa0: {  	[sflag:s22] =	ssyncadd.s32 s3;
	_ =	sdelay $0x1  }
0xa1: {  	s23 =	simm.s32 $0x1B8B  }
0xa2: {  	_ =	swait.ge [sflag:s23], $0x1  }
0xa3: {  	[sflag:s23] =	ssyncset.done $0x0  }
0xa4: {  	s25 =	simm.s32 $0x1B8E;
	s24 =	sld [smem:$0x3FFE];
	[sflag:s23] =	ssyncadd.s32 $0xFFFFFFFF  }
0xa5: {  	s26 =	simm.s32 $execute0_lowered;
	[smem:$0x3FD2] =	sst s25  }
0xa6: {  	s4 =	sshll.u32 s26, $0x1;
	_ =	strace $0x8000004C;
	[dreg:$0x1] =	wrdreg $0xFFFFFFFF  }
0xa7: {  	s28 =	simm.s32 $_size_execute0_lowered;
	s2 =	sadd.s32 s2, s4;
	[dreg:$0x0] =	wrdreg $0x0  }
0xa8: {  	s4 =	sshll.u32 s28, $0x1;
	[dreg:$0x2] =	wrdreg s2  }
0xa9: {  	[dreg:$0x3] =	wrdreg s4  }
0xaa: {  	[dreg:$0x4] =	wrdreg $0xC0  }
0xab: {  	_ =	task [dreg:s6], $0x5FFFF  }
0xac: {  	[dreg:$0x1] =	wrdreg $0xFFFFFFFF  }
0xad: {  	[dreg:$0x0] =	wrdreg $0x60  }
0xae: {  	[dreg:$0x2] =	wrdreg s24  }
0xaf: {  	[dreg:$0x3] =	wrdreg $0xDD000  }
0xb0: {  	[dreg:$0x4] =	wrdreg $0x9  }
0xb1: {  	_ =	task.clear_ibuf [dreg:s6], $0x5FFFF;
	_ =	strace $0x9000004C  }
0xb2: {  	s29 =	simm.s32 $0x9;
	_ =	strace $0x8000004E  }
0xb3: {  	_ =	swait.ge [sflag:s29], $0x1  }
0xb4: {  	[sflag:s29] =	ssyncadd.s32 $0xFFFFFFFF  }
0xb5: {  	_ =	strace $0x9000004E  }
0xb6: {  	_ =	sfence  }
0xb7: {  	s30 =	sld [smem:$0x0];
	_ =	sdelay $0x2  }
0xb8: {  	s31 =	sshll.u32 s1, $0xD;
	s1 =	sshrl.u32 s1, $0x2  }
0xb9: {  	s3 =	sand.u32 $0x4000, s31;
	s1 =	sadd.s32 s1, s30  }
0xba: {  	s0 =	sor.u32 s3, s0;
	s1 =	sshll.u32 s1, $0x11  }
0xbb: {  	s0 =	sor.u32 s1, s0  }
0xbc: {  	s0 =	sadd.s32 $0x8F2B, s0  }
0xbd: {  	[sflag:s0] =	ssyncadd.remote.s32 $0x1  }
0xbe: {  	_ =	sfence.sel $0xFFFF  }
0xbf: {  	[dreg:$0x0] =	wrdreg $0xFFFFFFFF;
	(pc) =	sbr.abs _section_cstart, $3  }
0xc0: {  	[dreg:$0x1] =	wrdreg $0xFFFFFFFF  }
0xc1: {  	_ =	task.clear_ibuf [dreg:s6], $0x2FFFF;
	_ =	strace $0x9FFFFFFF  }
0xc2: {  	(tm) =	ssettm $0x7FFFFFFF  }
0xc3: {  	_ =	shalt  }
tec
execute0_lowered:
.L_overlay_start_1:
0x0: {  	(tag) =	ssettag $0x1  }
0x1: {  	s0 =	srdreg.scid;
	s1 =	rddreg [dreg:$0x0]  }
0x2: {  	s8 =	stileid.u32;
	s2 =	rddreg [dreg:$0x1]  }
0x3: {  	s3 =	simm.s32 $0x0;
	s14 =	simm.s32 $0x9;
	s16 =	simm.s32 $0x7D  }
0x4: {  	s17 =	simm.s32 $0x5000;
	s21 =	simm.s32 $0x6F40;
	s30 =	simm.s32 $0xADC0  }
0x5: {  	s15 =	simm.s32 $0x1;
	s18 =	simm.s32 $0x3;
	s4 =	smul.u32 $0x5000, s8  }
0x6: {  	s19 =	simm.s32 $0x5;
	s20 =	simm.s32 $0x7;
	s6 =	smul.u32 $0xA000, s8  }
0x7: {  	s22 =	simm.s32 $0x8;
	s0 =	sand.u32 $0x1, s0;
	s8 =	smul.u32 $0x14000, s8  }
0x8: {  	s23 =	simm.s32 $0x0;
	[smem:$0x7FF] =	sst s3;
	s5 =	smul.u32 $0x2800, s0  }
0x9: {  	s7 =	smul.u32 $0xA0000, s0;
	_ =	strace $0x8000004D;
	s0 =	ssub.s32 $0x2, s0  }
0xa: {  	s9 =	sshrl.u32 s0, $0x1;
	s24 =	sshrl.u32 s8, $0x2;
	s5 =	sadd.s32 s5, s4  }
0xb: {  	s4 =	sadd.s32 $0x1C00, s1;
	s7 =	sadd.s32 s6, s7;
	s0 =	ssub.s32 s0, s9  }
0xc: {  	s6 =	sshrl.u32 s6, $0x1;
	s26 =	sadd.s32 s24, s2;
	s5 =	sshrl.u32 s5, $0x3  }
0xd: {  	s7 =	sshrl.u32 s7, $0x4;
	s28 =	sadd.s32 $0x1000, s26;
	s29 =	sadd.s32 $0x2000, s26  }
0xe: {  	s31 =	sadd.s32 $0x3000, s26;
	s11 =	sadd.s32 $0x4000, s26;
	s13 =	smax.u32 s0, $0x1  }
.Ltmp0:
0xf: {  	s0 =	simm.s32 $0xCD00;
	[dreg:$0x5] =	wrdreg s28;
	(pc) =	sbr.rel .LBB2_1-.Ltmp0, $4  }
0x10: {  	s5 =	sadd.s32 s5, s1;
	s1 =	sadd.s32 s7, s1;
	[dreg:$0x6] =	wrdreg s29  }
0x11: {  	s7 =	sadd.s32 s6, s2;
	[dreg:$0x7] =	wrdreg s31;
	s25 =	sadd.s32 $0x33200, s5  }
0x12: {  	s5 =	sadd.s32 $0x29200, s5;
	s12 =	sadd.s32 $0xBA00, s1;
	[dreg:$0x3] =	wrdreg s25  }
0x13: {  	v0 =	vimm.bf16 $0.0e+00;
	s1 =	simm.s32 $0xBD60;
	[dreg:$0x4] =	wrdreg s5;
	s25 =	simm.s32 $0x8E80  }
.LBB2_6:
0x14: {  	_ =	swait.ge [sflag:s22], $0xFA0  }
0x15: {  	[sflag:s22] =	ssyncset.done $0x0  }
0x16: {  	[sflag:s22] =	ssyncadd.s32 $0xFFFFF060  }
0x17: {  	[spmem:s2] =	stream.indirect.scatter.add.bf16 [tilespmem:s1], [sflag:$0x9], $0x20, s5, s16, $0xb8;
	[tilespmem:$0x12D00] =	vst v63  }
0x18: {  	s31 =	stileid.u32;
	_ =	swait.ge [sflag:s14], $0xFA0  }
0x19: {  	s6 =	sshrl.u32 s7, $0x3;
	s23 =	sadd.s32 $0x1, s23;
	[sflag:s14] =	ssyncset.done $0x0  }
0x1a: {  	p0 =	sne.s32 s23, s13;
	s5 =	sshll.u32 s31, $0x6;
	[sflag:s14] =	ssyncadd.s32 $0xFFFFF060  }
.Ltmp1:
0x1b: {  	s5 =	sor.u32 $0x1C09, s5;
	[bflag:$0x0] =	sbarrier.arrive $0xFFFF;
	(pc) =	sbr.rel @!p0 .LBB2_7-.Ltmp1, $4  }
0x1c: {  	[hbm:s12], [sflag:s5] =	dma.local [spmem:s6], $0xA00  }
0x1d: {  	_ =	swait.ge [sflag:s14], $0xA00  }
0x1e: {  	[sflag:s14] =	ssyncset.done $0x0  }
0x1f: {  	[sflag:s14] =	ssyncadd.s32 $0xFFFFF600  }
.LBB2_1:
0x20: {  	s5 =	rddreg [dreg:$0x3]  }
0x21: {  	[tilespmem:s3], [sflag:$0x9] =	stream.linear.gather [hbm4b:s5+s3], $0x2800, $0x38;
	[tilespmem:$0x12D00] =	vst v63  }
0x22: {  	_ =	swait.ge [sflag:s14], $0x2800  }
0x23: {  	[sflag:s14] =	ssyncset.done $0x0  }
0x24: {  	s6 =	simm.s32 $0x2800;
	s26 =	rddreg [dreg:$0x4];
	[sflag:s14] =	ssyncadd.s32 $0xFFFFD800  }
0x25: {  	[tilespmem:s6], [sflag:$0x9] =	stream.linear.gather [hbm4b:s26+s3], $0x2800, $0x38;
	[tilespmem:$0x12D00] =	vst v63  }
0x26: {  	_ =	swait.ge [sflag:s14], $0x2800  }
0x27: {  	[sflag:s14] =	ssyncset.done $0x0  }
0x28: {  	[sflag:s14] =	ssyncadd.s32 $0xFFFFD800  }
0x29: {  	[tilespmem:s17], [sflag:$0x1] =	stream.indirect.gather [hbm4b:s4+s16], $0x20, s3, s16, $0xb8;
	[tilespmem:$0x12D00] =	vst v63  }
0x2a: {  	s28 =	simm.s32 $0x80;
	s29 =	simm.s32 $0x5FA0  }
0x2b: {  	[tilespmem:s29], [sflag:$0x2] =	stream.indirect.gather [hbm4b:s4+s16], $0x20, s28, s16, $0xb8;
	[tilespmem:$0x12D00] =	vst v63  }
0x2c: {  	s31 =	simm.s32 $0x100  }
0x2d: {  	[tilespmem:s21], [sflag:$0x3] =	stream.indirect.gather [hbm4b:s4+s16], $0x20, s31, s16, $0xb8;
	[tilespmem:$0x12D00] =	vst v63  }
0x2e: {  	s8 =	simm.s32 $0x7EE0;
	s6 =	simm.s32 $0x180  }
0x2f: {  	[tilespmem:s8], [sflag:$0x4] =	stream.indirect.gather [hbm4b:s4+s16], $0x20, s6, s16, $0xb8;
	[tilespmem:$0x12D00] =	vst v63  }
0x30: {  	s9 =	simm.s32 $0x200;
	s10 =	simm.s32 $0x280  }
0x31: {  	[tilespmem:s25], [sflag:$0x5] =	stream.indirect.gather [hbm4b:s4+s16], $0x20, s9, s16, $0xb8;
	[tilespmem:$0x12D00] =	vst v63  }
0x32: {  	s24 =	simm.s32 $0x9E20;
	s29 =	sand.u32 $0x3F80, s3;
	s31 =	sand.u32 $0x20, s3  }
0x33: {  	[tilespmem:s24], [sflag:$0x6] =	stream.indirect.gather [hbm4b:s4+s16], $0x20, s10, s16, $0xb8;
	[tilespmem:$0x12D00] =	vst v63  }
0x34: {  	s26 =	simm.s32 $0x300;
	s5 =	sshrl.u32 s29, $0x2;
	s6 =	sshrl.u32 s31, $0x1  }
0x35: {  	[tilespmem:s30], [sflag:$0x7] =	stream.indirect.gather [hbm4b:s4+s16], $0x20, s26, s16, $0xb8;
	[tilespmem:$0x12D00] =	vst v63  }
0x36: {  	s28 =	simm.s32 $0x380;
	s6 =	sor.u32 s6, s5  }
0x37: {  	[tilespmem:s1], [sflag:$0x8] =	stream.indirect.gather [hbm4b:s4+s16], $0x20, s28, s16, $0xb8;
	[tilespmem:$0x12D00] =	vst v63  }
0x38: {  	s5 =	simm.s32 $0x40;
	[tilespmem:s6+$0xCD00] =	vst v0;
	s6 =	simm.s32 $0x0  }
.LBB2_2:
0x39: {  	p0 =	sne.s32 s5, $0x3FC0  }
.Ltmp2:
0x3a: {  	s8 =	sand.u32 $0x3F80, s5;
	s6 =	sadd.s32 $0x20, s6;
	(pc) =	sbr.rel @p0 .LBB2_2-.Ltmp2, $4  }
0x3b: {  	s5 =	sadd.s32 $0x40, s5;
	s24 =	sand.u32 $0x20, s6  }
0x3c: {  	s8 =	sshrl.u32 s8, $0x2;
	s24 =	sshrl.u32 s24, $0x1  }
0x3d: {  	s8 =	sor.u32 s24, s8  }
0x3e: {  	[tilespmem:s8+$0xCD00] =	vst v0  }
0x3f: {  	[spmem:s7] =	stream.linear.scatter [tilespmem:s0], [sflag:$0x9], $0x1000, $0x38;
	[tilespmem:$0x12D00] =	vst v63  }
0x40: {  	_ =	swait.ge [sflag:s14], $0x1000  }
0x41: {  	[sflag:s14] =	ssyncset.done $0x0  }
0x42: {  	s5 =	rddreg [dreg:$0x5];
	[sflag:s14] =	ssyncadd.s32 $0xFFFFF000  }
0x43: {  	[spmem:s5] =	stream.linear.scatter [tilespmem:s0], [sflag:$0x9], $0x1000, $0x38;
	[tilespmem:$0x12D00] =	vst v63  }
0x44: {  	_ =	swait.ge [sflag:s14], $0x1000  }
0x45: {  	[sflag:s14] =	ssyncset.done $0x0  }
0x46: {  	s29 =	rddreg [dreg:$0x6];
	[sflag:s14] =	ssyncadd.s32 $0xFFFFF000  }
0x47: {  	[spmem:s29] =	stream.linear.scatter [tilespmem:s0], [sflag:$0x9], $0x1000, $0x38;
	[tilespmem:$0x12D00] =	vst v63  }
0x48: {  	_ =	swait.ge [sflag:s14], $0x1000  }
0x49: {  	[sflag:s14] =	ssyncset.done $0x0  }
0x4a: {  	s31 =	rddreg [dreg:$0x7];
	[sflag:s14] =	ssyncadd.s32 $0xFFFFF000  }
0x4b: {  	[spmem:s31] =	stream.linear.scatter [tilespmem:s0], [sflag:$0x9], $0x1000, $0x38;
	[tilespmem:$0x12D00] =	vst v63  }
0x4c: {  	_ =	swait.ge [sflag:s14], $0x1000  }
0x4d: {  	[sflag:s14] =	ssyncset.done $0x0  }
0x4e: {  	[sflag:s14] =	ssyncadd.s32 $0xFFFFF000  }
0x4f: {  	[spmem:s11] =	stream.linear.scatter [tilespmem:s0], [sflag:$0x9], $0x1000, $0x38;
	[tilespmem:$0x12D00] =	vst v63  }
0x50: {  	_ =	swait.ge [sflag:s14], $0x1000  }
0x51: {  	[sflag:s14] =	ssyncset.done $0x0  }
0x52: {  	[sflag:s14] =	ssyncadd.s32 $0xFFFFF000  }
0x53: {  	s24 =	simm.s32 $0x0;
	[bflag:$0x0] =	sbarrier.arrive $0xFFFF  }
.LBB2_4:
0x54: {  	_ =	swait.ge [sflag:s15], $0xFA0  }
0x55: {  	s26 =	sshra.s32 s24, $0x2;
	[sflag:s15] =	ssyncset.done $0x0  }
0x56: {  	s5 =	sadd.s32 $0x2800, s26;
	[sflag:s15] =	ssyncadd.s32 $0xFFFFF060  }
0x57: {  	[spmem:s2] =	stream.indirect.scatter.add.bf16 [tilespmem:s17], [sflag:$0x9], $0x20, s5, s16, $0xb8;
	[tilespmem:$0x12D00] =	vst v63  }
0x58: {  	_ =	swait.ge [sflag:s14], $0xFA0  }
0x59: {  	p0 =	seq.s32 s24, $0x9000;
	[sflag:s14] =	ssyncset.done $0x0  }
0x5a: {  	s5 =	simm.s32 @p0 $0x2;
	[sflag:s14] =	ssyncadd.s32 $0xFFFFF060  }
0x5b: {  	_ =	swait.ge @p0 [sflag:s5], $0xFA0  }
0x5c: {  	s31 =	sshra.s32 @p0 s24, $0x2;
	s8 =	simm.s32 @p0 $0x5FA0;
	[sflag:s5] =	ssyncset.done @p0 $0x0  }
0x5d: {  	s6 =	sadd.s32 @p0 $0x2880, s31;
	[sflag:s5] =	ssyncadd.s32 @p0 $0xFFFFF060;
	s5 =	simm.s32 @p0 $0x7D  }
0x5e: {  	[spmem:s2] =	stream.indirect.scatter.add.bf16 @p0 [tilespmem:s8], [sflag:$0x9], $0x20, s6, s5, $0xb8;
	[tilespmem:$0x12D00] =	vst v63  }
0x5f: {  	s6 =	simm.s32 @p0 $0x9  }
0x60: {  	_ =	swait.ge @p0 [sflag:s6], $0xFA0  }
0x61: {  	s28 =	sshra.s32 @!p0 s24, $0x2;
	s29 =	simm.s32 @!p0 $0x7D;
	[sflag:s6] =	ssyncset.done @p0 $0x0  }
0x62: {  	s9 =	simm.s32 @!p0 $0x5000;
	s8 =	sadd.s32 @!p0 $0x400, s28;
	[sflag:s6] =	ssyncadd.s32 @p0 $0xFFFFF060  }
0x63: {  	[tilespmem:s9], [sflag:$0x1] =	stream.indirect.gather @!p0 [hbm4b:s4+s29], $0x20, s8, s29, $0xb8;
	[tilespmem:$0x12D00] =	vst v63  }
0x64: {  	s8 =	simm.s32 @!p0 $0x2  }
0x65: {  	_ =	swait.ge @!p0 [sflag:s8], $0xFA0  }
0x66: {  	[sflag:s8] =	ssyncset.done @!p0 $0x0  }
0x67: {  	s9 =	simm.s32 @!p0 $0x5FA0;
	[sflag:s8] =	ssyncadd.s32 @!p0 $0xFFFFF060;
	s8 =	sadd.s32 @!p0 $0x2880, s28  }
0x68: {  	[spmem:s2] =	stream.indirect.scatter.add.bf16 @!p0 [tilespmem:s9], [sflag:$0x9], $0x20, s8, s29, $0xb8;
	[tilespmem:$0x12D00] =	vst v63  }
0x69: {  	s8 =	simm.s32 @!p0 $0x9  }
0x6a: {  	_ =	swait.ge @!p0 [sflag:s8], $0xFA0  }
0x6b: {  	[sflag:s8] =	ssyncset.done @!p0 $0x0  }
0x6c: {  	s10 =	sadd.s32 @!p0 $0x480, s28;
	[sflag:s8] =	ssyncadd.s32 @!p0 $0xFFFFF060  }
0x6d: {  	[tilespmem:s9], [sflag:$0x2] =	stream.indirect.gather @!p0 [hbm4b:s4+s29], $0x20, s10, s29, $0xb8;
	[tilespmem:$0x12D00] =	vst v63  }
0x6e: {  	_ =	swait.ge [sflag:s18], $0xFA0  }
0x6f: {  	[sflag:s18] =	ssyncset.done $0x0  }
0x70: {  	s10 =	sadd.s32 $0x2900, s26;
	[sflag:s18] =	ssyncadd.s32 $0xFFFFF060  }
0x71: {  	[spmem:s2] =	stream.indirect.scatter.add.bf16 [tilespmem:s21], [sflag:$0x9], $0x20, s10, s16, $0xb8;
	[tilespmem:$0x12D00] =	vst v63  }
0x72: {  	_ =	swait.ge [sflag:s14], $0xFA0  }
0x73: {  	[sflag:s14] =	ssyncset.done $0x0  }
0x74: {  	s9 =	simm.s32 @p0 $0x4;
	[sflag:s14] =	ssyncadd.s32 $0xFFFFF060  }
0x75: {  	_ =	swait.ge @p0 [sflag:s9], $0xFA0  }
0x76: {  	[sflag:s9] =	ssyncset.done @p0 $0x0  }
0x77: {  	s10 =	simm.s32 @p0 $0x7EE0;
	[sflag:s9] =	ssyncadd.s32 @p0 $0xFFFFF060;
	s9 =	sadd.s32 @p0 $0x2980, s31  }
0x78: {  	[spmem:s2] =	stream.indirect.scatter.add.bf16 @p0 [tilespmem:s10], [sflag:$0x9], $0x20, s9, s5, $0xb8;
	[tilespmem:$0x12D00] =	vst v63  }
0x79: {  	_ =	swait.ge @p0 [sflag:s6], $0xFA0  }
0x7a: {  	[sflag:s6] =	ssyncset.done @p0 $0x0  }
0x7b: {  	s9 =	sadd.s32 @!p0 $0x500, s28;
	s10 =	simm.s32 @!p0 $0x6F40;
	[sflag:s6] =	ssyncadd.s32 @p0 $0xFFFFF060  }
0x7c: {  	[tilespmem:s10], [sflag:$0x3] =	stream.indirect.gather @!p0 [hbm4b:s4+s29], $0x20, s9, s29, $0xb8;
	[tilespmem:$0x12D00] =	vst v63  }
0x7d: {  	s9 =	simm.s32 @!p0 $0x4  }
0x7e: {  	_ =	swait.ge @!p0 [sflag:s9], $0xFA0  }
0x7f: {  	[sflag:s9] =	ssyncset.done @!p0 $0x0  }
0x80: {  	s10 =	simm.s32 @!p0 $0x7EE0;
	[sflag:s9] =	ssyncadd.s32 @!p0 $0xFFFFF060;
	s9 =	sadd.s32 @!p0 $0x2980, s28  }
0x81: {  	[spmem:s2] =	stream.indirect.scatter.add.bf16 @!p0 [tilespmem:s10], [sflag:$0x9], $0x20, s9, s29, $0xb8;
	[tilespmem:$0x12D00] =	vst v63  }
0x82: {  	_ =	swait.ge @!p0 [sflag:s8], $0xFA0  }
0x83: {  	[sflag:s8] =	ssyncset.done @!p0 $0x0  }
0x84: {  	s9 =	sadd.s32 @!p0 $0x580, s28;
	[sflag:s8] =	ssyncadd.s32 @!p0 $0xFFFFF060  }
0x85: {  	[tilespmem:s10], [sflag:$0x4] =	stream.indirect.gather @!p0 [hbm4b:s4+s29], $0x20, s9, s29, $0xb8;
	[tilespmem:$0x12D00] =	vst v63  }
0x86: {  	_ =	swait.ge [sflag:s19], $0xFA0  }
0x87: {  	[sflag:s19] =	ssyncset.done $0x0  }
0x88: {  	s10 =	sadd.s32 $0x2A00, s26;
	[sflag:s19] =	ssyncadd.s32 $0xFFFFF060  }
0x89: {  	[spmem:s2] =	stream.indirect.scatter.add.bf16 [tilespmem:s25], [sflag:$0x9], $0x20, s10, s16, $0xb8;
	[tilespmem:$0x12D00] =	vst v63  }
0x8a: {  	_ =	swait.ge [sflag:s14], $0xFA0  }
0x8b: {  	[sflag:s14] =	ssyncset.done $0x0  }
0x8c: {  	s9 =	simm.s32 @p0 $0x6;
	[sflag:s14] =	ssyncadd.s32 $0xFFFFF060  }
0x8d: {  	_ =	swait.ge @p0 [sflag:s9], $0xFA0  }
0x8e: {  	[sflag:s9] =	ssyncset.done @p0 $0x0  }
0x8f: {  	s10 =	simm.s32 @p0 $0x9E20;
	[sflag:s9] =	ssyncadd.s32 @p0 $0xFFFFF060;
	s9 =	sadd.s32 @p0 $0x2A80, s31  }
0x90: {  	[spmem:s2] =	stream.indirect.scatter.add.bf16 @p0 [tilespmem:s10], [sflag:$0x9], $0x20, s9, s5, $0xb8;
	[tilespmem:$0x12D00] =	vst v63  }
0x91: {  	_ =	swait.ge @p0 [sflag:s6], $0xFA0  }
0x92: {  	[sflag:s6] =	ssyncset.done @p0 $0x0  }
0x93: {  	s5 =	sadd.s32 @!p0 $0x600, s28;
	[sflag:s6] =	ssyncadd.s32 @p0 $0xFFFFF060;
	s6 =	simm.s32 @!p0 $0x8E80  }
0x94: {  	[tilespmem:s6], [sflag:$0x5] =	stream.indirect.gather @!p0 [hbm4b:s4+s29], $0x20, s5, s29, $0xb8;
	[tilespmem:$0x12D00] =	vst v63  }
0x95: {  	s5 =	simm.s32 @!p0 $0x6  }
0x96: {  	_ =	swait.ge @!p0 [sflag:s5], $0xFA0  }
0x97: {  	[sflag:s5] =	ssyncset.done @!p0 $0x0  }
0x98: {  	s6 =	simm.s32 @!p0 $0x9E20;
	[sflag:s5] =	ssyncadd.s32 @!p0 $0xFFFFF060;
	s5 =	sadd.s32 @!p0 $0x2A80, s28  }
0x99: {  	[spmem:s2] =	stream.indirect.scatter.add.bf16 @!p0 [tilespmem:s6], [sflag:$0x9], $0x20, s5, s29, $0xb8;
	[tilespmem:$0x12D00] =	vst v63  }
0x9a: {  	_ =	swait.ge @!p0 [sflag:s8], $0xFA0  }
0x9b: {  	[sflag:s8] =	ssyncset.done @!p0 $0x0  }
0x9c: {  	s5 =	sadd.s32 @!p0 $0x680, s28;
	[sflag:s8] =	ssyncadd.s32 @!p0 $0xFFFFF060  }
0x9d: {  	[tilespmem:s6], [sflag:$0x6] =	stream.indirect.gather @!p0 [hbm4b:s4+s29], $0x20, s5, s29, $0xb8;
	[tilespmem:$0x12D00] =	vst v63  }
0x9e: {  	_ =	swait.ge [sflag:s20], $0xFA0  }
0x9f: {  	[sflag:s20] =	ssyncset.done $0x0  }
.Ltmp3:
0xa0: {  	s31 =	sadd.s32 $0x2B00, s26;
	[sflag:s20] =	ssyncadd.s32 $0xFFFFF060;
	(pc) =	sbr.rel @p0 .LBB2_6-.Ltmp3, $4  }
0xa1: {  	[spmem:s2] =	stream.indirect.scatter.add.bf16 [tilespmem:s30], [sflag:$0x9], $0x20, s31, s16, $0xb8;
	[tilespmem:$0x12D00] =	vst v63  }
0xa2: {  	_ =	swait.ge [sflag:s14], $0xFA0  }
0xa3: {  	[sflag:s14] =	ssyncset.done $0x0  }
0xa4: {  	s5 =	sadd.s32 $0x2B80, s26;
	[sflag:s14] =	ssyncadd.s32 $0xFFFFF060  }
0xa5: {  	s6 =	sadd.s32 $0x700, s26  }
0xa6: {  	[tilespmem:s30], [sflag:$0x7] =	stream.indirect.gather [hbm4b:s4+s16], $0x20, s6, s16, $0xb8;
	[tilespmem:$0x12D00] =	vst v63  }
0xa7: {  	_ =	swait.ge [sflag:s22], $0xFA0  }
0xa8: {  	[sflag:s22] =	ssyncset.done $0x0  }
0xa9: {  	[sflag:s22] =	ssyncadd.s32 $0xFFFFF060  }
0xaa: {  	[spmem:s2] =	stream.indirect.scatter.add.bf16 [tilespmem:s1], [sflag:$0x9], $0x20, s5, s16, $0xb8;
	[tilespmem:$0x12D00] =	vst v63  }
.Ltmp4:
0xab: {  	_ = 	snop;
	(pc) =	sbr.rel .LBB2_4-.Ltmp4, $4  }
0xac: {  	_ =	swait.ge [sflag:s14], $0xFA0  }
0xad: {  	[sflag:s14] =	ssyncset.done $0x0  }
0xae: {  	s31 =	sadd.s32 $0x780, s26;
	s24 =	sadd.s32 $0x1000, s24;
	[sflag:s14] =	ssyncadd.s32 $0xFFFFF060  }
0xaf: {  	[tilespmem:s1], [sflag:$0x8] =	stream.indirect.gather [hbm4b:s4+s16], $0x20, s31, s16, $0xb8;
	[tilespmem:$0x12D00] =	vst v63  }
.LBB2_7:
0xb0: {  	_ =	sfence.sel $0x180000  }
0xb1: {  	[bflag:$0x0] =	sbarrier.arrive $0xFFFF  }
0xb2: {  	_ =	strace $0x9000004D  }
0xb3: {  	s0 =	stileid.u32;
	[bflag:$0x2] =	sbarrier.arrive $0xFFFF  }
0xb4: {  	p0 =	sne.s32 s0, $0x0;
	s0 =	rddreg [dreg:$0x2]  }
0xb5: {  	s0 =	sadd.s32 @!p0 $0x100000, s0  }
0xb6: {  	[sflag:s0] =	ssyncadd.tile.s32 @!p0 $0x1;
	_ =	shalt  }
.Lfunc_end2:
_tile_overlayer_lowered:
.L_overlay_start_2:
0xb7: {  	(tag) =	ssettag $0x2  }
0xb8: {  	s0 =	rddreg [dreg:$0x0];
	s2 =	stileid.u32  }
0xb9: {  	s1 =	rddreg [dreg:$0x1];
	p0 =	sne.s32 s2, $0x0  }
0xba: {  	s3 =	rddreg [dreg:$0x2];
	[bflag:$0x3] =	sbarrier.arrive $0xFFFF;
	s2 =	simm.s32 @!p0 $0x1C09  }
0xbb: {  	[timem:s3], [sflag:s2] =	dma.local @!p0 [hbm:s0], s1  }
0xbc: {  	s0 =	simm.s32 @!p0 $0x9  }
0xbd: {  	_ =	swait.ge @!p0 [sflag:s0], s1  }
0xbe: {  	s1 =	ssub.s32 @!p0 $0x0, s1;
	[sflag:s0] =	ssyncset.done @!p0 $0x0  }
0xbf: {  	[sflag:s0] =	ssyncadd.s32 @!p0 s1  }
0xc0: {  	[bflag:$0x3] =	sbarrier.arrive $0xFFFF  }
0xc1: {  	_ =	shalt  }

// kernel: kernel.19.cloned.1.call-start
scs
__scs_entry_jumppad:
0x0: {  	(pc) =	sbr.rel $0x88, $3  }
0x1: {  	(tag) =	ssettag $0x0;
	lr =	simm.s32 $0x1  }
0x2: {  	[smem:$0x3F99] =	sst lr;
	_ =	strace $0xD0000000  }
0x3: {  	_ = 	snop  }
0x4: {  	_ = 	snop  }
0x5: {  	_ = 	snop  }
0x6: {  	_ = 	snop  }
0x7: {  	_ = 	snop  }
__scs_overlays_trampoline_lowered:
0x8: {  	[smem:$0x3FA8] =	sst s0  }
0x9: {  	[smem:$0x3FA9] =	sst s1  }
0xa: {  	[smem:$0x3FAA] =	sst s2  }
0xb: {  	[smem:$0x3FAB] =	sst s3  }
0xc: {  	[smem:$0x3FAC] =	sst s4  }
0xd: {  	[smem:$0x3FAD] =	sst s5  }
0xe: {  	[smem:$0x3FAE] =	sst s6  }
0xf: {  	[smem:$0x3FAF] =	sst s7  }
0x10: {  	[smem:$0x3FB0] =	sst s8  }
0x11: {  	[smem:$0x3FB1] =	sst s9;
	s0 =	simm.s32 @!p0 $0x0  }
0x12: {  	s1 =	sld [smem:$0x3F97];
	s0 =	simm.s32 @p0 $0x1  }
0x13: {  	[smem:$0x3FB2] =	sst s0;
	s0 =	simm.s32 @!p1 $0x0  }
0x14: {  	s2 =	sld [smem:$0x3F96];
	s0 =	simm.s32 @p1 $0x1  }
0x15: {  	[smem:$0x3FB3] =	sst s0;
	s0 =	simm.s32 @!p2 $0x0  }
0x16: {  	s3 =	sld [smem:$0x3FDB];
	s0 =	simm.s32 @p2 $0x1  }
0x17: {  	s4 =	simm.s32 $0x1BF5;
	[smem:$0x3FB5] =	sst s0  }
0x18: {  	s0 =	sld [smem:$0x3F98];
	_ =	swait.ge [sflag:s4], $0x0  }
0x19: {  	s7 =	sld [smem:$0x3F99]  }
0x1a: {  	s8 =	sadd.s32 $0xFFFFE003, lr  }
0x1b: {  	s9 =	sadd.s32 $0xFFFFFEF7, lr;
	s5 =	simm.s32 $0xFFFFFFFF;
	p2 =	slt.u32 s8, $0xFFFFF086  }
0x1c: {  	p1 =	slt.u32 s9, $0xF7A;
	s5 =	simm.s32 @!p2 $0x0  }
0x1d: {  	s5 =	simm.s32 @p1 $0x1;
	p0 =	seq.s32 s7, s2  }
0x1e: {  	s7 =	smul.u32 @!p0 $0xF7A, s2;
	p2 =	seq.s32 @!p0 s5, $0x0  }
0x1f: {  	s9 =	smul.u32 $0xF7A, s1;
	s8 =	simm.s32 @!p0 $0x1BF5;
	p2 =	por !p2, p0  }
0x20: {  	[sflag:s8] =	ssyncset.s32 @!p0 $0xFFFFF086;
	s6 =	sadd.s32 @!p0 s3, s7;
	s7 =	simm.s32 @!p0 $0x108  }
0x21: {  	s3 =	sadd.s32 s3, s9;
	s6 =	sadd.s32 @!p0 $0x88, s6;
	s7 =	simm.s32 @p2 $0x1082  }
0x22: {  	[simem:s7], [sflag:s8] =	dma.local @!p0 [hbm:s6], $0xF7A  }
0x23: {  	s9 =	sor.u32 $0xD0000000, s2;
	s6 =	simm.s32 $0x108;
	_ =	swait.ge @!p0 [sflag:s8], $0x0  }
0x24: {  	s3 =	sadd.s32 $0x88, s3;
	s6 =	simm.s32 @!p1 $0x1082;
	[sflag:s4] =	ssyncset.s32 $0xFFFFF086  }
0x25: {  	[simem:s6], [sflag:s4] =	dma.local [hbm:s3], $0xF7A  }
0x26: {  	[smem:$0x3F99] =	sst s1;
	(tag) =	ssettag s2;
	_ =	strace s9  }
0x27: {  	s1 =	sld [smem:$0x3FA9]  }
0x28: {  	s2 =	sld [smem:$0x3FAA]  }
0x29: {  	s4 =	sld [smem:$0x3FAC]  }
0x2a: {  	p0 =	seq.s32 s5, $0x0;
	s5 =	sld [smem:$0x3FAD]  }
0x2b: {  	s6 =	sld [smem:$0x3FAE]  }
0x2c: {  	s7 =	sld [smem:$0x3FAF]  }
0x2d: {  	s3 =	simm.s32 $0x108;
	s8 =	sld [smem:$0x3FB0]  }
0x2e: {  	s3 =	simm.s32 @!p0 $0x1082;
	s9 =	sld [smem:$0x3FB1]  }
0x2f: {  	lr =	sadd.s32 s0, s3;
	s0 =	sld [smem:$0x3FA8]  }
0x30: {  	s3 =	sld [smem:$0x3FAB]  }
0x31: {  	[smem:$0x3FB4] =	sst s10  }
0x32: {  	s10 =	sld [smem:$0x3FB2];
	_ =	sdelay $0x3  }
0x33: {  	p0 =	seq.s32 s10, $0x1;
	s10 =	sld [smem:$0x3FB4];
	_ =	sdelay $0x3  }
0x34: {  	[smem:$0x3FB4] =	sst s10  }
0x35: {  	s10 =	sld [smem:$0x3FB3];
	_ =	sdelay $0x3  }
0x36: {  	p1 =	seq.s32 s10, $0x1;
	s10 =	sld [smem:$0x3FB4];
	_ =	sdelay $0x3  }
0x37: {  	[smem:$0x3FB4] =	sst s10  }
0x38: {  	s10 =	sld [smem:$0x3FB5]  }
0x39: {  	_ = 	snop;
	(pc) =	sbr.ind lr, $3  }
0x3a: {  	_ = 	snop  }
0x3b: {  	_ = 	snop  }
0x3c: {  	p2 =	seq.s32 s10, $0x1;
	s10 =	sld [smem:$0x3FB4]  }
0x3d: {  	_ =	shalt  }
0x3e: {  	_ =	shalt  }
0x3f: {  	_ =	shalt  }
0x40: {  	_ =	shalt  }
0x41: {  	_ =	shalt  }
0x42: {  	_ =	shalt  }
0x43: {  	_ =	shalt  }
0x44: {  	_ =	shalt  }
0x45: {  	_ =	shalt  }
0x46: {  	_ =	shalt  }
0x47: {  	_ =	shalt  }
0x48: {  	_ =	shalt  }
0x49: {  	_ =	shalt  }
0x4a: {  	_ =	shalt  }
0x4b: {  	_ =	shalt  }
0x4c: {  	_ =	shalt  }
0x4d: {  	_ =	shalt  }
0x4e: {  	_ =	shalt  }
0x4f: {  	_ =	shalt  }
0x50: {  	_ =	shalt  }
0x51: {  	_ =	shalt  }
0x52: {  	_ =	shalt  }
0x53: {  	_ =	shalt  }
0x54: {  	_ =	shalt  }
0x55: {  	_ =	shalt  }
0x56: {  	_ =	shalt  }
0x57: {  	_ =	shalt  }
0x58: {  	_ =	shalt  }
0x59: {  	_ =	shalt  }
0x5a: {  	_ =	shalt  }
0x5b: {  	_ =	shalt  }
0x5c: {  	_ =	shalt  }
0x5d: {  	_ =	shalt  }
0x5e: {  	_ =	shalt  }
0x5f: {  	_ =	shalt  }
0x60: {  	_ =	shalt  }
0x61: {  	_ =	shalt  }
0x62: {  	_ =	shalt  }
0x63: {  	_ =	shalt  }
0x64: {  	_ =	shalt  }
0x65: {  	_ =	shalt  }
0x66: {  	_ =	shalt  }
0x67: {  	_ =	shalt  }
0x68: {  	_ =	shalt  }
0x69: {  	_ =	shalt  }
0x6a: {  	_ =	shalt  }
0x6b: {  	_ =	shalt  }
0x6c: {  	_ =	shalt  }
0x6d: {  	_ =	shalt  }
0x6e: {  	_ =	shalt  }
0x6f: {  	_ =	shalt  }
0x70: {  	_ =	shalt  }
0x71: {  	_ =	shalt  }
0x72: {  	_ =	shalt  }
0x73: {  	_ =	shalt  }
0x74: {  	_ =	shalt  }
0x75: {  	_ =	shalt  }
0x76: {  	_ =	shalt  }
0x77: {  	_ =	shalt  }
0x78: {  	_ =	shalt  }
0x79: {  	_ =	shalt  }
0x7a: {  	_ =	shalt  }
0x7b: {  	_ =	shalt  }
0x7c: {  	_ =	shalt  }
0x7d: {  	_ =	shalt  }
0x7e: {  	_ =	shalt  }
0x7f: {  	_ =	shalt  }
0x80: {  	_ =	shalt  }
0x81: {  	_ =	shalt  }
0x82: {  	_ =	shalt  }
0x83: {  	_ =	shalt  }
0x84: {  	_ =	shalt  }
0x85: {  	_ =	shalt  }
0x86: {  	_ =	shalt  }
0x87: {  	_ =	shalt  }
.Lfunc_end0:
.L_simem_size_0:
called_computation.3_lowered:
.L_overlay_start_0:
0x88: {  	s2 =	sld [smem:$0x3FD9]  }
0x89: {  	s3 =	sld [smem:$0x3FFE];
	_ =	sdelay $0x1  }
0x8a: {  	s1 =	srdreg.scid  }
0x8b: {  	s0 =	sand.u32 $0x1, s1  }
0x8c: {  	s17 =	sshll.u32 s0, $0xA;
	s2 =	sadd.s32 s3, s2  }
0x8d: {  	s2 =	sadd.s32 s2, s17  }
0x8e: {  	[smem:$0x3FC0] =	sst s2  }
0x8f: {  	_ = 	snop  }
0x90: {  	s2 =	sld [smem:$0x3FD0];
	(tm) =	ssettm $0x1  }
0x91: {  	s18 =	sld [smem:$0x3FFB];
	_ =	sdelay $0x3  }
0x92: {  	_ =	strace s18  }
0x93: {  	s3 =	sld [smem:$0x3FFC];
	_ =	sdelay $0x3  }
0x94: {  	_ =	strace s3  }
0x95: {  	s3 =	sld [smem:$0x3FFD];
	_ =	sdelay $0x3  }
0x96: {  	_ =	strace s3  }
0x97: {  	_ =	strace $0x8FFFFFFF  }
0x98: {  	s19 =	sld [smem:$0x3FDB];
	_ =	sdelay $0x1  }
0x99: {  	s4 =	simm.s32 $_scs_section_size  }
0x9a: {  	s5 =	simm.s32 $_size__tile_overlayer_lowered;
	s6 =	simm.s32 $_tile_overlayer_lowered  }
0x9b: {  	s22 =	simm.s32 $0x1BFF;
	s21 =	sshll.u32 s6, $0x1;
	s3 =	sadd.s32 s4, s19  }
0x9c: {  	s7 =	simm.s32 $0x0;
	s20 =	sshll.u32 s5, $0x1;
	s5 =	sadd.s32 s21, s3  }
0x9d: {  	[timem:s7], [sflag:s22] =	dma.local [hbm:s5], s20  }
0x9e: {  	_ =	swait.ge [sflag:s22], s20  }
0x9f: {  	s4 =	ssub.s32 $0x0, s20;
	[sflag:s22] =	ssyncset.done $0x0  }
0xa0: {  	[sflag:s22] =	ssyncadd.s32 s4;
	_ =	sdelay $0x1  }
0xa1: {  	s23 =	simm.s32 $0x1B8B  }
0xa2: {  	_ =	swait.ge [sflag:s23], $0x1  }
0xa3: {  	[sflag:s23] =	ssyncset.done $0x0  }
0xa4: {  	s25 =	simm.s32 $0x1B8E;
	s24 =	sld [smem:$0x3FFE];
	[sflag:s23] =	ssyncadd.s32 $0xFFFFFFFF  }
0xa5: {  	s26 =	simm.s32 $execute0_lowered;
	[smem:$0x3FD2] =	sst s25  }
0xa6: {  	s5 =	sshll.u32 s26, $0x1;
	_ =	strace $0x8000004F;
	[dreg:$0x1] =	wrdreg $0xFFFFFFFF  }
0xa7: {  	s28 =	simm.s32 $_size_execute0_lowered;
	s3 =	sadd.s32 s3, s5;
	[dreg:$0x0] =	wrdreg $0x0  }
0xa8: {  	s5 =	sshll.u32 s28, $0x1;
	[dreg:$0x2] =	wrdreg s3  }
0xa9: {  	[dreg:$0x3] =	wrdreg s5  }
0xaa: {  	[dreg:$0x4] =	wrdreg $0xC0  }
0xab: {  	_ =	task [dreg:s7], $0x5FFFF  }
0xac: {  	[dreg:$0x1] =	wrdreg $0xFFFFFFFF  }
0xad: {  	[dreg:$0x0] =	wrdreg $0x60  }
0xae: {  	[dreg:$0x2] =	wrdreg s2  }
0xaf: {  	[dreg:$0x3] =	wrdreg s24  }
0xb0: {  	[dreg:$0x4] =	wrdreg $0x96800  }
0xb1: {  	[dreg:$0x5] =	wrdreg $0x9  }
0xb2: {  	_ =	task.clear_ibuf [dreg:s7], $0x6FFFF;
	_ =	strace $0x9000004F  }
0xb3: {  	s29 =	simm.s32 $0x9;
	_ =	strace $0x80000051  }
0xb4: {  	_ =	swait.ge [sflag:s29], $0x1  }
0xb5: {  	[sflag:s29] =	ssyncadd.s32 $0xFFFFFFFF  }
0xb6: {  	_ =	strace $0x90000051  }
0xb7: {  	_ =	sfence  }
0xb8: {  	s30 =	sld [smem:$0x0];
	_ =	sdelay $0x2  }
0xb9: {  	s31 =	sshll.u32 s1, $0xD;
	s1 =	sshrl.u32 s1, $0x2  }
0xba: {  	s3 =	sand.u32 $0x4000, s31;
	s1 =	sadd.s32 s1, s30  }
0xbb: {  	s0 =	sor.u32 s3, s0;
	s1 =	sshll.u32 s1, $0x11  }
0xbc: {  	s0 =	sor.u32 s1, s0  }
0xbd: {  	s0 =	sadd.s32 $0x8F2B, s0  }
0xbe: {  	[sflag:s0] =	ssyncadd.remote.s32 $0x1  }
0xbf: {  	_ =	sfence.sel $0xFFFF  }
0xc0: {  	[dreg:$0x0] =	wrdreg $0xFFFFFFFF;
	(pc) =	sbr.abs _section_cstart, $3  }
0xc1: {  	[dreg:$0x1] =	wrdreg $0xFFFFFFFF  }
0xc2: {  	_ =	task.clear_ibuf [dreg:s7], $0x2FFFF;
	_ =	strace $0x9FFFFFFF  }
0xc3: {  	(tm) =	ssettm $0x7FFFFFFF  }
tec
execute0_lowered:
.L_overlay_start_1:
0x0: {  	(tag) =	ssettag $0x1  }
0x1: {  	s1 =	rddreg [dreg:$0x0]  }
0x2: {  	s0 =	srdreg.scid;
	s2 =	rddreg [dreg:$0x1]  }
0x3: {  	s9 =	stileid.u32;
	s3 =	rddreg [dreg:$0x2];
	s4 =	simm.s32 $0x0  }
0x4: {  	s14 =	simm.s32 $0x9;
	s16 =	simm.s32 $0x7D;
	s17 =	simm.s32 $0x5000  }
0x5: {  	s21 =	simm.s32 $0x5FA0;
	s30 =	simm.s32 $0x7EE0;
	s5 =	smul.u32 $0x5000, s9  }
0x6: {  	s15 =	simm.s32 $0x1;
	s0 =	sand.u32 $0x1, s0;
	s7 =	smul.u32 $0x2800, s9  }
0x7: {  	s18 =	simm.s32 $0x3;
	s19 =	simm.s32 $0x5;
	s6 =	smul.u32 $0x2800, s0  }
0x8: {  	s20 =	simm.s32 $0x7;
	[smem:$0x7FF] =	sst s4;
	s8 =	smul.u32 $0x28000, s0  }
0x9: {  	s23 =	smul.u32 $0xA000, s9;
	_ =	strace $0x80000050;
	s0 =	ssub.s32 $0x2, s0  }
0xa: {  	s24 =	sshrl.u32 s0, $0x1;
	s5 =	sadd.s32 s6, s5;
	s22 =	sadd.s32 s7, s8  }
0xb: {  	s8 =	sshrl.u32 s23, $0x2;
	s0 =	ssub.s32 s0, s24;
	s7 =	sadd.s32 s7, s3  }
0xc: {  	s23 =	simm.s32 $0x0;
	s5 =	sshrl.u32 s5, $0x3;
	s6 =	sshrl.u32 s22, $0x3  }
0xd: {  	s26 =	sadd.s32 s8, s3;
	s13 =	smax.u32 s0, $0x1;
	s0 =	simm.s32 $0x8E80  }
0xe: {  	s22 =	simm.s32 $0x8;
	s5 =	sadd.s32 s5, s2;
	s28 =	sadd.s32 $0x800, s26  }
.Ltmp0:
0xf: {  	s29 =	sadd.s32 $0x1000, s26;
	[dreg:$0x6] =	wrdreg s28;
	(pc) =	sbr.rel .LBB2_1-.Ltmp0, $4  }
0x10: {  	s2 =	sadd.s32 s6, s2;
	s31 =	sadd.s32 $0x1800, s26;
	[dreg:$0x7] =	wrdreg s29  }
0x11: {  	s11 =	sadd.s32 $0x2000, s26;
	s25 =	sadd.s32 $0x33200, s5;
	[dreg:$0x8] =	wrdreg s31  }
0x12: {  	s5 =	sadd.s32 $0x29200, s5;
	s12 =	sadd.s32 $0x1C00, s2;
	[dreg:$0x4] =	wrdreg s25  }
0x13: {  	v0 =	vimm.f32 $0.0e+00;
	s2 =	simm.s32 $0x86B0;
	[dreg:$0x5] =	wrdreg s5;
	s25 =	simm.s32 $0x6F40  }
.LBB2_6:
0x14: {  	_ =	swait.ge [sflag:s22], $0x7D0  }
0x15: {  	[sflag:s22] =	ssyncset.done $0x0  }
0x16: {  	[sflag:s22] =	ssyncadd.s32 $0xFFFFF830  }
0x17: {  	[spmem:s3] =	stream.indirect.scatter.add.f32 [tilespmem:s2], [sflag:$0x9], $0x10, s5, s16, $0xb8;
	[tilespmem:$0xBE80] =	vst v63  }
0x18: {  	s31 =	stileid.u32;
	_ =	swait.ge [sflag:s14], $0x7D0  }
0x19: {  	s6 =	sshrl.u32 s7, $0x3;
	s23 =	sadd.s32 $0x1, s23;
	[sflag:s14] =	ssyncset.done $0x0  }
0x1a: {  	p0 =	sne.s32 s23, s13;
	s5 =	sshll.u32 s31, $0x6;
	[sflag:s14] =	ssyncadd.s32 $0xFFFFF830  }
.Ltmp1:
0x1b: {  	s5 =	sor.u32 $0x1C09, s5;
	[bflag:$0x0] =	sbarrier.arrive $0xFFFF;
	(pc) =	sbr.rel @!p0 .LBB2_7-.Ltmp1, $4  }
0x1c: {  	[hbm:s12], [sflag:s5] =	dma.local [spmem:s6], $0x500  }
0x1d: {  	_ =	swait.ge [sflag:s14], $0x500  }
0x1e: {  	[sflag:s14] =	ssyncset.done $0x0  }
0x1f: {  	[sflag:s14] =	ssyncadd.s32 $0xFFFFFB00  }
.LBB2_1:
0x20: {  	s5 =	rddreg [dreg:$0x4]  }
0x21: {  	[tilespmem:s4], [sflag:$0x9] =	stream.linear.gather [hbm4b:s5+s4], $0x2800, $0x38;
	[tilespmem:$0xBE80] =	vst v63  }
0x22: {  	_ =	swait.ge [sflag:s14], $0x2800  }
0x23: {  	[sflag:s14] =	ssyncset.done $0x0  }
0x24: {  	s6 =	simm.s32 $0x2800;
	s28 =	rddreg [dreg:$0x5];
	[sflag:s14] =	ssyncadd.s32 $0xFFFFD800  }
0x25: {  	[tilespmem:s6], [sflag:$0x9] =	stream.linear.gather [hbm4b:s28+s4], $0x2800, $0x38;
	[tilespmem:$0xBE80] =	vst v63  }
0x26: {  	_ =	swait.ge [sflag:s14], $0x2800  }
0x27: {  	[sflag:s14] =	ssyncset.done $0x0  }
0x28: {  	[sflag:s14] =	ssyncadd.s32 $0xFFFFD800  }
0x29: {  	[tilespmem:s17], [sflag:$0x1] =	stream.indirect.gather [hbm4b:s1+s16], $0x10, s4, s16, $0xb8;
	[tilespmem:$0xBE80] =	vst v63  }
0x2a: {  	s29 =	simm.s32 $0x80;
	s31 =	simm.s32 $0x57D0  }
0x2b: {  	[tilespmem:s31], [sflag:$0x2] =	stream.indirect.gather [hbm4b:s1+s16], $0x10, s29, s16, $0xb8;
	[tilespmem:$0xBE80] =	vst v63  }
0x2c: {  	s8 =	simm.s32 $0x100  }
0x2d: {  	[tilespmem:s21], [sflag:$0x3] =	stream.indirect.gather [hbm4b:s1+s16], $0x10, s8, s16, $0xb8;
	[tilespmem:$0xBE80] =	vst v63  }
0x2e: {  	s9 =	simm.s32 $0x180;
	s10 =	simm.s32 $0x6770  }
0x2f: {  	[tilespmem:s10], [sflag:$0x4] =	stream.indirect.gather [hbm4b:s1+s16], $0x10, s9, s16, $0xb8;
	[tilespmem:$0xBE80] =	vst v63  }
0x30: {  	s24 =	simm.s32 $0x200  }
0x31: {  	[tilespmem:s25], [sflag:$0x5] =	stream.indirect.gather [hbm4b:s1+s16], $0x10, s24, s16, $0xb8;
	[tilespmem:$0xBE80] =	vst v63  }
0x32: {  	s26 =	simm.s32 $0x280;
	s28 =	simm.s32 $0x7710  }
0x33: {  	[tilespmem:s28], [sflag:$0x6] =	stream.indirect.gather [hbm4b:s1+s16], $0x10, s26, s16, $0xb8;
	[tilespmem:$0xBE80] =	vst v63  }
0x34: {  	s29 =	simm.s32 $0x300  }
0x35: {  	[tilespmem:s30], [sflag:$0x7] =	stream.indirect.gather [hbm4b:s1+s16], $0x10, s29, s16, $0xb8;
	[tilespmem:$0xBE80] =	vst v63  }
0x36: {  	s5 =	simm.s32 $0x40;
	s6 =	simm.s32 $0x0;
	s31 =	simm.s32 $0x380  }
0x37: {  	[tilespmem:s2], [sflag:$0x8] =	stream.indirect.gather [hbm4b:s1+s16], $0x10, s31, s16, $0xb8;
	[tilespmem:$0xBE80] =	vst v63  }
.LBB2_2:
0x38: {  	p0 =	sne.s32 s5, $0x1FC0;
	[tilespmem:s6+$0x8E80] =	vst v0;
	s6 =	smov.u32 s5;
	s5 =	sadd.s32 $0x40, s5  }
.Ltmp2:
0x39: {  	(pc) =	sbr.rel @p0 .LBB2_2-.Ltmp2, $2  }
0x3a: {  	_ =	sdelay $0x2  }
0x3b: {  	s6 =	sshra.s32 s6, $0x2  }
0x3c: {  	[tilespmem:s6+$0x8E80] =	vst v0  }
0x3d: {  	[spmem:s7] =	stream.linear.scatter [tilespmem:s0], [sflag:$0x9], $0x800, $0x38;
	[tilespmem:$0xBE80] =	vst v63  }
0x3e: {  	_ =	swait.ge [sflag:s14], $0x800  }
0x3f: {  	[sflag:s14] =	ssyncset.done $0x0  }
0x40: {  	s5 =	rddreg [dreg:$0x6];
	[sflag:s14] =	ssyncadd.s32 $0xFFFFF800  }
0x41: {  	[spmem:s5] =	stream.linear.scatter [tilespmem:s0], [sflag:$0x9], $0x800, $0x38;
	[tilespmem:$0xBE80] =	vst v63  }
0x42: {  	_ =	swait.ge [sflag:s14], $0x800  }
0x43: {  	[sflag:s14] =	ssyncset.done $0x0  }
0x44: {  	s29 =	rddreg [dreg:$0x7];
	[sflag:s14] =	ssyncadd.s32 $0xFFFFF800  }
0x45: {  	[spmem:s29] =	stream.linear.scatter [tilespmem:s0], [sflag:$0x9], $0x800, $0x38;
	[tilespmem:$0xBE80] =	vst v63  }
0x46: {  	_ =	swait.ge [sflag:s14], $0x800  }
0x47: {  	[sflag:s14] =	ssyncset.done $0x0  }
0x48: {  	s31 =	rddreg [dreg:$0x8];
	[sflag:s14] =	ssyncadd.s32 $0xFFFFF800  }
0x49: {  	[spmem:s31] =	stream.linear.scatter [tilespmem:s0], [sflag:$0x9], $0x800, $0x38;
	[tilespmem:$0xBE80] =	vst v63  }
0x4a: {  	_ =	swait.ge [sflag:s14], $0x800  }
0x4b: {  	[sflag:s14] =	ssyncset.done $0x0  }
0x4c: {  	[sflag:s14] =	ssyncadd.s32 $0xFFFFF800  }
0x4d: {  	[spmem:s11] =	stream.linear.scatter [tilespmem:s0], [sflag:$0x9], $0x800, $0x38;
	[tilespmem:$0xBE80] =	vst v63  }
0x4e: {  	_ =	swait.ge [sflag:s14], $0x800  }
0x4f: {  	[sflag:s14] =	ssyncset.done $0x0  }
0x50: {  	[sflag:s14] =	ssyncadd.s32 $0xFFFFF800  }
0x51: {  	s24 =	simm.s32 $0x0;
	[bflag:$0x0] =	sbarrier.arrive $0xFFFF  }
.LBB2_4:
0x52: {  	_ =	swait.ge [sflag:s15], $0x7D0  }
0x53: {  	s26 =	sshra.s32 s24, $0x2;
	[sflag:s15] =	ssyncset.done $0x0  }
0x54: {  	s5 =	sadd.s32 $0x2800, s26;
	[sflag:s15] =	ssyncadd.s32 $0xFFFFF830  }
0x55: {  	[spmem:s3] =	stream.indirect.scatter.add.f32 [tilespmem:s17], [sflag:$0x9], $0x10, s5, s16, $0xb8;
	[tilespmem:$0xBE80] =	vst v63  }
0x56: {  	_ =	swait.ge [sflag:s14], $0x7D0  }
0x57: {  	p0 =	seq.s32 s24, $0x9000;
	[sflag:s14] =	ssyncset.done $0x0  }
0x58: {  	s5 =	simm.s32 @p0 $0x2;
	[sflag:s14] =	ssyncadd.s32 $0xFFFFF830  }
0x59: {  	_ =	swait.ge @p0 [sflag:s5], $0x7D0  }
0x5a: {  	s31 =	sshra.s32 @p0 s24, $0x2;
	s8 =	simm.s32 @p0 $0x57D0;
	[sflag:s5] =	ssyncset.done @p0 $0x0  }
0x5b: {  	s6 =	sadd.s32 @p0 $0x2880, s31;
	[sflag:s5] =	ssyncadd.s32 @p0 $0xFFFFF830;
	s5 =	simm.s32 @p0 $0x7D  }
0x5c: {  	[spmem:s3] =	stream.indirect.scatter.add.f32 @p0 [tilespmem:s8], [sflag:$0x9], $0x10, s6, s5, $0xb8;
	[tilespmem:$0xBE80] =	vst v63  }
0x5d: {  	s6 =	simm.s32 @p0 $0x9  }
0x5e: {  	_ =	swait.ge @p0 [sflag:s6], $0x7D0  }
0x5f: {  	s28 =	sshra.s32 @!p0 s24, $0x2;
	s29 =	simm.s32 @!p0 $0x7D;
	[sflag:s6] =	ssyncset.done @p0 $0x0  }
0x60: {  	s9 =	simm.s32 @!p0 $0x5000;
	s8 =	sadd.s32 @!p0 $0x400, s28;
	[sflag:s6] =	ssyncadd.s32 @p0 $0xFFFFF830  }
0x61: {  	[tilespmem:s9], [sflag:$0x1] =	stream.indirect.gather @!p0 [hbm4b:s1+s29], $0x10, s8, s29, $0xb8;
	[tilespmem:$0xBE80] =	vst v63  }
0x62: {  	s8 =	simm.s32 @!p0 $0x2  }
0x63: {  	_ =	swait.ge @!p0 [sflag:s8], $0x7D0  }
0x64: {  	[sflag:s8] =	ssyncset.done @!p0 $0x0  }
0x65: {  	s9 =	simm.s32 @!p0 $0x57D0;
	[sflag:s8] =	ssyncadd.s32 @!p0 $0xFFFFF830;
	s8 =	sadd.s32 @!p0 $0x2880, s28  }
0x66: {  	[spmem:s3] =	stream.indirect.scatter.add.f32 @!p0 [tilespmem:s9], [sflag:$0x9], $0x10, s8, s29, $0xb8;
	[tilespmem:$0xBE80] =	vst v63  }
0x67: {  	s8 =	simm.s32 @!p0 $0x9  }
0x68: {  	_ =	swait.ge @!p0 [sflag:s8], $0x7D0  }
0x69: {  	[sflag:s8] =	ssyncset.done @!p0 $0x0  }
0x6a: {  	s10 =	sadd.s32 @!p0 $0x480, s28;
	[sflag:s8] =	ssyncadd.s32 @!p0 $0xFFFFF830  }
0x6b: {  	[tilespmem:s9], [sflag:$0x2] =	stream.indirect.gather @!p0 [hbm4b:s1+s29], $0x10, s10, s29, $0xb8;
	[tilespmem:$0xBE80] =	vst v63  }
0x6c: {  	_ =	swait.ge [sflag:s18], $0x7D0  }
0x6d: {  	[sflag:s18] =	ssyncset.done $0x0  }
0x6e: {  	s10 =	sadd.s32 $0x2900, s26;
	[sflag:s18] =	ssyncadd.s32 $0xFFFFF830  }
0x6f: {  	[spmem:s3] =	stream.indirect.scatter.add.f32 [tilespmem:s21], [sflag:$0x9], $0x10, s10, s16, $0xb8;
	[tilespmem:$0xBE80] =	vst v63  }
0x70: {  	_ =	swait.ge [sflag:s14], $0x7D0  }
0x71: {  	[sflag:s14] =	ssyncset.done $0x0  }
0x72: {  	s9 =	simm.s32 @p0 $0x4;
	[sflag:s14] =	ssyncadd.s32 $0xFFFFF830  }
0x73: {  	_ =	swait.ge @p0 [sflag:s9], $0x7D0  }
0x74: {  	[sflag:s9] =	ssyncset.done @p0 $0x0  }
0x75: {  	s10 =	simm.s32 @p0 $0x6770;
	[sflag:s9] =	ssyncadd.s32 @p0 $0xFFFFF830;
	s9 =	sadd.s32 @p0 $0x2980, s31  }
0x76: {  	[spmem:s3] =	stream.indirect.scatter.add.f32 @p0 [tilespmem:s10], [sflag:$0x9], $0x10, s9, s5, $0xb8;
	[tilespmem:$0xBE80] =	vst v63  }
0x77: {  	_ =	swait.ge @p0 [sflag:s6], $0x7D0  }
0x78: {  	[sflag:s6] =	ssyncset.done @p0 $0x0  }
0x79: {  	s9 =	sadd.s32 @!p0 $0x500, s28;
	s10 =	simm.s32 @!p0 $0x5FA0;
	[sflag:s6] =	ssyncadd.s32 @p0 $0xFFFFF830  }
0x7a: {  	[tilespmem:s10], [sflag:$0x3] =	stream.indirect.gather @!p0 [hbm4b:s1+s29], $0x10, s9, s29, $0xb8;
	[tilespmem:$0xBE80] =	vst v63  }
0x7b: {  	s9 =	simm.s32 @!p0 $0x4  }
0x7c: {  	_ =	swait.ge @!p0 [sflag:s9], $0x7D0  }
0x7d: {  	[sflag:s9] =	ssyncset.done @!p0 $0x0  }
0x7e: {  	s10 =	simm.s32 @!p0 $0x6770;
	[sflag:s9] =	ssyncadd.s32 @!p0 $0xFFFFF830;
	s9 =	sadd.s32 @!p0 $0x2980, s28  }
0x7f: {  	[spmem:s3] =	stream.indirect.scatter.add.f32 @!p0 [tilespmem:s10], [sflag:$0x9], $0x10, s9, s29, $0xb8;
	[tilespmem:$0xBE80] =	vst v63  }
0x80: {  	_ =	swait.ge @!p0 [sflag:s8], $0x7D0  }
0x81: {  	[sflag:s8] =	ssyncset.done @!p0 $0x0  }
0x82: {  	s9 =	sadd.s32 @!p0 $0x580, s28;
	[sflag:s8] =	ssyncadd.s32 @!p0 $0xFFFFF830  }
0x83: {  	[tilespmem:s10], [sflag:$0x4] =	stream.indirect.gather @!p0 [hbm4b:s1+s29], $0x10, s9, s29, $0xb8;
	[tilespmem:$0xBE80] =	vst v63  }
0x84: {  	_ =	swait.ge [sflag:s19], $0x7D0  }
0x85: {  	[sflag:s19] =	ssyncset.done $0x0  }
0x86: {  	s10 =	sadd.s32 $0x2A00, s26;
	[sflag:s19] =	ssyncadd.s32 $0xFFFFF830  }
0x87: {  	[spmem:s3] =	stream.indirect.scatter.add.f32 [tilespmem:s25], [sflag:$0x9], $0x10, s10, s16, $0xb8;
	[tilespmem:$0xBE80] =	vst v63  }
0x88: {  	_ =	swait.ge [sflag:s14], $0x7D0  }
0x89: {  	[sflag:s14] =	ssyncset.done $0x0  }
0x8a: {  	s9 =	simm.s32 @p0 $0x6;
	[sflag:s14] =	ssyncadd.s32 $0xFFFFF830  }
0x8b: {  	_ =	swait.ge @p0 [sflag:s9], $0x7D0  }
0x8c: {  	[sflag:s9] =	ssyncset.done @p0 $0x0  }
0x8d: {  	s10 =	simm.s32 @p0 $0x7710;
	[sflag:s9] =	ssyncadd.s32 @p0 $0xFFFFF830;
	s9 =	sadd.s32 @p0 $0x2A80, s31  }
0x8e: {  	[spmem:s3] =	stream.indirect.scatter.add.f32 @p0 [tilespmem:s10], [sflag:$0x9], $0x10, s9, s5, $0xb8;
	[tilespmem:$0xBE80] =	vst v63  }
0x8f: {  	_ =	swait.ge @p0 [sflag:s6], $0x7D0  }
0x90: {  	[sflag:s6] =	ssyncset.done @p0 $0x0  }
0x91: {  	s5 =	sadd.s32 @!p0 $0x600, s28;
	[sflag:s6] =	ssyncadd.s32 @p0 $0xFFFFF830;
	s6 =	simm.s32 @!p0 $0x6F40  }
0x92: {  	[tilespmem:s6], [sflag:$0x5] =	stream.indirect.gather @!p0 [hbm4b:s1+s29], $0x10, s5, s29, $0xb8;
	[tilespmem:$0xBE80] =	vst v63  }
0x93: {  	s5 =	simm.s32 @!p0 $0x6  }
0x94: {  	_ =	swait.ge @!p0 [sflag:s5], $0x7D0  }
0x95: {  	[sflag:s5] =	ssyncset.done @!p0 $0x0  }
0x96: {  	s6 =	simm.s32 @!p0 $0x7710;
	[sflag:s5] =	ssyncadd.s32 @!p0 $0xFFFFF830;
	s5 =	sadd.s32 @!p0 $0x2A80, s28  }
0x97: {  	[spmem:s3] =	stream.indirect.scatter.add.f32 @!p0 [tilespmem:s6], [sflag:$0x9], $0x10, s5, s29, $0xb8;
	[tilespmem:$0xBE80] =	vst v63  }
0x98: {  	_ =	swait.ge @!p0 [sflag:s8], $0x7D0  }
0x99: {  	[sflag:s8] =	ssyncset.done @!p0 $0x0  }
0x9a: {  	s5 =	sadd.s32 @!p0 $0x680, s28;
	[sflag:s8] =	ssyncadd.s32 @!p0 $0xFFFFF830  }
0x9b: {  	[tilespmem:s6], [sflag:$0x6] =	stream.indirect.gather @!p0 [hbm4b:s1+s29], $0x10, s5, s29, $0xb8;
	[tilespmem:$0xBE80] =	vst v63  }
0x9c: {  	_ =	swait.ge [sflag:s20], $0x7D0  }
0x9d: {  	[sflag:s20] =	ssyncset.done $0x0  }
.Ltmp3:
0x9e: {  	s31 =	sadd.s32 $0x2B00, s26;
	[sflag:s20] =	ssyncadd.s32 $0xFFFFF830;
	(pc) =	sbr.rel @p0 .LBB2_6-.Ltmp3, $4  }
0x9f: {  	[spmem:s3] =	stream.indirect.scatter.add.f32 [tilespmem:s30], [sflag:$0x9], $0x10, s31, s16, $0xb8;
	[tilespmem:$0xBE80] =	vst v63  }
0xa0: {  	_ =	swait.ge [sflag:s14], $0x7D0  }
0xa1: {  	[sflag:s14] =	ssyncset.done $0x0  }
0xa2: {  	s5 =	sadd.s32 $0x2B80, s26;
	[sflag:s14] =	ssyncadd.s32 $0xFFFFF830  }
0xa3: {  	s6 =	sadd.s32 $0x700, s26  }
0xa4: {  	[tilespmem:s30], [sflag:$0x7] =	stream.indirect.gather [hbm4b:s1+s16], $0x10, s6, s16, $0xb8;
	[tilespmem:$0xBE80] =	vst v63  }
0xa5: {  	_ =	swait.ge [sflag:s22], $0x7D0  }
0xa6: {  	[sflag:s22] =	ssyncset.done $0x0  }
0xa7: {  	[sflag:s22] =	ssyncadd.s32 $0xFFFFF830  }
0xa8: {  	[spmem:s3] =	stream.indirect.scatter.add.f32 [tilespmem:s2], [sflag:$0x9], $0x10, s5, s16, $0xb8;
	[tilespmem:$0xBE80] =	vst v63  }
.Ltmp4:
0xa9: {  	_ = 	snop;
	(pc) =	sbr.rel .LBB2_4-.Ltmp4, $4  }
0xaa: {  	_ =	swait.ge [sflag:s14], $0x7D0  }
0xab: {  	[sflag:s14] =	ssyncset.done $0x0  }
0xac: {  	s31 =	sadd.s32 $0x780, s26;
	s24 =	sadd.s32 $0x1000, s24;
	[sflag:s14] =	ssyncadd.s32 $0xFFFFF830  }
0xad: {  	[tilespmem:s2], [sflag:$0x8] =	stream.indirect.gather [hbm4b:s1+s16], $0x10, s31, s16, $0xb8;
	[tilespmem:$0xBE80] =	vst v63  }
.LBB2_7:
0xae: {  	_ =	sfence.sel $0x180000  }
0xaf: {  	[bflag:$0x0] =	sbarrier.arrive $0xFFFF  }
0xb0: {  	_ =	strace $0x90000050  }
0xb1: {  	s0 =	stileid.u32;
	[bflag:$0x2] =	sbarrier.arrive $0xFFFF  }
0xb2: {  	p0 =	sne.s32 s0, $0x0;
	s0 =	rddreg [dreg:$0x3]  }
0xb3: {  	s0 =	sadd.s32 @!p0 $0x100000, s0  }
0xb4: {  	[sflag:s0] =	ssyncadd.tile.s32 @!p0 $0x1;
	_ =	shalt  }
.Lfunc_end2:
_tile_overlayer_lowered:
.L_overlay_start_2:
0xb5: {  	(tag) =	ssettag $0x2  }
0xb6: {  	s0 =	rddreg [dreg:$0x0];
	s2 =	stileid.u32  }
0xb7: {  	s1 =	rddreg [dreg:$0x1];
	p0 =	sne.s32 s2, $0x0  }
0xb8: {  	s3 =	rddreg [dreg:$0x2];
	[bflag:$0x3] =	sbarrier.arrive $0xFFFF;
	s2 =	simm.s32 @!p0 $0x1C09  }
0xb9: {  	[timem:s3], [sflag:s2] =	dma.local @!p0 [hbm:s0], s1  }
0xba: {  	s0 =	simm.s32 @!p0 $0x9  }
0xbb: {  	_ =	swait.ge @!p0 [sflag:s0], s1  }
0xbc: {  	s1 =	ssub.s32 @!p0 $0x0, s1;
	[sflag:s0] =	ssyncset.done @!p0 $0x0  }
0xbd: {  	[sflag:s0] =	ssyncadd.s32 @!p0 s1  }
0xbe: {  	[bflag:$0x3] =	sbarrier.arrive $0xFFFF  }
0xbf: {  	_ =	shalt  }

</sc_bundles>
